<compile_context>
chip_gen: v7x
topology: tpu7x:2x2x1
jax: 0.10.2.dev20260603
libtpu: 0.0.44.dev20260713+nightly
codegen_flags: <defaults>
</compile_context>

<pallas_src>
import functools

import jax
import jax.numpy as jnp
import numpy as np
from jax import lax
from jax.experimental import pallas as pl
from jax.experimental.pallas import tpu as pltpu
from jax.experimental.pallas import tpu_sc as plsc

N = 10000
D = 128
E = 320000
NC = 2
NS = 16
NW = NC * NS
EPW = E // NW
BLK = 80
NBLK = EPW // BLK
NPAIR = NBLK // 2
NPAD = 10240
RPS = NPAD // NS
ZCH = 128
LANES = 16
NG = D // 32

_PERM = np.empty(D, np.int64)
for _p in range(64):
    _PERM[_p] = (_p // 16) * 32 + (_p % 16)
    _PERM[64 + _p] = (_p // 16) * 32 + 16 + (_p % 16)


def _prep_body(x_ref, win, bin_, wk, bk, wq, bq, wa, ba, hwsrc, hwdst,
               tsrc_ref, tdst_ref):
    xb = x_ref[...]
    h = jnp.dot(xb, win[...], preferred_element_type=jnp.float32) + bin_[...]
    k = jnp.dot(h, wk[...], preferred_element_type=jnp.float32) + bk[...]
    q = jnp.dot(h, wq[...], preferred_element_type=jnp.float32) + bq[...]
    wa_full = wa[...]
    a_src = jnp.dot(k, wa_full[:D], preferred_element_type=jnp.float32) * (-hwsrc[...])
    a_dst = (jnp.dot(q, wa_full[D:], preferred_element_type=jnp.float32) + ba[...]) * (-hwdst[...])

    def pack_words(v):
        u = lax.bitcast_convert_type(v, jnp.int32)
        r = u + 0x7FFF + jnp.bitwise_and(lax.shift_right_logical(u, 16), 1)
        lo = jnp.bitwise_and(lax.shift_right_logical(r[:, :64], 16), 0xFFFF)
        hi = jnp.bitwise_and(r[:, 64:], jnp.int32(-65536))
        return jnp.bitwise_or(hi, lo)

    tsrc_ref[:, :D // 2] = pack_words(k)
    tsrc_ref[:, D // 2:] = pack_words(a_src)
    tdst_ref[...] = a_dst


def _comb_body(p_ref, o_ref):
    o_ref[...] = p_ref[0] + p_ref[1]


def _sc_body(tsrc, tdst, srcs, dsts, outp,
             acc, src_idx0, dst_idx0, src_idx1, dst_idx1,
             srows0, drows0, srows1, drows1,
             semg0, semg1, semi0, semi1):
    c = lax.axis_index("c")
    s = lax.axis_index("s")
    wid = s * NC + c

    def zrow(r, carry):
        for ch in range(D // LANES):
            drows0[r, pl.ds(ch * LANES, LANES)] = jnp.zeros((LANES,), jnp.float32)
        return carry
    lax.fori_loop(0, BLK, zrow, 0)
    for j in range(RPS // BLK):
        pltpu.sync_copy(drows0, acc.at[pl.ds(s * RPS + j * BLK, BLK)])
    plsc.subcore_barrier()

    base0 = wid * EPW
    src_idx = [src_idx0, src_idx1]
    dst_idx = [dst_idx0, dst_idx1]
    srows = [srows0, srows1]
    drows = [drows0, drows1]
    semg = [semg0, semg1]
    semi = [semi0, semi1]

    def issue_idx(b, p):
        base = base0 + b * BLK
        pltpu.async_copy(srcs.at[pl.ds(base, BLK)], src_idx[p], semi[p])
        pltpu.async_copy(dsts.at[pl.ds(base, BLK)], dst_idx[p], semi[p])

    def wait_idx(p):
        pltpu.make_async_copy(srcs.at[pl.ds(0, BLK)], src_idx[p], semi[p]).wait()
        pltpu.make_async_copy(dsts.at[pl.ds(0, BLK)], dst_idx[p], semi[p]).wait()

    def issue_gather(p):
        pltpu.async_copy(tsrc.at[src_idx[p]], srows[p], semg[p])
        pltpu.async_copy(tdst.at[dst_idx[p]], drows[p], semg[p])

    def wait_gather(p):
        pltpu.make_async_copy(tsrc.at[src_idx[p]], srows[p], semg[p]).wait()
        pltpu.make_async_copy(tdst.at[dst_idx[p]], drows[p], semg[p]).wait()

    def unpk(w):
        lo = lax.bitcast_convert_type(jnp.left_shift(w, 16), jnp.float32)
        hi = lax.bitcast_convert_type(jnp.bitwise_and(w, jnp.int32(-65536)), jnp.float32)
        return lo, hi

    def compute_scatter(p):
        sr, dr = srows[p], drows[p]

        @plsc.parallel_loop(0, BLK, step=1, unroll=4)
        def e_body(e):
            for g in range(NG):
                kk = sr[e, pl.ds(g * LANES, LANES)]
                ns = sr[e, pl.ds(D // 2 + g * LANES, LANES)]
                sl_lo = pl.ds(g * 32, LANES)
                sl_hi = pl.ds(g * 32 + LANES, LANES)
                d_lo = dr[e, sl_lo]
                d_hi = dr[e, sl_hi]
                k_lo, k_hi = unpk(kk)
                n_lo, n_hi = unpk(ns)
                dr[e, sl_lo] = k_lo / (1.0 + jnp.exp(n_lo + d_lo))
                dr[e, sl_hi] = k_hi / (1.0 + jnp.exp(n_hi + d_hi))

        pltpu.sync_copy(dr, acc.at[dst_idx[p]], add=True)

    pltpu.sync_copy(srcs.at[pl.ds(base0, BLK)], src_idx0)
    pltpu.sync_copy(dsts.at[pl.ds(base0, BLK)], dst_idx0)
    issue_gather(0)
    issue_idx(1, 1)

    def pair_body(i, carry):
        b0 = 2 * i
        wait_idx(1)
        issue_gather(1)
        wait_gather(0)
        compute_scatter(0)

        @pl.when(b0 + 2 < NBLK)
        def _():
            issue_idx(b0 + 2, 0)
        wait_gather(1)

        @pl.when(b0 + 2 < NBLK)
        def _():
            wait_idx(0)
            issue_gather(0)
        compute_scatter(1)

        @pl.when(b0 + 3 < NBLK)
        def _():
            issue_idx(b0 + 3, 1)
        return carry
    lax.fori_loop(0, NPAIR, pair_body, 0)

    if NBLK % 2:
        wait_gather(0)
        compute_scatter(0)

    plsc.subcore_barrier()
    for j in range(RPS // ZCH):
        r0 = s * RPS + j * ZCH
        pltpu.sync_copy(acc.at[pl.ds(r0, ZCH)], outp.at[c, pl.ds(r0, ZCH)])


_sc_edges_cache = []


def _sc_edges():
    if not _sc_edges_cache:
        _sc_edges_cache.append(functools.partial(
            pl.kernel,
            out_type=jax.ShapeDtypeStruct((NC, NPAD, D), jnp.float32),
            mesh=plsc.VectorSubcoreMesh(core_axis_name="c", subcore_axis_name="s",
                                        num_cores=NC, num_subcores=NS),
            scratch_types=[
                pltpu.VMEM_SHARED((NPAD, D), jnp.float32),
                pltpu.VMEM((BLK,), jnp.int32),
                pltpu.VMEM((BLK,), jnp.int32),
                pltpu.VMEM((BLK,), jnp.int32),
                pltpu.VMEM((BLK,), jnp.int32),
                pltpu.VMEM((BLK, D), jnp.int32),
                pltpu.VMEM((BLK, D), jnp.float32),
                pltpu.VMEM((BLK, D), jnp.int32),
                pltpu.VMEM((BLK, D), jnp.float32),
                pltpu.SemaphoreType.DMA,
                pltpu.SemaphoreType.DMA,
                pltpu.SemaphoreType.DMA,
                pltpu.SemaphoreType.DMA,
            ],
        )(_sc_body))
    return _sc_edges_cache[0]


def kernel(x, edge_index, W_in, b_in, W_k, b_k, W_q, b_q, W_a, b_a, head_weight):
    src = edge_index[0]
    dst = edge_index[1]
    hw = head_weight.reshape(D)

    perm = jnp.asarray(_PERM)
    wk_p = W_k[:, perm]
    bk_p = b_k[perm]
    wa_eff = jnp.concatenate([W_a[:D][perm][:, perm], W_a[D:]], axis=0)
    hw_p = hw[perm].reshape(1, D)

    rows = 400
    grid = N // rows
    full = pl.BlockSpec((D, D), lambda i: (0, 0))
    vec = pl.BlockSpec((1, D), lambda i: (0, 0))
    tsrc, tdst = pl.pallas_call(
        _prep_body,
        grid=(grid,),
        in_specs=[
            pl.BlockSpec((rows, D), lambda i: (i, 0)),
            full, vec, full, vec, full, vec,
            pl.BlockSpec((2 * D, D), lambda i: (0, 0)), vec, vec, vec,
        ],
        out_specs=[
            pl.BlockSpec((rows, D), lambda i: (i, 0)),
            pl.BlockSpec((rows, D), lambda i: (i, 0)),
        ],
        out_shape=[
            jax.ShapeDtypeStruct((N, D), jnp.int32),
            jax.ShapeDtypeStruct((N, D), jnp.float32),
        ],
    )(x, W_in, b_in.reshape(1, D), wk_p, bk_p.reshape(1, D),
      W_q, b_q.reshape(1, D), wa_eff, b_a.reshape(1, D), hw_p,
      hw.reshape(1, D))

    partials = _sc_edges()(tsrc, tdst, src, dst)

    out = pl.pallas_call(
        _comb_body,
        grid=(grid,),
        in_specs=[pl.BlockSpec((NC, rows, D), lambda i: (0, i, 0))],
        out_specs=pl.BlockSpec((rows, D), lambda i: (i, 0)),
        out_shape=jax.ShapeDtypeStruct((N, D), jnp.float32),
    )(partials)
    return out

# --- scband reference (transcript-rebuilt; emitter-appended) ---
"""Pipeline reference for scband-topology-robust-local-attention-81166291960478 (READ-ONLY COPY).

The authoritative reference and input builder live on the scoring server;
editing this copy changes nothing except your own understanding.
"""

import jax, jax.numpy as jnp
import numpy as np

N = 10000
E = 320000
D = 128
H = 4
HD = 32


def setup_inputs(seed: int = 0) -> dict:
    key = jax.random.key(seed)
    ks = jax.random.split(key, 12)
    x = jax.random.normal(ks[0], (N, D), dtype=jnp.float32)
    edge_index = jax.random.randint(ks[1], (2, E), 0, N, dtype=jnp.int32)
    s = 1.0 / np.sqrt(D)
    W_in = jax.random.normal(ks[2], (D, D), dtype=jnp.float32) * s
    b_in = jnp.zeros((D,), dtype=jnp.float32)
    W_k = jax.random.normal(ks[3], (D, D), dtype=jnp.float32) * s
    b_k = jnp.zeros((D,), dtype=jnp.float32)
    W_q = jax.random.normal(ks[4], (D, D), dtype=jnp.float32) * s
    b_q = jnp.zeros((D,), dtype=jnp.float32)
    W_a = jax.random.normal(ks[5], (2 * D, H * HD), dtype=jnp.float32) * (1.0 / np.sqrt(2 * D))
    b_a = jnp.zeros((H * HD,), dtype=jnp.float32)
    head_weight = jax.random.normal(ks[6], (H, HD), dtype=jnp.float32)
    return {
        "x": x,
        "edge_index": edge_index,
        "W_in": W_in, "b_in": b_in,
        "W_k": W_k, "b_k": b_k,
        "W_q": W_q, "b_q": b_q,
        "W_a": W_a, "b_a": b_a,
        "head_weight": head_weight,
    }


def reference(x, edge_index, W_in, b_in, W_k, b_k, W_q, b_q, W_a, b_a, head_weight):
    src = edge_index[0]
    dst = edge_index[1]
    # in_linear (per-node-type input projection; single node type here)
    h = x @ W_in + b_in
    # k/q projections gathered along edges
    k_emb = (h @ W_k + b_k)[src]          # [E, D]
    q_emb = (h @ W_q + b_q)[dst]          # [E, D]
    # a_linear on concatenated (k, q)
    att = jnp.concatenate([k_emb, q_emb], axis=1) @ W_a + b_a  # [E, H*HD]
    att = att.reshape(-1, H, HD) * head_weight[None, :, :]
    # attention_type == 'sigmoid'
    att = jax.nn.sigmoid(att).reshape(-1, H * HD)
    # message passing: attention-weighted source messages scatter-added to targets
    msg = att * k_emb                      # [E, D]
    out = jax.ops.segment_sum(msg, dst, num_segments=N)  # [N, D]
    return out

if __name__ == "__main__":
    import jax
    _d = setup_inputs()
    print(jax.jit(kernel)(*tuple(_d.values())))

</pallas_src>

<mosaic_0001>
#map = affine_map<(d0, d1) -> (0, 0)>
#map1 = affine_map<(d0, d1) -> (0)>
#map2 = affine_map<(d0, d1) -> (0, 0, 0)>
module attributes {stable_mosaic.version = 14 : i64} {
  func.func @_sc_body(%arg0: i32, %arg1: i32, %arg2: memref<10000x128xi32, #tpu.memory_space<hbm>>, %arg3: memref<10000x128xf32, #tpu.memory_space<hbm>>, %arg4: memref<320000xi32, #tpu.memory_space<hbm>>, %arg5: memref<320000xi32, #tpu.memory_space<hbm>>, %arg6: memref<2x10240x128xf32, #tpu.memory_space<hbm>>, %arg7: memref<10240x128xf32, #tpu.memory_space<vmem_shared>>, %arg8: memref<80xi32, #tpu.memory_space<vmem>>, %arg9: memref<80xi32, #tpu.memory_space<vmem>>, %arg10: memref<80xi32, #tpu.memory_space<vmem>>, %arg11: memref<80xi32, #tpu.memory_space<vmem>>, %arg12: memref<80x128xi32, #tpu.memory_space<vmem>>, %arg13: memref<80x128xf32, #tpu.memory_space<vmem>>, %arg14: memref<80x128xi32, #tpu.memory_space<vmem>>, %arg15: memref<80x128xf32, #tpu.memory_space<vmem>>, %arg16: memref<!tpu.dma_semaphore, #tpu.memory_space<semaphore_mem>>, %arg17: memref<!tpu.dma_semaphore, #tpu.memory_space<semaphore_mem>>, %arg18: memref<!tpu.dma_semaphore, #tpu.memory_space<semaphore_mem>>, %arg19: memref<!tpu.dma_semaphore, #tpu.memory_space<semaphore_mem>>) attributes {dimension_semantics = [#tpu.dimension_semantics<core_parallel>, #tpu.dimension_semantics<subcore_parallel>], iteration_bounds = array<i64: 2, 16>, scalar_prefetch = 0 : i64, scratch_operands = 13 : i64, tpu.core_type = #tpu.core_type<sc_vector_subcore>, window_params = [{transform_indices = #map}, {transform_indices = #map}, {transform_indices = #map1}, {transform_indices = #map1}, {transform_indices = #map2}]} {
    %mul3A = arith.constant 2 : i32
    %mul3A_0 = arith.muli %arg1, %mul3A : i32
    %add3A = arith.addi %mul3A_0, %arg0 : i32
    %scan3A = arith.constant 0 : i32
    %scan3A_1 = arith.constant 0 : i32
    %scan3A_2 = arith.constant 80 : i32
    %scan3A_3 = arith.addi %scan3A_1, %scan3A_2 : i32
    %scan3A_4 = arith.constant 1 : i32
    scf.for %scan3A_85 = %scan3A_1 to %scan3A_3 step %scan3A_4  : i32 {
      %broadcast_in_dim3A = arith.constant 0.000000e+00 : f32
      %broadcast_in_dim3A_86 = vector.broadcast %broadcast_in_dim3A : f32 to vector<16xf32>
      %swap3A = arith.index_cast %scan3A_85 : i32 to index
      %swap3A_87 = arith.constant 0 : index
      %swap3A_88 = tpu.vector_load %arg13[%swap3A, %swap3A_87] {strides = array<i32>} : memref<80x128xf32, #tpu.memory_space<vmem>>, vector<1x16xf32>,
      %swap3A_89 = vector.shape_cast %swap3A_88 : vector<1x16xf32> to vector<16xf32>
      %swap3A_90 = vector.shape_cast %broadcast_in_dim3A_86 : vector<16xf32> to vector<1x16xf32>
      tpu.vector_store %arg13[%swap3A, %swap3A_87], %swap3A_90 {strides = array<i32>} : memref<80x128xf32, #tpu.memory_space<vmem>>, vector<1x16xf32>,
      %broadcast_in_dim3A_91 = arith.constant 0.000000e+00 : f32
      %broadcast_in_dim3A_92 = vector.broadcast %broadcast_in_dim3A_91 : f32 to vector<16xf32>
      %swap3A_93 = arith.index_cast %scan3A_85 : i32 to index
      %swap3A_94 = arith.constant 16 : index
      %swap3A_95 = tpu.vector_load %arg13[%swap3A_93, %swap3A_94] {strides = array<i32>} : memref<80x128xf32, #tpu.memory_space<vmem>>, vector<1x16xf32>,
      %swap3A_96 = vector.shape_cast %swap3A_95 : vector<1x16xf32> to vector<16xf32>
      %swap3A_97 = vector.shape_cast %broadcast_in_dim3A_92 : vector<16xf32> to vector<1x16xf32>
      tpu.vector_store %arg13[%swap3A_93, %swap3A_94], %swap3A_97 {strides = array<i32>} : memref<80x128xf32, #tpu.memory_space<vmem>>, vector<1x16xf32>,
      %broadcast_in_dim3A_98 = arith.constant 0.000000e+00 : f32
      %broadcast_in_dim3A_99 = vector.broadcast %broadcast_in_dim3A_98 : f32 to vector<16xf32>
      %swap3A_100 = arith.index_cast %scan3A_85 : i32 to index
      %swap3A_101 = arith.constant 32 : index
      %swap3A_102 = tpu.vector_load %arg13[%swap3A_100, %swap3A_101] {strides = array<i32>} : memref<80x128xf32, #tpu.memory_space<vmem>>, vector<1x16xf32>,
      %swap3A_103 = vector.shape_cast %swap3A_102 : vector<1x16xf32> to vector<16xf32>
      %swap3A_104 = vector.shape_cast %broadcast_in_dim3A_99 : vector<16xf32> to vector<1x16xf32>
      tpu.vector_store %arg13[%swap3A_100, %swap3A_101], %swap3A_104 {strides = array<i32>} : memref<80x128xf32, #tpu.memory_space<vmem>>, vector<1x16xf32>,
      %broadcast_in_dim3A_105 = arith.constant 0.000000e+00 : f32
      %broadcast_in_dim3A_106 = vector.broadcast %broadcast_in_dim3A_105 : f32 to vector<16xf32>
      %swap3A_107 = arith.index_cast %scan3A_85 : i32 to index
      %swap3A_108 = arith.constant 48 : index
      %swap3A_109 = tpu.vector_load %arg13[%swap3A_107, %swap3A_108] {strides = array<i32>} : memref<80x128xf32, #tpu.memory_space<vmem>>, vector<1x16xf32>,
      %swap3A_110 = vector.shape_cast %swap3A_109 : vector<1x16xf32> to vector<16xf32>
      %swap3A_111 = vector.shape_cast %broadcast_in_dim3A_106 : vector<16xf32> to vector<1x16xf32>
      tpu.vector_store %arg13[%swap3A_107, %swap3A_108], %swap3A_111 {strides = array<i32>} : memref<80x128xf32, #tpu.memory_space<vmem>>, vector<1x16xf32>,
      %broadcast_in_dim3A_112 = arith.constant 0.000000e+00 : f32
      %broadcast_in_dim3A_113 = vector.broadcast %broadcast_in_dim3A_112 : f32 to vector<16xf32>
      %swap3A_114 = arith.index_cast %scan3A_85 : i32 to index
      %swap3A_115 = arith.constant 64 : index
      %swap3A_116 = tpu.vector_load %arg13[%swap3A_114, %swap3A_115] {strides = array<i32>} : memref<80x128xf32, #tpu.memory_space<vmem>>, vector<1x16xf32>,
      %swap3A_117 = vector.shape_cast %swap3A_116 : vector<1x16xf32> to vector<16xf32>
      %swap3A_118 = vector.shape_cast %broadcast_in_dim3A_113 : vector<16xf32> to vector<1x16xf32>
      tpu.vector_store %arg13[%swap3A_114, %swap3A_115], %swap3A_118 {strides = array<i32>} : memref<80x128xf32, #tpu.memory_space<vmem>>, vector<1x16xf32>,
      %broadcast_in_dim3A_119 = arith.constant 0.000000e+00 : f32
      %broadcast_in_dim3A_120 = vector.broadcast %broadcast_in_dim3A_119 : f32 to vector<16xf32>
      %swap3A_121 = arith.index_cast %scan3A_85 : i32 to index
      %swap3A_122 = arith.constant 80 : index
      %swap3A_123 = tpu.vector_load %arg13[%swap3A_121, %swap3A_122] {strides = array<i32>} : memref<80x128xf32, #tpu.memory_space<vmem>>, vector<1x16xf32>,
      %swap3A_124 = vector.shape_cast %swap3A_123 : vector<1x16xf32> to vector<16xf32>
      %swap3A_125 = vector.shape_cast %broadcast_in_dim3A_120 : vector<16xf32> to vector<1x16xf32>
      tpu.vector_store %arg13[%swap3A_121, %swap3A_122], %swap3A_125 {strides = array<i32>} : memref<80x128xf32, #tpu.memory_space<vmem>>, vector<1x16xf32>,
      %broadcast_in_dim3A_126 = arith.constant 0.000000e+00 : f32
      %broadcast_in_dim3A_127 = vector.broadcast %broadcast_in_dim3A_126 : f32 to vector<16xf32>
      %swap3A_128 = arith.index_cast %scan3A_85 : i32 to index
      %swap3A_129 = arith.constant 96 : index
      %swap3A_130 = tpu.vector_load %arg13[%swap3A_128, %swap3A_129] {strides = array<i32>} : memref<80x128xf32, #tpu.memory_space<vmem>>, vector<1x16xf32>,
      %swap3A_131 = vector.shape_cast %swap3A_130 : vector<1x16xf32> to vector<16xf32>
      %swap3A_132 = vector.shape_cast %broadcast_in_dim3A_127 : vector<16xf32> to vector<1x16xf32>
      tpu.vector_store %arg13[%swap3A_128, %swap3A_129], %swap3A_132 {strides = array<i32>} : memref<80x128xf32, #tpu.memory_space<vmem>>, vector<1x16xf32>,
      %broadcast_in_dim3A_133 = arith.constant 0.000000e+00 : f32
      %broadcast_in_dim3A_134 = vector.broadcast %broadcast_in_dim3A_133 : f32 to vector<16xf32>
      %swap3A_135 = arith.index_cast %scan3A_85 : i32 to index
      %swap3A_136 = arith.constant 112 : index
      %swap3A_137 = tpu.vector_load %arg13[%swap3A_135, %swap3A_136] {strides = array<i32>} : memref<80x128xf32, #tpu.memory_space<vmem>>, vector<1x16xf32>,
      %swap3A_138 = vector.shape_cast %swap3A_137 : vector<1x16xf32> to vector<16xf32>
      %swap3A_139 = vector.shape_cast %broadcast_in_dim3A_134 : vector<16xf32> to vector<1x16xf32>
      tpu.vector_store %arg13[%swap3A_135, %swap3A_136], %swap3A_139 {strides = array<i32>} : memref<80x128xf32, #tpu.memory_space<vmem>>, vector<1x16xf32>,
    }
    %scan3A_5 = arith.constant 80 : i32
    %mul3A_6 = arith.constant 640 : i32
    %mul3A_7 = arith.muli %arg1, %mul3A_6 : i32
    %add3A_8 = arith.constant 0 : i32
    %add3A_9 = arith.addi %mul3A_7, %add3A_8 : i32
    "tpu.region"() ({
      %run_scoped3A = tpu.sem_alloc : memref<!tpu.dma_semaphore, #tpu.memory_space<semaphore_mem>>
      %dma_start3A_85 = arith.constant 0 : i32
      %dma_start3A_86 = tpu.memref_slice %arg7[%add3A_9, %dma_start3A_85] : memref<10240x128xf32, #tpu.memory_space<vmem_shared>> -> memref<80x128xf32, #tpu.memory_space<vmem_shared>>
      %dma_start3A_87 = arith.constant 0 : i32
      %dma_start3A_88 = tpu.memref_slice %arg7[%add3A_9, %dma_start3A_87] : memref<10240x128xf32, #tpu.memory_space<vmem_shared>> -> memref<80x128xf32, #tpu.memory_space<vmem_shared>>
      tpu.enqueue_dma source(%arg13 : memref<80x128xf32, #tpu.memory_space<vmem>>) target(%dma_start3A_88 : memref<80x128xf32, #tpu.memory_space<vmem_shared>>) target_semaphore(%run_scoped3A : memref<!tpu.dma_semaphore, #tpu.memory_space<semaphore_mem>>)
      %dma_wait3A_89 = arith.constant 0 : i32
      %dma_wait3A_90 = tpu.memref_slice %arg7[%add3A_9, %dma_wait3A_89] : memref<10240x128xf32, #tpu.memory_space<vmem_shared>> -> memref<80x128xf32, #tpu.memory_space<vmem_shared>>
      %dma_wait3A_91 = arith.constant 0 : i32
      %dma_wait3A_92 = tpu.memref_slice %arg7[%add3A_9, %dma_wait3A_91] : memref<10240x128xf32, #tpu.memory_space<vmem_shared>> -> memref<80x128xf32, #tpu.memory_space<vmem_shared>>
      tpu.wait_dma2 semaphore(%run_scoped3A : memref<!tpu.dma_semaphore, #tpu.memory_space<semaphore_mem>>) src(%arg13 : memref<80x128xf32, #tpu.memory_space<vmem>>) dst(%dma_wait3A_92 : memref<80x128xf32, #tpu.memory_space<vmem_shared>>)
      tpu.yield
    }) : () -> ()
    %mul3A_10 = arith.constant 640 : i32
    %mul3A_11 = arith.muli %arg1, %mul3A_10 : i32
    %add3A_12 = arith.constant 80 : i32
    %add3A_13 = arith.addi %mul3A_11, %add3A_12 : i32
    "tpu.region"() ({
      %run_scoped3A = tpu.sem_alloc : memref<!tpu.dma_semaphore, #tpu.memory_space<semaphore_mem>>
      %dma_start3A_85 = arith.constant 0 : i32
      %dma_start3A_86 = tpu.memref_slice %arg7[%add3A_13, %dma_start3A_85] : memref<10240x128xf32, #tpu.memory_space<vmem_shared>> -> memref<80x128xf32, #tpu.memory_space<vmem_shared>>
      %dma_start3A_87 = arith.constant 0 : i32
      %dma_start3A_88 = tpu.memref_slice %arg7[%add3A_13, %dma_start3A_87] : memref<10240x128xf32, #tpu.memory_space<vmem_shared>> -> memref<80x128xf32, #tpu.memory_space<vmem_shared>>
      tpu.enqueue_dma source(%arg13 : memref<80x128xf32, #tpu.memory_space<vmem>>) target(%dma_start3A_88 : memref<80x128xf32, #tpu.memory_space<vmem_shared>>) target_semaphore(%run_scoped3A : memref<!tpu.dma_semaphore, #tpu.memory_space<semaphore_mem>>)
      %dma_wait3A_89 = arith.constant 0 : i32
      %dma_wait3A_90 = tpu.memref_slice %arg7[%add3A_13, %dma_wait3A_89] : memref<10240x128xf32, #tpu.memory_space<vmem_shared>> -> memref<80x128xf32, #tpu.memory_space<vmem_shared>>
      %dma_wait3A_91 = arith.constant 0 : i32
      %dma_wait3A_92 = tpu.memref_slice %arg7[%add3A_13, %dma_wait3A_91] : memref<10240x128xf32, #tpu.memory_space<vmem_shared>> -> memref<80x128xf32, #tpu.memory_space<vmem_shared>>
      tpu.wait_dma2 semaphore(%run_scoped3A : memref<!tpu.dma_semaphore, #tpu.memory_space<semaphore_mem>>) src(%arg13 : memref<80x128xf32, #tpu.memory_space<vmem>>) dst(%dma_wait3A_92 : memref<80x128xf32, #tpu.memory_space<vmem_shared>>)
      tpu.yield
    }) : () -> ()
    %mul3A_14 = arith.constant 640 : i32
    %mul3A_15 = arith.muli %arg1, %mul3A_14 : i32
    %add3A_16 = arith.constant 160 : i32
    %add3A_17 = arith.addi %mul3A_15, %add3A_16 : i32
    "tpu.region"() ({
      %run_scoped3A = tpu.sem_alloc : memref<!tpu.dma_semaphore, #tpu.memory_space<semaphore_mem>>
      %dma_start3A_85 = arith.constant 0 : i32
      %dma_start3A_86 = tpu.memref_slice %arg7[%add3A_17, %dma_start3A_85] : memref<10240x128xf32, #tpu.memory_space<vmem_shared>> -> memref<80x128xf32, #tpu.memory_space<vmem_shared>>
      %dma_start3A_87 = arith.constant 0 : i32
      %dma_start3A_88 = tpu.memref_slice %arg7[%add3A_17, %dma_start3A_87] : memref<10240x128xf32, #tpu.memory_space<vmem_shared>> -> memref<80x128xf32, #tpu.memory_space<vmem_shared>>
      tpu.enqueue_dma source(%arg13 : memref<80x128xf32, #tpu.memory_space<vmem>>) target(%dma_start3A_88 : memref<80x128xf32, #tpu.memory_space<vmem_shared>>) target_semaphore(%run_scoped3A : memref<!tpu.dma_semaphore, #tpu.memory_space<semaphore_mem>>)
      %dma_wait3A_89 = arith.constant 0 : i32
      %dma_wait3A_90 = tpu.memref_slice %arg7[%add3A_17, %dma_wait3A_89] : memref<10240x128xf32, #tpu.memory_space<vmem_shared>> -> memref<80x128xf32, #tpu.memory_space<vmem_shared>>
      %dma_wait3A_91 = arith.constant 0 : i32
      %dma_wait3A_92 = tpu.memref_slice %arg7[%add3A_17, %dma_wait3A_91] : memref<10240x128xf32, #tpu.memory_space<vmem_shared>> -> memref<80x128xf32, #tpu.memory_space<vmem_shared>>
      tpu.wait_dma2 semaphore(%run_scoped3A : memref<!tpu.dma_semaphore, #tpu.memory_space<semaphore_mem>>) src(%arg13 : memref<80x128xf32, #tpu.memory_space<vmem>>) dst(%dma_wait3A_92 : memref<80x128xf32, #tpu.memory_space<vmem_shared>>)
      tpu.yield
    }) : () -> ()
    %mul3A_18 = arith.constant 640 : i32
    %mul3A_19 = arith.muli %arg1, %mul3A_18 : i32
    %add3A_20 = arith.constant 240 : i32
    %add3A_21 = arith.addi %mul3A_19, %add3A_20 : i32
    "tpu.region"() ({
      %run_scoped3A = tpu.sem_alloc : memref<!tpu.dma_semaphore, #tpu.memory_space<semaphore_mem>>
      %dma_start3A_85 = arith.constant 0 : i32
      %dma_start3A_86 = tpu.memref_slice %arg7[%add3A_21, %dma_start3A_85] : memref<10240x128xf32, #tpu.memory_space<vmem_shared>> -> memref<80x128xf32, #tpu.memory_space<vmem_shared>>
      %dma_start3A_87 = arith.constant 0 : i32
      %dma_start3A_88 = tpu.memref_slice %arg7[%add3A_21, %dma_start3A_87] : memref<10240x128xf32, #tpu.memory_space<vmem_shared>> -> memref<80x128xf32, #tpu.memory_space<vmem_shared>>
      tpu.enqueue_dma source(%arg13 : memref<80x128xf32, #tpu.memory_space<vmem>>) target(%dma_start3A_88 : memref<80x128xf32, #tpu.memory_space<vmem_shared>>) target_semaphore(%run_scoped3A : memref<!tpu.dma_semaphore, #tpu.memory_space<semaphore_mem>>)
      %dma_wait3A_89 = arith.constant 0 : i32
      %dma_wait3A_90 = tpu.memref_slice %arg7[%add3A_21, %dma_wait3A_89] : memref<10240x128xf32, #tpu.memory_space<vmem_shared>> -> memref<80x128xf32, #tpu.memory_space<vmem_shared>>
      %dma_wait3A_91 = arith.constant 0 : i32
      %dma_wait3A_92 = tpu.memref_slice %arg7[%add3A_21, %dma_wait3A_91] : memref<10240x128xf32, #tpu.memory_space<vmem_shared>> -> memref<80x128xf32, #tpu.memory_space<vmem_shared>>
      tpu.wait_dma2 semaphore(%run_scoped3A : memref<!tpu.dma_semaphore, #tpu.memory_space<semaphore_mem>>) src(%arg13 : memref<80x128xf32, #tpu.memory_space<vmem>>) dst(%dma_wait3A_92 : memref<80x128xf32, #tpu.memory_space<vmem_shared>>)
      tpu.yield
    }) : () -> ()
    %mul3A_22 = arith.constant 640 : i32
    %mul3A_23 = arith.muli %arg1, %mul3A_22 : i32
    %add3A_24 = arith.constant 320 : i32
    %add3A_25 = arith.addi %mul3A_23, %add3A_24 : i32
    "tpu.region"() ({
      %run_scoped3A = tpu.sem_alloc : memref<!tpu.dma_semaphore, #tpu.memory_space<semaphore_mem>>
      %dma_start3A_85 = arith.constant 0 : i32
      %dma_start3A_86 = tpu.memref_slice %arg7[%add3A_25, %dma_start3A_85] : memref<10240x128xf32, #tpu.memory_space<vmem_shared>> -> memref<80x128xf32, #tpu.memory_space<vmem_shared>>
      %dma_start3A_87 = arith.constant 0 : i32
      %dma_start3A_88 = tpu.memref_slice %arg7[%add3A_25, %dma_start3A_87] : memref<10240x128xf32, #tpu.memory_space<vmem_shared>> -> memref<80x128xf32, #tpu.memory_space<vmem_shared>>
      tpu.enqueue_dma source(%arg13 : memref<80x128xf32, #tpu.memory_space<vmem>>) target(%dma_start3A_88 : memref<80x128xf32, #tpu.memory_space<vmem_shared>>) target_semaphore(%run_scoped3A : memref<!tpu.dma_semaphore, #tpu.memory_space<semaphore_mem>>)
      %dma_wait3A_89 = arith.constant 0 : i32
      %dma_wait3A_90 = tpu.memref_slice %arg7[%add3A_25, %dma_wait3A_89] : memref<10240x128xf32, #tpu.memory_space<vmem_shared>> -> memref<80x128xf32, #tpu.memory_space<vmem_shared>>
      %dma_wait3A_91 = arith.constant 0 : i32
      %dma_wait3A_92 = tpu.memref_slice %arg7[%add3A_25, %dma_wait3A_91] : memref<10240x128xf32, #tpu.memory_space<vmem_shared>> -> memref<80x128xf32, #tpu.memory_space<vmem_shared>>
      tpu.wait_dma2 semaphore(%run_scoped3A : memref<!tpu.dma_semaphore, #tpu.memory_space<semaphore_mem>>) src(%arg13 : memref<80x128xf32, #tpu.memory_space<vmem>>) dst(%dma_wait3A_92 : memref<80x128xf32, #tpu.memory_space<vmem_shared>>)
      tpu.yield
    }) : () -> ()
    %mul3A_26 = arith.constant 640 : i32
    %mul3A_27 = arith.muli %arg1, %mul3A_26 : i32
    %add3A_28 = arith.constant 400 : i32
    %add3A_29 = arith.addi %mul3A_27, %add3A_28 : i32
    "tpu.region"() ({
      %run_scoped3A = tpu.sem_alloc : memref<!tpu.dma_semaphore, #tpu.memory_space<semaphore_mem>>
      %dma_start3A_85 = arith.constant 0 : i32
      %dma_start3A_86 = tpu.memref_slice %arg7[%add3A_29, %dma_start3A_85] : memref<10240x128xf32, #tpu.memory_space<vmem_shared>> -> memref<80x128xf32, #tpu.memory_space<vmem_shared>>
      %dma_start3A_87 = arith.constant 0 : i32
      %dma_start3A_88 = tpu.memref_slice %arg7[%add3A_29, %dma_start3A_87] : memref<10240x128xf32, #tpu.memory_space<vmem_shared>> -> memref<80x128xf32, #tpu.memory_space<vmem_shared>>
      tpu.enqueue_dma source(%arg13 : memref<80x128xf32, #tpu.memory_space<vmem>>) target(%dma_start3A_88 : memref<80x128xf32, #tpu.memory_space<vmem_shared>>) target_semaphore(%run_scoped3A : memref<!tpu.dma_semaphore, #tpu.memory_space<semaphore_mem>>)
      %dma_wait3A_89 = arith.constant 0 : i32
      %dma_wait3A_90 = tpu.memref_slice %arg7[%add3A_29, %dma_wait3A_89] : memref<10240x128xf32, #tpu.memory_space<vmem_shared>> -> memref<80x128xf32, #tpu.memory_space<vmem_shared>>
      %dma_wait3A_91 = arith.constant 0 : i32
      %dma_wait3A_92 = tpu.memref_slice %arg7[%add3A_29, %dma_wait3A_91] : memref<10240x128xf32, #tpu.memory_space<vmem_shared>> -> memref<80x128xf32, #tpu.memory_space<vmem_shared>>
      tpu.wait_dma2 semaphore(%run_scoped3A : memref<!tpu.dma_semaphore, #tpu.memory_space<semaphore_mem>>) src(%arg13 : memref<80x128xf32, #tpu.memory_space<vmem>>) dst(%dma_wait3A_92 : memref<80x128xf32, #tpu.memory_space<vmem_shared>>)
      tpu.yield
    }) : () -> ()
    %mul3A_30 = arith.constant 640 : i32
    %mul3A_31 = arith.muli %arg1, %mul3A_30 : i32
    %add3A_32 = arith.constant 480 : i32
    %add3A_33 = arith.addi %mul3A_31, %add3A_32 : i32
    "tpu.region"() ({
      %run_scoped3A = tpu.sem_alloc : memref<!tpu.dma_semaphore, #tpu.memory_space<semaphore_mem>>
      %dma_start3A_85 = arith.constant 0 : i32
      %dma_start3A_86 = tpu.memref_slice %arg7[%add3A_33, %dma_start3A_85] : memref<10240x128xf32, #tpu.memory_space<vmem_shared>> -> memref<80x128xf32, #tpu.memory_space<vmem_shared>>
      %dma_start3A_87 = arith.constant 0 : i32
      %dma_start3A_88 = tpu.memref_slice %arg7[%add3A_33, %dma_start3A_87] : memref<10240x128xf32, #tpu.memory_space<vmem_shared>> -> memref<80x128xf32, #tpu.memory_space<vmem_shared>>
      tpu.enqueue_dma source(%arg13 : memref<80x128xf32, #tpu.memory_space<vmem>>) target(%dma_start3A_88 : memref<80x128xf32, #tpu.memory_space<vmem_shared>>) target_semaphore(%run_scoped3A : memref<!tpu.dma_semaphore, #tpu.memory_space<semaphore_mem>>)
      %dma_wait3A_89 = arith.constant 0 : i32
      %dma_wait3A_90 = tpu.memref_slice %arg7[%add3A_33, %dma_wait3A_89] : memref<10240x128xf32, #tpu.memory_space<vmem_shared>> -> memref<80x128xf32, #tpu.memory_space<vmem_shared>>
      %dma_wait3A_91 = arith.constant 0 : i32
      %dma_wait3A_92 = tpu.memref_slice %arg7[%add3A_33, %dma_wait3A_91] : memref<10240x128xf32, #tpu.memory_space<vmem_shared>> -> memref<80x128xf32, #tpu.memory_space<vmem_shared>>
      tpu.wait_dma2 semaphore(%run_scoped3A : memref<!tpu.dma_semaphore, #tpu.memory_space<semaphore_mem>>) src(%arg13 : memref<80x128xf32, #tpu.memory_space<vmem>>) dst(%dma_wait3A_92 : memref<80x128xf32, #tpu.memory_space<vmem_shared>>)
      tpu.yield
    }) : () -> ()
    %mul3A_34 = arith.constant 640 : i32
    %mul3A_35 = arith.muli %arg1, %mul3A_34 : i32
    %add3A_36 = arith.constant 560 : i32
    %add3A_37 = arith.addi %mul3A_35, %add3A_36 : i32
    "tpu.region"() ({
      %run_scoped3A = tpu.sem_alloc : memref<!tpu.dma_semaphore, #tpu.memory_space<semaphore_mem>>
      %dma_start3A_85 = arith.constant 0 : i32
      %dma_start3A_86 = tpu.memref_slice %arg7[%add3A_37, %dma_start3A_85] : memref<10240x128xf32, #tpu.memory_space<vmem_shared>> -> memref<80x128xf32, #tpu.memory_space<vmem_shared>>
      %dma_start3A_87 = arith.constant 0 : i32
      %dma_start3A_88 = tpu.memref_slice %arg7[%add3A_37, %dma_start3A_87] : memref<10240x128xf32, #tpu.memory_space<vmem_shared>> -> memref<80x128xf32, #tpu.memory_space<vmem_shared>>
      tpu.enqueue_dma source(%arg13 : memref<80x128xf32, #tpu.memory_space<vmem>>) target(%dma_start3A_88 : memref<80x128xf32, #tpu.memory_space<vmem_shared>>) target_semaphore(%run_scoped3A : memref<!tpu.dma_semaphore, #tpu.memory_space<semaphore_mem>>)
      %dma_wait3A_89 = arith.constant 0 : i32
      %dma_wait3A_90 = tpu.memref_slice %arg7[%add3A_37, %dma_wait3A_89] : memref<10240x128xf32, #tpu.memory_space<vmem_shared>> -> memref<80x128xf32, #tpu.memory_space<vmem_shared>>
      %dma_wait3A_91 = arith.constant 0 : i32
      %dma_wait3A_92 = tpu.memref_slice %arg7[%add3A_37, %dma_wait3A_91] : memref<10240x128xf32, #tpu.memory_space<vmem_shared>> -> memref<80x128xf32, #tpu.memory_space<vmem_shared>>
      tpu.wait_dma2 semaphore(%run_scoped3A : memref<!tpu.dma_semaphore, #tpu.memory_space<semaphore_mem>>) src(%arg13 : memref<80x128xf32, #tpu.memory_space<vmem>>) dst(%dma_wait3A_92 : memref<80x128xf32, #tpu.memory_space<vmem_shared>>)
      tpu.yield
    }) : () -> ()
    %barrier3A = arith.constant 0 : index
    tpu.barrier barrier_id(%barrier3A)
    %mul3A_38 = arith.constant 10000 : i32
    %mul3A_39 = arith.muli %add3A, %mul3A_38 : i32
    "tpu.region"() ({
      %run_scoped3A = tpu.sem_alloc : memref<!tpu.dma_semaphore, #tpu.memory_space<semaphore_mem>>
      %dma_start3A_85 = tpu.memref_slice %arg4[%mul3A_39] : memref<320000xi32, #tpu.memory_space<hbm>> -> memref<80xi32, #tpu.memory_space<hbm>>
      %dma_start3A_86 = tpu.memref_slice %arg4[%mul3A_39] : memref<320000xi32, #tpu.memory_space<hbm>> -> memref<80xi32, #tpu.memory_space<hbm>>
      tpu.enqueue_dma source(%dma_start3A_86 : memref<80xi32, #tpu.memory_space<hbm>>) target(%arg8 : memref<80xi32, #tpu.memory_space<vmem>>) target_semaphore(%run_scoped3A : memref<!tpu.dma_semaphore, #tpu.memory_space<semaphore_mem>>)
      %dma_wait3A_87 = tpu.memref_slice %arg4[%mul3A_39] : memref<320000xi32, #tpu.memory_space<hbm>> -> memref<80xi32, #tpu.memory_space<hbm>>
      %dma_wait3A_88 = tpu.memref_slice %arg4[%mul3A_39] : memref<320000xi32, #tpu.memory_space<hbm>> -> memref<80xi32, #tpu.memory_space<hbm>>
      tpu.wait_dma2 semaphore(%run_scoped3A : memref<!tpu.dma_semaphore, #tpu.memory_space<semaphore_mem>>) src(%dma_wait3A_88 : memref<80xi32, #tpu.memory_space<hbm>>) dst(%arg8 : memref<80xi32, #tpu.memory_space<vmem>>)
      tpu.yield
    }) : () -> ()
    "tpu.region"() ({
      %run_scoped3A = tpu.sem_alloc : memref<!tpu.dma_semaphore, #tpu.memory_space<semaphore_mem>>
      %dma_start3A_85 = tpu.memref_slice %arg5[%mul3A_39] : memref<320000xi32, #tpu.memory_space<hbm>> -> memref<80xi32, #tpu.memory_space<hbm>>
      %dma_start3A_86 = tpu.memref_slice %arg5[%mul3A_39] : memref<320000xi32, #tpu.memory_space<hbm>> -> memref<80xi32, #tpu.memory_space<hbm>>
      tpu.enqueue_dma source(%dma_start3A_86 : memref<80xi32, #tpu.memory_space<hbm>>) target(%arg9 : memref<80xi32, #tpu.memory_space<vmem>>) target_semaphore(%run_scoped3A : memref<!tpu.dma_semaphore, #tpu.memory_space<semaphore_mem>>)
      %dma_wait3A_87 = tpu.memref_slice %arg5[%mul3A_39] : memref<320000xi32, #tpu.memory_space<hbm>> -> memref<80xi32, #tpu.memory_space<hbm>>
      %dma_wait3A_88 = tpu.memref_slice %arg5[%mul3A_39] : memref<320000xi32, #tpu.memory_space<hbm>> -> memref<80xi32, #tpu.memory_space<hbm>>
      tpu.wait_dma2 semaphore(%run_scoped3A : memref<!tpu.dma_semaphore, #tpu.memory_space<semaphore_mem>>) src(%dma_wait3A_88 : memref<80xi32, #tpu.memory_space<hbm>>) dst(%arg9 : memref<80xi32, #tpu.memory_space<vmem>>)
      tpu.yield
    }) : () -> ()
    %dma_start3A = arith.constant 0 : i32
    %dma_start3A_40 = arith.constant 0 : i32
    %dma_start3A_41 = tpu.memref_slice %arg2[%dma_start3A, %dma_start3A_40] : memref<10000x128xi32, #tpu.memory_space<hbm>> -> memref<10000x128xi32, #tpu.memory_space<hbm>>
    tpu.enqueue_indirect_dma source(%dma_start3A_41 : memref<10000x128xi32, #tpu.memory_space<hbm>>) target(%arg12 : memref<80x128xi32, #tpu.memory_space<vmem>>) offsets(%arg8 : memref<80xi32, #tpu.memory_space<vmem>>) semaphore(%arg16 : memref<!tpu.dma_semaphore, #tpu.memory_space<semaphore_mem>>)
    %dma_start3A_42 = arith.constant 0 : i32
    %dma_start3A_43 = arith.constant 0 : i32
    %dma_start3A_44 = tpu.memref_slice %arg3[%dma_start3A_42, %dma_start3A_43] : memref<10000x128xf32, #tpu.memory_space<hbm>> -> memref<10000x128xf32, #tpu.memory_space<hbm>>
    tpu.enqueue_indirect_dma source(%dma_start3A_44 : memref<10000x128xf32, #tpu.memory_space<hbm>>) target(%arg13 : memref<80x128xf32, #tpu.memory_space<vmem>>) offsets(%arg9 : memref<80xi32, #tpu.memory_space<vmem>>) semaphore(%arg16 : memref<!tpu.dma_semaphore, #tpu.memory_space<semaphore_mem>>)
    %add3A_45 = arith.constant 80 : i32
    %add3A_46 = arith.addi %mul3A_39, %add3A_45 : i32
    %dma_start3A_47 = tpu.memref_slice %arg4[%add3A_46] : memref<320000xi32, #tpu.memory_space<hbm>> -> memref<80xi32, #tpu.memory_space<hbm>>
    %dma_start3A_48 = tpu.memref_slice %arg4[%add3A_46] : memref<320000xi32, #tpu.memory_space<hbm>> -> memref<80xi32, #tpu.memory_space<hbm>>
    tpu.enqueue_dma source(%dma_start3A_48 : memref<80xi32, #tpu.memory_space<hbm>>) target(%arg10 : memref<80xi32, #tpu.memory_space<vmem>>) target_semaphore(%arg19 : memref<!tpu.dma_semaphore, #tpu.memory_space<semaphore_mem>>)
    %dma_start3A_49 = tpu.memref_slice %arg5[%add3A_46] : memref<320000xi32, #tpu.memory_space<hbm>> -> memref<80xi32, #tpu.memory_space<hbm>>
    %dma_start3A_50 = tpu.memref_slice %arg5[%add3A_46] : memref<320000xi32, #tpu.memory_space<hbm>> -> memref<80xi32, #tpu.memory_space<hbm>>
    tpu.enqueue_dma source(%dma_start3A_50 : memref<80xi32, #tpu.memory_space<hbm>>) target(%arg11 : memref<80xi32, #tpu.memory_space<vmem>>) target_semaphore(%arg19 : memref<!tpu.dma_semaphore, #tpu.memory_space<semaphore_mem>>)
    %scan3A_51 = arith.constant 0 : i32
    %scan3A_52 = arith.constant 0 : i32
    %scan3A_53 = arith.constant 62 : i32
    %scan3A_54 = arith.addi %scan3A_52, %scan3A_53 : i32
    %scan3A_55 = arith.constant 1 : i32
    scf.for %scan3A_85 = %scan3A_52 to %scan3A_54 step %scan3A_55  : i32 {
      %mul3A_86 = arith.constant 2 : i32
      %mul3A_87 = arith.muli %mul3A_86, %scan3A_85 : i32
      %dma_wait3A_88 = arith.constant 0 : i32
      %dma_wait3A_89 = tpu.memref_slice %arg4[%dma_wait3A_88] : memref<320000xi32, #tpu.memory_space<hbm>> -> memref<80xi32, #tpu.memory_space<hbm>>
      %dma_wait3A_90 = arith.constant 0 : i32
      %dma_wait3A_91 = tpu.memref_slice %arg4[%dma_wait3A_90] : memref<320000xi32, #tpu.memory_space<hbm>> -> memref<80xi32, #tpu.memory_space<hbm>>
      tpu.wait_dma2 semaphore(%arg19 : memref<!tpu.dma_semaphore, #tpu.memory_space<semaphore_mem>>) src(%dma_wait3A_91 : memref<80xi32, #tpu.memory_space<hbm>>) dst(%arg10 : memref<80xi32, #tpu.memory_space<vmem>>)
      %dma_wait3A_92 = arith.constant 0 : i32
      %dma_wait3A_93 = tpu.memref_slice %arg5[%dma_wait3A_92] : memref<320000xi32, #tpu.memory_space<hbm>> -> memref<80xi32, #tpu.memory_space<hbm>>
      %dma_wait3A_94 = arith.constant 0 : i32
      %dma_wait3A_95 = tpu.memref_slice %arg5[%dma_wait3A_94] : memref<320000xi32, #tpu.memory_space<hbm>> -> memref<80xi32, #tpu.memory_space<hbm>>
      tpu.wait_dma2 semaphore(%arg19 : memref<!tpu.dma_semaphore, #tpu.memory_space<semaphore_mem>>) src(%dma_wait3A_95 : memref<80xi32, #tpu.memory_space<hbm>>) dst(%arg11 : memref<80xi32, #tpu.memory_space<vmem>>)
      %dma_start3A_96 = arith.constant 0 : i32
      %dma_start3A_97 = arith.constant 0 : i32
      %dma_start3A_98 = tpu.memref_slice %arg2[%dma_start3A_96, %dma_start3A_97] : memref<10000x128xi32, #tpu.memory_space<hbm>> -> memref<10000x128xi32, #tpu.memory_space<hbm>>
      tpu.enqueue_indirect_dma source(%dma_start3A_98 : memref<10000x128xi32, #tpu.memory_space<hbm>>) target(%arg14 : memref<80x128xi32, #tpu.memory_space<vmem>>) offsets(%arg10 : memref<80xi32, #tpu.memory_space<vmem>>) semaphore(%arg17 : memref<!tpu.dma_semaphore, #tpu.memory_space<semaphore_mem>>)
      %dma_start3A_99 = arith.constant 0 : i32
      %dma_start3A_100 = arith.constant 0 : i32
      %dma_start3A_101 = tpu.memref_slice %arg3[%dma_start3A_99, %dma_start3A_100] : memref<10000x128xf32, #tpu.memory_space<hbm>> -> memref<10000x128xf32, #tpu.memory_space<hbm>>
      tpu.enqueue_indirect_dma source(%dma_start3A_101 : memref<10000x128xf32, #tpu.memory_space<hbm>>) target(%arg15 : memref<80x128xf32, #tpu.memory_space<vmem>>) offsets(%arg11 : memref<80xi32, #tpu.memory_space<vmem>>) semaphore(%arg17 : memref<!tpu.dma_semaphore, #tpu.memory_space<semaphore_mem>>)
      %dma_wait3A_102 = arith.constant 0 : i32
      %dma_wait3A_103 = arith.constant 0 : i32
      %dma_wait3A_104 = tpu.memref_slice %arg2[%dma_wait3A_102, %dma_wait3A_103] : memref<10000x128xi32, #tpu.memory_space<hbm>> -> memref<10000x128xi32, #tpu.memory_space<hbm>>
      tpu.wait_indirect_dma semaphore(%arg16 : memref<!tpu.dma_semaphore, #tpu.memory_space<semaphore_mem>>) src(%dma_wait3A_104 : memref<10000x128xi32, #tpu.memory_space<hbm>>) dst(%arg12 : memref<80x128xi32, #tpu.memory_space<vmem>>)
      %dma_wait3A_105 = arith.constant 0 : i32
      %dma_wait3A_106 = arith.constant 0 : i32
      %dma_wait3A_107 = tpu.memref_slice %arg3[%dma_wait3A_105, %dma_wait3A_106] : memref<10000x128xf32, #tpu.memory_space<hbm>> -> memref<10000x128xf32, #tpu.memory_space<hbm>>
      tpu.wait_indirect_dma semaphore(%arg16 : memref<!tpu.dma_semaphore, #tpu.memory_space<semaphore_mem>>) src(%dma_wait3A_107 : memref<10000x128xf32, #tpu.memory_space<hbm>>) dst(%arg13 : memref<80x128xf32, #tpu.memory_space<vmem>>)
      %parallel_loop3A_108 = arith.constant 0 : i32
      %parallel_loop3A_109 = arith.constant 80 : i32
      %parallel_loop3A_110 = arith.constant 1 : i32
      scf.for %parallel_loop3A_138 = %parallel_loop3A_108 to %parallel_loop3A_109 step %parallel_loop3A_110  : i32 {
        %parallel_loop3A_139 = arith.index_cast %parallel_loop3A_138 : i32 to index
        %parallel_loop3A_140 = arith.constant 0 : index
        %parallel_loop3A_141 = tpu.vector_load %arg12[%parallel_loop3A_139, %parallel_loop3A_140] {strides = array<i32>} : memref<80x128xi32, #tpu.memory_space<vmem>>, vector<1x16xi32>,
        %parallel_loop3A_142 = vector.shape_cast %parallel_loop3A_141 : vector<1x16xi32> to vector<16xi32>
        %parallel_loop3A_143 = arith.index_cast %parallel_loop3A_138 : i32 to index
        %parallel_loop3A_144 = arith.constant 64 : index
        %parallel_loop3A_145 = tpu.vector_load %arg12[%parallel_loop3A_143, %parallel_loop3A_144] {strides = array<i32>} : memref<80x128xi32, #tpu.memory_space<vmem>>, vector<1x16xi32>,
        %parallel_loop3A_146 = vector.shape_cast %parallel_loop3A_145 : vector<1x16xi32> to vector<16xi32>
        %parallel_loop3A_147 = arith.index_cast %parallel_loop3A_138 : i32 to index
        %parallel_loop3A_148 = arith.constant 0 : index
        %parallel_loop3A_149 = tpu.vector_load %arg13[%parallel_loop3A_147, %parallel_loop3A_148] {strides = array<i32>} : memref<80x128xf32, #tpu.memory_space<vmem>>, vector<1x16xf32>,
        %parallel_loop3A_150 = vector.shape_cast %parallel_loop3A_149 : vector<1x16xf32> to vector<16xf32>
        %parallel_loop3A_151 = arith.index_cast %parallel_loop3A_138 : i32 to index
        %parallel_loop3A_152 = arith.constant 16 : index
        %parallel_loop3A_153 = tpu.vector_load %arg13[%parallel_loop3A_151, %parallel_loop3A_152] {strides = array<i32>} : memref<80x128xf32, #tpu.memory_space<vmem>>, vector<1x16xf32>,
        %parallel_loop3A_154 = vector.shape_cast %parallel_loop3A_153 : vector<1x16xf32> to vector<16xf32>
        %parallel_loop3A_155 = arith.constant 16 : i32
        %parallel_loop3A_156 = vector.broadcast %parallel_loop3A_155 : i32 to vector<16xi32>
        %parallel_loop3A_157 = arith.shli %parallel_loop3A_142, %parallel_loop3A_156 : vector<16xi32>
        %parallel_loop3A_158 = tpu.bitcast %parallel_loop3A_157 : vector<16xi32> -> vector<16xf32>
        %parallel_loop3A_159 = arith.constant -65536 : i32
        %parallel_loop3A_160 = vector.broadcast %parallel_loop3A_159 : i32 to vector<16xi32>
        %parallel_loop3A_161 = arith.andi %parallel_loop3A_142, %parallel_loop3A_160 : vector<16xi32>
        %parallel_loop3A_162 = tpu.bitcast %parallel_loop3A_161 : vector<16xi32> -> vector<16xf32>
        %parallel_loop3A_163 = arith.constant 16 : i32
        %parallel_loop3A_164 = vector.broadcast %parallel_loop3A_163 : i32 to vector<16xi32>
        %parallel_loop3A_165 = arith.shli %parallel_loop3A_146, %parallel_loop3A_164 : vector<16xi32>
        %parallel_loop3A_166 = tpu.bitcast %parallel_loop3A_165 : vector<16xi32> -> vector<16xf32>
        %parallel_loop3A_167 = arith.constant -65536 : i32
        %parallel_loop3A_168 = vector.broadcast %parallel_loop3A_167 : i32 to vector<16xi32>
        %parallel_loop3A_169 = arith.andi %parallel_loop3A_146, %parallel_loop3A_168 : vector<16xi32>
        %parallel_loop3A_170 = tpu.bitcast %parallel_loop3A_169 : vector<16xi32> -> vector<16xf32>
        %parallel_loop3A_171 = arith.addf %parallel_loop3A_166, %parallel_loop3A_150 : vector<16xf32>
        %parallel_loop3A_172 = math.exp %parallel_loop3A_171 : vector<16xf32>
        %parallel_loop3A_173 = arith.constant 1.000000e+00 : f32
        %parallel_loop3A_174 = vector.broadcast %parallel_loop3A_173 : f32 to vector<16xf32>
        %parallel_loop3A_175 = arith.addf %parallel_loop3A_174, %parallel_loop3A_172 : vector<16xf32>
        %parallel_loop3A_176 = arith.divf %parallel_loop3A_158, %parallel_loop3A_175 : vector<16xf32>
        %parallel_loop3A_177 = arith.index_cast %parallel_loop3A_138 : i32 to index
        %parallel_loop3A_178 = arith.constant 0 : index
        %parallel_loop3A_179 = tpu.vector_load %arg13[%parallel_loop3A_177, %parallel_loop3A_178] {strides = array<i32>} : memref<80x128xf32, #tpu.memory_space<vmem>>, vector<1x16xf32>,
        %parallel_loop3A_180 = vector.shape_cast %parallel_loop3A_179 : vector<1x16xf32> to vector<16xf32>
        %parallel_loop3A_181 = vector.shape_cast %parallel_loop3A_176 : vector<16xf32> to vector<1x16xf32>
        tpu.vector_store %arg13[%parallel_loop3A_177, %parallel_loop3A_178], %parallel_loop3A_181 {strides = array<i32>} : memref<80x128xf32, #tpu.memory_space<vmem>>, vector<1x16xf32>,
        %parallel_loop3A_182 = arith.addf %parallel_loop3A_170, %parallel_loop3A_154 : vector<16xf32>
        %parallel_loop3A_183 = math.exp %parallel_loop3A_182 : vector<16xf32>
        %parallel_loop3A_184 = arith.constant 1.000000e+00 : f32
        %parallel_loop3A_185 = vector.broadcast %parallel_loop3A_184 : f32 to vector<16xf32>
        %parallel_loop3A_186 = arith.addf %parallel_loop3A_185, %parallel_loop3A_183 : vector<16xf32>
        %parallel_loop3A_187 = arith.divf %parallel_loop3A_162, %parallel_loop3A_186 : vector<16xf32>
        %parallel_loop3A_188 = arith.index_cast %parallel_loop3A_138 : i32 to index
        %parallel_loop3A_189 = arith.constant 16 : index
        %parallel_loop3A_190 = tpu.vector_load %arg13[%parallel_loop3A_188, %parallel_loop3A_189] {strides = array<i32>} : memref<80x128xf32, #tpu.memory_space<vmem>>, vector<1x16xf32>,
        %parallel_loop3A_191 = vector.shape_cast %parallel_loop3A_190 : vector<1x16xf32> to vector<16xf32>
        %parallel_loop3A_192 = vector.shape_cast %parallel_loop3A_187 : vector<16xf32> to vector<1x16xf32>
        tpu.vector_store %arg13[%parallel_loop3A_188, %parallel_loop3A_189], %parallel_loop3A_192 {strides = array<i32>} : memref<80x128xf32, #tpu.memory_space<vmem>>, vector<1x16xf32>,
        %parallel_loop3A_193 = arith.index_cast %parallel_loop3A_138 : i32 to index
        %parallel_loop3A_194 = arith.constant 16 : index
        %parallel_loop3A_195 = tpu.vector_load %arg12[%parallel_loop3A_193, %parallel_loop3A_194] {strides = array<i32>} : memref<80x128xi32, #tpu.memory_space<vmem>>, vector<1x16xi32>,
        %parallel_loop3A_196 = vector.shape_cast %parallel_loop3A_195 : vector<1x16xi32> to vector<16xi32>
        %parallel_loop3A_197 = arith.index_cast %parallel_loop3A_138 : i32 to index
        %parallel_loop3A_198 = arith.constant 80 : index
        %parallel_loop3A_199 = tpu.vector_load %arg12[%parallel_loop3A_197, %parallel_loop3A_198] {strides = array<i32>} : memref<80x128xi32, #tpu.memory_space<vmem>>, vector<1x16xi32>,
        %parallel_loop3A_200 = vector.shape_cast %parallel_loop3A_199 : vector<1x16xi32> to vector<16xi32>
        %parallel_loop3A_201 = arith.index_cast %parallel_loop3A_138 : i32 to index
        %parallel_loop3A_202 = arith.constant 32 : index
        %parallel_loop3A_203 = tpu.vector_load %arg13[%parallel_loop3A_201, %parallel_loop3A_202] {strides = array<i32>} : memref<80x128xf32, #tpu.memory_space<vmem>>, vector<1x16xf32>,
        %parallel_loop3A_204 = vector.shape_cast %parallel_loop3A_203 : vector<1x16xf32> to vector<16xf32>
        %parallel_loop3A_205 = arith.index_cast %parallel_loop3A_138 : i32 to index
        %parallel_loop3A_206 = arith.constant 48 : index
        %parallel_loop3A_207 = tpu.vector_load %arg13[%parallel_loop3A_205, %parallel_loop3A_206] {strides = array<i32>} : memref<80x128xf32, #tpu.memory_space<vmem>>, vector<1x16xf32>,
        %parallel_loop3A_208 = vector.shape_cast %parallel_loop3A_207 : vector<1x16xf32> to vector<16xf32>
        %parallel_loop3A_209 = arith.constant 16 : i32
        %parallel_loop3A_210 = vector.broadcast %parallel_loop3A_209 : i32 to vector<16xi32>
        %parallel_loop3A_211 = arith.shli %parallel_loop3A_196, %parallel_loop3A_210 : vector<16xi32>
        %parallel_loop3A_212 = tpu.bitcast %parallel_loop3A_211 : vector<16xi32> -> vector<16xf32>
        %parallel_loop3A_213 = arith.constant -65536 : i32
        %parallel_loop3A_214 = vector.broadcast %parallel_loop3A_213 : i32 to vector<16xi32>
        %parallel_loop3A_215 = arith.andi %parallel_loop3A_196, %parallel_loop3A_214 : vector<16xi32>
        %parallel_loop3A_216 = tpu.bitcast %parallel_loop3A_215 : vector<16xi32> -> vector<16xf32>
        %parallel_loop3A_217 = arith.constant 16 : i32
        %parallel_loop3A_218 = vector.broadcast %parallel_loop3A_217 : i32 to vector<16xi32>
        %parallel_loop3A_219 = arith.shli %parallel_loop3A_200, %parallel_loop3A_218 : vector<16xi32>
        %parallel_loop3A_220 = tpu.bitcast %parallel_loop3A_219 : vector<16xi32> -> vector<16xf32>
        %parallel_loop3A_221 = arith.constant -65536 : i32
        %parallel_loop3A_222 = vector.broadcast %parallel_loop3A_221 : i32 to vector<16xi32>
        %parallel_loop3A_223 = arith.andi %parallel_loop3A_200, %parallel_loop3A_222 : vector<16xi32>
        %parallel_loop3A_224 = tpu.bitcast %parallel_loop3A_223 : vector<16xi32> -> vector<16xf32>
        %parallel_loop3A_225 = arith.addf %parallel_loop3A_220, %parallel_loop3A_204 : vector<16xf32>
        %parallel_loop3A_226 = math.exp %parallel_loop3A_225 : vector<16xf32>
        %parallel_loop3A_227 = arith.constant 1.000000e+00 : f32
        %parallel_loop3A_228 = vector.broadcast %parallel_loop3A_227 : f32 to vector<16xf32>
        %parallel_loop3A_229 = arith.addf %parallel_loop3A_228, %parallel_loop3A_226 : vector<16xf32>
        %parallel_loop3A_230 = arith.divf %parallel_loop3A_212, %parallel_loop3A_229 : vector<16xf32>
        %parallel_loop3A_231 = arith.index_cast %parallel_loop3A_138 : i32 to index
        %parallel_loop3A_232 = arith.constant 32 : index
        %parallel_loop3A_233 = tpu.vector_load %arg13[%parallel_loop3A_231, %parallel_loop3A_232] {strides = array<i32>} : memref<80x128xf32, #tpu.memory_space<vmem>>, vector<1x16xf32>,
        %parallel_loop3A_234 = vector.shape_cast %parallel_loop3A_233 : vector<1x16xf32> to vector<16xf32>
        %parallel_loop3A_235 = vector.shape_cast %parallel_loop3A_230 : vector<16xf32> to vector<1x16xf32>
        tpu.vector_store %arg13[%parallel_loop3A_231, %parallel_loop3A_232], %parallel_loop3A_235 {strides = array<i32>} : memref<80x128xf32, #tpu.memory_space<vmem>>, vector<1x16xf32>,
        %parallel_loop3A_236 = arith.addf %parallel_loop3A_224, %parallel_loop3A_208 : vector<16xf32>
        %parallel_loop3A_237 = math.exp %parallel_loop3A_236 : vector<16xf32>
        %parallel_loop3A_238 = arith.constant 1.000000e+00 : f32
        %parallel_loop3A_239 = vector.broadcast %parallel_loop3A_238 : f32 to vector<16xf32>
        %parallel_loop3A_240 = arith.addf %parallel_loop3A_239, %parallel_loop3A_237 : vector<16xf32>
        %parallel_loop3A_241 = arith.divf %parallel_loop3A_216, %parallel_loop3A_240 : vector<16xf32>
        %parallel_loop3A_242 = arith.index_cast %parallel_loop3A_138 : i32 to index
        %parallel_loop3A_243 = arith.constant 48 : index
        %parallel_loop3A_244 = tpu.vector_load %arg13[%parallel_loop3A_242, %parallel_loop3A_243] {strides = array<i32>} : memref<80x128xf32, #tpu.memory_space<vmem>>, vector<1x16xf32>,
        %parallel_loop3A_245 = vector.shape_cast %parallel_loop3A_244 : vector<1x16xf32> to vector<16xf32>
        %parallel_loop3A_246 = vector.shape_cast %parallel_loop3A_241 : vector<16xf32> to vector<1x16xf32>
        tpu.vector_store %arg13[%parallel_loop3A_242, %parallel_loop3A_243], %parallel_loop3A_246 {strides = array<i32>} : memref<80x128xf32, #tpu.memory_space<vmem>>, vector<1x16xf32>,
        %parallel_loop3A_247 = arith.index_cast %parallel_loop3A_138 : i32 to index
        %parallel_loop3A_248 = arith.constant 32 : index
        %parallel_loop3A_249 = tpu.vector_load %arg12[%parallel_loop3A_247, %parallel_loop3A_248] {strides = array<i32>} : memref<80x128xi32, #tpu.memory_space<vmem>>, vector<1x16xi32>,
        %parallel_loop3A_250 = vector.shape_cast %parallel_loop3A_249 : vector<1x16xi32> to vector<16xi32>
        %parallel_loop3A_251 = arith.index_cast %parallel_loop3A_138 : i32 to index
        %parallel_loop3A_252 = arith.constant 96 : index
        %parallel_loop3A_253 = tpu.vector_load %arg12[%parallel_loop3A_251, %parallel_loop3A_252] {strides = array<i32>} : memref<80x128xi32, #tpu.memory_space<vmem>>, vector<1x16xi32>,
        %parallel_loop3A_254 = vector.shape_cast %parallel_loop3A_253 : vector<1x16xi32> to vector<16xi32>
        %parallel_loop3A_255 = arith.index_cast %parallel_loop3A_138 : i32 to index
        %parallel_loop3A_256 = arith.constant 64 : index
        %parallel_loop3A_257 = tpu.vector_load %arg13[%parallel_loop3A_255, %parallel_loop3A_256] {strides = array<i32>} : memref<80x128xf32, #tpu.memory_space<vmem>>, vector<1x16xf32>,
        %parallel_loop3A_258 = vector.shape_cast %parallel_loop3A_257 : vector<1x16xf32> to vector<16xf32>
        %parallel_loop3A_259 = arith.index_cast %parallel_loop3A_138 : i32 to index
        %parallel_loop3A_260 = arith.constant 80 : index
        %parallel_loop3A_261 = tpu.vector_load %arg13[%parallel_loop3A_259, %parallel_loop3A_260] {strides = array<i32>} : memref<80x128xf32, #tpu.memory_space<vmem>>, vector<1x16xf32>,
        %parallel_loop3A_262 = vector.shape_cast %parallel_loop3A_261 : vector<1x16xf32> to vector<16xf32>
        %parallel_loop3A_263 = arith.constant 16 : i32
        %parallel_loop3A_264 = vector.broadcast %parallel_loop3A_263 : i32 to vector<16xi32>
        %parallel_loop3A_265 = arith.shli %parallel_loop3A_250, %parallel_loop3A_264 : vector<16xi32>
        %parallel_loop3A_266 = tpu.bitcast %parallel_loop3A_265 : vector<16xi32> -> vector<16xf32>
        %parallel_loop3A_267 = arith.constant -65536 : i32
        %parallel_loop3A_268 = vector.broadcast %parallel_loop3A_267 : i32 to vector<16xi32>
        %parallel_loop3A_269 = arith.andi %parallel_loop3A_250, %parallel_loop3A_268 : vector<16xi32>
        %parallel_loop3A_270 = tpu.bitcast %parallel_loop3A_269 : vector<16xi32> -> vector<16xf32>
        %parallel_loop3A_271 = arith.constant 16 : i32
        %parallel_loop3A_272 = vector.broadcast %parallel_loop3A_271 : i32 to vector<16xi32>
        %parallel_loop3A_273 = arith.shli %parallel_loop3A_254, %parallel_loop3A_272 : vector<16xi32>
        %parallel_loop3A_274 = tpu.bitcast %parallel_loop3A_273 : vector<16xi32> -> vector<16xf32>
        %parallel_loop3A_275 = arith.constant -65536 : i32
        %parallel_loop3A_276 = vector.broadcast %parallel_loop3A_275 : i32 to vector<16xi32>
        %parallel_loop3A_277 = arith.andi %parallel_loop3A_254, %parallel_loop3A_276 : vector<16xi32>
        %parallel_loop3A_278 = tpu.bitcast %parallel_loop3A_277 : vector<16xi32> -> vector<16xf32>
        %parallel_loop3A_279 = arith.addf %parallel_loop3A_274, %parallel_loop3A_258 : vector<16xf32>
        %parallel_loop3A_280 = math.exp %parallel_loop3A_279 : vector<16xf32>
        %parallel_loop3A_281 = arith.constant 1.000000e+00 : f32
        %parallel_loop3A_282 = vector.broadcast %parallel_loop3A_281 : f32 to vector<16xf32>
        %parallel_loop3A_283 = arith.addf %parallel_loop3A_282, %parallel_loop3A_280 : vector<16xf32>
        %parallel_loop3A_284 = arith.divf %parallel_loop3A_266, %parallel_loop3A_283 : vector<16xf32>
        %parallel_loop3A_285 = arith.index_cast %parallel_loop3A_138 : i32 to index
        %parallel_loop3A_286 = arith.constant 64 : index
        %parallel_loop3A_287 = tpu.vector_load %arg13[%parallel_loop3A_285, %parallel_loop3A_286] {strides = array<i32>} : memref<80x128xf32, #tpu.memory_space<vmem>>, vector<1x16xf32>,
        %parallel_loop3A_288 = vector.shape_cast %parallel_loop3A_287 : vector<1x16xf32> to vector<16xf32>
        %parallel_loop3A_289 = vector.shape_cast %parallel_loop3A_284 : vector<16xf32> to vector<1x16xf32>
        tpu.vector_store %arg13[%parallel_loop3A_285, %parallel_loop3A_286], %parallel_loop3A_289 {strides = array<i32>} : memref<80x128xf32, #tpu.memory_space<vmem>>, vector<1x16xf32>,
        %parallel_loop3A_290 = arith.addf %parallel_loop3A_278, %parallel_loop3A_262 : vector<16xf32>
        %parallel_loop3A_291 = math.exp %parallel_loop3A_290 : vector<16xf32>
        %parallel_loop3A_292 = arith.constant 1.000000e+00 : f32
        %parallel_loop3A_293 = vector.broadcast %parallel_loop3A_292 : f32 to vector<16xf32>
        %parallel_loop3A_294 = arith.addf %parallel_loop3A_293, %parallel_loop3A_291 : vector<16xf32>
        %parallel_loop3A_295 = arith.divf %parallel_loop3A_270, %parallel_loop3A_294 : vector<16xf32>
        %parallel_loop3A_296 = arith.index_cast %parallel_loop3A_138 : i32 to index
        %parallel_loop3A_297 = arith.constant 80 : index
        %parallel_loop3A_298 = tpu.vector_load %arg13[%parallel_loop3A_296, %parallel_loop3A_297] {strides = array<i32>} : memref<80x128xf32, #tpu.memory_space<vmem>>, vector<1x16xf32>,
        %parallel_loop3A_299 = vector.shape_cast %parallel_loop3A_298 : vector<1x16xf32> to vector<16xf32>
        %parallel_loop3A_300 = vector.shape_cast %parallel_loop3A_295 : vector<16xf32> to vector<1x16xf32>
        tpu.vector_store %arg13[%parallel_loop3A_296, %parallel_loop3A_297], %parallel_loop3A_300 {strides = array<i32>} : memref<80x128xf32, #tpu.memory_space<vmem>>, vector<1x16xf32>,
        %parallel_loop3A_301 = arith.index_cast %parallel_loop3A_138 : i32 to index
        %parallel_loop3A_302 = arith.constant 48 : index
        %parallel_loop3A_303 = tpu.vector_load %arg12[%parallel_loop3A_301, %parallel_loop3A_302] {strides = array<i32>} : memref<80x128xi32, #tpu.memory_space<vmem>>, vector<1x16xi32>,
        %parallel_loop3A_304 = vector.shape_cast %parallel_loop3A_303 : vector<1x16xi32> to vector<16xi32>
        %parallel_loop3A_305 = arith.index_cast %parallel_loop3A_138 : i32 to index
        %parallel_loop3A_306 = arith.constant 112 : index
        %parallel_loop3A_307 = tpu.vector_load %arg12[%parallel_loop3A_305, %parallel_loop3A_306] {strides = array<i32>} : memref<80x128xi32, #tpu.memory_space<vmem>>, vector<1x16xi32>,
        %parallel_loop3A_308 = vector.shape_cast %parallel_loop3A_307 : vector<1x16xi32> to vector<16xi32>
        %parallel_loop3A_309 = arith.index_cast %parallel_loop3A_138 : i32 to index
        %parallel_loop3A_310 = arith.constant 96 : index
        %parallel_loop3A_311 = tpu.vector_load %arg13[%parallel_loop3A_309, %parallel_loop3A_310] {strides = array<i32>} : memref<80x128xf32, #tpu.memory_space<vmem>>, vector<1x16xf32>,
        %parallel_loop3A_312 = vector.shape_cast %parallel_loop3A_311 : vector<1x16xf32> to vector<16xf32>
        %parallel_loop3A_313 = arith.index_cast %parallel_loop3A_138 : i32 to index
        %parallel_loop3A_314 = arith.constant 112 : index
        %parallel_loop3A_315 = tpu.vector_load %arg13[%parallel_loop3A_313, %parallel_loop3A_314] {strides = array<i32>} : memref<80x128xf32, #tpu.memory_space<vmem>>, vector<1x16xf32>,
        %parallel_loop3A_316 = vector.shape_cast %parallel_loop3A_315 : vector<1x16xf32> to vector<16xf32>
        %parallel_loop3A_317 = arith.constant 16 : i32
        %parallel_loop3A_318 = vector.broadcast %parallel_loop3A_317 : i32 to vector<16xi32>
        %parallel_loop3A_319 = arith.shli %parallel_loop3A_304, %parallel_loop3A_318 : vector<16xi32>
        %parallel_loop3A_320 = tpu.bitcast %parallel_loop3A_319 : vector<16xi32> -> vector<16xf32>
        %parallel_loop3A_321 = arith.constant -65536 : i32
        %parallel_loop3A_322 = vector.broadcast %parallel_loop3A_321 : i32 to vector<16xi32>
        %parallel_loop3A_323 = arith.andi %parallel_loop3A_304, %parallel_loop3A_322 : vector<16xi32>
        %parallel_loop3A_324 = tpu.bitcast %parallel_loop3A_323 : vector<16xi32> -> vector<16xf32>
        %parallel_loop3A_325 = arith.constant 16 : i32
        %parallel_loop3A_326 = vector.broadcast %parallel_loop3A_325 : i32 to vector<16xi32>
        %parallel_loop3A_327 = arith.shli %parallel_loop3A_308, %parallel_loop3A_326 : vector<16xi32>
        %parallel_loop3A_328 = tpu.bitcast %parallel_loop3A_327 : vector<16xi32> -> vector<16xf32>
        %parallel_loop3A_329 = arith.constant -65536 : i32
        %parallel_loop3A_330 = vector.broadcast %parallel_loop3A_329 : i32 to vector<16xi32>
        %parallel_loop3A_331 = arith.andi %parallel_loop3A_308, %parallel_loop3A_330 : vector<16xi32>
        %parallel_loop3A_332 = tpu.bitcast %parallel_loop3A_331 : vector<16xi32> -> vector<16xf32>
        %parallel_loop3A_333 = arith.addf %parallel_loop3A_328, %parallel_loop3A_312 : vector<16xf32>
        %parallel_loop3A_334 = math.exp %parallel_loop3A_333 : vector<16xf32>
        %parallel_loop3A_335 = arith.constant 1.000000e+00 : f32
        %parallel_loop3A_336 = vector.broadcast %parallel_loop3A_335 : f32 to vector<16xf32>
        %parallel_loop3A_337 = arith.addf %parallel_loop3A_336, %parallel_loop3A_334 : vector<16xf32>
        %parallel_loop3A_338 = arith.divf %parallel_loop3A_320, %parallel_loop3A_337 : vector<16xf32>
        %parallel_loop3A_339 = arith.index_cast %parallel_loop3A_138 : i32 to index
        %parallel_loop3A_340 = arith.constant 96 : index
        %parallel_loop3A_341 = tpu.vector_load %arg13[%parallel_loop3A_339, %parallel_loop3A_340] {strides = array<i32>} : memref<80x128xf32, #tpu.memory_space<vmem>>, vector<1x16xf32>,
        %parallel_loop3A_342 = vector.shape_cast %parallel_loop3A_341 : vector<1x16xf32> to vector<16xf32>
        %parallel_loop3A_343 = vector.shape_cast %parallel_loop3A_338 : vector<16xf32> to vector<1x16xf32>
        tpu.vector_store %arg13[%parallel_loop3A_339, %parallel_loop3A_340], %parallel_loop3A_343 {strides = array<i32>} : memref<80x128xf32, #tpu.memory_space<vmem>>, vector<1x16xf32>,
        %parallel_loop3A_344 = arith.addf %parallel_loop3A_332, %parallel_loop3A_316 : vector<16xf32>
        %parallel_loop3A_345 = math.exp %parallel_loop3A_344 : vector<16xf32>
        %parallel_loop3A_346 = arith.constant 1.000000e+00 : f32
        %parallel_loop3A_347 = vector.broadcast %parallel_loop3A_346 : f32 to vector<16xf32>
        %parallel_loop3A_348 = arith.addf %parallel_loop3A_347, %parallel_loop3A_345 : vector<16xf32>
        %parallel_loop3A_349 = arith.divf %parallel_loop3A_324, %parallel_loop3A_348 : vector<16xf32>
        %parallel_loop3A_350 = arith.index_cast %parallel_loop3A_138 : i32 to index
        %parallel_loop3A_351 = arith.constant 112 : index
        %parallel_loop3A_352 = tpu.vector_load %arg13[%parallel_loop3A_350, %parallel_loop3A_351] {strides = array<i32>} : memref<80x128xf32, #tpu.memory_space<vmem>>, vector<1x16xf32>,
        %parallel_loop3A_353 = vector.shape_cast %parallel_loop3A_352 : vector<1x16xf32> to vector<16xf32>
        %parallel_loop3A_354 = vector.shape_cast %parallel_loop3A_349 : vector<16xf32> to vector<1x16xf32>
        tpu.vector_store %arg13[%parallel_loop3A_350, %parallel_loop3A_351], %parallel_loop3A_354 {strides = array<i32>} : memref<80x128xf32, #tpu.memory_space<vmem>>, vector<1x16xf32>,
      } {sc.loop_unroll_factor = 4 : i64, sc.parallel_access}
      "tpu.region"() ({
        %run_scoped3A = tpu.sem_alloc : memref<!tpu.dma_semaphore, #tpu.memory_space<semaphore_mem>>
        %dma_start3A_138 = arith.constant 0 : i32
        %dma_start3A_139 = arith.constant 0 : i32
        %dma_start3A_140 = tpu.memref_slice %arg7[%dma_start3A_138, %dma_start3A_139] : memref<10240x128xf32, #tpu.memory_space<vmem_shared>> -> memref<10240x128xf32, #tpu.memory_space<vmem_shared>>
        tpu.enqueue_indirect_dma source(%arg13 : memref<80x128xf32, #tpu.memory_space<vmem>>) target(%dma_start3A_140 : memref<10240x128xf32, #tpu.memory_space<vmem_shared>>) offsets(%arg9 : memref<80xi32, #tpu.memory_space<vmem>>) semaphore(%run_scoped3A : memref<!tpu.dma_semaphore, #tpu.memory_space<semaphore_mem>>) {add = true}
        %dma_wait3A_141 = arith.constant 0 : i32
        %dma_wait3A_142 = arith.constant 0 : i32
        %dma_wait3A_143 = tpu.memref_slice %arg7[%dma_wait3A_141, %dma_wait3A_142] : memref<10240x128xf32, #tpu.memory_space<vmem_shared>> -> memref<10240x128xf32, #tpu.memory_space<vmem_shared>>
        tpu.wait_indirect_dma semaphore(%run_scoped3A : memref<!tpu.dma_semaphore, #tpu.memory_space<semaphore_mem>>) src(%arg13 : memref<80x128xf32, #tpu.memory_space<vmem>>) dst(%dma_wait3A_143 : memref<10240x128xf32, #tpu.memory_space<vmem_shared>>)
        tpu.yield
      }) : () -> ()
      %add3A_111 = arith.constant 2 : i32
      %add3A_112 = arith.addi %mul3A_87, %add3A_111 : i32
      %lt3A = arith.constant 125 : i32
      %lt3A_113 = arith.cmpi slt, %add3A_112, %lt3A : i32
      %convert_element_type3A = arith.extui %lt3A_113 : i1 to i32
      %cond3A = arith.constant 0 : i32
      %cond3A_114 = arith.cmpi ne, %convert_element_type3A, %cond3A : i32
      scf.if %cond3A_114 {
        %add3A_138 = arith.constant 2 : i32
        %add3A_139 = arith.addi %mul3A_87, %add3A_138 : i32
        %mul3A_140 = arith.constant 80 : i32
        %mul3A_141 = arith.muli %add3A_139, %mul3A_140 : i32
        %add3A_142 = arith.addi %mul3A_39, %mul3A_141 : i32
        %dma_start3A_143 = tpu.memref_slice %arg4[%add3A_142] : memref<320000xi32, #tpu.memory_space<hbm>> -> memref<80xi32, #tpu.memory_space<hbm>>
        %dma_start3A_144 = tpu.memref_slice %arg4[%add3A_142] : memref<320000xi32, #tpu.memory_space<hbm>> -> memref<80xi32, #tpu.memory_space<hbm>>
        tpu.enqueue_dma source(%dma_start3A_144 : memref<80xi32, #tpu.memory_space<hbm>>) target(%arg8 : memref<80xi32, #tpu.memory_space<vmem>>) target_semaphore(%arg18 : memref<!tpu.dma_semaphore, #tpu.memory_space<semaphore_mem>>)
        %dma_start3A_145 = tpu.memref_slice %arg5[%add3A_142] : memref<320000xi32, #tpu.memory_space<hbm>> -> memref<80xi32, #tpu.memory_space<hbm>>
        %dma_start3A_146 = tpu.memref_slice %arg5[%add3A_142] : memref<320000xi32, #tpu.memory_space<hbm>> -> memref<80xi32, #tpu.memory_space<hbm>>
        tpu.enqueue_dma source(%dma_start3A_146 : memref<80xi32, #tpu.memory_space<hbm>>) target(%arg9 : memref<80xi32, #tpu.memory_space<vmem>>) target_semaphore(%arg18 : memref<!tpu.dma_semaphore, #tpu.memory_space<semaphore_mem>>)
      } else {
      }
      %dma_wait3A_115 = arith.constant 0 : i32
      %dma_wait3A_116 = arith.constant 0 : i32
      %dma_wait3A_117 = tpu.memref_slice %arg2[%dma_wait3A_115, %dma_wait3A_116] : memref<10000x128xi32, #tpu.memory_space<hbm>> -> memref<10000x128xi32, #tpu.memory_space<hbm>>
      tpu.wait_indirect_dma semaphore(%arg17 : memref<!tpu.dma_semaphore, #tpu.memory_space<semaphore_mem>>) src(%dma_wait3A_117 : memref<10000x128xi32, #tpu.memory_space<hbm>>) dst(%arg14 : memref<80x128xi32, #tpu.memory_space<vmem>>)
      %dma_wait3A_118 = arith.constant 0 : i32
      %dma_wait3A_119 = arith.constant 0 : i32
      %dma_wait3A_120 = tpu.memref_slice %arg3[%dma_wait3A_118, %dma_wait3A_119] : memref<10000x128xf32, #tpu.memory_space<hbm>> -> memref<10000x128xf32, #tpu.memory_space<hbm>>
      tpu.wait_indirect_dma semaphore(%arg17 : memref<!tpu.dma_semaphore, #tpu.memory_space<semaphore_mem>>) src(%dma_wait3A_120 : memref<10000x128xf32, #tpu.memory_space<hbm>>) dst(%arg15 : memref<80x128xf32, #tpu.memory_space<vmem>>)
      %add3A_121 = arith.constant 2 : i32
      %add3A_122 = arith.addi %mul3A_87, %add3A_121 : i32
      %lt3A_123 = arith.constant 125 : i32
      %lt3A_124 = arith.cmpi slt, %add3A_122, %lt3A_123 : i32
      %convert_element_type3A_125 = arith.extui %lt3A_124 : i1 to i32
      %cond3A_126 = arith.constant 0 : i32
      %cond3A_127 = arith.cmpi ne, %convert_element_type3A_125, %cond3A_126 : i32
      scf.if %cond3A_127 {
        %dma_wait3A_138 = arith.constant 0 : i32
        %dma_wait3A_139 = tpu.memref_slice %arg4[%dma_wait3A_138] : memref<320000xi32, #tpu.memory_space<hbm>> -> memref<80xi32, #tpu.memory_space<hbm>>
        %dma_wait3A_140 = arith.constant 0 : i32
        %dma_wait3A_141 = tpu.memref_slice %arg4[%dma_wait3A_140] : memref<320000xi32, #tpu.memory_space<hbm>> -> memref<80xi32, #tpu.memory_space<hbm>>
        tpu.wait_dma2 semaphore(%arg18 : memref<!tpu.dma_semaphore, #tpu.memory_space<semaphore_mem>>) src(%dma_wait3A_141 : memref<80xi32, #tpu.memory_space<hbm>>) dst(%arg8 : memref<80xi32, #tpu.memory_space<vmem>>)
        %dma_wait3A_142 = arith.constant 0 : i32
        %dma_wait3A_143 = tpu.memref_slice %arg5[%dma_wait3A_142] : memref<320000xi32, #tpu.memory_space<hbm>> -> memref<80xi32, #tpu.memory_space<hbm>>
        %dma_wait3A_144 = arith.constant 0 : i32
        %dma_wait3A_145 = tpu.memref_slice %arg5[%dma_wait3A_144] : memref<320000xi32, #tpu.memory_space<hbm>> -> memref<80xi32, #tpu.memory_space<hbm>>
        tpu.wait_dma2 semaphore(%arg18 : memref<!tpu.dma_semaphore, #tpu.memory_space<semaphore_mem>>) src(%dma_wait3A_145 : memref<80xi32, #tpu.memory_space<hbm>>) dst(%arg9 : memref<80xi32, #tpu.memory_space<vmem>>)
        %dma_start3A_146 = arith.constant 0 : i32
        %dma_start3A_147 = arith.constant 0 : i32
        %dma_start3A_148 = tpu.memref_slice %arg2[%dma_start3A_146, %dma_start3A_147] : memref<10000x128xi32, #tpu.memory_space<hbm>> -> memref<10000x128xi32, #tpu.memory_space<hbm>>
        tpu.enqueue_indirect_dma source(%dma_start3A_148 : memref<10000x128xi32, #tpu.memory_space<hbm>>) target(%arg12 : memref<80x128xi32, #tpu.memory_space<vmem>>) offsets(%arg8 : memref<80xi32, #tpu.memory_space<vmem>>) semaphore(%arg16 : memref<!tpu.dma_semaphore, #tpu.memory_space<semaphore_mem>>)
        %dma_start3A_149 = arith.constant 0 : i32
        %dma_start3A_150 = arith.constant 0 : i32
        %dma_start3A_151 = tpu.memref_slice %arg3[%dma_start3A_149, %dma_start3A_150] : memref<10000x128xf32, #tpu.memory_space<hbm>> -> memref<10000x128xf32, #tpu.memory_space<hbm>>
        tpu.enqueue_indirect_dma source(%dma_start3A_151 : memref<10000x128xf32, #tpu.memory_space<hbm>>) target(%arg13 : memref<80x128xf32, #tpu.memory_space<vmem>>) offsets(%arg9 : memref<80xi32, #tpu.memory_space<vmem>>) semaphore(%arg16 : memref<!tpu.dma_semaphore, #tpu.memory_space<semaphore_mem>>)
      } else {
      }
      %parallel_loop3A_128 = arith.constant 0 : i32
      %parallel_loop3A_129 = arith.constant 80 : i32
      %parallel_loop3A_130 = arith.constant 1 : i32
      scf.for %parallel_loop3A_138 = %parallel_loop3A_128 to %parallel_loop3A_129 step %parallel_loop3A_130  : i32 {
        %parallel_loop3A_139 = arith.index_cast %parallel_loop3A_138 : i32 to index
        %parallel_loop3A_140 = arith.constant 0 : index
        %parallel_loop3A_141 = tpu.vector_load %arg14[%parallel_loop3A_139, %parallel_loop3A_140] {strides = array<i32>} : memref<80x128xi32, #tpu.memory_space<vmem>>, vector<1x16xi32>,
        %parallel_loop3A_142 = vector.shape_cast %parallel_loop3A_141 : vector<1x16xi32> to vector<16xi32>
        %parallel_loop3A_143 = arith.index_cast %parallel_loop3A_138 : i32 to index
        %parallel_loop3A_144 = arith.constant 64 : index
        %parallel_loop3A_145 = tpu.vector_load %arg14[%parallel_loop3A_143, %parallel_loop3A_144] {strides = array<i32>} : memref<80x128xi32, #tpu.memory_space<vmem>>, vector<1x16xi32>,
        %parallel_loop3A_146 = vector.shape_cast %parallel_loop3A_145 : vector<1x16xi32> to vector<16xi32>
        %parallel_loop3A_147 = arith.index_cast %parallel_loop3A_138 : i32 to index
        %parallel_loop3A_148 = arith.constant 0 : index
        %parallel_loop3A_149 = tpu.vector_load %arg15[%parallel_loop3A_147, %parallel_loop3A_148] {strides = array<i32>} : memref<80x128xf32, #tpu.memory_space<vmem>>, vector<1x16xf32>,
        %parallel_loop3A_150 = vector.shape_cast %parallel_loop3A_149 : vector<1x16xf32> to vector<16xf32>
        %parallel_loop3A_151 = arith.index_cast %parallel_loop3A_138 : i32 to index
        %parallel_loop3A_152 = arith.constant 16 : index
        %parallel_loop3A_153 = tpu.vector_load %arg15[%parallel_loop3A_151, %parallel_loop3A_152] {strides = array<i32>} : memref<80x128xf32, #tpu.memory_space<vmem>>, vector<1x16xf32>,
        %parallel_loop3A_154 = vector.shape_cast %parallel_loop3A_153 : vector<1x16xf32> to vector<16xf32>
        %parallel_loop3A_155 = arith.constant 16 : i32
        %parallel_loop3A_156 = vector.broadcast %parallel_loop3A_155 : i32 to vector<16xi32>
        %parallel_loop3A_157 = arith.shli %parallel_loop3A_142, %parallel_loop3A_156 : vector<16xi32>
        %parallel_loop3A_158 = tpu.bitcast %parallel_loop3A_157 : vector<16xi32> -> vector<16xf32>
        %parallel_loop3A_159 = arith.constant -65536 : i32
        %parallel_loop3A_160 = vector.broadcast %parallel_loop3A_159 : i32 to vector<16xi32>
        %parallel_loop3A_161 = arith.andi %parallel_loop3A_142, %parallel_loop3A_160 : vector<16xi32>
        %parallel_loop3A_162 = tpu.bitcast %parallel_loop3A_161 : vector<16xi32> -> vector<16xf32>
        %parallel_loop3A_163 = arith.constant 16 : i32
        %parallel_loop3A_164 = vector.broadcast %parallel_loop3A_163 : i32 to vector<16xi32>
        %parallel_loop3A_165 = arith.shli %parallel_loop3A_146, %parallel_loop3A_164 : vector<16xi32>
        %parallel_loop3A_166 = tpu.bitcast %parallel_loop3A_165 : vector<16xi32> -> vector<16xf32>
        %parallel_loop3A_167 = arith.constant -65536 : i32
        %parallel_loop3A_168 = vector.broadcast %parallel_loop3A_167 : i32 to vector<16xi32>
        %parallel_loop3A_169 = arith.andi %parallel_loop3A_146, %parallel_loop3A_168 : vector<16xi32>
        %parallel_loop3A_170 = tpu.bitcast %parallel_loop3A_169 : vector<16xi32> -> vector<16xf32>
        %parallel_loop3A_171 = arith.addf %parallel_loop3A_166, %parallel_loop3A_150 : vector<16xf32>
        %parallel_loop3A_172 = math.exp %parallel_loop3A_171 : vector<16xf32>
        %parallel_loop3A_173 = arith.constant 1.000000e+00 : f32
        %parallel_loop3A_174 = vector.broadcast %parallel_loop3A_173 : f32 to vector<16xf32>
        %parallel_loop3A_175 = arith.addf %parallel_loop3A_174, %parallel_loop3A_172 : vector<16xf32>
        %parallel_loop3A_176 = arith.divf %parallel_loop3A_158, %parallel_loop3A_175 : vector<16xf32>
        %parallel_loop3A_177 = arith.index_cast %parallel_loop3A_138 : i32 to index
        %parallel_loop3A_178 = arith.constant 0 : index
        %parallel_loop3A_179 = tpu.vector_load %arg15[%parallel_loop3A_177, %parallel_loop3A_178] {strides = array<i32>} : memref<80x128xf32, #tpu.memory_space<vmem>>, vector<1x16xf32>,
        %parallel_loop3A_180 = vector.shape_cast %parallel_loop3A_179 : vector<1x16xf32> to vector<16xf32>
        %parallel_loop3A_181 = vector.shape_cast %parallel_loop3A_176 : vector<16xf32> to vector<1x16xf32>
        tpu.vector_store %arg15[%parallel_loop3A_177, %parallel_loop3A_178], %parallel_loop3A_181 {strides = array<i32>} : memref<80x128xf32, #tpu.memory_space<vmem>>, vector<1x16xf32>,
        %parallel_loop3A_182 = arith.addf %parallel_loop3A_170, %parallel_loop3A_154 : vector<16xf32>
        %parallel_loop3A_183 = math.exp %parallel_loop3A_182 : vector<16xf32>
        %parallel_loop3A_184 = arith.constant 1.000000e+00 : f32
        %parallel_loop3A_185 = vector.broadcast %parallel_loop3A_184 : f32 to vector<16xf32>
        %parallel_loop3A_186 = arith.addf %parallel_loop3A_185, %parallel_loop3A_183 : vector<16xf32>
        %parallel_loop3A_187 = arith.divf %parallel_loop3A_162, %parallel_loop3A_186 : vector<16xf32>
        %parallel_loop3A_188 = arith.index_cast %parallel_loop3A_138 : i32 to index
        %parallel_loop3A_189 = arith.constant 16 : index
        %parallel_loop3A_190 = tpu.vector_load %arg15[%parallel_loop3A_188, %parallel_loop3A_189] {strides = array<i32>} : memref<80x128xf32, #tpu.memory_space<vmem>>, vector<1x16xf32>,
        %parallel_loop3A_191 = vector.shape_cast %parallel_loop3A_190 : vector<1x16xf32> to vector<16xf32>
        %parallel_loop3A_192 = vector.shape_cast %parallel_loop3A_187 : vector<16xf32> to vector<1x16xf32>
        tpu.vector_store %arg15[%parallel_loop3A_188, %parallel_loop3A_189], %parallel_loop3A_192 {strides = array<i32>} : memref<80x128xf32, #tpu.memory_space<vmem>>, vector<1x16xf32>,
        %parallel_loop3A_193 = arith.index_cast %parallel_loop3A_138 : i32 to index
        %parallel_loop3A_194 = arith.constant 16 : index
        %parallel_loop3A_195 = tpu.vector_load %arg14[%parallel_loop3A_193, %parallel_loop3A_194] {strides = array<i32>} : memref<80x128xi32, #tpu.memory_space<vmem>>, vector<1x16xi32>,
        %parallel_loop3A_196 = vector.shape_cast %parallel_loop3A_195 : vector<1x16xi32> to vector<16xi32>
        %parallel_loop3A_197 = arith.index_cast %parallel_loop3A_138 : i32 to index
        %parallel_loop3A_198 = arith.constant 80 : index
        %parallel_loop3A_199 = tpu.vector_load %arg14[%parallel_loop3A_197, %parallel_loop3A_198] {strides = array<i32>} : memref<80x128xi32, #tpu.memory_space<vmem>>, vector<1x16xi32>,
        %parallel_loop3A_200 = vector.shape_cast %parallel_loop3A_199 : vector<1x16xi32> to vector<16xi32>
        %parallel_loop3A_201 = arith.index_cast %parallel_loop3A_138 : i32 to index
        %parallel_loop3A_202 = arith.constant 32 : index
        %parallel_loop3A_203 = tpu.vector_load %arg15[%parallel_loop3A_201, %parallel_loop3A_202] {strides = array<i32>} : memref<80x128xf32, #tpu.memory_space<vmem>>, vector<1x16xf32>,
        %parallel_loop3A_204 = vector.shape_cast %parallel_loop3A_203 : vector<1x16xf32> to vector<16xf32>
        %parallel_loop3A_205 = arith.index_cast %parallel_loop3A_138 : i32 to index
        %parallel_loop3A_206 = arith.constant 48 : index
        %parallel_loop3A_207 = tpu.vector_load %arg15[%parallel_loop3A_205, %parallel_loop3A_206] {strides = array<i32>} : memref<80x128xf32, #tpu.memory_space<vmem>>, vector<1x16xf32>,
        %parallel_loop3A_208 = vector.shape_cast %parallel_loop3A_207 : vector<1x16xf32> to vector<16xf32>
        %parallel_loop3A_209 = arith.constant 16 : i32
        %parallel_loop3A_210 = vector.broadcast %parallel_loop3A_209 : i32 to vector<16xi32>
        %parallel_loop3A_211 = arith.shli %parallel_loop3A_196, %parallel_loop3A_210 : vector<16xi32>
        %parallel_loop3A_212 = tpu.bitcast %parallel_loop3A_211 : vector<16xi32> -> vector<16xf32>
        %parallel_loop3A_213 = arith.constant -65536 : i32
        %parallel_loop3A_214 = vector.broadcast %parallel_loop3A_213 : i32 to vector<16xi32>
        %parallel_loop3A_215 = arith.andi %parallel_loop3A_196, %parallel_loop3A_214 : vector<16xi32>
        %parallel_loop3A_216 = tpu.bitcast %parallel_loop3A_215 : vector<16xi32> -> vector<16xf32>
        %parallel_loop3A_217 = arith.constant 16 : i32
        %parallel_loop3A_218 = vector.broadcast %parallel_loop3A_217 : i32 to vector<16xi32>
        %parallel_loop3A_219 = arith.shli %parallel_loop3A_200, %parallel_loop3A_218 : vector<16xi32>
        %parallel_loop3A_220 = tpu.bitcast %parallel_loop3A_219 : vector<16xi32> -> vector<16xf32>
        %parallel_loop3A_221 = arith.constant -65536 : i32
        %parallel_loop3A_222 = vector.broadcast %parallel_loop3A_221 : i32 to vector<16xi32>
        %parallel_loop3A_223 = arith.andi %parallel_loop3A_200, %parallel_loop3A_222 : vector<16xi32>
        %parallel_loop3A_224 = tpu.bitcast %parallel_loop3A_223 : vector<16xi32> -> vector<16xf32>
        %parallel_loop3A_225 = arith.addf %parallel_loop3A_220, %parallel_loop3A_204 : vector<16xf32>
        %parallel_loop3A_226 = math.exp %parallel_loop3A_225 : vector<16xf32>
        %parallel_loop3A_227 = arith.constant 1.000000e+00 : f32
        %parallel_loop3A_228 = vector.broadcast %parallel_loop3A_227 : f32 to vector<16xf32>
        %parallel_loop3A_229 = arith.addf %parallel_loop3A_228, %parallel_loop3A_226 : vector<16xf32>
        %parallel_loop3A_230 = arith.divf %parallel_loop3A_212, %parallel_loop3A_229 : vector<16xf32>
        %parallel_loop3A_231 = arith.index_cast %parallel_loop3A_138 : i32 to index
        %parallel_loop3A_232 = arith.constant 32 : index
        %parallel_loop3A_233 = tpu.vector_load %arg15[%parallel_loop3A_231, %parallel_loop3A_232] {strides = array<i32>} : memref<80x128xf32, #tpu.memory_space<vmem>>, vector<1x16xf32>,
        %parallel_loop3A_234 = vector.shape_cast %parallel_loop3A_233 : vector<1x16xf32> to vector<16xf32>
        %parallel_loop3A_235 = vector.shape_cast %parallel_loop3A_230 : vector<16xf32> to vector<1x16xf32>
        tpu.vector_store %arg15[%parallel_loop3A_231, %parallel_loop3A_232], %parallel_loop3A_235 {strides = array<i32>} : memref<80x128xf32, #tpu.memory_space<vmem>>, vector<1x16xf32>,
        %parallel_loop3A_236 = arith.addf %parallel_loop3A_224, %parallel_loop3A_208 : vector<16xf32>
        %parallel_loop3A_237 = math.exp %parallel_loop3A_236 : vector<16xf32>
        %parallel_loop3A_238 = arith.constant 1.000000e+00 : f32
        %parallel_loop3A_239 = vector.broadcast %parallel_loop3A_238 : f32 to vector<16xf32>
        %parallel_loop3A_240 = arith.addf %parallel_loop3A_239, %parallel_loop3A_237 : vector<16xf32>
        %parallel_loop3A_241 = arith.divf %parallel_loop3A_216, %parallel_loop3A_240 : vector<16xf32>
        %parallel_loop3A_242 = arith.index_cast %parallel_loop3A_138 : i32 to index
        %parallel_loop3A_243 = arith.constant 48 : index
        %parallel_loop3A_244 = tpu.vector_load %arg15[%parallel_loop3A_242, %parallel_loop3A_243] {strides = array<i32>} : memref<80x128xf32, #tpu.memory_space<vmem>>, vector<1x16xf32>,
        %parallel_loop3A_245 = vector.shape_cast %parallel_loop3A_244 : vector<1x16xf32> to vector<16xf32>
        %parallel_loop3A_246 = vector.shape_cast %parallel_loop3A_241 : vector<16xf32> to vector<1x16xf32>
        tpu.vector_store %arg15[%parallel_loop3A_242, %parallel_loop3A_243], %parallel_loop3A_246 {strides = array<i32>} : memref<80x128xf32, #tpu.memory_space<vmem>>, vector<1x16xf32>,
        %parallel_loop3A_247 = arith.index_cast %parallel_loop3A_138 : i32 to index
        %parallel_loop3A_248 = arith.constant 32 : index
        %parallel_loop3A_249 = tpu.vector_load %arg14[%parallel_loop3A_247, %parallel_loop3A_248] {strides = array<i32>} : memref<80x128xi32, #tpu.memory_space<vmem>>, vector<1x16xi32>,
        %parallel_loop3A_250 = vector.shape_cast %parallel_loop3A_249 : vector<1x16xi32> to vector<16xi32>
        %parallel_loop3A_251 = arith.index_cast %parallel_loop3A_138 : i32 to index
        %parallel_loop3A_252 = arith.constant 96 : index
        %parallel_loop3A_253 = tpu.vector_load %arg14[%parallel_loop3A_251, %parallel_loop3A_252] {strides = array<i32>} : memref<80x128xi32, #tpu.memory_space<vmem>>, vector<1x16xi32>,
        %parallel_loop3A_254 = vector.shape_cast %parallel_loop3A_253 : vector<1x16xi32> to vector<16xi32>
        %parallel_loop3A_255 = arith.index_cast %parallel_loop3A_138 : i32 to index
        %parallel_loop3A_256 = arith.constant 64 : index
        %parallel_loop3A_257 = tpu.vector_load %arg15[%parallel_loop3A_255, %parallel_loop3A_256] {strides = array<i32>} : memref<80x128xf32, #tpu.memory_space<vmem>>, vector<1x16xf32>,
        %parallel_loop3A_258 = vector.shape_cast %parallel_loop3A_257 : vector<1x16xf32> to vector<16xf32>
        %parallel_loop3A_259 = arith.index_cast %parallel_loop3A_138 : i32 to index
        %parallel_loop3A_260 = arith.constant 80 : index
        %parallel_loop3A_261 = tpu.vector_load %arg15[%parallel_loop3A_259, %parallel_loop3A_260] {strides = array<i32>} : memref<80x128xf32, #tpu.memory_space<vmem>>, vector<1x16xf32>,
        %parallel_loop3A_262 = vector.shape_cast %parallel_loop3A_261 : vector<1x16xf32> to vector<16xf32>
        %parallel_loop3A_263 = arith.constant 16 : i32
        %parallel_loop3A_264 = vector.broadcast %parallel_loop3A_263 : i32 to vector<16xi32>
        %parallel_loop3A_265 = arith.shli %parallel_loop3A_250, %parallel_loop3A_264 : vector<16xi32>
        %parallel_loop3A_266 = tpu.bitcast %parallel_loop3A_265 : vector<16xi32> -> vector<16xf32>
        %parallel_loop3A_267 = arith.constant -65536 : i32
        %parallel_loop3A_268 = vector.broadcast %parallel_loop3A_267 : i32 to vector<16xi32>
        %parallel_loop3A_269 = arith.andi %parallel_loop3A_250, %parallel_loop3A_268 : vector<16xi32>
        %parallel_loop3A_270 = tpu.bitcast %parallel_loop3A_269 : vector<16xi32> -> vector<16xf32>
        %parallel_loop3A_271 = arith.constant 16 : i32
        %parallel_loop3A_272 = vector.broadcast %parallel_loop3A_271 : i32 to vector<16xi32>
        %parallel_loop3A_273 = arith.shli %parallel_loop3A_254, %parallel_loop3A_272 : vector<16xi32>
        %parallel_loop3A_274 = tpu.bitcast %parallel_loop3A_273 : vector<16xi32> -> vector<16xf32>
        %parallel_loop3A_275 = arith.constant -65536 : i32
        %parallel_loop3A_276 = vector.broadcast %parallel_loop3A_275 : i32 to vector<16xi32>
        %parallel_loop3A_277 = arith.andi %parallel_loop3A_254, %parallel_loop3A_276 : vector<16xi32>
        %parallel_loop3A_278 = tpu.bitcast %parallel_loop3A_277 : vector<16xi32> -> vector<16xf32>
        %parallel_loop3A_279 = arith.addf %parallel_loop3A_274, %parallel_loop3A_258 : vector<16xf32>
        %parallel_loop3A_280 = math.exp %parallel_loop3A_279 : vector<16xf32>
        %parallel_loop3A_281 = arith.constant 1.000000e+00 : f32
        %parallel_loop3A_282 = vector.broadcast %parallel_loop3A_281 : f32 to vector<16xf32>
        %parallel_loop3A_283 = arith.addf %parallel_loop3A_282, %parallel_loop3A_280 : vector<16xf32>
        %parallel_loop3A_284 = arith.divf %parallel_loop3A_266, %parallel_loop3A_283 : vector<16xf32>
        %parallel_loop3A_285 = arith.index_cast %parallel_loop3A_138 : i32 to index
        %parallel_loop3A_286 = arith.constant 64 : index
        %parallel_loop3A_287 = tpu.vector_load %arg15[%parallel_loop3A_285, %parallel_loop3A_286] {strides = array<i32>} : memref<80x128xf32, #tpu.memory_space<vmem>>, vector<1x16xf32>,
        %parallel_loop3A_288 = vector.shape_cast %parallel_loop3A_287 : vector<1x16xf32> to vector<16xf32>
        %parallel_loop3A_289 = vector.shape_cast %parallel_loop3A_284 : vector<16xf32> to vector<1x16xf32>
        tpu.vector_store %arg15[%parallel_loop3A_285, %parallel_loop3A_286], %parallel_loop3A_289 {strides = array<i32>} : memref<80x128xf32, #tpu.memory_space<vmem>>, vector<1x16xf32>,
        %parallel_loop3A_290 = arith.addf %parallel_loop3A_278, %parallel_loop3A_262 : vector<16xf32>
        %parallel_loop3A_291 = math.exp %parallel_loop3A_290 : vector<16xf32>
        %parallel_loop3A_292 = arith.constant 1.000000e+00 : f32
        %parallel_loop3A_293 = vector.broadcast %parallel_loop3A_292 : f32 to vector<16xf32>
        %parallel_loop3A_294 = arith.addf %parallel_loop3A_293, %parallel_loop3A_291 : vector<16xf32>
        %parallel_loop3A_295 = arith.divf %parallel_loop3A_270, %parallel_loop3A_294 : vector<16xf32>
        %parallel_loop3A_296 = arith.index_cast %parallel_loop3A_138 : i32 to index
        %parallel_loop3A_297 = arith.constant 80 : index
        %parallel_loop3A_298 = tpu.vector_load %arg15[%parallel_loop3A_296, %parallel_loop3A_297] {strides = array<i32>} : memref<80x128xf32, #tpu.memory_space<vmem>>, vector<1x16xf32>,
        %parallel_loop3A_299 = vector.shape_cast %parallel_loop3A_298 : vector<1x16xf32> to vector<16xf32>
        %parallel_loop3A_300 = vector.shape_cast %parallel_loop3A_295 : vector<16xf32> to vector<1x16xf32>
        tpu.vector_store %arg15[%parallel_loop3A_296, %parallel_loop3A_297], %parallel_loop3A_300 {strides = array<i32>} : memref<80x128xf32, #tpu.memory_space<vmem>>, vector<1x16xf32>,
        %parallel_loop3A_301 = arith.index_cast %parallel_loop3A_138 : i32 to index
        %parallel_loop3A_302 = arith.constant 48 : index
        %parallel_loop3A_303 = tpu.vector_load %arg14[%parallel_loop3A_301, %parallel_loop3A_302] {strides = array<i32>} : memref<80x128xi32, #tpu.memory_space<vmem>>, vector<1x16xi32>,
        %parallel_loop3A_304 = vector.shape_cast %parallel_loop3A_303 : vector<1x16xi32> to vector<16xi32>
        %parallel_loop3A_305 = arith.index_cast %parallel_loop3A_138 : i32 to index
        %parallel_loop3A_306 = arith.constant 112 : index
        %parallel_loop3A_307 = tpu.vector_load %arg14[%parallel_loop3A_305, %parallel_loop3A_306] {strides = array<i32>} : memref<80x128xi32, #tpu.memory_space<vmem>>, vector<1x16xi32>,
        %parallel_loop3A_308 = vector.shape_cast %parallel_loop3A_307 : vector<1x16xi32> to vector<16xi32>
        %parallel_loop3A_309 = arith.index_cast %parallel_loop3A_138 : i32 to index
        %parallel_loop3A_310 = arith.constant 96 : index
        %parallel_loop3A_311 = tpu.vector_load %arg15[%parallel_loop3A_309, %parallel_loop3A_310] {strides = array<i32>} : memref<80x128xf32, #tpu.memory_space<vmem>>, vector<1x16xf32>,
        %parallel_loop3A_312 = vector.shape_cast %parallel_loop3A_311 : vector<1x16xf32> to vector<16xf32>
        %parallel_loop3A_313 = arith.index_cast %parallel_loop3A_138 : i32 to index
        %parallel_loop3A_314 = arith.constant 112 : index
        %parallel_loop3A_315 = tpu.vector_load %arg15[%parallel_loop3A_313, %parallel_loop3A_314] {strides = array<i32>} : memref<80x128xf32, #tpu.memory_space<vmem>>, vector<1x16xf32>,
        %parallel_loop3A_316 = vector.shape_cast %parallel_loop3A_315 : vector<1x16xf32> to vector<16xf32>
        %parallel_loop3A_317 = arith.constant 16 : i32
        %parallel_loop3A_318 = vector.broadcast %parallel_loop3A_317 : i32 to vector<16xi32>
        %parallel_loop3A_319 = arith.shli %parallel_loop3A_304, %parallel_loop3A_318 : vector<16xi32>
        %parallel_loop3A_320 = tpu.bitcast %parallel_loop3A_319 : vector<16xi32> -> vector<16xf32>
        %parallel_loop3A_321 = arith.constant -65536 : i32
        %parallel_loop3A_322 = vector.broadcast %parallel_loop3A_321 : i32 to vector<16xi32>
        %parallel_loop3A_323 = arith.andi %parallel_loop3A_304, %parallel_loop3A_322 : vector<16xi32>
        %parallel_loop3A_324 = tpu.bitcast %parallel_loop3A_323 : vector<16xi32> -> vector<16xf32>
        %parallel_loop3A_325 = arith.constant 16 : i32
        %parallel_loop3A_326 = vector.broadcast %parallel_loop3A_325 : i32 to vector<16xi32>
        %parallel_loop3A_327 = arith.shli %parallel_loop3A_308, %parallel_loop3A_326 : vector<16xi32>
        %parallel_loop3A_328 = tpu.bitcast %parallel_loop3A_327 : vector<16xi32> -> vector<16xf32>
        %parallel_loop3A_329 = arith.constant -65536 : i32
        %parallel_loop3A_330 = vector.broadcast %parallel_loop3A_329 : i32 to vector<16xi32>
        %parallel_loop3A_331 = arith.andi %parallel_loop3A_308, %parallel_loop3A_330 : vector<16xi32>
        %parallel_loop3A_332 = tpu.bitcast %parallel_loop3A_331 : vector<16xi32> -> vector<16xf32>
        %parallel_loop3A_333 = arith.addf %parallel_loop3A_328, %parallel_loop3A_312 : vector<16xf32>
        %parallel_loop3A_334 = math.exp %parallel_loop3A_333 : vector<16xf32>
        %parallel_loop3A_335 = arith.constant 1.000000e+00 : f32
        %parallel_loop3A_336 = vector.broadcast %parallel_loop3A_335 : f32 to vector<16xf32>
        %parallel_loop3A_337 = arith.addf %parallel_loop3A_336, %parallel_loop3A_334 : vector<16xf32>
        %parallel_loop3A_338 = arith.divf %parallel_loop3A_320, %parallel_loop3A_337 : vector<16xf32>
        %parallel_loop3A_339 = arith.index_cast %parallel_loop3A_138 : i32 to index
        %parallel_loop3A_340 = arith.constant 96 : index
        %parallel_loop3A_341 = tpu.vector_load %arg15[%parallel_loop3A_339, %parallel_loop3A_340] {strides = array<i32>} : memref<80x128xf32, #tpu.memory_space<vmem>>, vector<1x16xf32>,
        %parallel_loop3A_342 = vector.shape_cast %parallel_loop3A_341 : vector<1x16xf32> to vector<16xf32>
        %parallel_loop3A_343 = vector.shape_cast %parallel_loop3A_338 : vector<16xf32> to vector<1x16xf32>
        tpu.vector_store %arg15[%parallel_loop3A_339, %parallel_loop3A_340], %parallel_loop3A_343 {strides = array<i32>} : memref<80x128xf32, #tpu.memory_space<vmem>>, vector<1x16xf32>,
        %parallel_loop3A_344 = arith.addf %parallel_loop3A_332, %parallel_loop3A_316 : vector<16xf32>
        %parallel_loop3A_345 = math.exp %parallel_loop3A_344 : vector<16xf32>
        %parallel_loop3A_346 = arith.constant 1.000000e+00 : f32
        %parallel_loop3A_347 = vector.broadcast %parallel_loop3A_346 : f32 to vector<16xf32>
        %parallel_loop3A_348 = arith.addf %parallel_loop3A_347, %parallel_loop3A_345 : vector<16xf32>
        %parallel_loop3A_349 = arith.divf %parallel_loop3A_324, %parallel_loop3A_348 : vector<16xf32>
        %parallel_loop3A_350 = arith.index_cast %parallel_loop3A_138 : i32 to index
        %parallel_loop3A_351 = arith.constant 112 : index
        %parallel_loop3A_352 = tpu.vector_load %arg15[%parallel_loop3A_350, %parallel_loop3A_351] {strides = array<i32>} : memref<80x128xf32, #tpu.memory_space<vmem>>, vector<1x16xf32>,
        %parallel_loop3A_353 = vector.shape_cast %parallel_loop3A_352 : vector<1x16xf32> to vector<16xf32>
        %parallel_loop3A_354 = vector.shape_cast %parallel_loop3A_349 : vector<16xf32> to vector<1x16xf32>
        tpu.vector_store %arg15[%parallel_loop3A_350, %parallel_loop3A_351], %parallel_loop3A_354 {strides = array<i32>} : memref<80x128xf32, #tpu.memory_space<vmem>>, vector<1x16xf32>,
      } {sc.loop_unroll_factor = 4 : i64, sc.parallel_access}
      "tpu.region"() ({
        %run_scoped3A = tpu.sem_alloc : memref<!tpu.dma_semaphore, #tpu.memory_space<semaphore_mem>>
        %dma_start3A_138 = arith.constant 0 : i32
        %dma_start3A_139 = arith.constant 0 : i32
        %dma_start3A_140 = tpu.memref_slice %arg7[%dma_start3A_138, %dma_start3A_139] : memref<10240x128xf32, #tpu.memory_space<vmem_shared>> -> memref<10240x128xf32, #tpu.memory_space<vmem_shared>>
        tpu.enqueue_indirect_dma source(%arg15 : memref<80x128xf32, #tpu.memory_space<vmem>>) target(%dma_start3A_140 : memref<10240x128xf32, #tpu.memory_space<vmem_shared>>) offsets(%arg11 : memref<80xi32, #tpu.memory_space<vmem>>) semaphore(%run_scoped3A : memref<!tpu.dma_semaphore, #tpu.memory_space<semaphore_mem>>) {add = true}
        %dma_wait3A_141 = arith.constant 0 : i32
        %dma_wait3A_142 = arith.constant 0 : i32
        %dma_wait3A_143 = tpu.memref_slice %arg7[%dma_wait3A_141, %dma_wait3A_142] : memref<10240x128xf32, #tpu.memory_space<vmem_shared>> -> memref<10240x128xf32, #tpu.memory_space<vmem_shared>>
        tpu.wait_indirect_dma semaphore(%run_scoped3A : memref<!tpu.dma_semaphore, #tpu.memory_space<semaphore_mem>>) src(%arg15 : memref<80x128xf32, #tpu.memory_space<vmem>>) dst(%dma_wait3A_143 : memref<10240x128xf32, #tpu.memory_space<vmem_shared>>)
        tpu.yield
      }) : () -> ()
      %add3A_131 = arith.constant 3 : i32
      %add3A_132 = arith.addi %mul3A_87, %add3A_131 : i32
      %lt3A_133 = arith.constant 125 : i32
      %lt3A_134 = arith.cmpi slt, %add3A_132, %lt3A_133 : i32
      %convert_element_type3A_135 = arith.extui %lt3A_134 : i1 to i32
      %cond3A_136 = arith.constant 0 : i32
      %cond3A_137 = arith.cmpi ne, %convert_element_type3A_135, %cond3A_136 : i32
      scf.if %cond3A_137 {
        %add3A_138 = arith.constant 3 : i32
        %add3A_139 = arith.addi %mul3A_87, %add3A_138 : i32
        %mul3A_140 = arith.constant 80 : i32
        %mul3A_141 = arith.muli %add3A_139, %mul3A_140 : i32
        %add3A_142 = arith.addi %mul3A_39, %mul3A_141 : i32
        %dma_start3A_143 = tpu.memref_slice %arg4[%add3A_142] : memref<320000xi32, #tpu.memory_space<hbm>> -> memref<80xi32, #tpu.memory_space<hbm>>
        %dma_start3A_144 = tpu.memref_slice %arg4[%add3A_142] : memref<320000xi32, #tpu.memory_space<hbm>> -> memref<80xi32, #tpu.memory_space<hbm>>
        tpu.enqueue_dma source(%dma_start3A_144 : memref<80xi32, #tpu.memory_space<hbm>>) target(%arg10 : memref<80xi32, #tpu.memory_space<vmem>>) target_semaphore(%arg19 : memref<!tpu.dma_semaphore, #tpu.memory_space<semaphore_mem>>)
        %dma_start3A_145 = tpu.memref_slice %arg5[%add3A_142] : memref<320000xi32, #tpu.memory_space<hbm>> -> memref<80xi32, #tpu.memory_space<hbm>>
        %dma_start3A_146 = tpu.memref_slice %arg5[%add3A_142] : memref<320000xi32, #tpu.memory_space<hbm>> -> memref<80xi32, #tpu.memory_space<hbm>>
        tpu.enqueue_dma source(%dma_start3A_146 : memref<80xi32, #tpu.memory_space<hbm>>) target(%arg11 : memref<80xi32, #tpu.memory_space<vmem>>) target_semaphore(%arg19 : memref<!tpu.dma_semaphore, #tpu.memory_space<semaphore_mem>>)
      } else {
      }
    }
    %scan3A_56 = arith.constant 62 : i32
    %dma_wait3A = arith.constant 0 : i32
    %dma_wait3A_57 = arith.constant 0 : i32
    %dma_wait3A_58 = tpu.memref_slice %arg2[%dma_wait3A, %dma_wait3A_57] : memref<10000x128xi32, #tpu.memory_space<hbm>> -> memref<10000x128xi32, #tpu.memory_space<hbm>>
    tpu.wait_indirect_dma semaphore(%arg16 : memref<!tpu.dma_semaphore, #tpu.memory_space<semaphore_mem>>) src(%dma_wait3A_58 : memref<10000x128xi32, #tpu.memory_space<hbm>>) dst(%arg12 : memref<80x128xi32, #tpu.memory_space<vmem>>)
    %dma_wait3A_59 = arith.constant 0 : i32
    %dma_wait3A_60 = arith.constant 0 : i32
    %dma_wait3A_61 = tpu.memref_slice %arg3[%dma_wait3A_59, %dma_wait3A_60] : memref<10000x128xf32, #tpu.memory_space<hbm>> -> memref<10000x128xf32, #tpu.memory_space<hbm>>
    tpu.wait_indirect_dma semaphore(%arg16 : memref<!tpu.dma_semaphore, #tpu.memory_space<semaphore_mem>>) src(%dma_wait3A_61 : memref<10000x128xf32, #tpu.memory_space<hbm>>) dst(%arg13 : memref<80x128xf32, #tpu.memory_space<vmem>>)
    %parallel_loop3A = arith.constant 0 : i32
    %parallel_loop3A_62 = arith.constant 80 : i32
    %parallel_loop3A_63 = arith.constant 1 : i32
    scf.for %parallel_loop3A_85 = %parallel_loop3A to %parallel_loop3A_62 step %parallel_loop3A_63  : i32 {
      %parallel_loop3A_86 = arith.index_cast %parallel_loop3A_85 : i32 to index
      %parallel_loop3A_87 = arith.constant 0 : index
      %parallel_loop3A_88 = tpu.vector_load %arg12[%parallel_loop3A_86, %parallel_loop3A_87] {strides = array<i32>} : memref<80x128xi32, #tpu.memory_space<vmem>>, vector<1x16xi32>,
      %parallel_loop3A_89 = vector.shape_cast %parallel_loop3A_88 : vector<1x16xi32> to vector<16xi32>
      %parallel_loop3A_90 = arith.index_cast %parallel_loop3A_85 : i32 to index
      %parallel_loop3A_91 = arith.constant 64 : index
      %parallel_loop3A_92 = tpu.vector_load %arg12[%parallel_loop3A_90, %parallel_loop3A_91] {strides = array<i32>} : memref<80x128xi32, #tpu.memory_space<vmem>>, vector<1x16xi32>,
      %parallel_loop3A_93 = vector.shape_cast %parallel_loop3A_92 : vector<1x16xi32> to vector<16xi32>
      %parallel_loop3A_94 = arith.index_cast %parallel_loop3A_85 : i32 to index
      %parallel_loop3A_95 = arith.constant 0 : index
      %parallel_loop3A_96 = tpu.vector_load %arg13[%parallel_loop3A_94, %parallel_loop3A_95] {strides = array<i32>} : memref<80x128xf32, #tpu.memory_space<vmem>>, vector<1x16xf32>,
      %parallel_loop3A_97 = vector.shape_cast %parallel_loop3A_96 : vector<1x16xf32> to vector<16xf32>
      %parallel_loop3A_98 = arith.index_cast %parallel_loop3A_85 : i32 to index
      %parallel_loop3A_99 = arith.constant 16 : index
      %parallel_loop3A_100 = tpu.vector_load %arg13[%parallel_loop3A_98, %parallel_loop3A_99] {strides = array<i32>} : memref<80x128xf32, #tpu.memory_space<vmem>>, vector<1x16xf32>,
      %parallel_loop3A_101 = vector.shape_cast %parallel_loop3A_100 : vector<1x16xf32> to vector<16xf32>
      %parallel_loop3A_102 = arith.constant 16 : i32
      %parallel_loop3A_103 = vector.broadcast %parallel_loop3A_102 : i32 to vector<16xi32>
      %parallel_loop3A_104 = arith.shli %parallel_loop3A_89, %parallel_loop3A_103 : vector<16xi32>
      %parallel_loop3A_105 = tpu.bitcast %parallel_loop3A_104 : vector<16xi32> -> vector<16xf32>
      %parallel_loop3A_106 = arith.constant -65536 : i32
      %parallel_loop3A_107 = vector.broadcast %parallel_loop3A_106 : i32 to vector<16xi32>
      %parallel_loop3A_108 = arith.andi %parallel_loop3A_89, %parallel_loop3A_107 : vector<16xi32>
      %parallel_loop3A_109 = tpu.bitcast %parallel_loop3A_108 : vector<16xi32> -> vector<16xf32>
      %parallel_loop3A_110 = arith.constant 16 : i32
      %parallel_loop3A_111 = vector.broadcast %parallel_loop3A_110 : i32 to vector<16xi32>
      %parallel_loop3A_112 = arith.shli %parallel_loop3A_93, %parallel_loop3A_111 : vector<16xi32>
      %parallel_loop3A_113 = tpu.bitcast %parallel_loop3A_112 : vector<16xi32> -> vector<16xf32>
      %parallel_loop3A_114 = arith.constant -65536 : i32
      %parallel_loop3A_115 = vector.broadcast %parallel_loop3A_114 : i32 to vector<16xi32>
      %parallel_loop3A_116 = arith.andi %parallel_loop3A_93, %parallel_loop3A_115 : vector<16xi32>
      %parallel_loop3A_117 = tpu.bitcast %parallel_loop3A_116 : vector<16xi32> -> vector<16xf32>
      %parallel_loop3A_118 = arith.addf %parallel_loop3A_113, %parallel_loop3A_97 : vector<16xf32>
      %parallel_loop3A_119 = math.exp %parallel_loop3A_118 : vector<16xf32>
      %parallel_loop3A_120 = arith.constant 1.000000e+00 : f32
      %parallel_loop3A_121 = vector.broadcast %parallel_loop3A_120 : f32 to vector<16xf32>
      %parallel_loop3A_122 = arith.addf %parallel_loop3A_121, %parallel_loop3A_119 : vector<16xf32>
      %parallel_loop3A_123 = arith.divf %parallel_loop3A_105, %parallel_loop3A_122 : vector<16xf32>
      %parallel_loop3A_124 = arith.index_cast %parallel_loop3A_85 : i32 to index
      %parallel_loop3A_125 = arith.constant 0 : index
      %parallel_loop3A_126 = tpu.vector_load %arg13[%parallel_loop3A_124, %parallel_loop3A_125] {strides = array<i32>} : memref<80x128xf32, #tpu.memory_space<vmem>>, vector<1x16xf32>,
      %parallel_loop3A_127 = vector.shape_cast %parallel_loop3A_126 : vector<1x16xf32> to vector<16xf32>
      %parallel_loop3A_128 = vector.shape_cast %parallel_loop3A_123 : vector<16xf32> to vector<1x16xf32>
      tpu.vector_store %arg13[%parallel_loop3A_124, %parallel_loop3A_125], %parallel_loop3A_128 {strides = array<i32>} : memref<80x128xf32, #tpu.memory_space<vmem>>, vector<1x16xf32>,
      %parallel_loop3A_129 = arith.addf %parallel_loop3A_117, %parallel_loop3A_101 : vector<16xf32>
      %parallel_loop3A_130 = math.exp %parallel_loop3A_129 : vector<16xf32>
      %parallel_loop3A_131 = arith.constant 1.000000e+00 : f32
      %parallel_loop3A_132 = vector.broadcast %parallel_loop3A_131 : f32 to vector<16xf32>
      %parallel_loop3A_133 = arith.addf %parallel_loop3A_132, %parallel_loop3A_130 : vector<16xf32>
      %parallel_loop3A_134 = arith.divf %parallel_loop3A_109, %parallel_loop3A_133 : vector<16xf32>
      %parallel_loop3A_135 = arith.index_cast %parallel_loop3A_85 : i32 to index
      %parallel_loop3A_136 = arith.constant 16 : index
      %parallel_loop3A_137 = tpu.vector_load %arg13[%parallel_loop3A_135, %parallel_loop3A_136] {strides = array<i32>} : memref<80x128xf32, #tpu.memory_space<vmem>>, vector<1x16xf32>,
      %parallel_loop3A_138 = vector.shape_cast %parallel_loop3A_137 : vector<1x16xf32> to vector<16xf32>
      %parallel_loop3A_139 = vector.shape_cast %parallel_loop3A_134 : vector<16xf32> to vector<1x16xf32>
      tpu.vector_store %arg13[%parallel_loop3A_135, %parallel_loop3A_136], %parallel_loop3A_139 {strides = array<i32>} : memref<80x128xf32, #tpu.memory_space<vmem>>, vector<1x16xf32>,
      %parallel_loop3A_140 = arith.index_cast %parallel_loop3A_85 : i32 to index
      %parallel_loop3A_141 = arith.constant 16 : index
      %parallel_loop3A_142 = tpu.vector_load %arg12[%parallel_loop3A_140, %parallel_loop3A_141] {strides = array<i32>} : memref<80x128xi32, #tpu.memory_space<vmem>>, vector<1x16xi32>,
      %parallel_loop3A_143 = vector.shape_cast %parallel_loop3A_142 : vector<1x16xi32> to vector<16xi32>
      %parallel_loop3A_144 = arith.index_cast %parallel_loop3A_85 : i32 to index
      %parallel_loop3A_145 = arith.constant 80 : index
      %parallel_loop3A_146 = tpu.vector_load %arg12[%parallel_loop3A_144, %parallel_loop3A_145] {strides = array<i32>} : memref<80x128xi32, #tpu.memory_space<vmem>>, vector<1x16xi32>,
      %parallel_loop3A_147 = vector.shape_cast %parallel_loop3A_146 : vector<1x16xi32> to vector<16xi32>
      %parallel_loop3A_148 = arith.index_cast %parallel_loop3A_85 : i32 to index
      %parallel_loop3A_149 = arith.constant 32 : index
      %parallel_loop3A_150 = tpu.vector_load %arg13[%parallel_loop3A_148, %parallel_loop3A_149] {strides = array<i32>} : memref<80x128xf32, #tpu.memory_space<vmem>>, vector<1x16xf32>,
      %parallel_loop3A_151 = vector.shape_cast %parallel_loop3A_150 : vector<1x16xf32> to vector<16xf32>
      %parallel_loop3A_152 = arith.index_cast %parallel_loop3A_85 : i32 to index
      %parallel_loop3A_153 = arith.constant 48 : index
      %parallel_loop3A_154 = tpu.vector_load %arg13[%parallel_loop3A_152, %parallel_loop3A_153] {strides = array<i32>} : memref<80x128xf32, #tpu.memory_space<vmem>>, vector<1x16xf32>,
      %parallel_loop3A_155 = vector.shape_cast %parallel_loop3A_154 : vector<1x16xf32> to vector<16xf32>
      %parallel_loop3A_156 = arith.constant 16 : i32
      %parallel_loop3A_157 = vector.broadcast %parallel_loop3A_156 : i32 to vector<16xi32>
      %parallel_loop3A_158 = arith.shli %parallel_loop3A_143, %parallel_loop3A_157 : vector<16xi32>
      %parallel_loop3A_159 = tpu.bitcast %parallel_loop3A_158 : vector<16xi32> -> vector<16xf32>
      %parallel_loop3A_160 = arith.constant -65536 : i32
      %parallel_loop3A_161 = vector.broadcast %parallel_loop3A_160 : i32 to vector<16xi32>
      %parallel_loop3A_162 = arith.andi %parallel_loop3A_143, %parallel_loop3A_161 : vector<16xi32>
      %parallel_loop3A_163 = tpu.bitcast %parallel_loop3A_162 : vector<16xi32> -> vector<16xf32>
      %parallel_loop3A_164 = arith.constant 16 : i32
      %parallel_loop3A_165 = vector.broadcast %parallel_loop3A_164 : i32 to vector<16xi32>
      %parallel_loop3A_166 = arith.shli %parallel_loop3A_147, %parallel_loop3A_165 : vector<16xi32>
      %parallel_loop3A_167 = tpu.bitcast %parallel_loop3A_166 : vector<16xi32> -> vector<16xf32>
      %parallel_loop3A_168 = arith.constant -65536 : i32
      %parallel_loop3A_169 = vector.broadcast %parallel_loop3A_168 : i32 to vector<16xi32>
      %parallel_loop3A_170 = arith.andi %parallel_loop3A_147, %parallel_loop3A_169 : vector<16xi32>
      %parallel_loop3A_171 = tpu.bitcast %parallel_loop3A_170 : vector<16xi32> -> vector<16xf32>
      %parallel_loop3A_172 = arith.addf %parallel_loop3A_167, %parallel_loop3A_151 : vector<16xf32>
      %parallel_loop3A_173 = math.exp %parallel_loop3A_172 : vector<16xf32>
      %parallel_loop3A_174 = arith.constant 1.000000e+00 : f32
      %parallel_loop3A_175 = vector.broadcast %parallel_loop3A_174 : f32 to vector<16xf32>
      %parallel_loop3A_176 = arith.addf %parallel_loop3A_175, %parallel_loop3A_173 : vector<16xf32>
      %parallel_loop3A_177 = arith.divf %parallel_loop3A_159, %parallel_loop3A_176 : vector<16xf32>
      %parallel_loop3A_178 = arith.index_cast %parallel_loop3A_85 : i32 to index
      %parallel_loop3A_179 = arith.constant 32 : index
      %parallel_loop3A_180 = tpu.vector_load %arg13[%parallel_loop3A_178, %parallel_loop3A_179] {strides = array<i32>} : memref<80x128xf32, #tpu.memory_space<vmem>>, vector<1x16xf32>,
      %parallel_loop3A_181 = vector.shape_cast %parallel_loop3A_180 : vector<1x16xf32> to vector<16xf32>
      %parallel_loop3A_182 = vector.shape_cast %parallel_loop3A_177 : vector<16xf32> to vector<1x16xf32>
      tpu.vector_store %arg13[%parallel_loop3A_178, %parallel_loop3A_179], %parallel_loop3A_182 {strides = array<i32>} : memref<80x128xf32, #tpu.memory_space<vmem>>, vector<1x16xf32>,
      %parallel_loop3A_183 = arith.addf %parallel_loop3A_171, %parallel_loop3A_155 : vector<16xf32>
      %parallel_loop3A_184 = math.exp %parallel_loop3A_183 : vector<16xf32>
      %parallel_loop3A_185 = arith.constant 1.000000e+00 : f32
      %parallel_loop3A_186 = vector.broadcast %parallel_loop3A_185 : f32 to vector<16xf32>
      %parallel_loop3A_187 = arith.addf %parallel_loop3A_186, %parallel_loop3A_184 : vector<16xf32>
      %parallel_loop3A_188 = arith.divf %parallel_loop3A_163, %parallel_loop3A_187 : vector<16xf32>
      %parallel_loop3A_189 = arith.index_cast %parallel_loop3A_85 : i32 to index
      %parallel_loop3A_190 = arith.constant 48 : index
      %parallel_loop3A_191 = tpu.vector_load %arg13[%parallel_loop3A_189, %parallel_loop3A_190] {strides = array<i32>} : memref<80x128xf32, #tpu.memory_space<vmem>>, vector<1x16xf32>,
      %parallel_loop3A_192 = vector.shape_cast %parallel_loop3A_191 : vector<1x16xf32> to vector<16xf32>
      %parallel_loop3A_193 = vector.shape_cast %parallel_loop3A_188 : vector<16xf32> to vector<1x16xf32>
      tpu.vector_store %arg13[%parallel_loop3A_189, %parallel_loop3A_190], %parallel_loop3A_193 {strides = array<i32>} : memref<80x128xf32, #tpu.memory_space<vmem>>, vector<1x16xf32>,
      %parallel_loop3A_194 = arith.index_cast %parallel_loop3A_85 : i32 to index
      %parallel_loop3A_195 = arith.constant 32 : index
      %parallel_loop3A_196 = tpu.vector_load %arg12[%parallel_loop3A_194, %parallel_loop3A_195] {strides = array<i32>} : memref<80x128xi32, #tpu.memory_space<vmem>>, vector<1x16xi32>,
      %parallel_loop3A_197 = vector.shape_cast %parallel_loop3A_196 : vector<1x16xi32> to vector<16xi32>
      %parallel_loop3A_198 = arith.index_cast %parallel_loop3A_85 : i32 to index
      %parallel_loop3A_199 = arith.constant 96 : index
      %parallel_loop3A_200 = tpu.vector_load %arg12[%parallel_loop3A_198, %parallel_loop3A_199] {strides = array<i32>} : memref<80x128xi32, #tpu.memory_space<vmem>>, vector<1x16xi32>,
      %parallel_loop3A_201 = vector.shape_cast %parallel_loop3A_200 : vector<1x16xi32> to vector<16xi32>
      %parallel_loop3A_202 = arith.index_cast %parallel_loop3A_85 : i32 to index
      %parallel_loop3A_203 = arith.constant 64 : index
      %parallel_loop3A_204 = tpu.vector_load %arg13[%parallel_loop3A_202, %parallel_loop3A_203] {strides = array<i32>} : memref<80x128xf32, #tpu.memory_space<vmem>>, vector<1x16xf32>,
      %parallel_loop3A_205 = vector.shape_cast %parallel_loop3A_204 : vector<1x16xf32> to vector<16xf32>
      %parallel_loop3A_206 = arith.index_cast %parallel_loop3A_85 : i32 to index
      %parallel_loop3A_207 = arith.constant 80 : index
      %parallel_loop3A_208 = tpu.vector_load %arg13[%parallel_loop3A_206, %parallel_loop3A_207] {strides = array<i32>} : memref<80x128xf32, #tpu.memory_space<vmem>>, vector<1x16xf32>,
      %parallel_loop3A_209 = vector.shape_cast %parallel_loop3A_208 : vector<1x16xf32> to vector<16xf32>
      %parallel_loop3A_210 = arith.constant 16 : i32
      %parallel_loop3A_211 = vector.broadcast %parallel_loop3A_210 : i32 to vector<16xi32>
      %parallel_loop3A_212 = arith.shli %parallel_loop3A_197, %parallel_loop3A_211 : vector<16xi32>
      %parallel_loop3A_213 = tpu.bitcast %parallel_loop3A_212 : vector<16xi32> -> vector<16xf32>
      %parallel_loop3A_214 = arith.constant -65536 : i32
      %parallel_loop3A_215 = vector.broadcast %parallel_loop3A_214 : i32 to vector<16xi32>
      %parallel_loop3A_216 = arith.andi %parallel_loop3A_197, %parallel_loop3A_215 : vector<16xi32>
      %parallel_loop3A_217 = tpu.bitcast %parallel_loop3A_216 : vector<16xi32> -> vector<16xf32>
      %parallel_loop3A_218 = arith.constant 16 : i32
      %parallel_loop3A_219 = vector.broadcast %parallel_loop3A_218 : i32 to vector<16xi32>
      %parallel_loop3A_220 = arith.shli %parallel_loop3A_201, %parallel_loop3A_219 : vector<16xi32>
      %parallel_loop3A_221 = tpu.bitcast %parallel_loop3A_220 : vector<16xi32> -> vector<16xf32>
      %parallel_loop3A_222 = arith.constant -65536 : i32
      %parallel_loop3A_223 = vector.broadcast %parallel_loop3A_222 : i32 to vector<16xi32>
      %parallel_loop3A_224 = arith.andi %parallel_loop3A_201, %parallel_loop3A_223 : vector<16xi32>
      %parallel_loop3A_225 = tpu.bitcast %parallel_loop3A_224 : vector<16xi32> -> vector<16xf32>
      %parallel_loop3A_226 = arith.addf %parallel_loop3A_221, %parallel_loop3A_205 : vector<16xf32>
      %parallel_loop3A_227 = math.exp %parallel_loop3A_226 : vector<16xf32>
      %parallel_loop3A_228 = arith.constant 1.000000e+00 : f32
      %parallel_loop3A_229 = vector.broadcast %parallel_loop3A_228 : f32 to vector<16xf32>
      %parallel_loop3A_230 = arith.addf %parallel_loop3A_229, %parallel_loop3A_227 : vector<16xf32>
      %parallel_loop3A_231 = arith.divf %parallel_loop3A_213, %parallel_loop3A_230 : vector<16xf32>
      %parallel_loop3A_232 = arith.index_cast %parallel_loop3A_85 : i32 to index
      %parallel_loop3A_233 = arith.constant 64 : index
      %parallel_loop3A_234 = tpu.vector_load %arg13[%parallel_loop3A_232, %parallel_loop3A_233] {strides = array<i32>} : memref<80x128xf32, #tpu.memory_space<vmem>>, vector<1x16xf32>,
      %parallel_loop3A_235 = vector.shape_cast %parallel_loop3A_234 : vector<1x16xf32> to vector<16xf32>
      %parallel_loop3A_236 = vector.shape_cast %parallel_loop3A_231 : vector<16xf32> to vector<1x16xf32>
      tpu.vector_store %arg13[%parallel_loop3A_232, %parallel_loop3A_233], %parallel_loop3A_236 {strides = array<i32>} : memref<80x128xf32, #tpu.memory_space<vmem>>, vector<1x16xf32>,
      %parallel_loop3A_237 = arith.addf %parallel_loop3A_225, %parallel_loop3A_209 : vector<16xf32>
      %parallel_loop3A_238 = math.exp %parallel_loop3A_237 : vector<16xf32>
      %parallel_loop3A_239 = arith.constant 1.000000e+00 : f32
      %parallel_loop3A_240 = vector.broadcast %parallel_loop3A_239 : f32 to vector<16xf32>
      %parallel_loop3A_241 = arith.addf %parallel_loop3A_240, %parallel_loop3A_238 : vector<16xf32>
      %parallel_loop3A_242 = arith.divf %parallel_loop3A_217, %parallel_loop3A_241 : vector<16xf32>
      %parallel_loop3A_243 = arith.index_cast %parallel_loop3A_85 : i32 to index
      %parallel_loop3A_244 = arith.constant 80 : index
      %parallel_loop3A_245 = tpu.vector_load %arg13[%parallel_loop3A_243, %parallel_loop3A_244] {strides = array<i32>} : memref<80x128xf32, #tpu.memory_space<vmem>>, vector<1x16xf32>,
      %parallel_loop3A_246 = vector.shape_cast %parallel_loop3A_245 : vector<1x16xf32> to vector<16xf32>
      %parallel_loop3A_247 = vector.shape_cast %parallel_loop3A_242 : vector<16xf32> to vector<1x16xf32>
      tpu.vector_store %arg13[%parallel_loop3A_243, %parallel_loop3A_244], %parallel_loop3A_247 {strides = array<i32>} : memref<80x128xf32, #tpu.memory_space<vmem>>, vector<1x16xf32>,
      %parallel_loop3A_248 = arith.index_cast %parallel_loop3A_85 : i32 to index
      %parallel_loop3A_249 = arith.constant 48 : index
      %parallel_loop3A_250 = tpu.vector_load %arg12[%parallel_loop3A_248, %parallel_loop3A_249] {strides = array<i32>} : memref<80x128xi32, #tpu.memory_space<vmem>>, vector<1x16xi32>,
      %parallel_loop3A_251 = vector.shape_cast %parallel_loop3A_250 : vector<1x16xi32> to vector<16xi32>
      %parallel_loop3A_252 = arith.index_cast %parallel_loop3A_85 : i32 to index
      %parallel_loop3A_253 = arith.constant 112 : index
      %parallel_loop3A_254 = tpu.vector_load %arg12[%parallel_loop3A_252, %parallel_loop3A_253] {strides = array<i32>} : memref<80x128xi32, #tpu.memory_space<vmem>>, vector<1x16xi32>,
      %parallel_loop3A_255 = vector.shape_cast %parallel_loop3A_254 : vector<1x16xi32> to vector<16xi32>
      %parallel_loop3A_256 = arith.index_cast %parallel_loop3A_85 : i32 to index
      %parallel_loop3A_257 = arith.constant 96 : index
      %parallel_loop3A_258 = tpu.vector_load %arg13[%parallel_loop3A_256, %parallel_loop3A_257] {strides = array<i32>} : memref<80x128xf32, #tpu.memory_space<vmem>>, vector<1x16xf32>,
      %parallel_loop3A_259 = vector.shape_cast %parallel_loop3A_258 : vector<1x16xf32> to vector<16xf32>
      %parallel_loop3A_260 = arith.index_cast %parallel_loop3A_85 : i32 to index
      %parallel_loop3A_261 = arith.constant 112 : index
      %parallel_loop3A_262 = tpu.vector_load %arg13[%parallel_loop3A_260, %parallel_loop3A_261] {strides = array<i32>} : memref<80x128xf32, #tpu.memory_space<vmem>>, vector<1x16xf32>,
      %parallel_loop3A_263 = vector.shape_cast %parallel_loop3A_262 : vector<1x16xf32> to vector<16xf32>
      %parallel_loop3A_264 = arith.constant 16 : i32
      %parallel_loop3A_265 = vector.broadcast %parallel_loop3A_264 : i32 to vector<16xi32>
      %parallel_loop3A_266 = arith.shli %parallel_loop3A_251, %parallel_loop3A_265 : vector<16xi32>
      %parallel_loop3A_267 = tpu.bitcast %parallel_loop3A_266 : vector<16xi32> -> vector<16xf32>
      %parallel_loop3A_268 = arith.constant -65536 : i32
      %parallel_loop3A_269 = vector.broadcast %parallel_loop3A_268 : i32 to vector<16xi32>
      %parallel_loop3A_270 = arith.andi %parallel_loop3A_251, %parallel_loop3A_269 : vector<16xi32>
      %parallel_loop3A_271 = tpu.bitcast %parallel_loop3A_270 : vector<16xi32> -> vector<16xf32>
      %parallel_loop3A_272 = arith.constant 16 : i32
      %parallel_loop3A_273 = vector.broadcast %parallel_loop3A_272 : i32 to vector<16xi32>
      %parallel_loop3A_274 = arith.shli %parallel_loop3A_255, %parallel_loop3A_273 : vector<16xi32>
      %parallel_loop3A_275 = tpu.bitcast %parallel_loop3A_274 : vector<16xi32> -> vector<16xf32>
      %parallel_loop3A_276 = arith.constant -65536 : i32
      %parallel_loop3A_277 = vector.broadcast %parallel_loop3A_276 : i32 to vector<16xi32>
      %parallel_loop3A_278 = arith.andi %parallel_loop3A_255, %parallel_loop3A_277 : vector<16xi32>
      %parallel_loop3A_279 = tpu.bitcast %parallel_loop3A_278 : vector<16xi32> -> vector<16xf32>
      %parallel_loop3A_280 = arith.addf %parallel_loop3A_275, %parallel_loop3A_259 : vector<16xf32>
      %parallel_loop3A_281 = math.exp %parallel_loop3A_280 : vector<16xf32>
      %parallel_loop3A_282 = arith.constant 1.000000e+00 : f32
      %parallel_loop3A_283 = vector.broadcast %parallel_loop3A_282 : f32 to vector<16xf32>
      %parallel_loop3A_284 = arith.addf %parallel_loop3A_283, %parallel_loop3A_281 : vector<16xf32>
      %parallel_loop3A_285 = arith.divf %parallel_loop3A_267, %parallel_loop3A_284 : vector<16xf32>
      %parallel_loop3A_286 = arith.index_cast %parallel_loop3A_85 : i32 to index
      %parallel_loop3A_287 = arith.constant 96 : index
      %parallel_loop3A_288 = tpu.vector_load %arg13[%parallel_loop3A_286, %parallel_loop3A_287] {strides = array<i32>} : memref<80x128xf32, #tpu.memory_space<vmem>>, vector<1x16xf32>,
      %parallel_loop3A_289 = vector.shape_cast %parallel_loop3A_288 : vector<1x16xf32> to vector<16xf32>
      %parallel_loop3A_290 = vector.shape_cast %parallel_loop3A_285 : vector<16xf32> to vector<1x16xf32>
      tpu.vector_store %arg13[%parallel_loop3A_286, %parallel_loop3A_287], %parallel_loop3A_290 {strides = array<i32>} : memref<80x128xf32, #tpu.memory_space<vmem>>, vector<1x16xf32>,
      %parallel_loop3A_291 = arith.addf %parallel_loop3A_279, %parallel_loop3A_263 : vector<16xf32>
      %parallel_loop3A_292 = math.exp %parallel_loop3A_291 : vector<16xf32>
      %parallel_loop3A_293 = arith.constant 1.000000e+00 : f32
      %parallel_loop3A_294 = vector.broadcast %parallel_loop3A_293 : f32 to vector<16xf32>
      %parallel_loop3A_295 = arith.addf %parallel_loop3A_294, %parallel_loop3A_292 : vector<16xf32>
      %parallel_loop3A_296 = arith.divf %parallel_loop3A_271, %parallel_loop3A_295 : vector<16xf32>
      %parallel_loop3A_297 = arith.index_cast %parallel_loop3A_85 : i32 to index
      %parallel_loop3A_298 = arith.constant 112 : index
      %parallel_loop3A_299 = tpu.vector_load %arg13[%parallel_loop3A_297, %parallel_loop3A_298] {strides = array<i32>} : memref<80x128xf32, #tpu.memory_space<vmem>>, vector<1x16xf32>,
      %parallel_loop3A_300 = vector.shape_cast %parallel_loop3A_299 : vector<1x16xf32> to vector<16xf32>
      %parallel_loop3A_301 = vector.shape_cast %parallel_loop3A_296 : vector<16xf32> to vector<1x16xf32>
      tpu.vector_store %arg13[%parallel_loop3A_297, %parallel_loop3A_298], %parallel_loop3A_301 {strides = array<i32>} : memref<80x128xf32, #tpu.memory_space<vmem>>, vector<1x16xf32>,
    } {sc.loop_unroll_factor = 4 : i64, sc.parallel_access}
    "tpu.region"() ({
      %run_scoped3A = tpu.sem_alloc : memref<!tpu.dma_semaphore, #tpu.memory_space<semaphore_mem>>
      %dma_start3A_85 = arith.constant 0 : i32
      %dma_start3A_86 = arith.constant 0 : i32
      %dma_start3A_87 = tpu.memref_slice %arg7[%dma_start3A_85, %dma_start3A_86] : memref<10240x128xf32, #tpu.memory_space<vmem_shared>> -> memref<10240x128xf32, #tpu.memory_space<vmem_shared>>
      tpu.enqueue_indirect_dma source(%arg13 : memref<80x128xf32, #tpu.memory_space<vmem>>) target(%dma_start3A_87 : memref<10240x128xf32, #tpu.memory_space<vmem_shared>>) offsets(%arg9 : memref<80xi32, #tpu.memory_space<vmem>>) semaphore(%run_scoped3A : memref<!tpu.dma_semaphore, #tpu.memory_space<semaphore_mem>>) {add = true}
      %dma_wait3A_88 = arith.constant 0 : i32
      %dma_wait3A_89 = arith.constant 0 : i32
      %dma_wait3A_90 = tpu.memref_slice %arg7[%dma_wait3A_88, %dma_wait3A_89] : memref<10240x128xf32, #tpu.memory_space<vmem_shared>> -> memref<10240x128xf32, #tpu.memory_space<vmem_shared>>
      tpu.wait_indirect_dma semaphore(%run_scoped3A : memref<!tpu.dma_semaphore, #tpu.memory_space<semaphore_mem>>) src(%arg13 : memref<80x128xf32, #tpu.memory_space<vmem>>) dst(%dma_wait3A_90 : memref<10240x128xf32, #tpu.memory_space<vmem_shared>>)
      tpu.yield
    }) : () -> ()
    %barrier3A_64 = arith.constant 0 : index
    tpu.barrier barrier_id(%barrier3A_64)
    %mul3A_65 = arith.constant 640 : i32
    %mul3A_66 = arith.muli %arg1, %mul3A_65 : i32
    %add3A_67 = arith.constant 0 : i32
    %add3A_68 = arith.addi %mul3A_66, %add3A_67 : i32
    "tpu.region"() ({
      %run_scoped3A = tpu.sem_alloc : memref<!tpu.dma_semaphore, #tpu.memory_space<semaphore_mem>>
      %dma_start3A_85 = arith.constant 0 : i32
      %dma_start3A_86 = tpu.memref_slice %arg6[%arg0, %add3A_68, %dma_start3A_85] : memref<2x10240x128xf32, #tpu.memory_space<hbm>> -> memref<1x128x128xf32, #tpu.memory_space<hbm>>
      %dma_start3A_87 = tpu.memref_squeeze %dma_start3A_86 : memref<1x128x128xf32, #tpu.memory_space<hbm>> -> memref<128x128xf32, #tpu.memory_space<hbm>>
      %dma_start3A_88 = arith.constant 0 : i32
      %dma_start3A_89 = tpu.memref_slice %arg7[%add3A_68, %dma_start3A_88] : memref<10240x128xf32, #tpu.memory_space<vmem_shared>> -> memref<128x128xf32, #tpu.memory_space<vmem_shared>>
      tpu.enqueue_dma source(%dma_start3A_89 : memref<128x128xf32, #tpu.memory_space<vmem_shared>>) target(%dma_start3A_87 : memref<128x128xf32, #tpu.memory_space<hbm>>) target_semaphore(%run_scoped3A : memref<!tpu.dma_semaphore, #tpu.memory_space<semaphore_mem>>)
      %dma_wait3A_90 = arith.constant 0 : i32
      %dma_wait3A_91 = tpu.memref_slice %arg6[%arg0, %add3A_68, %dma_wait3A_90] : memref<2x10240x128xf32, #tpu.memory_space<hbm>> -> memref<1x128x128xf32, #tpu.memory_space<hbm>>
      %dma_wait3A_92 = tpu.memref_squeeze %dma_wait3A_91 : memref<1x128x128xf32, #tpu.memory_space<hbm>> -> memref<128x128xf32, #tpu.memory_space<hbm>>
      %dma_wait3A_93 = arith.constant 0 : i32
      %dma_wait3A_94 = tpu.memref_slice %arg7[%add3A_68, %dma_wait3A_93] : memref<10240x128xf32, #tpu.memory_space<vmem_shared>> -> memref<128x128xf32, #tpu.memory_space<vmem_shared>>
      tpu.wait_dma2 semaphore(%run_scoped3A : memref<!tpu.dma_semaphore, #tpu.memory_space<semaphore_mem>>) src(%dma_wait3A_94 : memref<128x128xf32, #tpu.memory_space<vmem_shared>>) dst(%dma_wait3A_92 : memref<128x128xf32, #tpu.memory_space<hbm>>)
      tpu.yield
    }) : () -> ()
    %mul3A_69 = arith.constant 640 : i32
    %mul3A_70 = arith.muli %arg1, %mul3A_69 : i32
    %add3A_71 = arith.constant 128 : i32
    %add3A_72 = arith.addi %mul3A_70, %add3A_71 : i32
    "tpu.region"() ({
      %run_scoped3A = tpu.sem_alloc : memref<!tpu.dma_semaphore, #tpu.memory_space<semaphore_mem>>
      %dma_start3A_85 = arith.constant 0 : i32
      %dma_start3A_86 = tpu.memref_slice %arg6[%arg0, %add3A_72, %dma_start3A_85] : memref<2x10240x128xf32, #tpu.memory_space<hbm>> -> memref<1x128x128xf32, #tpu.memory_space<hbm>>
      %dma_start3A_87 = tpu.memref_squeeze %dma_start3A_86 : memref<1x128x128xf32, #tpu.memory_space<hbm>> -> memref<128x128xf32, #tpu.memory_space<hbm>>
      %dma_start3A_88 = arith.constant 0 : i32
      %dma_start3A_89 = tpu.memref_slice %arg7[%add3A_72, %dma_start3A_88] : memref<10240x128xf32, #tpu.memory_space<vmem_shared>> -> memref<128x128xf32, #tpu.memory_space<vmem_shared>>
      tpu.enqueue_dma source(%dma_start3A_89 : memref<128x128xf32, #tpu.memory_space<vmem_shared>>) target(%dma_start3A_87 : memref<128x128xf32, #tpu.memory_space<hbm>>) target_semaphore(%run_scoped3A : memref<!tpu.dma_semaphore, #tpu.memory_space<semaphore_mem>>)
      %dma_wait3A_90 = arith.constant 0 : i32
      %dma_wait3A_91 = tpu.memref_slice %arg6[%arg0, %add3A_72, %dma_wait3A_90] : memref<2x10240x128xf32, #tpu.memory_space<hbm>> -> memref<1x128x128xf32, #tpu.memory_space<hbm>>
      %dma_wait3A_92 = tpu.memref_squeeze %dma_wait3A_91 : memref<1x128x128xf32, #tpu.memory_space<hbm>> -> memref<128x128xf32, #tpu.memory_space<hbm>>
      %dma_wait3A_93 = arith.constant 0 : i32
      %dma_wait3A_94 = tpu.memref_slice %arg7[%add3A_72, %dma_wait3A_93] : memref<10240x128xf32, #tpu.memory_space<vmem_shared>> -> memref<128x128xf32, #tpu.memory_space<vmem_shared>>
      tpu.wait_dma2 semaphore(%run_scoped3A : memref<!tpu.dma_semaphore, #tpu.memory_space<semaphore_mem>>) src(%dma_wait3A_94 : memref<128x128xf32, #tpu.memory_space<vmem_shared>>) dst(%dma_wait3A_92 : memref<128x128xf32, #tpu.memory_space<hbm>>)
      tpu.yield
    }) : () -> ()
    %mul3A_73 = arith.constant 640 : i32
    %mul3A_74 = arith.muli %arg1, %mul3A_73 : i32
    %add3A_75 = arith.constant 256 : i32
    %add3A_76 = arith.addi %mul3A_74, %add3A_75 : i32
    "tpu.region"() ({
      %run_scoped3A = tpu.sem_alloc : memref<!tpu.dma_semaphore, #tpu.memory_space<semaphore_mem>>
      %dma_start3A_85 = arith.constant 0 : i32
      %dma_start3A_86 = tpu.memref_slice %arg6[%arg0, %add3A_76, %dma_start3A_85] : memref<2x10240x128xf32, #tpu.memory_space<hbm>> -> memref<1x128x128xf32, #tpu.memory_space<hbm>>
      %dma_start3A_87 = tpu.memref_squeeze %dma_start3A_86 : memref<1x128x128xf32, #tpu.memory_space<hbm>> -> memref<128x128xf32, #tpu.memory_space<hbm>>
      %dma_start3A_88 = arith.constant 0 : i32
      %dma_start3A_89 = tpu.memref_slice %arg7[%add3A_76, %dma_start3A_88] : memref<10240x128xf32, #tpu.memory_space<vmem_shared>> -> memref<128x128xf32, #tpu.memory_space<vmem_shared>>
      tpu.enqueue_dma source(%dma_start3A_89 : memref<128x128xf32, #tpu.memory_space<vmem_shared>>) target(%dma_start3A_87 : memref<128x128xf32, #tpu.memory_space<hbm>>) target_semaphore(%run_scoped3A : memref<!tpu.dma_semaphore, #tpu.memory_space<semaphore_mem>>)
      %dma_wait3A_90 = arith.constant 0 : i32
      %dma_wait3A_91 = tpu.memref_slice %arg6[%arg0, %add3A_76, %dma_wait3A_90] : memref<2x10240x128xf32, #tpu.memory_space<hbm>> -> memref<1x128x128xf32, #tpu.memory_space<hbm>>
      %dma_wait3A_92 = tpu.memref_squeeze %dma_wait3A_91 : memref<1x128x128xf32, #tpu.memory_space<hbm>> -> memref<128x128xf32, #tpu.memory_space<hbm>>
      %dma_wait3A_93 = arith.constant 0 : i32
      %dma_wait3A_94 = tpu.memref_slice %arg7[%add3A_76, %dma_wait3A_93] : memref<10240x128xf32, #tpu.memory_space<vmem_shared>> -> memref<128x128xf32, #tpu.memory_space<vmem_shared>>
      tpu.wait_dma2 semaphore(%run_scoped3A : memref<!tpu.dma_semaphore, #tpu.memory_space<semaphore_mem>>) src(%dma_wait3A_94 : memref<128x128xf32, #tpu.memory_space<vmem_shared>>) dst(%dma_wait3A_92 : memref<128x128xf32, #tpu.memory_space<hbm>>)
      tpu.yield
    }) : () -> ()
    %mul3A_77 = arith.constant 640 : i32
    %mul3A_78 = arith.muli %arg1, %mul3A_77 : i32
    %add3A_79 = arith.constant 384 : i32
    %add3A_80 = arith.addi %mul3A_78, %add3A_79 : i32
    "tpu.region"() ({
      %run_scoped3A = tpu.sem_alloc : memref<!tpu.dma_semaphore, #tpu.memory_space<semaphore_mem>>
      %dma_start3A_85 = arith.constant 0 : i32
      %dma_start3A_86 = tpu.memref_slice %arg6[%arg0, %add3A_80, %dma_start3A_85] : memref<2x10240x128xf32, #tpu.memory_space<hbm>> -> memref<1x128x128xf32, #tpu.memory_space<hbm>>
      %dma_start3A_87 = tpu.memref_squeeze %dma_start3A_86 : memref<1x128x128xf32, #tpu.memory_space<hbm>> -> memref<128x128xf32, #tpu.memory_space<hbm>>
      %dma_start3A_88 = arith.constant 0 : i32
      %dma_start3A_89 = tpu.memref_slice %arg7[%add3A_80, %dma_start3A_88] : memref<10240x128xf32, #tpu.memory_space<vmem_shared>> -> memref<128x128xf32, #tpu.memory_space<vmem_shared>>
      tpu.enqueue_dma source(%dma_start3A_89 : memref<128x128xf32, #tpu.memory_space<vmem_shared>>) target(%dma_start3A_87 : memref<128x128xf32, #tpu.memory_space<hbm>>) target_semaphore(%run_scoped3A : memref<!tpu.dma_semaphore, #tpu.memory_space<semaphore_mem>>)
      %dma_wait3A_90 = arith.constant 0 : i32
      %dma_wait3A_91 = tpu.memref_slice %arg6[%arg0, %add3A_80, %dma_wait3A_90] : memref<2x10240x128xf32, #tpu.memory_space<hbm>> -> memref<1x128x128xf32, #tpu.memory_space<hbm>>
      %dma_wait3A_92 = tpu.memref_squeeze %dma_wait3A_91 : memref<1x128x128xf32, #tpu.memory_space<hbm>> -> memref<128x128xf32, #tpu.memory_space<hbm>>
      %dma_wait3A_93 = arith.constant 0 : i32
      %dma_wait3A_94 = tpu.memref_slice %arg7[%add3A_80, %dma_wait3A_93] : memref<10240x128xf32, #tpu.memory_space<vmem_shared>> -> memref<128x128xf32, #tpu.memory_space<vmem_shared>>
      tpu.wait_dma2 semaphore(%run_scoped3A : memref<!tpu.dma_semaphore, #tpu.memory_space<semaphore_mem>>) src(%dma_wait3A_94 : memref<128x128xf32, #tpu.memory_space<vmem_shared>>) dst(%dma_wait3A_92 : memref<128x128xf32, #tpu.memory_space<hbm>>)
      tpu.yield
    }) : () -> ()
    %mul3A_81 = arith.constant 640 : i32
    %mul3A_82 = arith.muli %arg1, %mul3A_81 : i32
    %add3A_83 = arith.constant 512 : i32
    %add3A_84 = arith.addi %mul3A_82, %add3A_83 : i32
    "tpu.region"() ({
      %run_scoped3A = tpu.sem_alloc : memref<!tpu.dma_semaphore, #tpu.memory_space<semaphore_mem>>
      %dma_start3A_85 = arith.constant 0 : i32
      %dma_start3A_86 = tpu.memref_slice %arg6[%arg0, %add3A_84, %dma_start3A_85] : memref<2x10240x128xf32, #tpu.memory_space<hbm>> -> memref<1x128x128xf32, #tpu.memory_space<hbm>>
      %dma_start3A_87 = tpu.memref_squeeze %dma_start3A_86 : memref<1x128x128xf32, #tpu.memory_space<hbm>> -> memref<128x128xf32, #tpu.memory_space<hbm>>
      %dma_start3A_88 = arith.constant 0 : i32
      %dma_start3A_89 = tpu.memref_slice %arg7[%add3A_84, %dma_start3A_88] : memref<10240x128xf32, #tpu.memory_space<vmem_shared>> -> memref<128x128xf32, #tpu.memory_space<vmem_shared>>
      tpu.enqueue_dma source(%dma_start3A_89 : memref<128x128xf32, #tpu.memory_space<vmem_shared>>) target(%dma_start3A_87 : memref<128x128xf32, #tpu.memory_space<hbm>>) target_semaphore(%run_scoped3A : memref<!tpu.dma_semaphore, #tpu.memory_space<semaphore_mem>>)
      %dma_wait3A_90 = arith.constant 0 : i32
      %dma_wait3A_91 = tpu.memref_slice %arg6[%arg0, %add3A_84, %dma_wait3A_90] : memref<2x10240x128xf32, #tpu.memory_space<hbm>> -> memref<1x128x128xf32, #tpu.memory_space<hbm>>
      %dma_wait3A_92 = tpu.memref_squeeze %dma_wait3A_91 : memref<1x128x128xf32, #tpu.memory_space<hbm>> -> memref<128x128xf32, #tpu.memory_space<hbm>>
      %dma_wait3A_93 = arith.constant 0 : i32
      %dma_wait3A_94 = tpu.memref_slice %arg7[%add3A_84, %dma_wait3A_93] : memref<10240x128xf32, #tpu.memory_space<vmem_shared>> -> memref<128x128xf32, #tpu.memory_space<vmem_shared>>
      tpu.wait_dma2 semaphore(%run_scoped3A : memref<!tpu.dma_semaphore, #tpu.memory_space<semaphore_mem>>) src(%dma_wait3A_94 : memref<128x128xf32, #tpu.memory_space<vmem_shared>>) dst(%dma_wait3A_92 : memref<128x128xf32, #tpu.memory_space<hbm>>)
      tpu.yield
    }) : () -> ()
    return
  }
}

module attributes {stable_mosaic.version = 14 : i64} {
  func.func @_prep_body(%arg0: i32, %arg1: memref<400x128xf32, #tpu.memory_space<vmem>>, %arg2: memref<128x128xf32, #tpu.memory_space<vmem>>, %arg3: memref<1x128xf32, #tpu.memory_space<vmem>>, %arg4: memref<128x128xf32, #tpu.memory_space<vmem>>, %arg5: memref<1x128xf32, #tpu.memory_space<vmem>>, %arg6: memref<128x128xf32, #tpu.memory_space<vmem>>, %arg7: memref<1x128xf32, #tpu.memory_space<vmem>>, %arg8: memref<256x128xf32, #tpu.memory_space<vmem>>, %arg9: memref<1x128xf32, #tpu.memory_space<vmem>>, %arg10: memref<1x128xf32, #tpu.memory_space<vmem>>, %arg11: memref<1x128xf32, #tpu.memory_space<vmem>>, %arg12: memref<400x128xi32, #tpu.memory_space<vmem>>, %arg13: memref<400x128xf32, #tpu.memory_space<vmem>>) attributes {dimension_semantics = [#tpu.dimension_semantics<arbitrary>], iteration_bounds = array<i64: 25>, scalar_prefetch = 0 : i64, scratch_operands = 0 : i64, tpu.core_type = #tpu.core_type<tc>, window_params = [{transform_indices = @transform_0, window_bounds = array<i64: 400, 128>}, {pipeline_mode = #tpu.pipeline_mode<synchronous>, transform_indices = @transform_1, window_bounds = array<i64: 128, 128>}, {pipeline_mode = #tpu.pipeline_mode<synchronous>, transform_indices = @transform_2, window_bounds = array<i64: 1, 128>}, {pipeline_mode = #tpu.pipeline_mode<synchronous>, transform_indices = @transform_3, window_bounds = array<i64: 128, 128>}, {pipeline_mode = #tpu.pipeline_mode<synchronous>, transform_indices = @transform_4, window_bounds = array<i64: 1, 128>}, {pipeline_mode = #tpu.pipeline_mode<synchronous>, transform_indices = @transform_5, window_bounds = array<i64: 128, 128>}, {pipeline_mode = #tpu.pipeline_mode<synchronous>, transform_indices = @transform_6, window_bounds = array<i64: 1, 128>}, {pipeline_mode = #tpu.pipeline_mode<synchronous>, transform_indices = @transform_7, window_bounds = array<i64: 256, 128>}, {pipeline_mode = #tpu.pipeline_mode<synchronous>, transform_indices = @transform_8, window_bounds = array<i64: 1, 128>}, {pipeline_mode = #tpu.pipeline_mode<synchronous>, transform_indices = @transform_9, window_bounds = array<i64: 1, 128>}, {pipeline_mode = #tpu.pipeline_mode<synchronous>, transform_indices = @transform_10, window_bounds = array<i64: 1, 128>}, {transform_indices = @transform_11, window_bounds = array<i64: 400, 128>}, {transform_indices = @transform_12, window_bounds = array<i64: 400, 128>}]} {
    %get3A = arith.constant 0 : index
    %get3A_0 = arith.constant 0 : index
    %get3A_1 = vector.load %arg1[%get3A, %get3A_0] : memref<400x128xf32, #tpu.memory_space<vmem>>, vector<400x128xf32>
    %get3A_2 = arith.constant 0 : index
    %get3A_3 = arith.constant 0 : index
    %get3A_4 = vector.load %arg2[%get3A_2, %get3A_3] : memref<128x128xf32, #tpu.memory_space<vmem>>, vector<128x128xf32>
    %dot_general3A = arith.constant dense<0.000000e+00> : vector<400x128xf32>
    %dot_general3A_5 = tpu.matmul %get3A_1, %get3A_4, %dot_general3A {dimension_numbers = #tpu.dot_dimension_numbers<[1], [0], [0], [1], [0, 0, 1, 1], [], []>, transpose_lhs_hint = false} : vector<400x128xf32>, vector<128x128xf32>, vector<400x128xf32> -> vector<400x128xf32>
    %get3A_6 = arith.constant 0 : index
    %get3A_7 = arith.constant 0 : index
    %get3A_8 = vector.load %arg3[%get3A_6, %get3A_7] : memref<1x128xf32, #tpu.memory_space<vmem>>, vector<1x128xf32>
    %add3A = vector.broadcast %get3A_8 : vector<1x128xf32> to vector<400x128xf32>
    %add3A_9 = arith.addf %dot_general3A_5, %add3A : vector<400x128xf32>
    %get3A_10 = arith.constant 0 : index
    %get3A_11 = arith.constant 0 : index
    %get3A_12 = vector.load %arg4[%get3A_10, %get3A_11] : memref<128x128xf32, #tpu.memory_space<vmem>>, vector<128x128xf32>
    %dot_general3A_13 = arith.constant dense<0.000000e+00> : vector<400x128xf32>
    %dot_general3A_14 = tpu.matmul %add3A_9, %get3A_12, %dot_general3A_13 {dimension_numbers = #tpu.dot_dimension_numbers<[1], [0], [0], [1], [0, 0, 1, 1], [], []>, transpose_lhs_hint = false} : vector<400x128xf32>, vector<128x128xf32>, vector<400x128xf32> -> vector<400x128xf32>
    %get3A_15 = arith.constant 0 : index
    %get3A_16 = arith.constant 0 : index
    %get3A_17 = vector.load %arg5[%get3A_15, %get3A_16] : memref<1x128xf32, #tpu.memory_space<vmem>>, vector<1x128xf32>
    %add3A_18 = vector.broadcast %get3A_17 : vector<1x128xf32> to vector<400x128xf32>
    %add3A_19 = arith.addf %dot_general3A_14, %add3A_18 : vector<400x128xf32>
    %get3A_20 = arith.constant 0 : index
    %get3A_21 = arith.constant 0 : index
    %get3A_22 = vector.load %arg6[%get3A_20, %get3A_21] : memref<128x128xf32, #tpu.memory_space<vmem>>, vector<128x128xf32>
    %dot_general3A_23 = arith.constant dense<0.000000e+00> : vector<400x128xf32>
    %dot_general3A_24 = tpu.matmul %add3A_9, %get3A_22, %dot_general3A_23 {dimension_numbers = #tpu.dot_dimension_numbers<[1], [0], [0], [1], [0, 0, 1, 1], [], []>, transpose_lhs_hint = false} : vector<400x128xf32>, vector<128x128xf32>, vector<400x128xf32> -> vector<400x128xf32>
    %get3A_25 = arith.constant 0 : index
    %get3A_26 = arith.constant 0 : index
    %get3A_27 = vector.load %arg7[%get3A_25, %get3A_26] : memref<1x128xf32, #tpu.memory_space<vmem>>, vector<1x128xf32>
    %add3A_28 = vector.broadcast %get3A_27 : vector<1x128xf32> to vector<400x128xf32>
    %add3A_29 = arith.addf %dot_general3A_24, %add3A_28 : vector<400x128xf32>
    %get3A_30 = arith.constant 0 : index
    %get3A_31 = arith.constant 0 : index
    %get3A_32 = vector.load %arg8[%get3A_30, %get3A_31] : memref<256x128xf32, #tpu.memory_space<vmem>>, vector<256x128xf32>
    %slice3A = vector.extract_strided_slice %get3A_32 {offsets = [0, 0], sizes = [128, 128], strides = [1, 1]} : vector<256x128xf32> to vector<128x128xf32>
    %dot_general3A_33 = arith.constant dense<0.000000e+00> : vector<400x128xf32>
    %dot_general3A_34 = tpu.matmul %add3A_19, %slice3A, %dot_general3A_33 {dimension_numbers = #tpu.dot_dimension_numbers<[1], [0], [0], [1], [0, 0, 1, 1], [], []>, transpose_lhs_hint = false} : vector<400x128xf32>, vector<128x128xf32>, vector<400x128xf32> -> vector<400x128xf32>
    %get3A_35 = arith.constant 0 : index
    %get3A_36 = arith.constant 0 : index
    %get3A_37 = vector.load %arg10[%get3A_35, %get3A_36] : memref<1x128xf32, #tpu.memory_space<vmem>>, vector<1x128xf32>
    %neg3A = arith.constant 0.000000e+00 : f32
    %neg3A_38 = vector.broadcast %neg3A : f32 to vector<1x128xf32>
    %neg3A_39 = arith.subf %neg3A_38, %get3A_37 : vector<1x128xf32>
    %mul3A = vector.broadcast %neg3A_39 : vector<1x128xf32> to vector<400x128xf32>
    %mul3A_40 = arith.mulf %dot_general3A_34, %mul3A : vector<400x128xf32>
    %slice3A_41 = vector.extract_strided_slice %get3A_32 {offsets = [128, 0], sizes = [128, 128], strides = [1, 1]} : vector<256x128xf32> to vector<128x128xf32>
    %dot_general3A_42 = arith.constant dense<0.000000e+00> : vector<400x128xf32>
    %dot_general3A_43 = tpu.matmul %add3A_29, %slice3A_41, %dot_general3A_42 {dimension_numbers = #tpu.dot_dimension_numbers<[1], [0], [0], [1], [0, 0, 1, 1], [], []>, transpose_lhs_hint = false} : vector<400x128xf32>, vector<128x128xf32>, vector<400x128xf32> -> vector<400x128xf32>
    %get3A_44 = arith.constant 0 : index
    %get3A_45 = arith.constant 0 : index
    %get3A_46 = vector.load %arg9[%get3A_44, %get3A_45] : memref<1x128xf32, #tpu.memory_space<vmem>>, vector<1x128xf32>
    %add3A_47 = vector.broadcast %get3A_46 : vector<1x128xf32> to vector<400x128xf32>
    %add3A_48 = arith.addf %dot_general3A_43, %add3A_47 : vector<400x128xf32>
    %get3A_49 = arith.constant 0 : index
    %get3A_50 = arith.constant 0 : index
    %get3A_51 = vector.load %arg11[%get3A_49, %get3A_50] : memref<1x128xf32, #tpu.memory_space<vmem>>, vector<1x128xf32>
    %neg3A_52 = arith.constant 0.000000e+00 : f32
    %neg3A_53 = vector.broadcast %neg3A_52 : f32 to vector<1x128xf32>
    %neg3A_54 = arith.subf %neg3A_53, %get3A_51 : vector<1x128xf32>
    %mul3A_55 = vector.broadcast %neg3A_54 : vector<1x128xf32> to vector<400x128xf32>
    %mul3A_56 = arith.mulf %add3A_48, %mul3A_55 : vector<400x128xf32>
    %bitcast_convert_type3A = tpu.bitcast %add3A_19 : vector<400x128xf32> -> vector<400x128xi32>
    %add3A_57 = arith.constant 32767 : i32
    %add3A_58 = vector.broadcast %add3A_57 : i32 to vector<400x128xi32>
    %add3A_59 = arith.addi %bitcast_convert_type3A, %add3A_58 : vector<400x128xi32>
    %shift_right_logical3A = arith.constant 16 : i32
    %shift_right_logical3A_60 = vector.broadcast %shift_right_logical3A : i32 to vector<400x128xi32>
    %shift_right_logical3A_61 = arith.shrui %bitcast_convert_type3A, %shift_right_logical3A_60 : vector<400x128xi32>
    %and3A = arith.constant 1 : i32
    %and3A_62 = vector.broadcast %and3A : i32 to vector<400x128xi32>
    %and3A_63 = arith.andi %shift_right_logical3A_61, %and3A_62 : vector<400x128xi32>
    %add3A_64 = arith.addi %add3A_59, %and3A_63 : vector<400x128xi32>
    %slice3A_65 = vector.extract_strided_slice %add3A_64 {offsets = [0, 0], sizes = [400, 64], strides = [1, 1]} : vector<400x128xi32> to vector<400x64xi32>
    %shift_right_logical3A_66 = arith.constant 16 : i32
    %shift_right_logical3A_67 = vector.broadcast %shift_right_logical3A_66 : i32 to vector<400x64xi32>
    %shift_right_logical3A_68 = arith.shrui %slice3A_65, %shift_right_logical3A_67 : vector<400x64xi32>
    %and3A_69 = arith.constant 65535 : i32
    %and3A_70 = vector.broadcast %and3A_69 : i32 to vector<400x64xi32>
    %and3A_71 = arith.andi %shift_right_logical3A_68, %and3A_70 : vector<400x64xi32>
    %slice3A_72 = vector.extract_strided_slice %add3A_64 {offsets = [0, 64], sizes = [400, 64], strides = [1, 1]} : vector<400x128xi32> to vector<400x64xi32>
    %and3A_73 = arith.constant -65536 : i32
    %and3A_74 = vector.broadcast %and3A_73 : i32 to vector<400x64xi32>
    %and3A_75 = arith.andi %slice3A_72, %and3A_74 : vector<400x64xi32>
    %or3A = arith.ori %and3A_75, %and3A_71 : vector<400x64xi32>
    %swap3A = arith.constant 0 : index
    %swap3A_76 = arith.constant 0 : index
    %swap3A_77 = vector.load %arg12[%swap3A, %swap3A_76] : memref<400x128xi32, #tpu.memory_space<vmem>>, vector<400x64xi32>
    tpu.vector_store %arg12[%swap3A, %swap3A_76], %or3A {strides = array<i32>} : memref<400x128xi32, #tpu.memory_space<vmem>>, vector<400x64xi32>,
    %bitcast_convert_type3A_78 = tpu.bitcast %mul3A_40 : vector<400x128xf32> -> vector<400x128xi32>
    %add3A_79 = arith.constant 32767 : i32
    %add3A_80 = vector.broadcast %add3A_79 : i32 to vector<400x128xi32>
    %add3A_81 = arith.addi %bitcast_convert_type3A_78, %add3A_80 : vector<400x128xi32>
    %shift_right_logical3A_82 = arith.constant 16 : i32
    %shift_right_logical3A_83 = vector.broadcast %shift_right_logical3A_82 : i32 to vector<400x128xi32>
    %shift_right_logical3A_84 = arith.shrui %bitcast_convert_type3A_78, %shift_right_logical3A_83 : vector<400x128xi32>
    %and3A_85 = arith.constant 1 : i32
    %and3A_86 = vector.broadcast %and3A_85 : i32 to vector<400x128xi32>
    %and3A_87 = arith.andi %shift_right_logical3A_84, %and3A_86 : vector<400x128xi32>
    %add3A_88 = arith.addi %add3A_81, %and3A_87 : vector<400x128xi32>
    %slice3A_89 = vector.extract_strided_slice %add3A_88 {offsets = [0, 0], sizes = [400, 64], strides = [1, 1]} : vector<400x128xi32> to vector<400x64xi32>
    %shift_right_logical3A_90 = arith.constant 16 : i32
    %shift_right_logical3A_91 = vector.broadcast %shift_right_logical3A_90 : i32 to vector<400x64xi32>
    %shift_right_logical3A_92 = arith.shrui %slice3A_89, %shift_right_logical3A_91 : vector<400x64xi32>
    %and3A_93 = arith.constant 65535 : i32
    %and3A_94 = vector.broadcast %and3A_93 : i32 to vector<400x64xi32>
    %and3A_95 = arith.andi %shift_right_logical3A_92, %and3A_94 : vector<400x64xi32>
    %slice3A_96 = vector.extract_strided_slice %add3A_88 {offsets = [0, 64], sizes = [400, 64], strides = [1, 1]} : vector<400x128xi32> to vector<400x64xi32>
    %and3A_97 = arith.constant -65536 : i32
    %and3A_98 = vector.broadcast %and3A_97 : i32 to vector<400x64xi32>
    %and3A_99 = arith.andi %slice3A_96, %and3A_98 : vector<400x64xi32>
    %or3A_100 = arith.ori %and3A_99, %and3A_95 : vector<400x64xi32>
    %swap3A_101 = arith.constant 0 : index
    %swap3A_102 = arith.constant 64 : index
    %swap3A_103 = vector.load %arg12[%swap3A_101, %swap3A_102] : memref<400x128xi32, #tpu.memory_space<vmem>>, vector<400x64xi32>
    tpu.vector_store %arg12[%swap3A_101, %swap3A_102], %or3A_100 {strides = array<i32>} : memref<400x128xi32, #tpu.memory_space<vmem>>, vector<400x64xi32>,
    %swap3A_104 = arith.constant 0 : index
    %swap3A_105 = arith.constant 0 : index
    %swap3A_106 = vector.load %arg13[%swap3A_104, %swap3A_105] : memref<400x128xf32, #tpu.memory_space<vmem>>, vector<400x128xf32>
    tpu.vector_store %arg13[%swap3A_104, %swap3A_105], %mul3A_56 {strides = array<i32>} : memref<400x128xf32, #tpu.memory_space<vmem>>, vector<400x128xf32>,
    return
  }
  func.func @transform_0(%arg0: i32) -> (i32, i32) {
    %c0_i32 = arith.constant 0 : i32
    %c0_i32_0 = arith.constant 0 : i32
    return %arg0, %c0_i32 : i32, i32
  }
  func.func @transform_1(%arg0: i32) -> (i32, i32) {
    %c0_i32 = arith.constant 0 : i32
    %c0_i32_0 = arith.constant 0 : i32
    %c0_i32_1 = arith.constant 0 : i32
    return %c0_i32, %c0_i32_0 : i32, i32
  }
  func.func @transform_2(%arg0: i32) -> (i32, i32) {
    %c0_i32 = arith.constant 0 : i32
    %c0_i32_0 = arith.constant 0 : i32
    %c0_i32_1 = arith.constant 0 : i32
    return %c0_i32, %c0_i32_0 : i32, i32
  }
  func.func @transform_3(%arg0: i32) -> (i32, i32) {
    %c0_i32 = arith.constant 0 : i32
    %c0_i32_0 = arith.constant 0 : i32
    %c0_i32_1 = arith.constant 0 : i32
    return %c0_i32, %c0_i32_0 : i32, i32
  }
  func.func @transform_4(%arg0: i32) -> (i32, i32) {
    %c0_i32 = arith.constant 0 : i32
    %c0_i32_0 = arith.constant 0 : i32
    %c0_i32_1 = arith.constant 0 : i32
    return %c0_i32, %c0_i32_0 : i32, i32
  }
  func.func @transform_5(%arg0: i32) -> (i32, i32) {
    %c0_i32 = arith.constant 0 : i32
    %c0_i32_0 = arith.constant 0 : i32
    %c0_i32_1 = arith.constant 0 : i32
    return %c0_i32, %c0_i32_0 : i32, i32
  }
  func.func @transform_6(%arg0: i32) -> (i32, i32) {
    %c0_i32 = arith.constant 0 : i32
    %c0_i32_0 = arith.constant 0 : i32
    %c0_i32_1 = arith.constant 0 : i32
    return %c0_i32, %c0_i32_0 : i32, i32
  }
  func.func @transform_7(%arg0: i32) -> (i32, i32) {
    %c0_i32 = arith.constant 0 : i32
    %c0_i32_0 = arith.constant 0 : i32
    %c0_i32_1 = arith.constant 0 : i32
    return %c0_i32, %c0_i32_0 : i32, i32
  }
  func.func @transform_8(%arg0: i32) -> (i32, i32) {
    %c0_i32 = arith.constant 0 : i32
    %c0_i32_0 = arith.constant 0 : i32
    %c0_i32_1 = arith.constant 0 : i32
    return %c0_i32, %c0_i32_0 : i32, i32
  }
  func.func @transform_9(%arg0: i32) -> (i32, i32) {
    %c0_i32 = arith.constant 0 : i32
    %c0_i32_0 = arith.constant 0 : i32
    %c0_i32_1 = arith.constant 0 : i32
    return %c0_i32, %c0_i32_0 : i32, i32
  }
  func.func @transform_10(%arg0: i32) -> (i32, i32) {
    %c0_i32 = arith.constant 0 : i32
    %c0_i32_0 = arith.constant 0 : i32
    %c0_i32_1 = arith.constant 0 : i32
    return %c0_i32, %c0_i32_0 : i32, i32
  }
  func.func @transform_11(%arg0: i32) -> (i32, i32) {
    %c0_i32 = arith.constant 0 : i32
    %c0_i32_0 = arith.constant 0 : i32
    return %arg0, %c0_i32 : i32, i32
  }
  func.func @transform_12(%arg0: i32) -> (i32, i32) {
    %c0_i32 = arith.constant 0 : i32
    %c0_i32_0 = arith.constant 0 : i32
    return %arg0, %c0_i32 : i32, i32
  }
}

module attributes {stable_mosaic.version = 14 : i64} {
  func.func @_comb_body(%arg0: i32, %arg1: memref<2x400x128xf32, #tpu.memory_space<vmem>>, %arg2: memref<400x128xf32, #tpu.memory_space<vmem>>) attributes {dimension_semantics = [#tpu.dimension_semantics<arbitrary>], iteration_bounds = array<i64: 25>, scalar_prefetch = 0 : i64, scratch_operands = 0 : i64, tpu.core_type = #tpu.core_type<tc>, window_params = [{transform_indices = @transform_0, window_bounds = array<i64: 2, 400, 128>}, {transform_indices = @transform_1, window_bounds = array<i64: 400, 128>}]} {
    %get3A = arith.constant 0 : index
    %get3A_0 = arith.constant 0 : index
    %get3A_1 = arith.constant 0 : index
    %get3A_2 = vector.load %arg1[%get3A, %get3A_0, %get3A_1] : memref<2x400x128xf32, #tpu.memory_space<vmem>>, vector<1x400x128xf32>
    %get3A_3 = vector.shape_cast %get3A_2 : vector<1x400x128xf32> to vector<400x128xf32>
    %get3A_4 = arith.constant 1 : index
    %get3A_5 = arith.constant 0 : index
    %get3A_6 = arith.constant 0 : index
    %get3A_7 = vector.load %arg1[%get3A_4, %get3A_5, %get3A_6] : memref<2x400x128xf32, #tpu.memory_space<vmem>>, vector<1x400x128xf32>
    %get3A_8 = vector.shape_cast %get3A_7 : vector<1x400x128xf32> to vector<400x128xf32>
    %add3A = arith.addf %get3A_3, %get3A_8 : vector<400x128xf32>
    %swap3A = arith.constant 0 : index
    %swap3A_9 = arith.constant 0 : index
    %swap3A_10 = vector.load %arg2[%swap3A, %swap3A_9] : memref<400x128xf32, #tpu.memory_space<vmem>>, vector<400x128xf32>
    tpu.vector_store %arg2[%swap3A, %swap3A_9], %add3A {strides = array<i32>} : memref<400x128xf32, #tpu.memory_space<vmem>>, vector<400x128xf32>,
    return
  }
  func.func @transform_0(%arg0: i32) -> (i32, i32, i32) {
    %c0_i32 = arith.constant 0 : i32
    %c0_i32_0 = arith.constant 0 : i32
    %c0_i32_1 = arith.constant 0 : i32
    return %c0_i32, %arg0, %c0_i32_0 : i32, i32, i32
  }
  func.func @transform_1(%arg0: i32) -> (i32, i32) {
    %c0_i32 = arith.constant 0 : i32
    %c0_i32_0 = arith.constant 0 : i32
    return %arg0, %c0_i32 : i32, i32
  }
}

</mosaic_0001>

<sc_bundles>
// kernel: kernel.5.cloned.1.call-start
scs
__scs_entry_jumppad:
0x0: {  	(pc) =	sbr.rel $0x88, $3  }
0x1: {  	(tag) =	ssettag $0x0;
	lr =	simm.s32 $0x1  }
0x2: {  	[smem:$0x3F96] =	sst lr;
	_ =	strace $0xD0000000  }
0x3: {  	_ = 	snop  }
0x4: {  	_ = 	snop  }
0x5: {  	_ = 	snop  }
0x6: {  	_ = 	snop  }
0x7: {  	_ = 	snop  }
__scs_overlays_trampoline_lowered:
0x8: {  	[smem:$0x3FA5] =	sst s0  }
0x9: {  	[smem:$0x3FA6] =	sst s1  }
0xa: {  	[smem:$0x3FA7] =	sst s2  }
0xb: {  	[smem:$0x3FA8] =	sst s3  }
0xc: {  	[smem:$0x3FA9] =	sst s4  }
0xd: {  	[smem:$0x3FAA] =	sst s5  }
0xe: {  	[smem:$0x3FAB] =	sst s6  }
0xf: {  	[smem:$0x3FAC] =	sst s7  }
0x10: {  	[smem:$0x3FAD] =	sst s8  }
0x11: {  	[smem:$0x3FAE] =	sst s9;
	s0 =	simm.s32 @!p0 $0x0  }
0x12: {  	s1 =	sld [smem:$0x3F94];
	s0 =	simm.s32 @p0 $0x1  }
0x13: {  	[smem:$0x3FAF] =	sst s0;
	s0 =	simm.s32 @!p1 $0x0  }
0x14: {  	s2 =	sld [smem:$0x3F93];
	s0 =	simm.s32 @p1 $0x1  }
0x15: {  	[smem:$0x3FB0] =	sst s0;
	s0 =	simm.s32 @!p2 $0x0  }
0x16: {  	s3 =	sld [smem:$0x3FDB];
	s0 =	simm.s32 @p2 $0x1  }
0x17: {  	s4 =	simm.s32 $0x1BF5;
	[smem:$0x3FB2] =	sst s0  }
0x18: {  	s0 =	sld [smem:$0x3F95];
	_ =	swait.ge [sflag:s4], $0x0  }
0x19: {  	s7 =	sld [smem:$0x3F96]  }
0x1a: {  	s8 =	sadd.s32 $0xFFFFE003, lr  }
0x1b: {  	s9 =	sadd.s32 $0xFFFFFEF7, lr;
	s5 =	simm.s32 $0xFFFFFFFF;
	p2 =	slt.u32 s8, $0xFFFFF086  }
0x1c: {  	p1 =	slt.u32 s9, $0xF7A;
	s5 =	simm.s32 @!p2 $0x0  }
0x1d: {  	s5 =	simm.s32 @p1 $0x1;
	p0 =	seq.s32 s7, s2  }
0x1e: {  	s7 =	smul.u32 @!p0 $0xF7A, s2;
	p2 =	seq.s32 @!p0 s5, $0x0  }
0x1f: {  	s9 =	smul.u32 $0xF7A, s1;
	s8 =	simm.s32 @!p0 $0x1BF5;
	p2 =	por !p2, p0  }
0x20: {  	[sflag:s8] =	ssyncset.s32 @!p0 $0xFFFFF086;
	s6 =	sadd.s32 @!p0 s3, s7;
	s7 =	simm.s32 @!p0 $0x108  }
0x21: {  	s3 =	sadd.s32 s3, s9;
	s6 =	sadd.s32 @!p0 $0x88, s6;
	s7 =	simm.s32 @p2 $0x1082  }
0x22: {  	[simem:s7], [sflag:s8] =	dma.local @!p0 [hbm:s6], $0xF7A  }
0x23: {  	s9 =	sor.u32 $0xD0000000, s2;
	s6 =	simm.s32 $0x108;
	_ =	swait.ge @!p0 [sflag:s8], $0x0  }
0x24: {  	s3 =	sadd.s32 $0x88, s3;
	s6 =	simm.s32 @!p1 $0x1082;
	[sflag:s4] =	ssyncset.s32 $0xFFFFF086  }
0x25: {  	[simem:s6], [sflag:s4] =	dma.local [hbm:s3], $0xF7A  }
0x26: {  	[smem:$0x3F96] =	sst s1;
	(tag) =	ssettag s2;
	_ =	strace s9  }
0x27: {  	s1 =	sld [smem:$0x3FA6]  }
0x28: {  	s2 =	sld [smem:$0x3FA7]  }
0x29: {  	s4 =	sld [smem:$0x3FA9]  }
0x2a: {  	p0 =	seq.s32 s5, $0x0;
	s5 =	sld [smem:$0x3FAA]  }
0x2b: {  	s6 =	sld [smem:$0x3FAB]  }
0x2c: {  	s7 =	sld [smem:$0x3FAC]  }
0x2d: {  	s3 =	simm.s32 $0x108;
	s8 =	sld [smem:$0x3FAD]  }
0x2e: {  	s3 =	simm.s32 @!p0 $0x1082;
	s9 =	sld [smem:$0x3FAE]  }
0x2f: {  	lr =	sadd.s32 s0, s3;
	s0 =	sld [smem:$0x3FA5]  }
0x30: {  	s3 =	sld [smem:$0x3FA8]  }
0x31: {  	[smem:$0x3FB1] =	sst s10  }
0x32: {  	s10 =	sld [smem:$0x3FAF];
	_ =	sdelay $0x3  }
0x33: {  	p0 =	seq.s32 s10, $0x1;
	s10 =	sld [smem:$0x3FB1];
	_ =	sdelay $0x3  }
0x34: {  	[smem:$0x3FB1] =	sst s10  }
0x35: {  	s10 =	sld [smem:$0x3FB0];
	_ =	sdelay $0x3  }
0x36: {  	p1 =	seq.s32 s10, $0x1;
	s10 =	sld [smem:$0x3FB1];
	_ =	sdelay $0x3  }
0x37: {  	[smem:$0x3FB1] =	sst s10  }
0x38: {  	s10 =	sld [smem:$0x3FB2]  }
0x39: {  	_ = 	snop;
	(pc) =	sbr.ind lr, $3  }
0x3a: {  	_ = 	snop  }
0x3b: {  	_ = 	snop  }
0x3c: {  	p2 =	seq.s32 s10, $0x1;
	s10 =	sld [smem:$0x3FB1]  }
0x3d: {  	_ =	shalt  }
0x3e: {  	_ =	shalt  }
0x3f: {  	_ =	shalt  }
0x40: {  	_ =	shalt  }
0x41: {  	_ =	shalt  }
0x42: {  	_ =	shalt  }
0x43: {  	_ =	shalt  }
0x44: {  	_ =	shalt  }
0x45: {  	_ =	shalt  }
0x46: {  	_ =	shalt  }
0x47: {  	_ =	shalt  }
0x48: {  	_ =	shalt  }
0x49: {  	_ =	shalt  }
0x4a: {  	_ =	shalt  }
0x4b: {  	_ =	shalt  }
0x4c: {  	_ =	shalt  }
0x4d: {  	_ =	shalt  }
0x4e: {  	_ =	shalt  }
0x4f: {  	_ =	shalt  }
0x50: {  	_ =	shalt  }
0x51: {  	_ =	shalt  }
0x52: {  	_ =	shalt  }
0x53: {  	_ =	shalt  }
0x54: {  	_ =	shalt  }
0x55: {  	_ =	shalt  }
0x56: {  	_ =	shalt  }
0x57: {  	_ =	shalt  }
0x58: {  	_ =	shalt  }
0x59: {  	_ =	shalt  }
0x5a: {  	_ =	shalt  }
0x5b: {  	_ =	shalt  }
0x5c: {  	_ =	shalt  }
0x5d: {  	_ =	shalt  }
0x5e: {  	_ =	shalt  }
0x5f: {  	_ =	shalt  }
0x60: {  	_ =	shalt  }
0x61: {  	_ =	shalt  }
0x62: {  	_ =	shalt  }
0x63: {  	_ =	shalt  }
0x64: {  	_ =	shalt  }
0x65: {  	_ =	shalt  }
0x66: {  	_ =	shalt  }
0x67: {  	_ =	shalt  }
0x68: {  	_ =	shalt  }
0x69: {  	_ =	shalt  }
0x6a: {  	_ =	shalt  }
0x6b: {  	_ =	shalt  }
0x6c: {  	_ =	shalt  }
0x6d: {  	_ =	shalt  }
0x6e: {  	_ =	shalt  }
0x6f: {  	_ =	shalt  }
0x70: {  	_ =	shalt  }
0x71: {  	_ =	shalt  }
0x72: {  	_ =	shalt  }
0x73: {  	_ =	shalt  }
0x74: {  	_ =	shalt  }
0x75: {  	_ =	shalt  }
0x76: {  	_ =	shalt  }
0x77: {  	_ =	shalt  }
0x78: {  	_ =	shalt  }
0x79: {  	_ =	shalt  }
0x7a: {  	_ =	shalt  }
0x7b: {  	_ =	shalt  }
0x7c: {  	_ =	shalt  }
0x7d: {  	_ =	shalt  }
0x7e: {  	_ =	shalt  }
0x7f: {  	_ =	shalt  }
0x80: {  	_ =	shalt  }
0x81: {  	_ =	shalt  }
0x82: {  	_ =	shalt  }
0x83: {  	_ =	shalt  }
0x84: {  	_ =	shalt  }
0x85: {  	_ =	shalt  }
0x86: {  	_ =	shalt  }
0x87: {  	_ =	shalt  }
.Lfunc_end0:
.L_simem_size_0:
called_computation_lowered:
.L_overlay_start_0:
0x88: {  	s2 =	sld [smem:$0x3FD9]  }
0x89: {  	s3 =	sld [smem:$0x3FFE];
	_ =	sdelay $0x1  }
0x8a: {  	s1 =	srdreg.scid  }
0x8b: {  	s0 =	sand.u32 $0x1, s1  }
0x8c: {  	s17 =	sshll.u32 s0, $0xA;
	s2 =	sadd.s32 s3, s2  }
0x8d: {  	s2 =	sadd.s32 s2, s17  }
0x8e: {  	[smem:$0x3FBD] =	sst s2  }
0x8f: {  	_ = 	snop  }
0x90: {  	s2 =	sld [smem:$0x3FD0];
	(tm) =	ssettm $0x1  }
0x91: {  	s18 =	sld [smem:$0x3FFB];
	_ =	sdelay $0x3  }
0x92: {  	_ =	strace s18  }
0x93: {  	s3 =	sld [smem:$0x3FFC];
	_ =	sdelay $0x3  }
0x94: {  	_ =	strace s3  }
0x95: {  	s3 =	sld [smem:$0x3FFD];
	_ =	sdelay $0x3  }
0x96: {  	_ =	strace s3  }
0x97: {  	_ =	strace $0x8FFFFFFF  }
0x98: {  	s19 =	sld [smem:$0x3FDB];
	_ =	sdelay $0x1  }
0x99: {  	s4 =	simm.s32 $_scs_section_size  }
0x9a: {  	s5 =	simm.s32 $_size__tile_overlayer_lowered;
	s6 =	simm.s32 $_tile_overlayer_lowered  }
0x9b: {  	s22 =	simm.s32 $0x1BFF;
	s21 =	sshll.u32 s6, $0x1;
	s3 =	sadd.s32 s4, s19  }
0x9c: {  	s7 =	simm.s32 $0x0;
	s20 =	sshll.u32 s5, $0x1;
	s5 =	sadd.s32 s21, s3  }
0x9d: {  	[timem:s7], [sflag:s22] =	dma.local [hbm:s5], s20  }
0x9e: {  	_ =	swait.ge [sflag:s22], s20  }
0x9f: {  	s4 =	ssub.s32 $0x0, s20;
	[sflag:s22] =	ssyncset.done $0x0  }
0xa0: {  	[sflag:s22] =	ssyncadd.s32 s4;
	_ =	sdelay $0x1  }
0xa1: {  	s23 =	simm.s32 $0x1B8B  }
0xa2: {  	_ =	swait.ge [sflag:s23], $0x1  }
0xa3: {  	[sflag:s23] =	ssyncset.done $0x0  }
0xa4: {  	s25 =	simm.s32 $0x1B8E;
	s24 =	sld [smem:$0x3FFE];
	[sflag:s23] =	ssyncadd.s32 $0xFFFFFFFF  }
0xa5: {  	s26 =	simm.s32 $execute0_lowered;
	[smem:$0x3FD2] =	sst s25  }
0xa6: {  	s5 =	sshll.u32 s26, $0x1;
	_ =	strace $0x80000046;
	[dreg:$0x1] =	wrdreg $0xFFFFFFFF  }
0xa7: {  	s28 =	simm.s32 $_size_execute0_lowered;
	s3 =	sadd.s32 s3, s5;
	[dreg:$0x0] =	wrdreg $0x0  }
0xa8: {  	s5 =	sshll.u32 s28, $0x1;
	[dreg:$0x2] =	wrdreg s3  }
0xa9: {  	[dreg:$0x3] =	wrdreg s5  }
0xaa: {  	[dreg:$0x4] =	wrdreg $0xC0  }
0xab: {  	_ =	task [dreg:s7], $0x5FFFF  }
0xac: {  	[dreg:$0x1] =	wrdreg $0xFFFFFFFF  }
0xad: {  	[dreg:$0x0] =	wrdreg $0x60  }
0xae: {  	[dreg:$0x2] =	wrdreg s2  }
0xaf: {  	[dreg:$0x3] =	wrdreg s24  }
0xb0: {  	[dreg:$0x4] =	wrdreg $0x0  }
0xb1: {  	[dreg:$0x5] =	wrdreg $0x9  }
0xb2: {  	_ =	task.clear_ibuf [dreg:s7], $0x6FFFF;
	_ =	strace $0x90000046  }
0xb3: {  	s29 =	simm.s32 $0x9;
	_ =	strace $0x80000048  }
0xb4: {  	_ =	swait.ge [sflag:s29], $0x1  }
0xb5: {  	[sflag:s29] =	ssyncadd.s32 $0xFFFFFFFF  }
0xb6: {  	_ =	strace $0x90000048  }
0xb7: {  	_ =	sfence  }
0xb8: {  	s30 =	sld [smem:$0x0];
	_ =	sdelay $0x2  }
0xb9: {  	s31 =	sshll.u32 s1, $0xD;
	s1 =	sshrl.u32 s1, $0x2  }
0xba: {  	s3 =	sand.u32 $0x4000, s31;
	s1 =	sadd.s32 s1, s30  }
0xbb: {  	s0 =	sor.u32 s3, s0;
	s1 =	sshll.u32 s1, $0x11  }
0xbc: {  	s0 =	sor.u32 s1, s0  }
0xbd: {  	s0 =	sadd.s32 $0x8F2B, s0  }
0xbe: {  	[sflag:s0] =	ssyncadd.remote.s32 $0x1  }
0xbf: {  	_ =	sfence.sel $0xFFFF  }
0xc0: {  	[dreg:$0x0] =	wrdreg $0xFFFFFFFF;
	(pc) =	sbr.abs _section_cstart, $3  }
0xc1: {  	[dreg:$0x1] =	wrdreg $0xFFFFFFFF  }
0xc2: {  	_ =	task.clear_ibuf [dreg:s7], $0x2FFFF;
	_ =	strace $0x9FFFFFFF  }
0xc3: {  	(tm) =	ssettm $0x7FFFFFFF  }
tec
execute0_lowered:
.L_overlay_start_1:
0x0: {  	(tag) =	ssettag $0x1  }
0x1: {  	s1 =	rddreg [dreg:$0x0]  }
0x2: {  	s0 =	rddreg [dreg:$0x1]  }
0x3: {  	s2 =	rddreg [dreg:$0x2];
	s3 =	simm.s32 $0x0;
	s4 =	srdreg.scid  }
0x4: {  	s12 =	stileid.u32;
	[smem:$0x7FF] =	sst s3;
	s5 =	sadd.s32 $0x15200, s0  }
0x5: {  	s6 =	sadd.s32 $0xB400, s0;
	s7 =	sadd.s32 $0x1600, s0;
	s4 =	sand.u32 $0x1, s4  }
0x6: {  	s8 =	sshll.u32 s12, $0x1;
	s10 =	smul.u32 $0x50000, s12;
	s0 =	sadd.s32 $0x3C400, s0  }
0x7: {  	s18 =	smul.u32 $0x14000, s12;
	_ =	strace $0x80000047;
	s9 =	ssub.s32 $0x2, s4  }
0x8: {  	s8 =	sor.u32 s4, s8;
	s4 =	smul.u32 $0x140000, s4;
	s11 =	sshrl.u32 s9, $0x1  }
0x9: {  	s8 =	smul.u32 $0x2710, s8;
	s10 =	sshrl.u32 s10, $0x2;
	s13 =	sadd.s32 $0x4000, s18  }
0xa: {  	s28 =	sadd.s32 $0x8000, s18;
	s29 =	sadd.s32 $0xC000, s18;
	s9 =	ssub.s32 s9, s11  }
0xb: {  	s24 =	sadd.s32 s10, s2;
	s22 =	sadd.s32 s18, s4;
	s23 =	sadd.s32 s4, s13  }
0xc: {  	s30 =	sadd.s32 s4, s28;
	s15 =	sadd.s32 s4, s29;
	s11 =	sadd.s32 $0x10000, s18  }
0xd: {  	s16 =	sadd.s32 s28, s2;
	s17 =	sshrl.u32 s8, $0x3;
	s19 =	sadd.s32 $0x2800, s24  }
0xe: {  	s12 =	sshrl.u32 s22, $0x3;
	s26 =	sshrl.u32 s23, $0x3;
	s15 =	sshrl.u32 s15, $0x3  }
0xf: {  	s4 =	sadd.s32 s4, s11;
	s18 =	sadd.s32 s11, s2;
	[dreg:$0x4] =	wrdreg s24  }
0x10: {  	s9 =	smax.u32 s9, $0x1;
	s28 =	sadd.s32 $0xA000, s24;
	[dreg:$0x5] =	wrdreg s19  }
0x11: {  	s11 =	simm.s32 $0x14080;
	s20 =	sadd.s32 s6, s17;
	[dreg:$0xf] =	wrdreg s9  }
0x12: {  	s21 =	sadd.s32 s7, s17;
	s10 =	sadd.s32 $0xA, s17;
	[dreg:$0x16] =	wrdreg s28  }
0x13: {  	s25 =	sadd.s32 s0, s12;
	s31 =	sadd.s32 s0, s15;
	[dreg:$0x6] =	wrdreg s20  }
0x14: {  	s4 =	sshrl.u32 s4, $0x3;
	s19 =	sadd.s32 $0xA0, s8;
	[dreg:$0x7] =	wrdreg s21  }
0x15: {  	s15 =	sadd.s32 s13, s2;
	s17 =	sadd.s32 s29, s2;
	[dreg:$0xa] =	wrdreg s25  }
0x16: {  	s23 =	sshrl.u32 s18, $0x3;
	s29 =	sadd.s32 $0xC800, s24;
	[dreg:$0xd] =	wrdreg s31  }
0x17: {  	s9 =	simm.s32 $0x5;
	s12 =	simm.s32 $0x50;
	[dreg:$0x13] =	wrdreg s23  }
0x18: {  	s13 =	simm.s32 $0x14200;
	s14 =	sadd.s32 s6, s10;
	[dreg:$0x17] =	wrdreg s29  }
0x19: {  	s18 =	simm.s32 $0x1BA00;
	s10 =	sadd.s32 s7, s10;
	[dreg:$0x8] =	wrdreg s14  }
0x1a: {  	s20 =	sadd.s32 $0xF0, s8;
	s21 =	sshrl.u32 s16, $0x3;
	[dreg:$0x9] =	wrdreg s10  }
0x1b: {  	s22 =	sshrl.u32 s17, $0x3;
	s25 =	sadd.s32 $0x5000, s24;
	[dreg:$0x11] =	wrdreg s21  }
0x1c: {  	s31 =	sadd.s32 $0x11800, s24;
	s16 =	simm.s32 $0x4;
	[dreg:$0x12] =	wrdreg s22  }
0x1d: {  	s17 =	simm.s32 $0x19200;
	s23 =	simm.s32 $0x3;
	[dreg:$0x14] =	wrdreg s25  }
0x1e: {  	s8 =	simm.s32 $0x0;
	s10 =	sadd.s32 s0, s26;
	[dreg:$0x19] =	wrdreg s31  }
0x1f: {  	s14 =	sshrl.u32 s30, $0x3;
	s26 =	sadd.s32 $0x7800, s24;
	[dreg:$0xb] =	wrdreg s10  }
0x20: {  	s30 =	sadd.s32 $0xF000, s24;
	s21 =	simm.s32 $0x1;
	[dreg:$0x15] =	wrdreg s26  }
0x21: {  	s22 =	simm.s32 $0x2;
	s14 =	sadd.s32 s0, s14;
	[dreg:$0x18] =	wrdreg s30  }
0x22: {  	s0 =	sadd.s32 s0, s4;
	s4 =	simm.s32 $0x16A00;
	[dreg:$0xc] =	wrdreg s14  }
0x23: {  	s10 =	simm.s32 $0x14000;
	[dreg:$0xe] =	wrdreg s0;
	s0 =	sshrl.u32 s15, $0x3  }
0x24: {  	v0 =	vimm.f32 $0.0e+00;
	s14 =	simm.s32 $0x14100;
	s15 =	simm.s32 $0x14180;
	[dreg:$0x10] =	wrdreg s0  }
.LBB2_1:
0x25: {  	[dreg:$0x1a] =	wrdreg s8;
	s0 =	simm.s32 $0x0;
	s8 =	simm.s32 $0x200  }
.LBB2_2:
0x26: {  	p0 =	sne.s32 s8, $0x9E00;
	[tilespmem:s0+$0x16A70] =	vst v0  }
0x27: {  	[tilespmem:s0+$0x16A00] =	vst v0  }
0x28: {  	[tilespmem:s0+$0x16A10] =	vst v0  }
.Ltmp0:
0x29: {  	[tilespmem:s0+$0x16A20] =	vst v0;
	(pc) =	sbr.rel @p0 .LBB2_2-.Ltmp0, $4  }
0x2a: {  	[tilespmem:s0+$0x16A30] =	vst v0  }
0x2b: {  	[tilespmem:s0+$0x16A40] =	vst v0  }
0x2c: {  	[tilespmem:s0+$0x16A50] =	vst v0  }
0x2d: {  	[tilespmem:s0+$0x16A60] =	vst v0;
	s0 =	sshra.s32 s8, $0x2;
	s8 =	sadd.s32 $0x200, s8  }
0x2e: {  	[tilespmem:s0+$0x16A70] =	vst v0  }
0x2f: {  	[tilespmem:s0+$0x16A00] =	vst v0  }
0x30: {  	[tilespmem:s0+$0x16A10] =	vst v0  }
0x31: {  	[tilespmem:s0+$0x16A20] =	vst v0  }
0x32: {  	[tilespmem:s0+$0x16A30] =	vst v0  }
0x33: {  	[tilespmem:s0+$0x16A40] =	vst v0  }
0x34: {  	[tilespmem:s0+$0x16A50] =	vst v0  }
0x35: {  	[tilespmem:s0+$0x16A60] =	vst v0  }
0x36: {  	[spmem:s24] =	stream.linear.scatter [tilespmem:s4], [sflag:$0x5], $0x2800, $0x38;
	[tilespmem:$0x1E200] =	vst v63  }
0x37: {  	_ =	swait.ge [sflag:s9], $0x2800  }
0x38: {  	[sflag:s9] =	ssyncset.done $0x0  }
0x39: {  	s29 =	rddreg [dreg:$0x5];
	[sflag:s9] =	ssyncadd.s32 $0xFFFFD800  }
0x3a: {  	[spmem:s29] =	stream.linear.scatter [tilespmem:s4], [sflag:$0x5], $0x2800, $0x38;
	[tilespmem:$0x1E200] =	vst v63  }
0x3b: {  	_ =	swait.ge [sflag:s9], $0x2800  }
0x3c: {  	[sflag:s9] =	ssyncset.done $0x0  }
0x3d: {  	s30 =	rddreg [dreg:$0x14];
	[sflag:s9] =	ssyncadd.s32 $0xFFFFD800  }
0x3e: {  	[spmem:s30] =	stream.linear.scatter [tilespmem:s4], [sflag:$0x5], $0x2800, $0x38;
	[tilespmem:$0x1E200] =	vst v63  }
0x3f: {  	_ =	swait.ge [sflag:s9], $0x2800  }
0x40: {  	[sflag:s9] =	ssyncset.done $0x0  }
0x41: {  	s31 =	rddreg [dreg:$0x15];
	[sflag:s9] =	ssyncadd.s32 $0xFFFFD800  }
0x42: {  	[spmem:s31] =	stream.linear.scatter [tilespmem:s4], [sflag:$0x5], $0x2800, $0x38;
	[tilespmem:$0x1E200] =	vst v63  }
0x43: {  	_ =	swait.ge [sflag:s9], $0x2800  }
0x44: {  	[sflag:s9] =	ssyncset.done $0x0  }
0x45: {  	s8 =	rddreg [dreg:$0x16];
	[sflag:s9] =	ssyncadd.s32 $0xFFFFD800  }
0x46: {  	[spmem:s8] =	stream.linear.scatter [tilespmem:s4], [sflag:$0x5], $0x2800, $0x38;
	[tilespmem:$0x1E200] =	vst v63  }
0x47: {  	_ =	swait.ge [sflag:s9], $0x2800  }
0x48: {  	[sflag:s9] =	ssyncset.done $0x0  }
0x49: {  	s24 =	rddreg [dreg:$0x17];
	[sflag:s9] =	ssyncadd.s32 $0xFFFFD800  }
0x4a: {  	[spmem:s24] =	stream.linear.scatter [tilespmem:s4], [sflag:$0x5], $0x2800, $0x38;
	[tilespmem:$0x1E200] =	vst v63  }
0x4b: {  	_ =	swait.ge [sflag:s9], $0x2800  }
0x4c: {  	[sflag:s9] =	ssyncset.done $0x0  }
0x4d: {  	s25 =	rddreg [dreg:$0x18];
	[sflag:s9] =	ssyncadd.s32 $0xFFFFD800  }
0x4e: {  	[spmem:s25] =	stream.linear.scatter [tilespmem:s4], [sflag:$0x5], $0x2800, $0x38;
	[tilespmem:$0x1E200] =	vst v63  }
0x4f: {  	_ =	swait.ge [sflag:s9], $0x2800  }
0x50: {  	[sflag:s9] =	ssyncset.done $0x0  }
0x51: {  	s26 =	rddreg [dreg:$0x19];
	[sflag:s9] =	ssyncadd.s32 $0xFFFFD800  }
0x52: {  	[spmem:s26] =	stream.linear.scatter [tilespmem:s4], [sflag:$0x5], $0x2800, $0x38;
	[tilespmem:$0x1E200] =	vst v63  }
0x53: {  	_ =	swait.ge [sflag:s9], $0x2800  }
0x54: {  	[sflag:s9] =	ssyncset.done $0x0  }
0x55: {  	[sflag:s9] =	ssyncadd.s32 $0xFFFFD800  }
0x56: {  	[bflag:$0x0] =	sbarrier.arrive $0xFFFF  }
0x57: {  	s25 =	simm.s32 $0x0;
	s28 =	rddreg [dreg:$0x6]  }
0x58: {  	[tilespmem:s10], [sflag:$0x5] =	stream.linear.gather [hbm4b:s28+s25], $0x50, $0x38;
	[tilespmem:$0x1E200] =	vst v63  }
0x59: {  	_ =	swait.ge [sflag:s9], $0x50  }
0x5a: {  	[sflag:s9] =	ssyncset.done $0x0  }
0x5b: {  	s29 =	rddreg [dreg:$0x7];
	[sflag:s9] =	ssyncadd.s32 $0xFFFFFFB0  }
0x5c: {  	[tilespmem:s11], [sflag:$0x5] =	stream.linear.gather [hbm4b:s29+s25], $0x50, $0x38;
	[tilespmem:$0x1E200] =	vst v63  }
0x5d: {  	_ =	swait.ge [sflag:s9], $0x50  }
0x5e: {  	[sflag:s9] =	ssyncset.done $0x0  }
0x5f: {  	[sflag:s9] =	ssyncadd.s32 $0xFFFFFFB0  }
0x60: {  	[tilespmem:s13], [sflag:$0x1] =	stream.indirect.gather [hbm4b:s1+s12], $0x80, s10, s12, $0xb8;
	[tilespmem:$0x1E200] =	vst v63  }
0x61: {  	_ = 	snop  }
0x62: {  	[tilespmem:s4], [sflag:$0x1] =	stream.indirect.gather [hbm4b:s5+s12], $0x80, s11, s12, $0xb8;
	[tilespmem:$0x1E200] =	vst v63  }
0x63: {  	s30 =	rddreg [dreg:$0x8]  }
0x64: {  	[tilespmem:s14], [sflag:$0x4] =	stream.linear.gather [hbm4b:s30+s25], $0x50, $0x38;
	[tilespmem:$0x1E200] =	vst v63  }
0x65: {  	s31 =	rddreg [dreg:$0x9]  }
0x66: {  	[tilespmem:s15], [sflag:$0x4] =	stream.linear.gather [hbm4b:s31+s25], $0x50, $0x38;
	[tilespmem:$0x1E200] =	vst v63  }
.LBB2_4:
0x67: {  	_ =	swait.ge [sflag:s16], $0x50  }
0x68: {  	[sflag:s16] =	ssyncset.done $0x0  }
0x69: {  	[sflag:s16] =	ssyncadd.s32 $0xFFFFFFB0  }
0x6a: {  	_ =	swait.ge [sflag:s16], $0x50  }
0x6b: {  	[sflag:s16] =	ssyncset.done $0x0  }
0x6c: {  	[sflag:s16] =	ssyncadd.s32 $0xFFFFFFB0  }
0x6d: {  	[tilespmem:s17], [sflag:$0x2] =	stream.indirect.gather [hbm4b:s1+s12], $0x80, s14, s12, $0xb8;
	[tilespmem:$0x1E200] =	vst v63  }
0x6e: {  	_ = 	snop  }
0x6f: {  	[tilespmem:s18], [sflag:$0x2] =	stream.indirect.gather [hbm4b:s5+s12], $0x80, s15, s12, $0xb8;
	[tilespmem:$0x1E200] =	vst v63  }
0x70: {  	_ =	swait.ge [sflag:s21], $0x2800  }
0x71: {  	[sflag:s21] =	ssyncset.done $0x0  }
0x72: {  	[sflag:s21] =	ssyncadd.s32 $0xFFFFD800  }
0x73: {  	_ =	swait.ge [sflag:s21], $0x2800  }
0x74: {  	[sflag:s21] =	ssyncset.done $0x0  }
0x75: {  	s0 =	simm.s32 $0x14300;
	[sflag:s21] =	ssyncadd.s32 $0xFFFFD800  }
0x76: {  	s26 =	simm.s32 $0x16B00;
	v1 =	vld [tilespmem:s0+$0xC0]  }
0x77: {  	v2 =	vld [tilespmem:s26+$0x80];
	_ =	sdelay $0x1  }
0x78: {  	v3 =	vld [tilespmem:s26+$0x90];
	_ =	sdelay $0x1  }
0x79: {  	v4 =	vld [tilespmem:s0+$0xFFFFFF40];
	v5 =	vshll.u32 v1, $0x10  }
0x7a: {  	v6 =	vld [tilespmem:s0+$0xFFFFFFC0];
	v2 =	vadd.f32 v5, v2  }
0x7b: {  	v7 =	vld [tilespmem:s26+$0xFFFFFF10];
	v1 =	vand.u32 $0xFFFF0000, v1  }
0x7c: {  	v1 =	vadd.f32 v1, v3;
	v3 =	vld [tilespmem:s26+$0xFFFFFF00];
	v2 =	vmul.f32 $1.442695020e+00, v2  }
0x7d: {  	v8 =	vld [tilespmem:s26+$0xFFFFFF80]  }
0x7e: {  	v1 =	vmul.f32 $1.442695020e+00, v1;
	(erf) = vpow2.f32 v2;
	v2 =	vld [tilespmem:s26+$0xFFFFFF90];
	_ =	sdelay $0x1  }
0x7f: {  	v5 =	vld [tilespmem:s0+$0x40];
	(erf) = vpow2.f32 v1;
	v1 =	vshll.u32 v4, $0x10  }
0x80: {  	v9 =	vld [tilespmem:s26+$0x0];
	v1 =	vadd.f32 v1, v3;
	v3 =	vshll.u32 v6, $0x10  }
0x81: {  	v4 =	vand.u32 $0xFFFF0000, v4;
	v6 =	vand.u32 $0xFFFF0000, v6;
	v3 =	vadd.f32 v3, v8  }
0x82: {  	v4 =	vadd.f32 v4, v7;
	v2 =	vadd.f32 v6, v2  }
0x83: {  	v8 =	vld [tilespmem:s26+$0x10];
	v1 =	vmul.f32 $1.442695020e+00, v1;
	v3 =	vmul.f32 $1.442695020e+00, v3  }
0x84: {  	v7 =	vshll.u32 v5, $0x10;
	v4 =	vmul.f32 $1.442695020e+00, v4;
	v2 =	vmul.f32 $1.442695020e+00, v2  }
0x85: {  	v10 =	vld [tilespmem:s0+$0xFFFFFF80];
	v6 =	vadd.f32 v7, v9;
	(erf) = vpow2.f32 v1  }
0x86: {  	v14 =	vld [tilespmem:s0+$0xFFFFFF00];
	(erf) = vpow2.f32 v4  }
0x87: {  	v15 =	vld [tilespmem:s26+$0xFFFFFF20];
	v5 =	vand.u32 $0xFFFF0000, v5;
	v4 =	vmul.f32 $1.442695020e+00, v6;
	(erf) = vpow2.f32 v3;
	v3 =	vpop (erf)  }
0x88: {  	v16 =	vld [tilespmem:s26+$0xFFFFFF30];
	v5 =	vadd.f32 v5, v8;
	(erf) = vpow2.f32 v2;
	v3 =	vadd.f32 $1.000000000e+00, v3;
	v2 =	vpop (erf)  }
0x89: {  	v17 =	vld [tilespmem:s26+$0xFFFFFFA0];
	(erf) = vpow2.f32 v4;
	v2 =	vadd.f32 $1.000000000e+00, v2  }
0x8a: {  	v18 =	vld [tilespmem:s26+$0xFFFFFFB0];
	(erf) = vrcp.f32 v3;
	v3 =	vmul.f32 $1.442695020e+00, v5  }
0x8b: {  	v19 =	vld [tilespmem:s26+$0x20];
	(erf) = vrcp.f32 v2  }
0x8c: {  	v2 =	vld [tilespmem:s0+$0x80];
	(erf) = vpow2.f32 v3  }
0x8d: {  	v20 =	vld [tilespmem:s26+$0x30]  }
0x8e: {  	v13 =	vld [tilespmem:s26+$0xFFFFFF40];
	v3 =	vpop (erf)  }
0x8f: {  	v12 =	vld [tilespmem:s26+$0xFFFFFF50];
	v4 =	vpop (erf)  }
0x90: {  	v11 =	vld [tilespmem:s26+$0xFFFFFFC0];
	v5 =	vpop (erf)  }
0x91: {  	v9 =	vld [tilespmem:s26+$0xFFFFFFD0];
	v3 =	vadd.f32 $1.000000000e+00, v3;
	v6 =	vpop (erf);
	v5 =	vadd.f32 $1.000000000e+00, v5;
	v22 =	vshll.u32 v2, $0x10  }
0x92: {  	v7 =	vld [tilespmem:s26+$0x50];
	v4 =	vadd.f32 $1.000000000e+00, v4;
	v21 =	vpop (erf)  }
0x93: {  	v1 =	vld [tilespmem:s0+$0x0];
	(erf) = vrcp.f32 v3;
	v2 =	vand.u32 $0xFFFF0000, v2;
	v23 =	vpop (erf)  }
0x94: {  	v8 =	vld [tilespmem:s26+$0x40];
	(erf) = vrcp.f32 v4;
	v3 =	vmul.f32 v22, v23;
	v23 =	vadd.f32 $1.000000000e+00, v6;
	v22 =	vpop (erf)  }
0x95: {  	v4 =	vld [tilespmem:s26+$0xFFFFFF70];
	v21 =	vadd.f32 $1.000000000e+00, v21;
	(erf) = vrcp.f32 v5;
	v2 =	vmul.f32 v2, v22;
	v5 =	vpop (erf)  }
0x96: {  	v6 =	vld [tilespmem:s26+$0xFFFFFF60];
	[tilespmem:s26+$0x80] =	vst v3;
	(erf) = vrcp.f32 v23;
	v5 =	vadd.f32 $1.000000000e+00, v5  }
0x97: {  	v3 =	vld [tilespmem:s26+$0xFFFFFFE0];
	(erf) = vrcp.f32 v21;
	[tilespmem:s26+$0x90] =	vst v2  }
0x98: {  	v2 =	vld [tilespmem:s0+$0xD0];
	(erf) = vrcp.f32 v5  }
0x99: {  	v5 =	vld [tilespmem:s26+$0xA0];
	_ =	sdelay $0x1  }
0x9a: {  	v21 =	vld [tilespmem:s26+$0xB0]  }
0x9b: {  	v23 =	vshll.u32 v14, $0x10  }
0x9c: {  	v24 =	vpop (erf);
	v22 =	vshll.u32 v2, $0x10  }
0x9d: {  	v5 =	vadd.f32 v22, v5;
	v22 =	vmul.f32 v23, v24  }
0x9e: {  	v14 =	vand.u32 $0xFFFF0000, v14;
	v2 =	vand.u32 $0xFFFF0000, v2;
	v23 =	vpop (erf)  }
0x9f: {  	v2 =	vadd.f32 v2, v21;
	v14 =	vmul.f32 v14, v23;
	v5 =	vmul.f32 $1.442695020e+00, v5  }
0xa0: {  	[tilespmem:s26+$0xFFFFFF00] =	vst v22  }
0xa1: {  	v21 =	vshll.u32 v10, $0x10;
	v2 =	vmul.f32 $1.442695020e+00, v2;
	[tilespmem:s26+$0xFFFFFF10] =	vst v14;
	v22 =	vpop (erf);
	(erf) = vpow2.f32 v5  }
0xa2: {  	v14 =	vmul.f32 v21, v22;
	v22 =	vld [tilespmem:s0+$0xFFFFFF50]  }
0xa3: {  	(erf) = vpow2.f32 v2  }
0xa4: {  	v10 =	vand.u32 $0xFFFF0000, v10;
	v21 =	vpop (erf)  }
0xa5: {  	v2 =	vmul.f32 v10, v21  }
0xa6: {  	[tilespmem:s26+$0xFFFFFF80] =	vst v14  }
0xa7: {  	v21 =	vpop (erf);
	v14 =	vshll.u32 v1, $0x10;
	[tilespmem:s26+$0xFFFFFF90] =	vst v2;
	v23 =	vshll.u32 v22, $0x10  }
0xa8: {  	v24 =	vand.u32 $0xFFFF0000, v1;
	v14 =	vmul.f32 v14, v21;
	v21 =	vpop (erf);
	v10 =	vld [tilespmem:s0+$0xFFFFFFD0];
	v15 =	vadd.f32 v23, v15  }
0xa9: {  	v21 =	vmul.f32 v24, v21;
	v22 =	vand.u32 $0xFFFF0000, v22  }
0xaa: {  	[tilespmem:s26+$0x0] =	vst v14;
	v14 =	vadd.f32 v22, v16;
	v15 =	vmul.f32 $1.442695020e+00, v15;
	v16 =	vpop (erf)  }
0xab: {  	[tilespmem:s26+$0x10] =	vst v21;
	v16 =	vadd.f32 $1.000000000e+00, v16  }
0xac: {  	v23 =	vld [tilespmem:s0+$0x50];
	v22 =	vpop (erf);
	(erf) = vpow2.f32 v15  }
0xad: {  	v21 =	vshll.u32 v10, $0x10;
	v15 =	vadd.f32 $1.000000000e+00, v22;
	(erf) = vrcp.f32 v16  }
0xae: {  	v17 =	vadd.f32 v21, v17  }
0xaf: {  	v14 =	vmul.f32 $1.442695020e+00, v14;
	v10 =	vand.u32 $0xFFFF0000, v10;
	(erf) = vrcp.f32 v15  }
0xb0: {  	v10 =	vadd.f32 v10, v18;
	v16 =	vmul.f32 $1.442695020e+00, v17  }
0xb1: {  	v15 =	vld [tilespmem:s0+$0x90];
	(erf) = vpow2.f32 v14;
	v14 =	vshll.u32 v23, $0x10  }
0xb2: {  	v10 =	vmul.f32 $1.442695020e+00, v10;
	(erf) = vpow2.f32 v16;
	v14 =	vadd.f32 v14, v19;
	_ =	sdelay $0x1  }
0xb3: {  	(erf) = vpow2.f32 v10;
	v10 =	vand.u32 $0xFFFF0000, v23;
	v14 =	vmul.f32 $1.442695020e+00, v14  }
0xb4: {  	v10 =	vadd.f32 v10, v20;
	v16 =	vpop (erf)  }
0xb5: {  	(erf) = vpow2.f32 v14;
	v14 =	vshll.u32 v15, $0x10;
	v17 =	vpop (erf)  }
0xb6: {  	v10 =	vmul.f32 $1.442695020e+00, v10;
	v14 =	vmul.f32 v14, v17  }
0xb7: {  	v15 =	vand.u32 $0xFFFF0000, v15;
	v17 =	vpop (erf)  }
0xb8: {  	(erf) = vpow2.f32 v10;
	v15 =	vmul.f32 v15, v17  }
0xb9: {  	v16 =	vadd.f32 $1.000000000e+00, v16;
	v17 =	vpop (erf);
	[tilespmem:s26+$0xA0] =	vst v14  }
0xba: {  	v17 =	vadd.f32 $1.000000000e+00, v17;
	[tilespmem:s26+$0xB0] =	vst v15;
	v14 =	vpop (erf)  }
0xbb: {  	(erf) = vrcp.f32 v16;
	v16 =	vld [tilespmem:s0+$0xE0];
	v14 =	vadd.f32 $1.000000000e+00, v14  }
0xbc: {  	(erf) = vrcp.f32 v17;
	v17 =	vld [tilespmem:s26+$0xC0];
	v15 =	vpop (erf)  }
0xbd: {  	v15 =	vadd.f32 $1.000000000e+00, v15;
	(erf) = vrcp.f32 v14;
	v14 =	vld [tilespmem:s26+$0xD0];
	_ =	sdelay $0x1  }
0xbe: {  	v18 =	vpop (erf);
	(erf) = vrcp.f32 v15;
	v15 =	vld [tilespmem:s0+$0xFFFFFF10]  }
0xbf: {  	v18 =	vadd.f32 $1.000000000e+00, v18;
	v21 =	vshll.u32 v16, $0x10  }
0xc0: {  	v20 =	vpop (erf);
	v16 =	vand.u32 $0xFFFF0000, v16;
	v17 =	vadd.f32 v21, v17  }
0xc1: {  	v20 =	vadd.f32 $1.000000000e+00, v20;
	v14 =	vadd.f32 v16, v14  }
0xc2: {  	(erf) = vrcp.f32 v18;
	v17 =	vmul.f32 $1.442695020e+00, v17  }
0xc3: {  	v19 =	vld [tilespmem:s0+$0xFFFFFF90];
	(erf) = vrcp.f32 v20;
	v18 =	vpop (erf);
	v16 =	vshll.u32 v15, $0x10;
	v14 =	vmul.f32 $1.442695020e+00, v14  }
0xc4: {  	v15 =	vand.u32 $0xFFFF0000, v15;
	v16 =	vmul.f32 v16, v18;
	v18 =	vpop (erf);
	(erf) = vpow2.f32 v17  }
0xc5: {  	v15 =	vmul.f32 v15, v18;
	(erf) = vpow2.f32 v14  }
0xc6: {  	[tilespmem:s26+$0xFFFFFF20] =	vst v16  }
0xc7: {  	[tilespmem:s26+$0xFFFFFF30] =	vst v15  }
0xc8: {  	v20 =	vshll.u32 v19, $0x10;
	v17 =	vand.u32 $0xFFFF0000, v19;
	v18 =	vpop (erf);
	v15 =	vld [tilespmem:s0+$0xFFFFFF60]  }
0xc9: {  	s28 =	simm.s32 $0x16D00;
	v16 =	vmul.f32 v20, v18;
	v18 =	vpop (erf)  }
0xca: {  	s31 =	simm.s32 $0x14500;
	v20 =	vld [tilespmem:s28+$0x90];
	v14 =	vmul.f32 v17, v18  }
0xcb: {  	v17 =	vpop (erf);
	[tilespmem:s26+$0xFFFFFFA0] =	vst v16;
	v16 =	vld [tilespmem:s31+$0xC0]  }
0xcc: {  	v18 =	vld [tilespmem:s28+$0x80];
	[tilespmem:s26+$0xFFFFFFB0] =	vst v14;
	v19 =	vpop (erf)  }
0xcd: {  	v14 =	vld [tilespmem:s0+$0xFFFFFFE0];
	v21 =	vshll.u32 v15, $0x10;
	v22 =	vpop (erf)  }
0xce: {  	v15 =	vand.u32 $0xFFFF0000, v15;
	v13 =	vadd.f32 v21, v13;
	v21 =	vadd.f32 $1.000000000e+00, v22;
	v22 =	vpop (erf)  }
0xcf: {  	v23 =	vld [tilespmem:s31+$0xFFFFFF40];
	v12 =	vadd.f32 v15, v12;
	v15 =	vadd.f32 $1.000000000e+00, v22  }
0xd0: {  	v25 =	vshll.u32 v16, $0x10;
	(erf) = vrcp.f32 v21  }
0xd1: {  	v16 =	vand.u32 $0xFFFF0000, v16;
	v18 =	vadd.f32 v25, v18;
	(erf) = vrcp.f32 v15;
	v15 =	vld [tilespmem:s28+$0xFFFFFF10]  }
0xd2: {  	v24 =	vld [tilespmem:s31+$0xFFFFFFC0];
	v16 =	vadd.f32 v16, v20;
	v25 =	vshll.u32 v14, $0x10  }
0xd3: {  	v11 =	vadd.f32 v25, v11;
	v18 =	vmul.f32 $1.442695020e+00, v18;
	v25 =	vld [tilespmem:s0+$0xA0]  }
0xd4: {  	v26 =	vshll.u32 v23, $0x10;
	v21 =	vld [tilespmem:s28+$0xFFFFFF00];
	v13 =	vmul.f32 $1.442695020e+00, v13;
	v16 =	vmul.f32 $1.442695020e+00, v16  }
0xd5: {  	v20 =	vld [tilespmem:s28+$0xFFFFFF80];
	v12 =	vmul.f32 $1.442695020e+00, v12;
	(erf) = vpow2.f32 v18;
	v18 =	vand.u32 $0xFFFF0000, v23  }
0xd6: {  	v27 =	vld [tilespmem:s28+$0xFFFFFF90];
	v11 =	vmul.f32 $1.442695020e+00, v11;
	(erf) = vpow2.f32 v16;
	v15 =	vadd.f32 v18, v15  }
0xd7: {  	v22 =	vld [tilespmem:s31+$0x40];
	v23 =	vand.u32 $0xFFFF0000, v24;
	v16 =	vshll.u32 v24, $0x10;
	(erf) = vpow2.f32 v13  }
0xd8: {  	v24 =	vld [tilespmem:s28+$0x0];
	(erf) = vpow2.f32 v12;
	v12 =	vmul.f32 $1.442695020e+00, v15;
	v15 =	vshll.u32 v25, $0x10  }
0xd9: {  	v21 =	vadd.f32 v26, v21  }
0xda: {  	v16 =	vadd.f32 v16, v20;
	(erf) = vpow2.f32 v11;
	v11 =	vpop (erf)  }
0xdb: {  	v13 =	vmul.f32 $1.442695020e+00, v21;
	v21 =	vand.u32 $0xFFFF0000, v25;
	v11 =	vmul.f32 v15, v11;
	v15 =	vpop (erf)  }
0xdc: {  	v20 =	vadd.f32 v23, v27;
	v18 =	vshll.u32 v22, $0x10;
	v15 =	vmul.f32 v21, v15  }
0xdd: {  	v23 =	vld [tilespmem:s28+$0x10];
	v16 =	vmul.f32 $1.442695020e+00, v16;
	v24 =	vadd.f32 v18, v24;
	(erf) = vpow2.f32 v13  }
0xde: {  	v20 =	vmul.f32 $1.442695020e+00, v20;
	(erf) = vpow2.f32 v12  }
0xdf: {  	v13 =	vld [tilespmem:s0+$0x10];
	[tilespmem:s26+$0xC0] =	vst v11;
	v11 =	vmul.f32 $1.442695020e+00, v24;
	(erf) = vpow2.f32 v16;
	v12 =	vpop (erf)  }
0xe0: {  	(erf) = vpow2.f32 v20;
	v20 =	vand.u32 $0xFFFF0000, v22;
	v12 =	vadd.f32 $1.000000000e+00, v12;
	[tilespmem:s26+$0xD0] =	vst v15;
	v15 =	vpop (erf)  }
0xe1: {  	(erf) = vpow2.f32 v11;
	v11 =	vand.u32 $0xFFFF0000, v14;
	v15 =	vadd.f32 $1.000000000e+00, v15  }
0xe2: {  	v14 =	vadd.f32 v20, v23;
	v9 =	vadd.f32 v11, v9;
	v21 =	vld [tilespmem:s0+$0xF0]  }
0xe3: {  	v20 =	vld [tilespmem:s26+$0xF0];
	(erf) = vrcp.f32 v12  }
0xe4: {  	v12 =	vshll.u32 v13, $0x10;
	v14 =	vmul.f32 $1.442695020e+00, v14;
	v9 =	vmul.f32 $1.442695020e+00, v9;
	v22 =	vpop (erf)  }
0xe5: {  	v13 =	vand.u32 $0xFFFF0000, v13;
	v12 =	vmul.f32 v12, v17;
	(erf) = vrcp.f32 v15;
	v15 =	vpop (erf)  }
0xe6: {  	v13 =	vmul.f32 v13, v19;
	v22 =	vadd.f32 $1.000000000e+00, v22;
	v19 =	vpop (erf);
	v15 =	vadd.f32 $1.000000000e+00, v15  }
0xe7: {  	v24 =	vld [tilespmem:s31+$0x80];
	[tilespmem:s26+$0x20] =	vst v12;
	(erf) = vpow2.f32 v14;
	v14 =	vand.u32 $0xFFFF0000, v21;
	v25 =	vpop (erf);
	v12 =	vadd.f32 $1.000000000e+00, v19  }
0xe8: {  	v14 =	vadd.f32 v14, v20;
	(erf) = vpow2.f32 v9;
	v9 =	vpop (erf)  }
0xe9: {  	[tilespmem:s26+$0x30] =	vst v13;
	(erf) = vrcp.f32 v22;
	v19 =	vpop (erf)  }
0xea: {  	v20 =	vld [tilespmem:s0+$0x60];
	v13 =	vmul.f32 $1.442695020e+00, v14;
	(erf) = vrcp.f32 v15;
	v15 =	vpop (erf)  }
0xeb: {  	(erf) = vrcp.f32 v12;
	v12 =	vpop (erf)  }
0xec: {  	(erf) = vpow2.f32 v13;
	v13 =	vshll.u32 v24, $0x10;
	v28 =	vpop (erf)  }
0xed: {  	v14 =	vadd.f32 $1.000000000e+00, v25;
	v13 =	vmul.f32 v13, v28  }
0xee: {  	v10 =	vld [tilespmem:s26+$0xE0];
	v9 =	vadd.f32 $1.000000000e+00, v9;
	v19 =	vadd.f32 $1.000000000e+00, v19  }
0xef: {  	(erf) = vrcp.f32 v14;
	v14 =	vand.u32 $0xFFFF0000, v24;
	v24 =	vpop (erf);
	[tilespmem:s28+$0x80] =	vst v13;
	v13 =	vshll.u32 v20, $0x10  }
0xf0: {  	v15 =	vadd.f32 $1.000000000e+00, v15;
	(erf) = vrcp.f32 v9;
	v24 =	vmul.f32 v14, v24  }
0xf1: {  	v21 =	vshll.u32 v21, $0x10;
	v12 =	vadd.f32 $1.000000000e+00, v12;
	v31 =	vpop (erf);
	(erf) = vrcp.f32 v19  }
0xf2: {  	[tilespmem:s28+$0x90] =	vst v24;
	v8 =	vadd.f32 v13, v8;
	v24 =	vadd.f32 $1.000000000e+00, v31;
	v13 =	vpop (erf);
	(erf) = vrcp.f32 v15  }
0xf3: {  	v17 =	vld [tilespmem:s31+$0xFFFFFF00];
	v10 =	vadd.f32 v21, v10;
	v20 =	vand.u32 $0xFFFF0000, v20  }
0xf4: {  	v32 =	vld [tilespmem:s28+$0xA0];
	v7 =	vadd.f32 v20, v7;
	v31 =	vpop (erf);
	(erf) = vrcp.f32 v12;
	v12 =	vmul.f32 $1.442695020e+00, v8  }
0xf5: {  	v19 =	vld [tilespmem:s31+$0xD0];
	v13 =	vadd.f32 $1.000000000e+00, v13;
	v21 =	vpop (erf)  }
0xf6: {  	v11 =	vld [tilespmem:s31+$0xFFFFFF80];
	v7 =	vmul.f32 $1.442695020e+00, v7;
	(erf) = vrcp.f32 v24;
	v24 =	vpop (erf)  }
0xf7: {  	v33 =	vld [tilespmem:s28+$0xB0];
	v35 =	vmul.f32 $1.442695020e+00, v10;
	(erf) = vpow2.f32 v12;
	v10 =	vpop (erf)  }
0xf8: {  	v30 =	vshll.u32 v17, $0x10;
	(erf) = vpow2.f32 v7;
	v12 =	vpop (erf)  }
0xf9: {  	(erf) = vrcp.f32 v13;
	v13 =	vpop (erf);
	v30 =	vmul.f32 v30, v12  }
0xfa: {  	v34 =	vand.u32 $0xFFFF0000, v17;
	v17 =	vshll.u32 v19, $0x10;
	v19 =	vand.u32 $0xFFFF0000, v19;
	v61 =	vpop (erf)  }
0xfb: {  	v23 =	vld [tilespmem:s31+$0x0];
	v10 =	vadd.f32 $1.000000000e+00, v10;
	v32 =	vadd.f32 v17, v32;
	[tilespmem:s28+$0xFFFFFF00] =	vst v30;
	v30 =	vand.u32 $0xFFFF0000, v11;
	v62 =	vpop (erf)  }
0xfc: {  	v19 =	vadd.f32 v19, v33;
	v13 =	vmul.f32 v34, v13;
	v30 =	vmul.f32 v30, v62  }
0xfd: {  	v26 =	vld [tilespmem:s28+$0xFFFFFF20];
	(erf) = vrcp.f32 v10;
	v32 =	vmul.f32 $1.442695020e+00, v32  }
0xfe: {  	v18 =	vld [tilespmem:s0+$0xFFFFFF20];
	v60 =	vshll.u32 v11, $0x10;
	v19 =	vmul.f32 $1.442695020e+00, v19;
	(erf) = vpow2.f32 v35  }
0xff: {  	v16 =	vld [tilespmem:s0+$0xFFFFFFA0];
	v33 =	vmul.f32 v60, v61;
	[tilespmem:s28+$0xFFFFFF10] =	vst v13;
	(erf) = vpow2.f32 v32;
	v39 =	vpop (erf)  }
0x100: {  	v38 =	vshll.u32 v23, $0x10;
	v23 =	vand.u32 $0xFFFF0000, v23;
	v63 =	vld [tilespmem:s31+$0xFFFFFF50];
	(erf) = vpow2.f32 v19;
	[tilespmem:s28+$0xFFFFFF90] =	vst v30;
	v30 =	vpop (erf)  }
0x101: {  	v27 =	vld [tilespmem:s28+$0xFFFFFF30];
	[tilespmem:s28+$0xFFFFFF80] =	vst v33;
	v23 =	vmul.f32 v23, v30  }
0x102: {  	v40 =	vmul.f32 v38, v39;
	v41 =	vld [tilespmem:s31+$0xFFFFFFD0]  }
0x103: {  	v42 =	vshll.u32 v18, $0x10;
	v18 =	vand.u32 $0xFFFF0000, v18;
	v22 =	vld [tilespmem:s28+$0xFFFFFFA0];
	v30 =	vpop (erf)  }
0x104: {  	v36 =	vshll.u32 v16, $0x10;
	v16 =	vand.u32 $0xFFFF0000, v16;
	v25 =	vld [tilespmem:s28+$0xFFFFFFB0];
	v31 =	vmul.f32 v42, v31;
	[tilespmem:s28+$0x0] =	vst v40;
	v43 =	vpop (erf)  }
0x105: {  	v29 =	vld [tilespmem:s28+$0x20];
	v44 =	vmul.f32 v18, v21;
	v37 =	vshll.u32 v63, $0x10;
	v30 =	vadd.f32 $1.000000000e+00, v30;
	[tilespmem:s28+$0x10] =	vst v23;
	v23 =	vpop (erf)  }
0x106: {  	v24 =	vmul.f32 v36, v24;
	[tilespmem:s26+$0xFFFFFF40] =	vst v31;
	v32 =	vand.u32 $0xFFFF0000, v63;
	v26 =	vadd.f32 v37, v26;
	v38 =	vld [tilespmem:s31+$0x50];
	v21 =	vpop (erf)  }
0x107: {  	v28 =	vld [tilespmem:s28+$0x30];
	[tilespmem:s26+$0xFFFFFF50] =	vst v44;
	v27 =	vadd.f32 v32, v27;
	(erf) = vrcp.f32 v30;
	v30 =	vshll.u32 v41, $0x10;
	v18 =	vpop (erf)  }
0x108: {  	v46 =	vld [tilespmem:s0+$0xFFFFFF70];
	v26 =	vmul.f32 $1.442695020e+00, v26;
	v45 =	vand.u32 $0xFFFF0000, v41;
	v22 =	vadd.f32 v30, v22;
	v31 =	vpop (erf)  }
0x109: {  	v27 =	vmul.f32 $1.442695020e+00, v27;
	v25 =	vadd.f32 v45, v25;
	v30 =	vadd.f32 $1.000000000e+00, v31;
	v31 =	vpop (erf)  }
0x10a: {  	(erf) = vpow2.f32 v26;
	v16 =	vmul.f32 v16, v23;
	v26 =	vadd.f32 $1.000000000e+00, v31  }
0x10b: {  	v22 =	vmul.f32 $1.442695020e+00, v22;
	v31 =	vshll.u32 v38, $0x10;
	(erf) = vrcp.f32 v30  }
0x10c: {  	v30 =	vand.u32 $0xFFFF0000, v38;
	v29 =	vadd.f32 v31, v29;
	(erf) = vrcp.f32 v26  }
0x10d: {  	v26 =	vadd.f32 v30, v28;
	(erf) = vpow2.f32 v27;
	v27 =	vshll.u32 v46, $0x10  }
0x10e: {  	v25 =	vmul.f32 $1.442695020e+00, v25;
	v28 =	vmul.f32 $1.442695020e+00, v29;
	v6 =	vadd.f32 v27, v6  }
0x10f: {  	v29 =	vld [tilespmem:s0+$0x20];
	v26 =	vmul.f32 $1.442695020e+00, v26;
	(erf) = vpow2.f32 v22  }
0x110: {  	v23 =	vand.u32 $0xFFFF0000, v46;
	v22 =	vld [tilespmem:s31+$0x90];
	(erf) = vpow2.f32 v25;
	v6 =	vmul.f32 $1.442695020e+00, v6  }
0x111: {  	v5 =	vld [tilespmem:s26+$0xFFFFFFF0];
	[tilespmem:s26+$0xFFFFFFC0] =	vst v24;
	v24 =	vadd.f32 $1.000000000e+00, v43;
	(erf) = vpow2.f32 v28  }
0x112: {  	v4 =	vadd.f32 v23, v4;
	v25 =	vpop (erf);
	(erf) = vpow2.f32 v26  }
0x113: {  	[tilespmem:s26+$0xFFFFFFD0] =	vst v16;
	v23 =	vpop (erf);
	(erf) = vrcp.f32 v24  }
0x114: {  	v16 =	vld [tilespmem:s0+$0xFFFFFFF0];
	v24 =	vmul.f32 $1.442695020e+00, v4;
	(erf) = vpow2.f32 v6;
	v6 =	vpop (erf)  }
0x115: {  	v26 =	vshll.u32 v29, $0x10;
	v4 =	vshll.u32 v22, $0x10;
	v22 =	vand.u32 $0xFFFF0000, v22;
	v27 =	vpop (erf)  }
0x116: {  	v22 =	vmul.f32 v22, v27  }
0x117: {  	v23 =	vadd.f32 $1.000000000e+00, v23;
	v6 =	vmul.f32 v4, v6  }
0x118: {  	v25 =	vmul.f32 v26, v25;
	(erf) = vpow2.f32 v24;
	v26 =	vpop (erf)  }
0x119: {  	(erf) = vrcp.f32 v23;
	[tilespmem:s28+$0xA0] =	vst v6;
	v6 =	vshll.u32 v16, $0x10;
	v23 =	vadd.f32 $1.000000000e+00, v26;
	v26 =	vpop (erf)  }
0x11a: {  	v16 =	vand.u32 $0xFFFF0000, v16;
	[tilespmem:s28+$0xB0] =	vst v22;
	v3 =	vadd.f32 v6, v3;
	v6 =	vadd.f32 $1.000000000e+00, v26;
	v22 =	vpop (erf)  }
0x11b: {  	v5 =	vadd.f32 v16, v5;
	v16 =	vadd.f32 $1.000000000e+00, v22;
	v22 =	vpop (erf)  }
0x11c: {  	v26 =	vld [tilespmem:s31+$0xE0];
	v22 =	vadd.f32 $1.000000000e+00, v22  }
0x11d: {  	(erf) = vrcp.f32 v23;
	v23 =	vld [tilespmem:s28+$0xC0]  }
0x11e: {  	(erf) = vrcp.f32 v6;
	v6 =	vpop (erf)  }
0x11f: {  	v6 =	vadd.f32 $1.000000000e+00, v6;
	(erf) = vrcp.f32 v16;
	v16 =	vpop (erf)  }
0x120: {  	v27 =	vld [tilespmem:s28+$0xD0];
	v3 =	vmul.f32 $1.442695020e+00, v3;
	(erf) = vrcp.f32 v22;
	v22 =	vpop (erf)  }
0x121: {  	v28 =	vld [tilespmem:s31+$0xFFFFFF10];
	(erf) = vrcp.f32 v6;
	v6 =	vadd.f32 $1.000000000e+00, v22;
	v22 =	vshll.u32 v26, $0x10  }
0x122: {  	v1 =	vld [tilespmem:s26+$0x70];
	v24 =	vand.u32 $0xFFFF0000, v29;
	v5 =	vmul.f32 $1.442695020e+00, v5;
	v22 =	vadd.f32 v22, v23  }
0x123: {  	v2 =	vld [tilespmem:s26+$0x60];
	v16 =	vmul.f32 v24, v16;
	v29 =	vpop (erf);
	(erf) = vpow2.f32 v3  }
0x124: {  	[tilespmem:s26+$0x40] =	vst v25;
	v24 =	vld [tilespmem:s31+$0xFFFFFF90];
	v3 =	vand.u32 $0xFFFF0000, v26;
	v25 =	vadd.f32 $1.000000000e+00, v29;
	(erf) = vpow2.f32 v5  }
0x125: {  	v23 =	vld [tilespmem:s0+$0xB0];
	v3 =	vadd.f32 v3, v27;
	[tilespmem:s26+$0x50] =	vst v16;
	(erf) = vrcp.f32 v6  }
0x126: {  	s30 =	simm.s32 $0x16F00;
	v26 =	vld [tilespmem:s0+$0x70];
	v16 =	vmul.f32 $1.442695020e+00, v22;
	v22 =	vpop (erf);
	(erf) = vrcp.f32 v25;
	v25 =	vand.u32 $0xFFFF0000, v28  }
0x127: {  	v49 =	vld [tilespmem:s30+$0xFFFFFF00];
	v6 =	vshll.u32 v28, $0x10  }
0x128: {  	v18 =	vadd.f32 $1.000000000e+00, v18;
	v5 =	vld [tilespmem:s31+$0x10];
	v3 =	vmul.f32 $1.442695020e+00, v3;
	v6 =	vmul.f32 v6, v22;
	v22 =	vpop (erf)  }
0x129: {  	v9 =	vld [tilespmem:s28+$0xFFFFFF50];
	v27 =	vshll.u32 v24, $0x10;
	(erf) = vpow2.f32 v16;
	v22 =	vmul.f32 v25, v22;
	v25 =	vpop (erf)  }
0x12a: {  	v24 =	vand.u32 $0xFFFF0000, v24;
	v16 =	vld [tilespmem:s0+$0xFFFFFF30];
	(erf) = vpow2.f32 v3;
	[tilespmem:s28+$0xFFFFFF20] =	vst v6;
	v6 =	vmul.f32 v27, v25;
	v25 =	vpop (erf)  }
0x12b: {  	v14 =	vld [tilespmem:s28+$0xFFFFFF40];
	v3 =	vand.u32 $0xFFFF0000, v23;
	[tilespmem:s28+$0xFFFFFF30] =	vst v22;
	v22 =	vmul.f32 v24, v25;
	v25 =	vshll.u32 v26, $0x10  }
0x12c: {  	v28 =	vand.u32 $0xFFFF0000, v26;
	v21 =	vmul.f32 v3, v21;
	v3 =	vld [tilespmem:s0+$0xFFFFFFB0];
	v2 =	vadd.f32 v25, v2  }
0x12d: {  	s29 =	simm.s32 $0x14700;
	v1 =	vadd.f32 v28, v1;
	v27 =	vshll.u32 v5, $0x10;
	v5 =	vand.u32 $0xFFFF0000, v5;
	v24 =	vpop (erf);
	v30 =	vld [tilespmem:s31+$0xFFFFFF60];
	[tilespmem:s28+$0xFFFFFFA0] =	vst v6  }
0x12e: {  	(erf) = vrcp.f32 v18;
	[tilespmem:s28+$0xFFFFFFB0] =	vst v22;
	v22 =	vshll.u32 v23, $0x10;
	v23 =	vld [tilespmem:s29+$0xC0];
	v6 =	vpop (erf);
	v2 =	vmul.f32 $1.442695020e+00, v2  }
0x12f: {  	v15 =	vld [tilespmem:s28+$0xFFFFFFC0];
	v1 =	vmul.f32 $1.442695020e+00, v1;
	v26 =	vshll.u32 v16, $0x10;
	v25 =	vand.u32 $0xFFFF0000, v16;
	v31 =	vpop (erf)  }
0x130: {  	v18 =	vld [tilespmem:s30+$0x80];
	v5 =	vmul.f32 v5, v6;
	v40 =	vpop (erf);
	v6 =	vadd.f32 $1.000000000e+00, v31;
	(erf) = vpow2.f32 v2  }
0x131: {  	v42 =	vmul.f32 v27, v24;
	v27 =	vshll.u32 v3, $0x10;
	v2 =	vld [tilespmem:s30+$0x90];
	v28 =	vpop (erf);
	(erf) = vpow2.f32 v1  }
0x132: {  	v16 =	vld [tilespmem:s31+$0xFFFFFFE0];
	v1 =	vshll.u32 v30, $0x10;
	v30 =	vand.u32 $0xFFFF0000, v30;
	v29 =	vpop (erf);
	(erf) = vrcp.f32 v6  }
0x133: {  	v31 =	vld [tilespmem:s29+$0xFFFFFF40];
	v1 =	vadd.f32 v1, v14;
	v48 =	vshll.u32 v23, $0x10;
	v23 =	vand.u32 $0xFFFF0000, v23;
	v24 =	vpop (erf)  }
0x134: {  	v14 =	vld [tilespmem:s29+$0x40];
	v9 =	vadd.f32 v30, v9;
	v30 =	vand.u32 $0xFFFF0000, v3;
	v24 =	vadd.f32 $1.000000000e+00, v24;
	v47 =	vpop (erf)  }
0x135: {  	v50 =	vld [tilespmem:s30+$0xFFFFFF10];
	v18 =	vadd.f32 v48, v18;
	v1 =	vmul.f32 $1.442695020e+00, v1;
	v32 =	vadd.f32 $1.000000000e+00, v47  }
0x136: {  	v6 =	vld [tilespmem:s29+$0xFFFFFFC0];
	v3 =	vmul.f32 $1.442695020e+00, v9;
	v2 =	vadd.f32 v23, v2;
	(erf) = vrcp.f32 v24  }
0x137: {  	v23 =	vld [tilespmem:s30+$0xFFFFFF80];
	v18 =	vmul.f32 $1.442695020e+00, v18;
	v24 =	vshll.u32 v16, $0x10;
	(erf) = vrcp.f32 v32  }
0x138: {  	v53 =	vld [tilespmem:s30+$0xFFFFFF90];
	v52 =	vshll.u32 v31, $0x10;
	v15 =	vadd.f32 v24, v15;
	v2 =	vmul.f32 $1.442695020e+00, v2  }
0x139: {  	v9 =	vld [tilespmem:s31+$0xA0];
	v34 =	vadd.f32 v52, v49;
	v54 =	vshll.u32 v14, $0x10;
	(erf) = vpow2.f32 v18  }
0x13a: {  	v18 =	vand.u32 $0xFFFF0000, v31;
	v15 =	vmul.f32 $1.442695020e+00, v15;
	(erf) = vpow2.f32 v2  }
0x13b: {  	v39 =	vld [tilespmem:s30+$0x0];
	v24 =	vpop (erf);
	v2 =	vshll.u32 v6, $0x10;
	v6 =	vand.u32 $0xFFFF0000, v6;
	v18 =	vadd.f32 v18, v50  }
0x13c: {  	v33 =	vpop (erf);
	(erf) = vpow2.f32 v1;
	v1 =	vmul.f32 $1.442695020e+00, v34;
	v2 =	vadd.f32 v2, v23  }
0x13d: {  	v8 =	vld [tilespmem:s28+$0xFFFFFFD0];
	v6 =	vadd.f32 v6, v53;
	v32 =	vpop (erf);
	(erf) = vpow2.f32 v3;
	v18 =	vmul.f32 $1.442695020e+00, v18  }
0x13e: {  	v3 =	vshll.u32 v9, $0x10;
	v31 =	vpop (erf);
	(erf) = vpow2.f32 v15;
	v2 =	vmul.f32 $1.442695020e+00, v2  }
0x13f: {  	v55 =	vld [tilespmem:s30+$0x10];
	v9 =	vand.u32 $0xFFFF0000, v9;
	v6 =	vmul.f32 $1.442695020e+00, v6;
	(erf) = vpow2.f32 v1;
	v23 =	vpop (erf)  }
0x140: {  	v15 =	vadd.f32 v54, v39;
	(erf) = vpow2.f32 v18;
	v3 =	vmul.f32 v3, v23;
	v23 =	vpop (erf)  }
0x141: {  	v1 =	vand.u32 $0xFFFF0000, v16;
	(erf) = vpow2.f32 v2;
	v9 =	vmul.f32 v9, v23  }
0x142: {  	v8 =	vadd.f32 v1, v8;
	v2 =	vpop (erf);
	(erf) = vpow2.f32 v6;
	[tilespmem:s28+$0xC0] =	vst v3  }
0x143: {  	v2 =	vadd.f32 $1.000000000e+00, v2;
	v6 =	vpop (erf);
	[tilespmem:s28+$0xD0] =	vst v9;
	v9 =	vand.u32 $0xFFFF0000, v14;
	v14 =	vmul.f32 $1.442695020e+00, v15  }
0x144: {  	v6 =	vadd.f32 $1.000000000e+00, v6;
	v45 =	vld [tilespmem:s31+$0xF0];
	v9 =	vadd.f32 v9, v55  }
0x145: {  	v15 =	vld [tilespmem:s28+$0xF0];
	(erf) = vpow2.f32 v14  }
0x146: {  	v9 =	vmul.f32 $1.442695020e+00, v9;
	(erf) = vrcp.f32 v2  }
0x147: {  	v20 =	vld [tilespmem:s28+$0x40];
	v2 =	vmul.f32 $1.442695020e+00, v8;
	v8 =	vpop (erf);
	(erf) = vrcp.f32 v6  }
0x148: {  	v7 =	vld [tilespmem:s28+$0x50];
	v6 =	vpop (erf);
	v8 =	vadd.f32 $1.000000000e+00, v8;
	(erf) = vpow2.f32 v9  }
0x149: {  	v13 =	vld [tilespmem:s28+$0x70];
	v6 =	vadd.f32 $1.000000000e+00, v6;
	v14 =	vpop (erf);
	v9 =	vand.u32 $0xFFFF0000, v45;
	(erf) = vpow2.f32 v2  }
0x14a: {  	v19 =	vld [tilespmem:s28+$0x60];
	v2 =	vadd.f32 $1.000000000e+00, v14;
	v14 =	vpop (erf);
	v9 =	vadd.f32 v9, v15;
	(erf) = vrcp.f32 v8  }
0x14b: {  	v46 =	vld [tilespmem:s29+$0x80];
	[tilespmem:s28+$0x30] =	vst v5;
	v5 =	vpop (erf);
	(erf) = vrcp.f32 v6  }
0x14c: {  	v8 =	vmul.f32 $1.442695020e+00, v9;
	(erf) = vrcp.f32 v2;
	v2 =	vadd.f32 $1.000000000e+00, v5  }
0x14d: {  	v43 =	vld [tilespmem:s31+$0xFFFFFF20];
	[tilespmem:s28+$0x20] =	vst v42;
	v14 =	vadd.f32 $1.000000000e+00, v14;
	v16 =	vpop (erf)  }
0x14e: {  	v9 =	vld [tilespmem:s31+$0x60];
	v5 =	vpop (erf);
	(erf) = vpow2.f32 v8  }
0x14f: {  	v48 =	vpop (erf);
	(erf) = vrcp.f32 v14  }
0x150: {  	v49 =	vshll.u32 v46, $0x10;
	v5 =	vadd.f32 $1.000000000e+00, v5;
	(erf) = vrcp.f32 v2;
	v2 =	vpop (erf)  }
0x151: {  	v4 =	vld [tilespmem:s28+$0xE0];
	v42 =	vadd.f32 $1.000000000e+00, v40;
	v8 =	vadd.f32 $1.000000000e+00, v16;
	v2 =	vmul.f32 v49, v2  }
0x152: {  	v26 =	vmul.f32 v26, v28;
	v47 =	vshll.u32 v43, $0x10;
	v46 =	vand.u32 $0xFFFF0000, v46  }
0x153: {  	v51 =	vld [tilespmem:s0+$0x30];
	(erf) = vrcp.f32 v8;
	v56 =	vpop (erf);
	v50 =	vshll.u32 v9, $0x10;
	v57 =	vand.u32 $0xFFFF0000, v9  }
0x154: {  	v3 =	vld [tilespmem:s29+$0xFFFFFF00];
	v46 =	vmul.f32 v46, v56;
	(erf) = vrcp.f32 v5;
	v5 =	vpop (erf);
	v7 =	vadd.f32 v57, v7  }
0x155: {  	v45 =	vshll.u32 v45, $0x10;
	v48 =	vadd.f32 $1.000000000e+00, v48;
	v20 =	vadd.f32 v50, v20;
	[tilespmem:s30+$0x80] =	vst v2;
	v2 =	vpop (erf)  }
0x156: {  	v36 =	vld [tilespmem:s30+$0xFFFFFF20];
	v4 =	vadd.f32 v45, v4;
	v5 =	vadd.f32 $1.000000000e+00, v5;
	[tilespmem:s30+$0x90] =	vst v46;
	v7 =	vmul.f32 $1.442695020e+00, v7;
	v58 =	vpop (erf)  }
0x157: {  	(erf) = vrcp.f32 v48;
	v20 =	vmul.f32 $1.442695020e+00, v20;
	v59 =	vld [tilespmem:s29+$0xD0];
	v2 =	vadd.f32 $1.000000000e+00, v2;
	v60 =	vpop (erf)  }
0x158: {  	v1 =	vand.u32 $0xFFFF0000, v51;
	v23 =	vshll.u32 v51, $0x10;
	v51 =	vld [tilespmem:s30+$0xA0];
	(erf) = vrcp.f32 v5;
	v52 =	vpop (erf)  }
0x159: {  	v61 =	vshll.u32 v3, $0x10;
	v4 =	vmul.f32 $1.442695020e+00, v4;
	(erf) = vpow2.f32 v20;
	v20 =	vld [tilespmem:s30+$0xB0];
	v53 =	vpop (erf)  }
0x15a: {  	v17 =	vld [tilespmem:s28+$0xFFFFFF60];
	v6 =	vand.u32 $0xFFFF0000, v43;
	v46 =	vmul.f32 v47, v58;
	(erf) = vpow2.f32 v7;
	v7 =	vpop (erf)  }
0x15b: {  	v44 =	vld [tilespmem:s29+$0xFFFFFF80];
	v54 =	vand.u32 $0xFFFF0000, v3;
	v62 =	vmul.f32 v6, v60;
	(erf) = vrcp.f32 v2;
	v2 =	vpop (erf)  }
0x15c: {  	v12 =	vld [tilespmem:s28+$0xFFFFFF70];
	v63 =	vadd.f32 $1.000000000e+00, v53;
	v56 =	vmul.f32 v54, v2;
	v2 =	vshll.u32 v59, $0x10  }
0x15d: {  	v41 =	vld [tilespmem:s29+$0x0];
	[tilespmem:s28+$0xFFFFFF40] =	vst v46;
	v45 =	vand.u32 $0xFFFF0000, v59;
	v49 =	vmul.f32 v61, v7;
	v58 =	vadd.f32 v2, v51  }
0x15e: {  	v25 =	vmul.f32 v25, v29;
	v34 =	vld [tilespmem:s31+$0xFFFFFFA0];
	[tilespmem:s28+$0xFFFFFF50] =	vst v62;
	v20 =	vadd.f32 v45, v20;
	(erf) = vrcp.f32 v63  }
0x15f: {  	v50 =	vld [tilespmem:s31+$0x20];
	[tilespmem:s30+$0xFFFFFF00] =	vst v49;
	(erf) = vpow2.f32 v4;
	v62 =	vmul.f32 $1.442695020e+00, v58  }
0x160: {  	v43 =	vshll.u32 v44, $0x10;
	v61 =	vld [tilespmem:s31+$0xFFFFFF70];
	v57 =	vpop (erf);
	v20 =	vmul.f32 $1.442695020e+00, v20;
	[tilespmem:s30+$0xFFFFFF10] =	vst v56;
	(erf) = vrcp.f32 v42  }
0x161: {  	v44 =	vand.u32 $0xFFFF0000, v44;
	v59 =	vpop (erf);
	v43 =	vmul.f32 v43, v57;
	v54 =	vld [tilespmem:s29+$0xFFFFFF50];
	(erf) = vpow2.f32 v62  }
0x162: {  	v37 =	vld [tilespmem:s30+$0xFFFFFFB0];
	v60 =	vshll.u32 v41, $0x10;
	v44 =	vmul.f32 v44, v59;
	v53 =	vpop (erf);
	(erf) = vpow2.f32 v20  }
0x163: {  	v38 =	vld [tilespmem:s30+$0xFFFFFF30];
	v41 =	vand.u32 $0xFFFF0000, v41;
	v63 =	vshll.u32 v34, $0x10;
	[tilespmem:s30+$0xFFFFFF80] =	vst v43;
	v43 =	vmul.f32 v60, v53;
	v55 =	vpop (erf)  }
0x164: {  	v34 =	vand.u32 $0xFFFF0000, v34;
	v49 =	vand.u32 $0xFFFF0000, v50;
	[tilespmem:s30+$0xFFFFFF90] =	vst v44;
	v44 =	vadd.f32 $1.000000000e+00, v33;
	v33 =	vld [tilespmem:s31+$0xB0];
	v56 =	vpop (erf)  }
0x165: {  	v42 =	vmul.f32 v63, v52;
	v41 =	vmul.f32 v41, v55;
	v46 =	vld [tilespmem:s29+$0xFFFFFFD0];
	[tilespmem:s30+$0x0] =	vst v43;
	v43 =	vadd.f32 $1.000000000e+00, v56;
	v58 =	vpop (erf)  }
0x166: {  	v39 =	vld [tilespmem:s30+$0xFFFFFFA0];
	v57 =	vshll.u32 v61, $0x10;
	v48 =	vpop (erf);
	v59 =	vshll.u32 v54, $0x10;
	v47 =	vand.u32 $0xFFFF0000, v54  }
0x167: {  	v63 =	vld [tilespmem:s29+$0xFFFFFF10];
	v17 =	vadd.f32 v57, v17;
	[tilespmem:s30+$0x10] =	vst v41;
	(erf) = vrcp.f32 v43;
	v36 =	vadd.f32 v59, v36;
	v60 =	vpop (erf)  }
0x168: {  	v20 =	vshll.u32 v50, $0x10;
	v41 =	vand.u32 $0xFFFF0000, v61;
	v51 =	vld [tilespmem:s29+$0x50];
	v34 =	vmul.f32 v34, v48;
	v50 =	vpop (erf)  }
0x169: {  	v35 =	vld [tilespmem:s30+$0x20];
	v38 =	vadd.f32 v47, v38;
	v62 =	vand.u32 $0xFFFF0000, v33;
	v36 =	vmul.f32 $1.442695020e+00, v36;
	v47 =	vpop (erf)  }
0x16a: {  	v40 =	vld [tilespmem:s30+$0x30];
	v61 =	vshll.u32 v46, $0x10;
	v46 =	vand.u32 $0xFFFF0000, v46;
	v43 =	vmul.f32 v62, v60;
	v57 =	vpop (erf)  }
0x16b: {  	v37 =	vadd.f32 v46, v37;
	(erf) = vpow2.f32 v36;
	v46 =	vadd.f32 $1.000000000e+00, v57;
	v60 =	vpop (erf)  }
0x16c: {  	v62 =	vshll.u32 v63, $0x10;
	v39 =	vadd.f32 v61, v39;
	v36 =	vadd.f32 $1.000000000e+00, v60  }
0x16d: {  	v38 =	vmul.f32 $1.442695020e+00, v38;
	v59 =	vshll.u32 v51, $0x10;
	(erf) = vrcp.f32 v46  }
0x16e: {  	v51 =	vand.u32 $0xFFFF0000, v51;
	v35 =	vadd.f32 v59, v35;
	(erf) = vrcp.f32 v36  }
0x16f: {  	v39 =	vmul.f32 $1.442695020e+00, v39;
	v37 =	vmul.f32 $1.442695020e+00, v37;
	v40 =	vadd.f32 v51, v40  }
0x170: {  	v35 =	vmul.f32 $1.442695020e+00, v35;
	v36 =	vand.u32 $0xFFFF0000, v63;
	v63 =	vpop (erf);
	(erf) = vpow2.f32 v38  }
0x171: {  	v48 =	vmul.f32 v20, v63;
	v20 =	vld [tilespmem:s29+$0x90];
	(erf) = vpow2.f32 v39  }
0x172: {  	v40 =	vmul.f32 $1.442695020e+00, v40;
	(erf) = vpow2.f32 v37  }
0x173: {  	v45 =	vadd.f32 $1.000000000e+00, v58;
	v12 =	vadd.f32 v41, v12;
	(erf) = vpow2.f32 v35  }
0x174: {  	v17 =	vmul.f32 $1.442695020e+00, v17;
	v28 =	vpop (erf);
	(erf) = vpow2.f32 v40  }
0x175: {  	v12 =	vmul.f32 $1.442695020e+00, v12;
	v28 =	vadd.f32 $1.000000000e+00, v28;
	(erf) = vrcp.f32 v45  }
0x176: {  	(erf) = vpow2.f32 v17;
	v17 =	vmul.f32 v27, v31;
	v27 =	vshll.u32 v20, $0x10;
	v29 =	vpop (erf)  }
0x177: {  	(erf) = vpow2.f32 v12;
	v12 =	vand.u32 $0xFFFF0000, v20;
	v27 =	vmul.f32 v27, v29;
	v29 =	vpop (erf)  }
0x178: {  	v10 =	vld [tilespmem:s28+$0xFFFFFFE0];
	v12 =	vmul.f32 v12, v29  }
0x179: {  	v11 =	vld [tilespmem:s28+$0xFFFFFFF0];
	[tilespmem:s28+$0xFFFFFFC0] =	vst v42  }
0x17a: {  	v18 =	vld [tilespmem:s30+$0xFFFFFF50];
	[tilespmem:s28+$0xFFFFFFD0] =	vst v34;
	(erf) = vrcp.f32 v28;
	v28 =	vpop (erf)  }
0x17b: {  	v55 =	vld [tilespmem:s31+$0xFFFFFFF0];
	v28 =	vadd.f32 $1.000000000e+00, v28;
	[tilespmem:s30+$0xA0] =	vst v27;
	v27 =	vpop (erf)  }
0x17c: {  	v32 =	vadd.f32 $1.000000000e+00, v32;
	v3 =	vld [tilespmem:s30+$0xFFFFFF70];
	[tilespmem:s30+$0xB0] =	vst v12;
	v27 =	vadd.f32 $1.000000000e+00, v27;
	v12 =	vpop (erf)  }
0x17d: {  	v58 =	vld [tilespmem:s29+$0xFFFFFF90];
	(erf) = vrcp.f32 v44;
	v12 =	vadd.f32 $1.000000000e+00, v12  }
0x17e: {  	v15 =	vld [tilespmem:s30+$0xFFFFFF40];
	(erf) = vrcp.f32 v32  }
0x17f: {  	v61 =	vld [tilespmem:s29+$0x10];
	(erf) = vrcp.f32 v28;
	v28 =	vpop (erf)  }
0x180: {  	v56 =	vshll.u32 v55, $0x10;
	v57 =	vld [tilespmem:s29+$0xE0];
	v28 =	vadd.f32 $1.000000000e+00, v28;
	(erf) = vrcp.f32 v27;
	v27 =	vpop (erf)  }
0x181: {  	v22 =	vmul.f32 v22, v24;
	v10 =	vadd.f32 v56, v10;
	v29 =	vld [tilespmem:s31+$0xFFFFFF30];
	(erf) = vrcp.f32 v12;
	v12 =	vpop (erf)  }
0x182: {  	v16 =	vld [tilespmem:s30+$0xFFFFFFC0];
	v52 =	vand.u32 $0xFFFF0000, v58;
	v27 =	vadd.f32 $1.000000000e+00, v27;
	v12 =	vmul.f32 v49, v12  }
0x183: {  	[tilespmem:s26+$0xF0] =	vst v21;
	v59 =	vld [tilespmem:s30+$0xD0];
	v21 =	vmul.f32 $1.442695020e+00, v10;
	v40 =	vand.u32 $0xFFFF0000, v55;
	(erf) = vrcp.f32 v28  }
0x184: {  	v38 =	vshll.u32 v58, $0x10;
	v58 =	vld [tilespmem:s30+$0xC0];
	v11 =	vadd.f32 v40, v11;
	v28 =	vpop (erf);
	(erf) = vrcp.f32 v27  }
0x185: {  	[tilespmem:s26+$0xFFFFFF60] =	vst v26;
	v14 =	vld [tilespmem:s30+$0xFFFFFFD0];
	v53 =	vshll.u32 v61, $0x10;
	v60 =	vpop (erf);
	(erf) = vpow2.f32 v21;
	v21 =	vand.u32 $0xFFFF0000, v57  }
0x186: {  	v8 =	vld [tilespmem:s30+$0x40];
	v54 =	vand.u32 $0xFFFF0000, v61;
	v11 =	vmul.f32 $1.442695020e+00, v11;
	v10 =	vshll.u32 v29, $0x10;
	[tilespmem:s28+$0x50] =	vst v12;
	v12 =	vpop (erf)  }
0x187: {  	[tilespmem:s26+$0xFFFFFF70] =	vst v25;
	v9 =	vld [tilespmem:s30+$0x50];
	v24 =	vshll.u32 v57, $0x10;
	v27 =	vadd.f32 $1.000000000e+00, v28;
	v26 =	vadd.f32 $1.000000000e+00, v60;
	v63 =	vpop (erf)  }
0x188: {  	v5 =	vld [tilespmem:s30+$0xFFFFFF60];
	[tilespmem:s28+$0x40] =	vst v48;
	(erf) = vpow2.f32 v11;
	v25 =	vmul.f32 v62, v12;
	v62 =	vadd.f32 v21, v59;
	v21 =	vpop (erf)  }
0x189: {  	v24 =	vadd.f32 v24, v58;
	v61 =	vld [tilespmem:s31+$0x70];
	v11 =	vand.u32 $0xFFFF0000, v29;
	(erf) = vrcp.f32 v27;
	v29 =	vpop (erf)  }
0x18a: {  	v6 =	vld [tilespmem:s30+$0xFFFFFFE0];
	(erf) = vrcp.f32 v26;
	v26 =	vmul.f32 v36, v29  }
0x18b: {  	[tilespmem:s26+$0xE0] =	vst v22;
	v7 =	vld [tilespmem:s30+$0xFFFFFFF0];
	v24 =	vmul.f32 $1.442695020e+00, v24  }
0x18c: {  	v2 =	vld [tilespmem:s30+$0x60];
	v30 =	vmul.f32 v30, v47;
	[tilespmem:s28+$0xF0] =	vst v43;
	v27 =	vmul.f32 $1.442695020e+00, v62;
	v29 =	vpop (erf)  }
0x18d: {  	v28 =	vld [tilespmem:s31+$0xFFFFFFB0];
	(erf) = vpow2.f32 v24;
	[tilespmem:s30+$0xFFFFFF20] =	vst v25;
	v24 =	vmul.f32 v38, v29;
	v25 =	vpop (erf)  }
0x18e: {  	v22 =	vld [tilespmem:s31+$0x30];
	(erf) = vpow2.f32 v27;
	v27 =	vshll.u32 v61, $0x10;
	[tilespmem:s30+$0xFFFFFF30] =	vst v26;
	v25 =	vmul.f32 v52, v25;
	v26 =	vpop (erf)  }
0x18f: {  	v4 =	vld [tilespmem:s30+$0x70];
	v31 =	vadd.f32 $1.000000000e+00, v50;
	v27 =	vadd.f32 v27, v19;
	[tilespmem:s30+$0xFFFFFFA0] =	vst v24;
	v24 =	vmul.f32 v53, v26;
	v26 =	vpop (erf)  }
0x190: {  	v20 =	vld [tilespmem:s30+$0xE0];
	v29 =	vand.u32 $0xFFFF0000, v61;
	[tilespmem:s30+$0xFFFFFFB0] =	vst v25;
	v25 =	vmul.f32 v54, v26  }
0x191: {  	[tilespmem:s26+$0xFFFFFFF0] =	vst v30;
	v32 =	vadd.f32 v29, v13;
	(erf) = vrcp.f32 v31;
	v30 =	vld [tilespmem:s29+$0xFFFFFF60];
	v27 =	vmul.f32 $1.442695020e+00, v27  }
0x192: {  	[tilespmem:s26+$0xFFFFFFE0] =	vst v17;
	v12 =	vshll.u32 v33, $0x10;
	v17 =	vshll.u32 v28, $0x10;
	v19 =	vand.u32 $0xFFFF0000, v28;
	v28 =	vld [tilespmem:s29+$0xFFFFFF20]  }
0x193: {  	v13 =	vshll.u32 v22, $0x10;
	v32 =	vmul.f32 $1.442695020e+00, v32;
	v29 =	vld [tilespmem:s29+$0xFFFFFFE0];
	v26 =	vpop (erf);
	(erf) = vpow2.f32 v27;
	[tilespmem:s30+$0x20] =	vst v24  }
0x194: {  	s8 =	simm.s32 $0x8;
	s0 =	simm.s32 $0x16F00;
	s31 =	simm.s32 $0x14900;
	v27 =	vmul.f32 v23, v63;
	v31 =	vadd.f32 $1.000000000e+00, v26;
	v24 =	vand.u32 $0xFFFF0000, v22;
	v26 =	vld [tilespmem:s29+$0xFFFFFFA0];
	[tilespmem:s30+$0x30] =	vst v25;
	v25 =	vpop (erf)  }
.LBB2_5:
0x195: {  	v33 =	vld [tilespmem:s31+$0xC0];
	s30 =	sadd.s32 $0x200, s30;
	v25 =	vadd.f32 $1.000000000e+00, v25;
	v22 =	vpop (erf);
	(erf) = vpow2.f32 v32;
	v1 =	vmul.f32 v1, v21  }
0x196: {  	v32 =	vld [tilespmem:s30+$0x80];
	v35 =	vshll.u32 v30, $0x10;
	v30 =	vand.u32 $0xFFFF0000, v30;
	v23 =	vpop (erf);
	(erf) = vrcp.f32 v31;
	[tilespmem:s26+$0x60] =	vst v27  }
0x197: {  	v31 =	vld [tilespmem:s30+$0x90];
	v27 =	vshll.u32 v28, $0x10;
	v15 =	vadd.f32 v35, v15;
	v18 =	vadd.f32 v30, v18;
	v21 =	vpop (erf);
	[tilespmem:s26+$0x70] =	vst v1;
	s26 =	smov.u32 s28;
	s28 =	smov.u32 s0;
	s0 =	smov.u32 s30  }
0x198: {  	s8 =	sadd.s32 $0x4, s8;
	v30 =	vld [tilespmem:s31+$0xFFFFFF40];
	v36 =	vshll.u32 v29, $0x10;
	v29 =	vand.u32 $0xFFFF0000, v29;
	v37 =	vadd.f32 $1.000000000e+00, v21;
	v34 =	vpop (erf)  }
0x199: {  	p0 =	slt.u32 s8, $0x4C;
	v35 =	vld [tilespmem:s31+$0xFFFFFFC0];
	v15 =	vmul.f32 $1.442695020e+00, v15;
	v16 =	vadd.f32 v36, v16;
	v34 =	vadd.f32 $1.000000000e+00, v34;
	v1 =	vmovc v24  }
0x19a: {  	v14 =	vadd.f32 v29, v14;
	v24 =	vld [tilespmem:s31+$0x40];
	v36 =	vshll.u32 v33, $0x10;
	(erf) = vrcp.f32 v37;
	v21 =	vpop (erf)  }
0x19b: {  	v29 =	vand.u32 $0xFFFF0000, v33;
	v37 =	vld [tilespmem:s30+$0xFFFFFF00];
	v32 =	vadd.f32 v36, v32;
	(erf) = vrcp.f32 v34  }
0x19c: {  	v18 =	vmul.f32 $1.442695020e+00, v18;
	v16 =	vmul.f32 $1.442695020e+00, v16;
	v33 =	vld [tilespmem:s30+$0xFFFFFF10];
	v40 =	vadd.f32 v29, v31  }
0x19d: {  	v31 =	vshll.u32 v30, $0x10;
	v34 =	vand.u32 $0xFFFF0000, v30;
	v36 =	vld [tilespmem:s30+$0xFFFFFF80];
	v32 =	vmul.f32 $1.442695020e+00, v32;
	v30 =	vpop (erf)  }
0x19e: {  	v38 =	vshll.u32 v35, $0x10;
	v35 =	vand.u32 $0xFFFF0000, v35;
	v39 =	vmul.f32 $1.442695020e+00, v40;
	v41 =	vld [tilespmem:s29+$0xA0];
	v29 =	vpop (erf)  }
0x19f: {  	v42 =	vld [tilespmem:s30+$0xFFFFFF90];
	v43 =	vshll.u32 v24, $0x10;
	v44 =	vand.u32 $0xFFFF0000, v24;
	(erf) = vpow2.f32 v32;
	v24 =	vpop (erf)  }
0x1a0: {  	v14 =	vmul.f32 $1.442695020e+00, v14;
	v31 =	vadd.f32 v31, v37;
	v32 =	vld [tilespmem:s30+$0x0];
	(erf) = vpow2.f32 v39  }
0x1a1: {  	v40 =	vand.u32 $0xFFFF0000, v28;
	v33 =	vadd.f32 v34, v33;
	v34 =	vld [tilespmem:s30+$0x10];
	(erf) = vpow2.f32 v15  }
0x1a2: {  	v15 =	vmul.f32 $1.442695020e+00, v31;
	v28 =	vld [tilespmem:s31+$0xFFFFFF80];
	v36 =	vadd.f32 v38, v36;
	(erf) = vpow2.f32 v18  }
0x1a3: {  	v18 =	vmul.f32 $1.442695020e+00, v33;
	v37 =	vld [tilespmem:s31+$0x0];
	v31 =	vshll.u32 v41, $0x10;
	(erf) = vpow2.f32 v16;
	v16 =	vpop (erf)  }
0x1a4: {  	v33 =	vand.u32 $0xFFFF0000, v41;
	v38 =	vld [tilespmem:s31+$0xFFFFFF00];
	v35 =	vadd.f32 v35, v42;
	v16 =	vmul.f32 v31, v16;
	v39 =	vpop (erf)  }
0x1a5: {  	v36 =	vmul.f32 $1.442695020e+00, v36;
	v31 =	vld [tilespmem:s30+$0xFFFFFF20];
	v41 =	vadd.f32 v43, v32;
	v39 =	vmul.f32 v33, v39  }
0x1a6: {  	v33 =	vld [tilespmem:s30+$0xFFFFFF30];
	v35 =	vmul.f32 $1.442695020e+00, v35;
	v42 =	vadd.f32 v44, v34;
	(erf) = vpow2.f32 v15;
	[tilespmem:s28+$0xC0] =	vst v16  }
0x1a7: {  	v44 =	vshll.u32 v28, $0x10;
	v32 =	vld [tilespmem:s30+$0xFFFFFFA0];
	v41 =	vmul.f32 $1.442695020e+00, v41;
	(erf) = vpow2.f32 v18;
	[tilespmem:s28+$0xD0] =	vst v39  }
0x1a8: {  	v43 =	vand.u32 $0xFFFF0000, v28;
	v16 =	vmul.f32 $1.442695020e+00, v42;
	(erf) = vpow2.f32 v36;
	v18 =	vpop (erf);
	v28 =	vld [tilespmem:s29+$0xF0]  }
0x1a9: {  	v47 =	vshll.u32 v38, $0x10;
	v36 =	vadd.f32 $1.000000000e+00, v18;
	(erf) = vpow2.f32 v35;
	v34 =	vpop (erf);
	v35 =	vld [tilespmem:s28+$0xF0]  }
0x1aa: {  	v48 =	vand.u32 $0xFFFF0000, v38;
	v38 =	vld [tilespmem:s30+$0xFFFFFFB0];
	v39 =	vadd.f32 $1.000000000e+00, v34;
	(erf) = vpow2.f32 v41;
	v15 =	vpop (erf)  }
0x1ab: {  	v45 =	vshll.u32 v37, $0x10;
	v42 =	vand.u32 $0xFFFF0000, v37;
	v34 =	vld [tilespmem:s30+$0x20];
	(erf) = vrcp.f32 v36;
	v18 =	vpop (erf)  }
0x1ac: {  	v37 =	vadd.f32 $1.000000000e+00, v15;
	v36 =	vld [tilespmem:s30+$0x30];
	(erf) = vrcp.f32 v39;
	v39 =	vadd.f32 $1.000000000e+00, v18;
	v15 =	vpop (erf)  }
0x1ad: {  	(erf) = vpow2.f32 v16;
	v41 =	vadd.f32 $1.000000000e+00, v15;
	v46 =	vld [tilespmem:s29+$0x60];
	v16 =	vand.u32 $0xFFFF0000, v28  }
0x1ae: {  	v49 =	vshll.u32 v26, $0x10;
	v15 =	vld [tilespmem:s30+$0xFFFFFF40];
	v16 =	vadd.f32 v16, v35;
	(erf) = vpow2.f32 v14  }
0x1af: {  	v35 =	vand.u32 $0xFFFF0000, v26;
	v26 =	vshll.u32 v28, $0x10;
	v50 =	vld [tilespmem:s31+$0x80];
	v14 =	vpop (erf);
	(erf) = vrcp.f32 v37  }
0x1b0: {  	v53 =	vadd.f32 $1.000000000e+00, v14;
	v18 =	vld [tilespmem:s30+$0xFFFFFF50];
	v14 =	vpop (erf);
	v37 =	vmul.f32 $1.442695020e+00, v16;
	(erf) = vrcp.f32 v39  }
0x1b1: {  	v20 =	vadd.f32 v26, v20;
	v54 =	vadd.f32 $1.000000000e+00, v14;
	v16 =	vld [tilespmem:s30+$0xFFFFFFC0];
	v14 =	vpop (erf);
	(erf) = vrcp.f32 v41  }
0x1b2: {  	v55 =	vadd.f32 $1.000000000e+00, v14;
	v14 =	vld [tilespmem:s30+$0xFFFFFFD0];
	v41 =	vpop (erf);
	v51 =	vshll.u32 v46, $0x10;
	(erf) = vpow2.f32 v37  }
0x1b3: {  	v46 =	vand.u32 $0xFFFF0000, v46;
	v56 =	vadd.f32 $1.000000000e+00, v41;
	v52 =	vld [tilespmem:s30+$0x40];
	(erf) = vrcp.f32 v53;
	v28 =	vpop (erf)  }
0x1b4: {  	v28 =	vadd.f32 $1.000000000e+00, v28;
	v53 =	vld [tilespmem:s30+$0x50];
	v41 =	vshll.u32 v50, $0x10;
	(erf) = vrcp.f32 v54;
	v39 =	vpop (erf)  }
0x1b5: {  	v50 =	vand.u32 $0xFFFF0000, v50;
	v57 =	vmul.f32 v41, v39;
	(erf) = vrcp.f32 v55;
	v26 =	vpop (erf);
	v54 =	vld [tilespmem:s29+$0x20]  }
0x1b6: {  	v8 =	vadd.f32 v51, v8;
	v55 =	vld [tilespmem:s30+$0xFFFFFF60];
	v26 =	vmul.f32 v50, v26;
	(erf) = vrcp.f32 v56;
	v37 =	vpop (erf)  }
0x1b7: {  	v9 =	vadd.f32 v46, v9;
	v41 =	vld [tilespmem:s30+$0xFFFFFF70];
	v37 =	vadd.f32 $1.000000000e+00, v37;
	[tilespmem:s30+$0x80] =	vst v57;
	(erf) = vrcp.f32 v28;
	v39 =	vpop (erf)  }
0x1b8: {  	v8 =	vmul.f32 $1.442695020e+00, v8;
	v50 =	vmul.f32 $1.442695020e+00, v20;
	v28 =	vld [tilespmem:s30+$0xFFFFFFE0];
	[tilespmem:s30+$0x90] =	vst v26;
	v26 =	vadd.f32 $1.000000000e+00, v39;
	v20 =	vpop (erf)  }
0x1b9: {  	v39 =	vmul.f32 $1.442695020e+00, v9;
	v51 =	vld [tilespmem:s31+$0xD0];
	(erf) = vrcp.f32 v37;
	v56 =	vpop (erf);
	v37 =	vadd.f32 $1.000000000e+00, v30  }
0x1ba: {  	v57 =	vld [tilespmem:s30+$0xA0];
	v46 =	vshll.u32 v54, $0x10;
	v30 =	vand.u32 $0xFFFF0000, v54;
	v54 =	vpop (erf);
	(erf) = vpow2.f32 v8  }
0x1bb: {  	v59 =	vmul.f32 v27, v20;
	v58 =	vld [tilespmem:s30+$0xB0];
	(erf) = vpow2.f32 v39;
	v9 =	vpop (erf);
	v39 =	vadd.f32 $1.000000000e+00, v29  }
0x1bc: {  	v40 =	vmul.f32 v40, v56;
	v29 =	vld [tilespmem:s30+$0xFFFFFFF0];
	v20 =	vpop (erf);
	v9 =	vadd.f32 $1.000000000e+00, v9;
	(erf) = vrcp.f32 v26  }
0x1bd: {  	v8 =	vmov v52;
	v20 =	vmul.f32 v47, v20;
	v26 =	vld [tilespmem:s30+$0x60];
	v27 =	vpop (erf);
	[tilespmem:s28+$0xFFFFFF40] =	vst v59;
	v47 =	vmul.f32 v49, v54  }
0x1be: {  	v54 =	vmul.f32 v48, v27;
	v27 =	vld [tilespmem:s30+$0x70];
	v49 =	vshll.u32 v51, $0x10;
	v52 =	vpop (erf);
	[tilespmem:s28+$0xFFFFFF50] =	vst v40;
	(erf) = vrcp.f32 v9  }
0x1bf: {  	[tilespmem:s30+$0xFFFFFF00] =	vst v20;
	v52 =	vmul.f32 v44, v52;
	v20 =	vand.u32 $0xFFFF0000, v51;
	v40 =	vadd.f32 v49, v57;
	v44 =	vpop (erf);
	v49 =	vld [tilespmem:s29+$0xFFFFFF70]  }
0x1c0: {  	[tilespmem:s30+$0xFFFFFF10] =	vst v54;
	v43 =	vmul.f32 v43, v44;
	v51 =	vadd.f32 v20, v58;
	v20 =	vld [tilespmem:s30+$0xE0];
	v48 =	vpop (erf);
	(erf) = vpow2.f32 v50  }
0x1c1: {  	v9 =	vmov v53;
	v50 =	vld [tilespmem:s31+$0xFFFFFF50];
	[tilespmem:s30+$0xFFFFFF80] =	vst v52;
	v54 =	vmul.f32 v45, v48;
	v52 =	vmul.f32 $1.442695020e+00, v40  }
0x1c2: {  	[tilespmem:s30+$0xFFFFFF90] =	vst v43;
	v43 =	vmul.f32 $1.442695020e+00, v51;
	v44 =	vpop (erf);
	v48 =	vld [tilespmem:s29+$0xB0];
	(erf) = vrcp.f32 v25  }
0x1c3: {  	v25 =	vld [tilespmem:s31+$0xFFFFFFD0];
	[tilespmem:s30+$0x0] =	vst v54;
	v42 =	vmul.f32 v42, v44;
	(erf) = vpow2.f32 v52;
	v40 =	vpop (erf)  }
0x1c4: {  	v44 =	vld [tilespmem:s31+$0xFFFFFF10];
	(erf) = vpow2.f32 v43;
	v43 =	vshll.u32 v49, $0x10;
	[tilespmem:s28+$0xFFFFFFC0] =	vst v47;
	v40 =	vadd.f32 $1.000000000e+00, v40;
	v45 =	vpop (erf)  }
0x1c5: {  	v47 =	vld [tilespmem:s31+$0xFFFFFF90];
	[tilespmem:s30+$0x10] =	vst v42;
	v42 =	vand.u32 $0xFFFF0000, v49;
	v43 =	vadd.f32 v43, v5;
	v45 =	vadd.f32 $1.000000000e+00, v45;
	v49 =	vpop (erf)  }
0x1c6: {  	v5 =	vmovc v55;
	v53 =	vshll.u32 v50, $0x10;
	v50 =	vand.u32 $0xFFFF0000, v50;
	v52 =	vld [tilespmem:s31+$0x50];
	(erf) = vrcp.f32 v40  }
0x1c7: {  	v31 =	vadd.f32 v53, v31;
	v33 =	vadd.f32 v50, v33;
	v40 =	vld [tilespmem:s31+$0x10];
	v50 =	vand.u32 $0xFFFF0000, v48;
	v51 =	vpop (erf)  }
0x1c8: {  	v55 =	vshll.u32 v25, $0x10;
	v25 =	vand.u32 $0xFFFF0000, v25;
	v54 =	vld [tilespmem:s29+$0xFFFFFF30];
	v50 =	vmul.f32 v50, v51  }
0x1c9: {  	v31 =	vmul.f32 $1.442695020e+00, v31;
	v32 =	vadd.f32 v55, v32;
	v51 =	vadd.f32 v25, v38;
	v53 =	vpop (erf)  }
0x1ca: {  	v38 =	vshll.u32 v44, $0x10;
	v25 =	vand.u32 $0xFFFF0000, v44;
	v44 =	vmul.f32 $1.442695020e+00, v33;
	[tilespmem:s28+$0xF0] =	vst v50  }
0x1cb: {  	v50 =	vmul.f32 $1.442695020e+00, v32;
	v32 =	vshll.u32 v52, $0x10;
	v33 =	vand.u32 $0xFFFF0000, v52;
	v52 =	vpop (erf)  }
0x1cc: {  	v51 =	vmul.f32 $1.442695020e+00, v51;
	v32 =	vadd.f32 v32, v34;
	v34 =	vadd.f32 v33, v36;
	v36 =	vpop (erf)  }
0x1cd: {  	v33 =	vshll.u32 v47, $0x10;
	v58 =	vadd.f32 $1.000000000e+00, v36;
	(erf) = vpow2.f32 v31;
	v31 =	vpop (erf)  }
0x1ce: {  	v55 =	vmul.f32 $1.442695020e+00, v32;
	v56 =	vmul.f32 $1.442695020e+00, v34;
	v57 =	vadd.f32 $1.000000000e+00, v31  }
0x1cf: {  	v34 =	vand.u32 $0xFFFF0000, v47;
	v32 =	vshll.u32 v40, $0x10;
	(erf) = vrcp.f32 v58;
	v36 =	vpop (erf)  }
0x1d0: {  	v35 =	vmul.f32 v35, v49;
	v31 =	vand.u32 $0xFFFF0000, v40;
	(erf) = vrcp.f32 v57  }
0x1d1: {  	v40 =	vadd.f32 v42, v3;
	v3 =	vmovc v41;
	v36 =	vmul.f32 v46, v36;
	(erf) = vpow2.f32 v44  }
0x1d2: {  	v41 =	vmul.f32 $1.442695020e+00, v43;
	(erf) = vpow2.f32 v50;
	[tilespmem:s28+$0xFFFFFFD0] =	vst v35;
	v35 =	vadd.f32 $1.000000000e+00, v53  }
0x1d3: {  	v43 =	vshll.u32 v54, $0x10;
	v40 =	vmul.f32 $1.442695020e+00, v40;
	v42 =	vld [tilespmem:s31+$0x90];
	(erf) = vpow2.f32 v51;
	[tilespmem:s28+$0x40] =	vst v36  }
0x1d4: {  	v46 =	vshll.u32 v48, $0x10;
	v36 =	vand.u32 $0xFFFF0000, v54;
	(erf) = vpow2.f32 v55;
	v44 =	vld [tilespmem:s29+$0xFFFFFFF0]  }
0x1d5: {  	v22 =	vmul.f32 v10, v22;
	v10 =	vmov v43;
	(erf) = vpow2.f32 v56;
	v47 =	vld [tilespmem:s29+$0xFFFFFFB0]  }
0x1d6: {  	v23 =	vmul.f32 v11, v23;
	v11 =	vmov v36;
	v43 =	vpop (erf);
	(erf) = vrcp.f32 v45  }
0x1d7: {  	v17 =	vmul.f32 v17, v24;
	v36 =	vadd.f32 $1.000000000e+00, v43;
	(erf) = vpow2.f32 v41;
	[tilespmem:s26+$0xFFFFFF60] =	vst v22  }
0x1d8: {  	v19 =	vmul.f32 v19, v52;
	v22 =	vshll.u32 v42, $0x10;
	v24 =	vpop (erf);
	(erf) = vpow2.f32 v40;
	[tilespmem:s26+$0xFFFFFF70] =	vst v23  }
0x1d9: {  	v40 =	vand.u32 $0xFFFF0000, v42;
	v41 =	vmul.f32 v22, v24;
	(erf) = vrcp.f32 v36;
	v24 =	vpop (erf);
	[tilespmem:s26+$0xFFFFFFE0] =	vst v17  }
0x1da: {  	v36 =	vand.u32 $0xFFFF0000, v44;
	v40 =	vmul.f32 v40, v24;
	v23 =	vpop (erf);
	v24 =	vshll.u32 v44, $0x10;
	[tilespmem:s26+$0xFFFFFFF0] =	vst v19  }
0x1db: {  	v42 =	vadd.f32 $1.000000000e+00, v23;
	[tilespmem:s30+$0xA0] =	vst v41;
	v22 =	vpop (erf);
	v6 =	vadd.f32 v24, v6;
	(erf) = vrcp.f32 v37  }
0x1dc: {  	v7 =	vadd.f32 v36, v7;
	v41 =	vadd.f32 $1.000000000e+00, v22;
	[tilespmem:s30+$0xB0] =	vst v40;
	v17 =	vpop (erf);
	(erf) = vrcp.f32 v39  }
0x1dd: {  	v17 =	vadd.f32 $1.000000000e+00, v17;
	v23 =	vld [tilespmem:s31+$0xE0];
	(erf) = vrcp.f32 v42;
	v19 =	vpop (erf);
	v6 =	vmul.f32 $1.442695020e+00, v6  }
0x1de: {  	v7 =	vmul.f32 $1.442695020e+00, v7;
	v19 =	vadd.f32 $1.000000000e+00, v19;
	v24 =	vld [tilespmem:s30+$0xC0];
	(erf) = vrcp.f32 v41;
	v22 =	vpop (erf)  }
0x1df: {  	v22 =	vadd.f32 $1.000000000e+00, v22;
	v36 =	vld [tilespmem:s30+$0xD0];
	(erf) = vrcp.f32 v17;
	v17 =	vshll.u32 v47, $0x10;
	v37 =	vpop (erf)  }
0x1e0: {  	(erf) = vrcp.f32 v19;
	v19 =	vand.u32 $0xFFFF0000, v47;
	v30 =	vmul.f32 v30, v37;
	v37 =	vpop (erf)  }
0x1e1: {  	v12 =	vmul.f32 v12, v21;
	(erf) = vrcp.f32 v22;
	v22 =	vadd.f32 $1.000000000e+00, v37;
	v37 =	vpop (erf)  }
0x1e2: {  	v21 =	vshll.u32 v23, $0x10;
	v39 =	vpop (erf);
	v37 =	vadd.f32 $1.000000000e+00, v37;
	[tilespmem:s28+$0x50] =	vst v30;
	(erf) = vpow2.f32 v6  }
0x1e3: {  	v23 =	vand.u32 $0xFFFF0000, v23;
	v6 =	vmovc v28;
	v30 =	vmul.f32 v38, v39;
	v39 =	vadd.f32 v21, v24;
	v24 =	vld [tilespmem:s29+$0x70];
	[tilespmem:s26+$0xE0] =	vst v12  }
0x1e4: {  	v40 =	vadd.f32 v23, v36;
	v36 =	vld [tilespmem:s29+$0x30];
	(erf) = vpow2.f32 v7;
	v38 =	vpop (erf);
	v7 =	vmov v29;
	s29 =	smov.u32 s31  }
0x1e5: {  	v12 =	vmov v46;
	[tilespmem:s30+$0xFFFFFF20] =	vst v30;
	v29 =	vmul.f32 $1.442695020e+00, v39;
	(erf) = vrcp.f32 v22;
	v21 =	vpop (erf)  }
0x1e6: {  	v22 =	vmul.f32 $1.442695020e+00, v40;
	v23 =	vpop (erf);
	(erf) = vrcp.f32 v37  }
0x1e7: {  	v23 =	vmul.f32 v25, v23;
	v25 =	vpop (erf);
	(erf) = vpow2.f32 v29  }
0x1e8: {  	v29 =	vmul.f32 v33, v25;
	v28 =	vpop (erf);
	(erf) = vpow2.f32 v22;
	v22 =	vshll.u32 v24, $0x10  }
.Ltmp1:
0x1e9: {  	v24 =	vand.u32 $0xFFFF0000, v24;
	[tilespmem:s30+$0xFFFFFF30] =	vst v23;
	v23 =	vmul.f32 v34, v28;
	v28 =	vpop (erf);
	v37 =	vadd.f32 v22, v2;
	(pc) =	sbr.rel @p0 .LBB2_5-.Ltmp1, $4  }
0x1ea: {  	v39 =	vadd.f32 v24, v4;
	v30 =	vld [tilespmem:s31+$0xFFFFFF60];
	[tilespmem:s30+$0xFFFFFFA0] =	vst v29;
	v22 =	vmul.f32 v32, v28;
	v25 =	vpop (erf);
	(erf) = vrcp.f32 v35  }
0x1eb: {  	v33 =	vshll.u32 v36, $0x10;
	v28 =	vld [tilespmem:s31+$0xFFFFFF20];
	[tilespmem:s30+$0xFFFFFFB0] =	vst v23;
	v23 =	vmul.f32 v31, v25;
	v34 =	vmul.f32 $1.442695020e+00, v37;
	v2 =	vpop (erf)  }
0x1ec: {  	v24 =	vand.u32 $0xFFFF0000, v36;
	v4 =	vmovc v27;
	v32 =	vmul.f32 $1.442695020e+00, v39;
	v29 =	vld [tilespmem:s31+$0xFFFFFFE0];
	[tilespmem:s30+$0x20] =	vst v22;
	v31 =	vadd.f32 $1.000000000e+00, v2;
	v2 =	vmovc v26  }
0x1ed: {  	v27 =	vmul.f32 v13, v38;
	v13 =	vmov v33;
	s31 =	sadd.s32 $0x200, s31;
	v26 =	vld [tilespmem:s29+$0xFFFFFFA0];
	[tilespmem:s30+$0x30] =	vst v23;
	v25 =	vpop (erf);
	(erf) = vpow2.f32 v34  }
0x1ee: {  	v23 =	vpop (erf)  }
0x1ef: {  	v22 =	vpop (erf)  }
0x1f0: {  	v33 =	vpop (erf)  }
0x1f1: {  	(erf) = vpow2.f32 v32;
	v49 =	vadd.f32 $1.000000000e+00, v33;
	v50 =	vpop (erf)  }
0x1f2: {  	(erf) = vrcp.f32 v31;
	v31 =	vadd.f32 $1.000000000e+00, v50  }
0x1f3: {  	(erf) = vrcp.f32 v49  }
0x1f4: {  	(erf) = vrcp.f32 v31;
	_ =	sdelay $0x2  }
0x1f5: {  	v51 =	vld [tilespmem:s29+$0xA0];
	v31 =	vshll.u32 v30, $0x10  }
0x1f6: {  	v30 =	vand.u32 $0xFFFF0000, v30;
	v31 =	vadd.f32 v31, v15;
	v15 =	vpop (erf)  }
0x1f7: {  	v18 =	vadd.f32 v30, v18;
	v30 =	vshll.u32 v29, $0x10;
	v52 =	vpop (erf)  }
0x1f8: {  	v30 =	vadd.f32 v30, v16;
	v31 =	vmul.f32 $1.442695020e+00, v31;
	v34 =	vpop (erf)  }
0x1f9: {  	v18 =	vmul.f32 $1.442695020e+00, v18;
	v16 =	vpop (erf)  }
0x1fa: {  	v30 =	vmul.f32 $1.442695020e+00, v30;
	(erf) = vpow2.f32 v31;
	v31 =	vshll.u32 v51, $0x10;
	v35 =	vpop (erf)  }
0x1fb: {  	(erf) = vpow2.f32 v18;
	v18 =	vand.u32 $0xFFFF0000, v51;
	v31 =	vmul.f32 v31, v35;
	v53 =	vpop (erf)  }
0x1fc: {  	(erf) = vpow2.f32 v30;
	v18 =	vmul.f32 v18, v53  }
0x1fd: {  	[tilespmem:s0+$0xC0] =	vst v31  }
0x1fe: {  	[tilespmem:s0+$0xD0] =	vst v18  }
0x1ff: {  	v18 =	vld [tilespmem:s29+$0xF0]  }
0x200: {  	v29 =	vand.u32 $0xFFFF0000, v29;
	v30 =	vld [tilespmem:s0+$0xF0]  }
0x201: {  	v14 =	vadd.f32 v29, v14  }
0x202: {  	v29 =	vld [tilespmem:s29+$0x60]  }
0x203: {  	v14 =	vmul.f32 $1.442695020e+00, v14;
	v31 =	vpop (erf)  }
0x204: {  	v54 =	vpop (erf);
	v31 =	vadd.f32 $1.000000000e+00, v31;
	v55 =	vand.u32 $0xFFFF0000, v18  }
0x205: {  	(erf) = vpow2.f32 v14;
	v32 =	vadd.f32 $1.000000000e+00, v54;
	v36 =	vpop (erf);
	v30 =	vadd.f32 v55, v30  }
0x206: {  	v14 =	vadd.f32 $1.000000000e+00, v36;
	(erf) = vrcp.f32 v31  }
0x207: {  	v31 =	vshll.u32 v29, $0x10;
	(erf) = vrcp.f32 v32;
	v30 =	vmul.f32 $1.442695020e+00, v30  }
0x208: {  	v8 =	vadd.f32 v31, v8;
	(erf) = vrcp.f32 v14;
	v14 =	vand.u32 $0xFFFF0000, v29  }
0x209: {  	v9 =	vadd.f32 v14, v9;
	(erf) = vpow2.f32 v30  }
0x20a: {  	v8 =	vmul.f32 $1.442695020e+00, v8  }
0x20b: {  	v9 =	vmul.f32 $1.442695020e+00, v9  }
0x20c: {  	(erf) = vpow2.f32 v8  }
0x20d: {  	(erf) = vpow2.f32 v9  }
0x20e: {  	v8 =	vpop (erf)  }
0x20f: {  	v18 =	vshll.u32 v18, $0x10;
	v9 =	vpop (erf)  }
0x210: {  	v29 =	vshll.u32 v28, $0x10;
	v18 =	vadd.f32 v18, v20;
	v14 =	vpop (erf)  }
0x211: {  	v8 =	vadd.f32 $1.000000000e+00, v8;
	v9 =	vmul.f32 v29, v9;
	v30 =	vpop (erf)  }
0x212: {  	v28 =	vand.u32 $0xFFFF0000, v28;
	v18 =	vmul.f32 $1.442695020e+00, v18;
	v20 =	vpop (erf)  }
0x213: {  	(erf) = vrcp.f32 v8;
	v14 =	vmul.f32 v28, v14;
	v20 =	vadd.f32 $1.000000000e+00, v20  }
0x214: {  	[tilespmem:s0+$0xFFFFFF40] =	vst v9  }
0x215: {  	v8 =	vadd.f32 $1.000000000e+00, v25;
	[tilespmem:s0+$0xFFFFFF50] =	vst v14;
	v9 =	vpop (erf);
	(erf) = vrcp.f32 v20  }
0x216: {  	v14 =	vld [tilespmem:s29+$0xFFFFFF70];
	v9 =	vadd.f32 $1.000000000e+00, v9;
	(erf) = vpow2.f32 v18;
	v18 =	vpop (erf)  }
0x217: {  	(erf) = vrcp.f32 v8;
	v8 =	vadd.f32 $1.000000000e+00, v18  }
0x218: {  	(erf) = vrcp.f32 v9  }
0x219: {  	(erf) = vrcp.f32 v8  }
0x21a: {  	v9 =	vshll.u32 v26, $0x10  }
0x21b: {  	v8 =	vshll.u32 v14, $0x10;
	v14 =	vand.u32 $0xFFFF0000, v14;
	v9 =	vmul.f32 v9, v30  }
0x21c: {  	v18 =	vld [tilespmem:s29+$0x20];
	v20 =	vpop (erf);
	v5 =	vadd.f32 v8, v5;
	v8 =	vand.u32 $0xFFFF0000, v26  }
0x21d: {  	v3 =	vadd.f32 v14, v3;
	v8 =	vmul.f32 v8, v20  }
0x21e: {  	v5 =	vmul.f32 $1.442695020e+00, v5;
	v14 =	vpop (erf)  }
0x21f: {  	[tilespmem:s0+$0xFFFFFFC0] =	vst v9;
	v3 =	vmul.f32 $1.442695020e+00, v3;
	v9 =	vpop (erf)  }
0x220: {  	[tilespmem:s0+$0xFFFFFFD0] =	vst v8;
	(erf) = vpow2.f32 v5;
	v20 =	vpop (erf)  }
0x221: {  	v5 =	vshll.u32 v18, $0x10;
	v25 =	vld [tilespmem:s29+$0xFFFFFFF0];
	(erf) = vpow2.f32 v3;
	v8 =	vpop (erf)  }
0x222: {  	v3 =	vand.u32 $0xFFFF0000, v18;
	v5 =	vmul.f32 v5, v8;
	v8 =	vpop (erf)  }
0x223: {  	v3 =	vmul.f32 v3, v8  }
0x224: {  	[tilespmem:s0+$0x40] =	vst v5  }
0x225: {  	v8 =	vadd.f32 $1.000000000e+00, v52;
	[tilespmem:s0+$0x50] =	vst v3  }
0x226: {  	v3 =	vshll.u32 v25, $0x10;
	v5 =	vld [tilespmem:s29+$0x70]  }
0x227: {  	v18 =	vand.u32 $0xFFFF0000, v25;
	v3 =	vadd.f32 v3, v6  }
0x228: {  	v7 =	vadd.f32 v18, v7;
	v6 =	vadd.f32 $1.000000000e+00, v34  }
0x229: {  	(erf) = vrcp.f32 v8;
	v8 =	vpop (erf);
	v3 =	vmul.f32 $1.442695020e+00, v3  }
0x22a: {  	(erf) = vrcp.f32 v6;
	v6 =	vmul.f32 $1.442695020e+00, v7;
	v7 =	vadd.f32 $1.000000000e+00, v8;
	v8 =	vpop (erf)  }
0x22b: {  	v8 =	vadd.f32 $1.000000000e+00, v8;
	(erf) = vpow2.f32 v3;
	v3 =	vshll.u32 v5, $0x10  }
0x22c: {  	(erf) = vpow2.f32 v6;
	v5 =	vand.u32 $0xFFFF0000, v5;
	v2 =	vadd.f32 v3, v2  }
0x22d: {  	v3 =	vadd.f32 $1.000000000e+00, v9;
	(erf) = vrcp.f32 v7;
	v4 =	vadd.f32 v5, v4  }
0x22e: {  	(erf) = vrcp.f32 v8;
	v2 =	vmul.f32 $1.442695020e+00, v2  }
0x22f: {  	(erf) = vrcp.f32 v3;
	v3 =	vmul.f32 $1.442695020e+00, v4  }
0x230: {  	(erf) = vpow2.f32 v2  }
0x231: {  	(erf) = vpow2.f32 v3  }
0x232: {  	v2 =	vpop (erf)  }
0x233: {  	v3 =	vld [tilespmem:s29+$0xB0];
	v4 =	vpop (erf)  }
0x234: {  	v1 =	vmul.f32 v1, v21;
	v5 =	vpop (erf)  }
0x235: {  	v6 =	vpop (erf);
	v5 =	vadd.f32 $1.000000000e+00, v5  }
0x236: {  	[tilespmem:s26+$0x70] =	vst v1;
	v1 =	vmul.f32 v10, v23;
	v7 =	vpop (erf);
	v6 =	vadd.f32 $1.000000000e+00, v6  }
0x237: {  	v8 =	vpop (erf);
	(erf) = vrcp.f32 v5  }
0x238: {  	[tilespmem:s28+$0xFFFFFF60] =	vst v1;
	v1 =	vmul.f32 v17, v16;
	v9 =	vand.u32 $0xFFFF0000, v3;
	v18 =	vpop (erf);
	(erf) = vrcp.f32 v6  }
0x239: {  	v9 =	vmul.f32 v9, v14;
	v5 =	vpop (erf)  }
0x23a: {  	[tilespmem:s28+$0xFFFFFFE0] =	vst v1;
	v1 =	vmul.f32 v12, v15;
	v6 =	vld [tilespmem:s29+$0xFFFFFF30];
	v10 =	vpop (erf);
	v5 =	vadd.f32 $1.000000000e+00, v5  }
0x23b: {  	v2 =	vmul.f32 v13, v2;
	[tilespmem:s0+$0xF0] =	vst v9;
	v9 =	vmul.f32 v11, v22;
	v10 =	vadd.f32 $1.000000000e+00, v10  }
0x23c: {  	[tilespmem:s28+$0xE0] =	vst v1;
	v4 =	vmul.f32 v24, v4;
	(erf) = vrcp.f32 v5;
	v5 =	vld [tilespmem:s29+$0xFFFFFFB0]  }
0x23d: {  	[tilespmem:s28+$0xFFFFFF70] =	vst v9;
	v9 =	vmul.f32 v19, v20;
	(erf) = vrcp.f32 v10  }
0x23e: {  	[tilespmem:s28+$0x60] =	vst v2  }
0x23f: {  	[tilespmem:s28+$0xFFFFFFF0] =	vst v9;
	v9 =	vshll.u32 v6, $0x10  }
0x240: {  	v1 =	vld [tilespmem:s29+$0x30];
	[tilespmem:s28+$0x70] =	vst v4;
	v6 =	vand.u32 $0xFFFF0000, v6;
	v2 =	vmul.f32 v9, v7;
	v4 =	vpop (erf)  }
0x241: {  	v6 =	vmul.f32 v6, v8;
	v7 =	vshll.u32 v5, $0x10;
	v5 =	vand.u32 $0xFFFF0000, v5;
	v8 =	vpop (erf)  }
0x242: {  	v3 =	vshll.u32 v3, $0x10;
	[tilespmem:s0+$0xFFFFFF60] =	vst v2;
	v2 =	vmul.f32 v7, v4;
	v4 =	vmul.f32 v5, v8  }
0x243: {  	[tilespmem:s26+$0x60] =	vst v27  }
0x244: {  	[tilespmem:s0+$0xFFFFFF70] =	vst v6  }
0x245: {  	v5 =	vshll.u32 v1, $0x10;
	[tilespmem:s0+$0xFFFFFFE0] =	vst v2;
	v2 =	vmul.f32 v3, v18;
	v3 =	vpop (erf)  }
0x246: {  	v1 =	vand.u32 $0xFFFF0000, v1;
	[tilespmem:s0+$0xFFFFFFF0] =	vst v4;
	v4 =	vpop (erf);
	v3 =	vmul.f32 v5, v3  }
0x247: {  	[tilespmem:s0+$0xE0] =	vst v2;
	v1 =	vmul.f32 v1, v4  }
0x248: {  	[tilespmem:s0+$0x60] =	vst v3  }
0x249: {  	s26 =	smul.u32 $0xA0, s25;
	[tilespmem:s0+$0x70] =	vst v1  }
0x24a: {  	[spmem:s2] =	stream.indirect.scatter.add.f32 [tilespmem:s4], [sflag:$0x5], $0x80, s11, s12, $0xb8;
	[tilespmem:$0x1E200] =	vst v63  }
0x24b: {  	s24 =	sadd.s32 s26, s19;
	_ =	swait.ge [sflag:s9], $0x2800  }
0x24c: {  	s0 =	sshrl.u32 s24, $0x3;
	[sflag:s9] =	ssyncset.done $0x0  }
0x24d: {  	s8 =	sadd.s32 s6, s0;
	[sflag:s9] =	ssyncadd.s32 $0xFFFFD800  }
0x24e: {  	[tilespmem:s10], [sflag:$0x3] =	stream.linear.gather [hbm4b:s8+s3], $0x50, $0x38;
	[tilespmem:$0x1E200] =	vst v63  }
0x24f: {  	s0 =	sadd.s32 s7, s0  }
0x250: {  	[tilespmem:s11], [sflag:$0x3] =	stream.linear.gather [hbm4b:s0+s3], $0x50, $0x38;
	[tilespmem:$0x1E200] =	vst v63  }
0x251: {  	_ =	swait.ge [sflag:s22], $0x2800  }
0x252: {  	[sflag:s22] =	ssyncset.done $0x0  }
0x253: {  	[sflag:s22] =	ssyncadd.s32 $0xFFFFD800  }
0x254: {  	_ =	swait.ge [sflag:s22], $0x2800  }
0x255: {  	[sflag:s22] =	ssyncset.done $0x0  }
0x256: {  	[sflag:s22] =	ssyncadd.s32 $0xFFFFD800  }
0x257: {  	_ =	swait.ge [sflag:s23], $0x50  }
0x258: {  	[sflag:s23] =	ssyncset.done $0x0  }
0x259: {  	[sflag:s23] =	ssyncadd.s32 $0xFFFFFFB0  }
0x25a: {  	_ =	swait.ge [sflag:s23], $0x50  }
0x25b: {  	[sflag:s23] =	ssyncset.done $0x0  }
0x25c: {  	[sflag:s23] =	ssyncadd.s32 $0xFFFFFFB0  }
0x25d: {  	[tilespmem:s13], [sflag:$0x1] =	stream.indirect.gather [hbm4b:s1+s12], $0x80, s10, s12, $0xb8;
	[tilespmem:$0x1E200] =	vst v63  }
0x25e: {  	s0 =	simm.s32 $0x19300  }
0x25f: {  	[tilespmem:s4], [sflag:$0x1] =	stream.indirect.gather [hbm4b:s5+s12], $0x80, s11, s12, $0xb8;
	[tilespmem:$0x1E200] =	vst v63  }
0x260: {  	s28 =	simm.s32 $0x1BB00;
	v1 =	vld [tilespmem:s0+$0xC0]  }
0x261: {  	v2 =	vld [tilespmem:s28+$0x80];
	_ =	sdelay $0x1  }
0x262: {  	v3 =	vld [tilespmem:s28+$0x90];
	_ =	sdelay $0x1  }
0x263: {  	v4 =	vld [tilespmem:s0+$0xFFFFFF40];
	v5 =	vshll.u32 v1, $0x10  }
0x264: {  	v6 =	vld [tilespmem:s0+$0xFFFFFFC0];
	v2 =	vadd.f32 v5, v2  }
0x265: {  	v7 =	vld [tilespmem:s28+$0xFFFFFF10];
	v1 =	vand.u32 $0xFFFF0000, v1  }
0x266: {  	v1 =	vadd.f32 v1, v3;
	v3 =	vld [tilespmem:s28+$0xFFFFFF00];
	v2 =	vmul.f32 $1.442695020e+00, v2  }
0x267: {  	v8 =	vld [tilespmem:s28+$0xFFFFFF80]  }
0x268: {  	v1 =	vmul.f32 $1.442695020e+00, v1;
	(erf) = vpow2.f32 v2;
	v2 =	vld [tilespmem:s28+$0xFFFFFF90];
	_ =	sdelay $0x1  }
0x269: {  	v5 =	vld [tilespmem:s0+$0x40];
	(erf) = vpow2.f32 v1;
	v1 =	vshll.u32 v4, $0x10  }
0x26a: {  	v9 =	vld [tilespmem:s28+$0x0];
	v1 =	vadd.f32 v1, v3;
	v3 =	vshll.u32 v6, $0x10  }
0x26b: {  	v4 =	vand.u32 $0xFFFF0000, v4;
	v6 =	vand.u32 $0xFFFF0000, v6;
	v3 =	vadd.f32 v3, v8  }
0x26c: {  	v4 =	vadd.f32 v4, v7;
	v2 =	vadd.f32 v6, v2  }
0x26d: {  	v8 =	vld [tilespmem:s28+$0x10];
	v1 =	vmul.f32 $1.442695020e+00, v1;
	v3 =	vmul.f32 $1.442695020e+00, v3  }
0x26e: {  	v7 =	vshll.u32 v5, $0x10;
	v4 =	vmul.f32 $1.442695020e+00, v4;
	v2 =	vmul.f32 $1.442695020e+00, v2  }
0x26f: {  	v10 =	vld [tilespmem:s0+$0xFFFFFF80];
	v6 =	vadd.f32 v7, v9;
	(erf) = vpow2.f32 v1  }
0x270: {  	v14 =	vld [tilespmem:s0+$0xFFFFFF00];
	(erf) = vpow2.f32 v4  }
0x271: {  	v15 =	vld [tilespmem:s28+$0xFFFFFF20];
	v5 =	vand.u32 $0xFFFF0000, v5;
	v4 =	vmul.f32 $1.442695020e+00, v6;
	(erf) = vpow2.f32 v3;
	v3 =	vpop (erf)  }
0x272: {  	v16 =	vld [tilespmem:s28+$0xFFFFFF30];
	v5 =	vadd.f32 v5, v8;
	(erf) = vpow2.f32 v2;
	v3 =	vadd.f32 $1.000000000e+00, v3;
	v2 =	vpop (erf)  }
0x273: {  	v17 =	vld [tilespmem:s28+$0xFFFFFFA0];
	(erf) = vpow2.f32 v4;
	v2 =	vadd.f32 $1.000000000e+00, v2  }
0x274: {  	v18 =	vld [tilespmem:s28+$0xFFFFFFB0];
	(erf) = vrcp.f32 v3;
	v3 =	vmul.f32 $1.442695020e+00, v5  }
0x275: {  	v19 =	vld [tilespmem:s28+$0x20];
	(erf) = vrcp.f32 v2  }
0x276: {  	v2 =	vld [tilespmem:s0+$0x80];
	(erf) = vpow2.f32 v3  }
0x277: {  	v20 =	vld [tilespmem:s28+$0x30]  }
0x278: {  	v13 =	vld [tilespmem:s28+$0xFFFFFF40];
	v3 =	vpop (erf)  }
0x279: {  	v12 =	vld [tilespmem:s28+$0xFFFFFF50];
	v4 =	vpop (erf)  }
0x27a: {  	v11 =	vld [tilespmem:s28+$0xFFFFFFC0];
	v5 =	vpop (erf)  }
0x27b: {  	v9 =	vld [tilespmem:s28+$0xFFFFFFD0];
	v3 =	vadd.f32 $1.000000000e+00, v3;
	v6 =	vpop (erf);
	v5 =	vadd.f32 $1.000000000e+00, v5;
	v22 =	vshll.u32 v2, $0x10  }
0x27c: {  	v7 =	vld [tilespmem:s28+$0x50];
	v4 =	vadd.f32 $1.000000000e+00, v4;
	v21 =	vpop (erf)  }
0x27d: {  	v1 =	vld [tilespmem:s0+$0x0];
	(erf) = vrcp.f32 v3;
	v2 =	vand.u32 $0xFFFF0000, v2;
	v23 =	vpop (erf)  }
0x27e: {  	v8 =	vld [tilespmem:s28+$0x40];
	(erf) = vrcp.f32 v4;
	v3 =	vmul.f32 v22, v23;
	v23 =	vadd.f32 $1.000000000e+00, v6;
	v22 =	vpop (erf)  }
0x27f: {  	v4 =	vld [tilespmem:s28+$0xFFFFFF70];
	v21 =	vadd.f32 $1.000000000e+00, v21;
	(erf) = vrcp.f32 v5;
	v2 =	vmul.f32 v2, v22;
	v5 =	vpop (erf)  }
0x280: {  	v6 =	vld [tilespmem:s28+$0xFFFFFF60];
	[tilespmem:s28+$0x80] =	vst v3;
	(erf) = vrcp.f32 v23;
	v5 =	vadd.f32 $1.000000000e+00, v5  }
0x281: {  	v3 =	vld [tilespmem:s28+$0xFFFFFFE0];
	(erf) = vrcp.f32 v21;
	[tilespmem:s28+$0x90] =	vst v2  }
0x282: {  	v2 =	vld [tilespmem:s0+$0xD0];
	(erf) = vrcp.f32 v5  }
0x283: {  	v5 =	vld [tilespmem:s28+$0xA0];
	_ =	sdelay $0x1  }
0x284: {  	v21 =	vld [tilespmem:s28+$0xB0]  }
0x285: {  	v23 =	vshll.u32 v14, $0x10  }
0x286: {  	v24 =	vpop (erf);
	v22 =	vshll.u32 v2, $0x10  }
0x287: {  	v5 =	vadd.f32 v22, v5;
	v22 =	vmul.f32 v23, v24  }
0x288: {  	v14 =	vand.u32 $0xFFFF0000, v14;
	v2 =	vand.u32 $0xFFFF0000, v2;
	v23 =	vpop (erf)  }
0x289: {  	v2 =	vadd.f32 v2, v21;
	v14 =	vmul.f32 v14, v23;
	v5 =	vmul.f32 $1.442695020e+00, v5  }
0x28a: {  	[tilespmem:s28+$0xFFFFFF00] =	vst v22  }
0x28b: {  	v21 =	vshll.u32 v10, $0x10;
	v2 =	vmul.f32 $1.442695020e+00, v2;
	[tilespmem:s28+$0xFFFFFF10] =	vst v14;
	v22 =	vpop (erf);
	(erf) = vpow2.f32 v5  }
0x28c: {  	v14 =	vmul.f32 v21, v22;
	v22 =	vld [tilespmem:s0+$0xFFFFFF50]  }
0x28d: {  	(erf) = vpow2.f32 v2  }
0x28e: {  	v10 =	vand.u32 $0xFFFF0000, v10;
	v21 =	vpop (erf)  }
0x28f: {  	v2 =	vmul.f32 v10, v21  }
0x290: {  	[tilespmem:s28+$0xFFFFFF80] =	vst v14  }
0x291: {  	v21 =	vpop (erf);
	v14 =	vshll.u32 v1, $0x10;
	[tilespmem:s28+$0xFFFFFF90] =	vst v2;
	v23 =	vshll.u32 v22, $0x10  }
0x292: {  	v24 =	vand.u32 $0xFFFF0000, v1;
	v14 =	vmul.f32 v14, v21;
	v21 =	vpop (erf);
	v10 =	vld [tilespmem:s0+$0xFFFFFFD0];
	v15 =	vadd.f32 v23, v15  }
0x293: {  	v21 =	vmul.f32 v24, v21;
	v22 =	vand.u32 $0xFFFF0000, v22  }
0x294: {  	[tilespmem:s28+$0x0] =	vst v14;
	v14 =	vadd.f32 v22, v16;
	v15 =	vmul.f32 $1.442695020e+00, v15;
	v16 =	vpop (erf)  }
0x295: {  	[tilespmem:s28+$0x10] =	vst v21;
	v16 =	vadd.f32 $1.000000000e+00, v16  }
0x296: {  	v23 =	vld [tilespmem:s0+$0x50];
	v22 =	vpop (erf);
	(erf) = vpow2.f32 v15  }
0x297: {  	v21 =	vshll.u32 v10, $0x10;
	v15 =	vadd.f32 $1.000000000e+00, v22;
	(erf) = vrcp.f32 v16  }
0x298: {  	v17 =	vadd.f32 v21, v17  }
0x299: {  	v14 =	vmul.f32 $1.442695020e+00, v14;
	v10 =	vand.u32 $0xFFFF0000, v10;
	(erf) = vrcp.f32 v15  }
0x29a: {  	v10 =	vadd.f32 v10, v18;
	v16 =	vmul.f32 $1.442695020e+00, v17  }
0x29b: {  	v15 =	vld [tilespmem:s0+$0x90];
	(erf) = vpow2.f32 v14;
	v14 =	vshll.u32 v23, $0x10  }
0x29c: {  	v10 =	vmul.f32 $1.442695020e+00, v10;
	(erf) = vpow2.f32 v16;
	v14 =	vadd.f32 v14, v19;
	_ =	sdelay $0x1  }
0x29d: {  	(erf) = vpow2.f32 v10;
	v10 =	vand.u32 $0xFFFF0000, v23;
	v14 =	vmul.f32 $1.442695020e+00, v14  }
0x29e: {  	v10 =	vadd.f32 v10, v20;
	v16 =	vpop (erf)  }
0x29f: {  	(erf) = vpow2.f32 v14;
	v14 =	vshll.u32 v15, $0x10;
	v17 =	vpop (erf)  }
0x2a0: {  	v10 =	vmul.f32 $1.442695020e+00, v10;
	v14 =	vmul.f32 v14, v17  }
0x2a1: {  	v15 =	vand.u32 $0xFFFF0000, v15;
	v17 =	vpop (erf)  }
0x2a2: {  	(erf) = vpow2.f32 v10;
	v15 =	vmul.f32 v15, v17  }
0x2a3: {  	v16 =	vadd.f32 $1.000000000e+00, v16;
	v17 =	vpop (erf);
	[tilespmem:s28+$0xA0] =	vst v14  }
0x2a4: {  	v17 =	vadd.f32 $1.000000000e+00, v17;
	[tilespmem:s28+$0xB0] =	vst v15;
	v14 =	vpop (erf)  }
0x2a5: {  	(erf) = vrcp.f32 v16;
	v16 =	vld [tilespmem:s0+$0xE0];
	v14 =	vadd.f32 $1.000000000e+00, v14  }
0x2a6: {  	(erf) = vrcp.f32 v17;
	v17 =	vld [tilespmem:s28+$0xC0];
	v15 =	vpop (erf)  }
0x2a7: {  	v15 =	vadd.f32 $1.000000000e+00, v15;
	(erf) = vrcp.f32 v14;
	v14 =	vld [tilespmem:s28+$0xD0];
	_ =	sdelay $0x1  }
0x2a8: {  	v18 =	vpop (erf);
	(erf) = vrcp.f32 v15;
	v15 =	vld [tilespmem:s0+$0xFFFFFF10]  }
0x2a9: {  	v18 =	vadd.f32 $1.000000000e+00, v18;
	v21 =	vshll.u32 v16, $0x10  }
0x2aa: {  	v20 =	vpop (erf);
	v16 =	vand.u32 $0xFFFF0000, v16;
	v17 =	vadd.f32 v21, v17  }
0x2ab: {  	v20 =	vadd.f32 $1.000000000e+00, v20;
	v14 =	vadd.f32 v16, v14  }
0x2ac: {  	(erf) = vrcp.f32 v18;
	v17 =	vmul.f32 $1.442695020e+00, v17  }
0x2ad: {  	v19 =	vld [tilespmem:s0+$0xFFFFFF90];
	(erf) = vrcp.f32 v20;
	v18 =	vpop (erf);
	v16 =	vshll.u32 v15, $0x10;
	v14 =	vmul.f32 $1.442695020e+00, v14  }
0x2ae: {  	v15 =	vand.u32 $0xFFFF0000, v15;
	v16 =	vmul.f32 v16, v18;
	v18 =	vpop (erf);
	(erf) = vpow2.f32 v17  }
0x2af: {  	v15 =	vmul.f32 v15, v18;
	(erf) = vpow2.f32 v14  }
0x2b0: {  	[tilespmem:s28+$0xFFFFFF20] =	vst v16  }
0x2b1: {  	[tilespmem:s28+$0xFFFFFF30] =	vst v15  }
0x2b2: {  	v20 =	vshll.u32 v19, $0x10;
	v17 =	vand.u32 $0xFFFF0000, v19;
	v18 =	vpop (erf);
	v15 =	vld [tilespmem:s0+$0xFFFFFF60]  }
0x2b3: {  	s29 =	simm.s32 $0x1BD00;
	v16 =	vmul.f32 v20, v18;
	v18 =	vpop (erf)  }
0x2b4: {  	s24 =	simm.s32 $0x19500;
	v20 =	vld [tilespmem:s29+$0x90];
	v14 =	vmul.f32 v17, v18  }
0x2b5: {  	v17 =	vpop (erf);
	[tilespmem:s28+$0xFFFFFFA0] =	vst v16;
	v16 =	vld [tilespmem:s24+$0xC0]  }
0x2b6: {  	v18 =	vld [tilespmem:s29+$0x80];
	[tilespmem:s28+$0xFFFFFFB0] =	vst v14;
	v19 =	vpop (erf)  }
0x2b7: {  	v14 =	vld [tilespmem:s0+$0xFFFFFFE0];
	v21 =	vshll.u32 v15, $0x10;
	v22 =	vpop (erf)  }
0x2b8: {  	v15 =	vand.u32 $0xFFFF0000, v15;
	v13 =	vadd.f32 v21, v13;
	v21 =	vadd.f32 $1.000000000e+00, v22;
	v22 =	vpop (erf)  }
0x2b9: {  	v23 =	vld [tilespmem:s24+$0xFFFFFF40];
	v12 =	vadd.f32 v15, v12;
	v15 =	vadd.f32 $1.000000000e+00, v22  }
0x2ba: {  	v25 =	vshll.u32 v16, $0x10;
	(erf) = vrcp.f32 v21  }
0x2bb: {  	v16 =	vand.u32 $0xFFFF0000, v16;
	v18 =	vadd.f32 v25, v18;
	(erf) = vrcp.f32 v15;
	v15 =	vld [tilespmem:s29+$0xFFFFFF10]  }
0x2bc: {  	v24 =	vld [tilespmem:s24+$0xFFFFFFC0];
	v16 =	vadd.f32 v16, v20;
	v25 =	vshll.u32 v14, $0x10  }
0x2bd: {  	v11 =	vadd.f32 v25, v11;
	v18 =	vmul.f32 $1.442695020e+00, v18;
	v25 =	vld [tilespmem:s0+$0xA0]  }
0x2be: {  	v26 =	vshll.u32 v23, $0x10;
	v21 =	vld [tilespmem:s29+$0xFFFFFF00];
	v13 =	vmul.f32 $1.442695020e+00, v13;
	v16 =	vmul.f32 $1.442695020e+00, v16  }
0x2bf: {  	v20 =	vld [tilespmem:s29+$0xFFFFFF80];
	v12 =	vmul.f32 $1.442695020e+00, v12;
	(erf) = vpow2.f32 v18;
	v18 =	vand.u32 $0xFFFF0000, v23  }
0x2c0: {  	v27 =	vld [tilespmem:s29+$0xFFFFFF90];
	v11 =	vmul.f32 $1.442695020e+00, v11;
	(erf) = vpow2.f32 v16;
	v15 =	vadd.f32 v18, v15  }
0x2c1: {  	v22 =	vld [tilespmem:s24+$0x40];
	v23 =	vand.u32 $0xFFFF0000, v24;
	v16 =	vshll.u32 v24, $0x10;
	(erf) = vpow2.f32 v13  }
0x2c2: {  	v24 =	vld [tilespmem:s29+$0x0];
	(erf) = vpow2.f32 v12;
	v12 =	vmul.f32 $1.442695020e+00, v15;
	v15 =	vshll.u32 v25, $0x10  }
0x2c3: {  	v21 =	vadd.f32 v26, v21  }
0x2c4: {  	v16 =	vadd.f32 v16, v20;
	(erf) = vpow2.f32 v11;
	v11 =	vpop (erf)  }
0x2c5: {  	v13 =	vmul.f32 $1.442695020e+00, v21;
	v21 =	vand.u32 $0xFFFF0000, v25;
	v11 =	vmul.f32 v15, v11;
	v15 =	vpop (erf)  }
0x2c6: {  	v20 =	vadd.f32 v23, v27;
	v18 =	vshll.u32 v22, $0x10;
	v15 =	vmul.f32 v21, v15  }
0x2c7: {  	v23 =	vld [tilespmem:s29+$0x10];
	v16 =	vmul.f32 $1.442695020e+00, v16;
	v24 =	vadd.f32 v18, v24;
	(erf) = vpow2.f32 v13  }
0x2c8: {  	v20 =	vmul.f32 $1.442695020e+00, v20;
	(erf) = vpow2.f32 v12  }
0x2c9: {  	v13 =	vld [tilespmem:s0+$0x10];
	[tilespmem:s28+$0xC0] =	vst v11;
	v11 =	vmul.f32 $1.442695020e+00, v24;
	(erf) = vpow2.f32 v16;
	v12 =	vpop (erf)  }
0x2ca: {  	(erf) = vpow2.f32 v20;
	v20 =	vand.u32 $0xFFFF0000, v22;
	v12 =	vadd.f32 $1.000000000e+00, v12;
	[tilespmem:s28+$0xD0] =	vst v15;
	v15 =	vpop (erf)  }
0x2cb: {  	(erf) = vpow2.f32 v11;
	v11 =	vand.u32 $0xFFFF0000, v14;
	v15 =	vadd.f32 $1.000000000e+00, v15  }
0x2cc: {  	v14 =	vadd.f32 v20, v23;
	v9 =	vadd.f32 v11, v9;
	v21 =	vld [tilespmem:s0+$0xF0]  }
0x2cd: {  	v20 =	vld [tilespmem:s28+$0xF0];
	(erf) = vrcp.f32 v12  }
0x2ce: {  	v12 =	vshll.u32 v13, $0x10;
	v14 =	vmul.f32 $1.442695020e+00, v14;
	v9 =	vmul.f32 $1.442695020e+00, v9;
	v22 =	vpop (erf)  }
0x2cf: {  	v13 =	vand.u32 $0xFFFF0000, v13;
	v12 =	vmul.f32 v12, v17;
	(erf) = vrcp.f32 v15;
	v15 =	vpop (erf)  }
0x2d0: {  	v13 =	vmul.f32 v13, v19;
	v22 =	vadd.f32 $1.000000000e+00, v22;
	v19 =	vpop (erf);
	v15 =	vadd.f32 $1.000000000e+00, v15  }
0x2d1: {  	v24 =	vld [tilespmem:s24+$0x80];
	[tilespmem:s28+$0x20] =	vst v12;
	(erf) = vpow2.f32 v14;
	v14 =	vand.u32 $0xFFFF0000, v21;
	v25 =	vpop (erf);
	v12 =	vadd.f32 $1.000000000e+00, v19  }
0x2d2: {  	v14 =	vadd.f32 v14, v20;
	(erf) = vpow2.f32 v9;
	v9 =	vpop (erf)  }
0x2d3: {  	[tilespmem:s28+$0x30] =	vst v13;
	(erf) = vrcp.f32 v22;
	v19 =	vpop (erf)  }
0x2d4: {  	v20 =	vld [tilespmem:s0+$0x60];
	v13 =	vmul.f32 $1.442695020e+00, v14;
	(erf) = vrcp.f32 v15;
	v15 =	vpop (erf)  }
0x2d5: {  	(erf) = vrcp.f32 v12;
	v12 =	vpop (erf)  }
0x2d6: {  	(erf) = vpow2.f32 v13;
	v13 =	vshll.u32 v24, $0x10;
	v28 =	vpop (erf)  }
0x2d7: {  	v14 =	vadd.f32 $1.000000000e+00, v25;
	v13 =	vmul.f32 v13, v28  }
0x2d8: {  	v10 =	vld [tilespmem:s28+$0xE0];
	v9 =	vadd.f32 $1.000000000e+00, v9;
	v19 =	vadd.f32 $1.000000000e+00, v19  }
0x2d9: {  	(erf) = vrcp.f32 v14;
	v14 =	vand.u32 $0xFFFF0000, v24;
	v24 =	vpop (erf);
	[tilespmem:s29+$0x80] =	vst v13;
	v13 =	vshll.u32 v20, $0x10  }
0x2da: {  	v15 =	vadd.f32 $1.000000000e+00, v15;
	(erf) = vrcp.f32 v9;
	v24 =	vmul.f32 v14, v24  }
0x2db: {  	v21 =	vshll.u32 v21, $0x10;
	v12 =	vadd.f32 $1.000000000e+00, v12;
	v31 =	vpop (erf);
	(erf) = vrcp.f32 v19  }
0x2dc: {  	[tilespmem:s29+$0x90] =	vst v24;
	v8 =	vadd.f32 v13, v8;
	v24 =	vadd.f32 $1.000000000e+00, v31;
	v13 =	vpop (erf);
	(erf) = vrcp.f32 v15  }
0x2dd: {  	v17 =	vld [tilespmem:s24+$0xFFFFFF00];
	v10 =	vadd.f32 v21, v10;
	v20 =	vand.u32 $0xFFFF0000, v20  }
0x2de: {  	v56 =	vld [tilespmem:s29+$0xA0];
	v7 =	vadd.f32 v20, v7;
	v31 =	vpop (erf);
	(erf) = vrcp.f32 v12;
	v12 =	vmul.f32 $1.442695020e+00, v8  }
0x2df: {  	v19 =	vld [tilespmem:s24+$0xD0];
	v13 =	vadd.f32 $1.000000000e+00, v13;
	v21 =	vpop (erf)  }
0x2e0: {  	v11 =	vld [tilespmem:s24+$0xFFFFFF80];
	v7 =	vmul.f32 $1.442695020e+00, v7;
	(erf) = vrcp.f32 v24;
	v24 =	vpop (erf)  }
0x2e1: {  	v57 =	vld [tilespmem:s29+$0xB0];
	v59 =	vmul.f32 $1.442695020e+00, v10;
	(erf) = vpow2.f32 v12;
	v10 =	vpop (erf)  }
0x2e2: {  	v30 =	vshll.u32 v17, $0x10;
	(erf) = vpow2.f32 v7;
	v12 =	vpop (erf)  }
0x2e3: {  	(erf) = vrcp.f32 v13;
	v13 =	vpop (erf);
	v30 =	vmul.f32 v30, v12  }
0x2e4: {  	v58 =	vand.u32 $0xFFFF0000, v17;
	v17 =	vshll.u32 v19, $0x10;
	v19 =	vand.u32 $0xFFFF0000, v19;
	v61 =	vpop (erf)  }
0x2e5: {  	v23 =	vld [tilespmem:s24+$0x0];
	v10 =	vadd.f32 $1.000000000e+00, v10;
	v32 =	vadd.f32 v17, v56;
	[tilespmem:s29+$0xFFFFFF00] =	vst v30;
	v30 =	vand.u32 $0xFFFF0000, v11;
	v62 =	vpop (erf)  }
0x2e6: {  	v19 =	vadd.f32 v19, v57;
	v13 =	vmul.f32 v58, v13;
	v30 =	vmul.f32 v30, v62  }
0x2e7: {  	v26 =	vld [tilespmem:s29+$0xFFFFFF20];
	(erf) = vrcp.f32 v10;
	v32 =	vmul.f32 $1.442695020e+00, v32  }
0x2e8: {  	v18 =	vld [tilespmem:s0+$0xFFFFFF20];
	v60 =	vshll.u32 v11, $0x10;
	v19 =	vmul.f32 $1.442695020e+00, v19;
	(erf) = vpow2.f32 v59  }
0x2e9: {  	v16 =	vld [tilespmem:s0+$0xFFFFFFA0];
	v33 =	vmul.f32 v60, v61;
	[tilespmem:s29+$0xFFFFFF10] =	vst v13;
	(erf) = vpow2.f32 v32;
	v38 =	vpop (erf)  }
0x2ea: {  	v37 =	vshll.u32 v23, $0x10;
	v23 =	vand.u32 $0xFFFF0000, v23;
	v63 =	vld [tilespmem:s24+$0xFFFFFF50];
	(erf) = vpow2.f32 v19;
	[tilespmem:s29+$0xFFFFFF90] =	vst v30;
	v30 =	vpop (erf)  }
0x2eb: {  	v27 =	vld [tilespmem:s29+$0xFFFFFF30];
	[tilespmem:s29+$0xFFFFFF80] =	vst v33;
	v23 =	vmul.f32 v23, v30  }
0x2ec: {  	v39 =	vmul.f32 v37, v38;
	v40 =	vld [tilespmem:s24+$0xFFFFFFD0]  }
0x2ed: {  	v41 =	vshll.u32 v18, $0x10;
	v18 =	vand.u32 $0xFFFF0000, v18;
	v22 =	vld [tilespmem:s29+$0xFFFFFFA0];
	v30 =	vpop (erf)  }
0x2ee: {  	v43 =	vshll.u32 v16, $0x10;
	v16 =	vand.u32 $0xFFFF0000, v16;
	v25 =	vld [tilespmem:s29+$0xFFFFFFB0];
	v31 =	vmul.f32 v41, v31;
	[tilespmem:s29+$0x0] =	vst v39;
	v42 =	vpop (erf)  }
0x2ef: {  	v29 =	vld [tilespmem:s29+$0x20];
	v44 =	vmul.f32 v18, v21;
	v37 =	vshll.u32 v63, $0x10;
	v30 =	vadd.f32 $1.000000000e+00, v30;
	[tilespmem:s29+$0x10] =	vst v23;
	v23 =	vpop (erf)  }
0x2f0: {  	v24 =	vmul.f32 v43, v24;
	[tilespmem:s28+$0xFFFFFF40] =	vst v31;
	v32 =	vand.u32 $0xFFFF0000, v63;
	v26 =	vadd.f32 v37, v26;
	v38 =	vld [tilespmem:s24+$0x50];
	v21 =	vpop (erf)  }
0x2f1: {  	v28 =	vld [tilespmem:s29+$0x30];
	[tilespmem:s28+$0xFFFFFF50] =	vst v44;
	v27 =	vadd.f32 v32, v27;
	(erf) = vrcp.f32 v30;
	v30 =	vshll.u32 v40, $0x10;
	v18 =	vpop (erf)  }
0x2f2: {  	v46 =	vld [tilespmem:s0+$0xFFFFFF70];
	v26 =	vmul.f32 $1.442695020e+00, v26;
	v45 =	vand.u32 $0xFFFF0000, v40;
	v22 =	vadd.f32 v30, v22;
	v31 =	vpop (erf)  }
0x2f3: {  	v27 =	vmul.f32 $1.442695020e+00, v27;
	v25 =	vadd.f32 v45, v25;
	v30 =	vadd.f32 $1.000000000e+00, v31;
	v31 =	vpop (erf)  }
0x2f4: {  	(erf) = vpow2.f32 v26;
	v16 =	vmul.f32 v16, v23;
	v26 =	vadd.f32 $1.000000000e+00, v31  }
0x2f5: {  	v22 =	vmul.f32 $1.442695020e+00, v22;
	v31 =	vshll.u32 v38, $0x10;
	(erf) = vrcp.f32 v30  }
0x2f6: {  	v30 =	vand.u32 $0xFFFF0000, v38;
	v29 =	vadd.f32 v31, v29;
	(erf) = vrcp.f32 v26  }
0x2f7: {  	v26 =	vadd.f32 v30, v28;
	(erf) = vpow2.f32 v27;
	v27 =	vshll.u32 v46, $0x10  }
0x2f8: {  	v25 =	vmul.f32 $1.442695020e+00, v25;
	v28 =	vmul.f32 $1.442695020e+00, v29;
	v6 =	vadd.f32 v27, v6  }
0x2f9: {  	v29 =	vld [tilespmem:s0+$0x20];
	v26 =	vmul.f32 $1.442695020e+00, v26;
	(erf) = vpow2.f32 v22  }
0x2fa: {  	v23 =	vand.u32 $0xFFFF0000, v46;
	v22 =	vld [tilespmem:s24+$0x90];
	(erf) = vpow2.f32 v25;
	v6 =	vmul.f32 $1.442695020e+00, v6  }
0x2fb: {  	v5 =	vld [tilespmem:s28+$0xFFFFFFF0];
	[tilespmem:s28+$0xFFFFFFC0] =	vst v24;
	v24 =	vadd.f32 $1.000000000e+00, v42;
	(erf) = vpow2.f32 v28  }
0x2fc: {  	v4 =	vadd.f32 v23, v4;
	v25 =	vpop (erf);
	(erf) = vpow2.f32 v26  }
0x2fd: {  	[tilespmem:s28+$0xFFFFFFD0] =	vst v16;
	v23 =	vpop (erf);
	(erf) = vrcp.f32 v24  }
0x2fe: {  	v16 =	vld [tilespmem:s0+$0xFFFFFFF0];
	v24 =	vmul.f32 $1.442695020e+00, v4;
	(erf) = vpow2.f32 v6;
	v6 =	vpop (erf)  }
0x2ff: {  	v26 =	vshll.u32 v29, $0x10;
	v4 =	vshll.u32 v22, $0x10;
	v22 =	vand.u32 $0xFFFF0000, v22;
	v27 =	vpop (erf)  }
0x300: {  	v22 =	vmul.f32 v22, v27  }
0x301: {  	v23 =	vadd.f32 $1.000000000e+00, v23;
	v6 =	vmul.f32 v4, v6  }
0x302: {  	v25 =	vmul.f32 v26, v25;
	(erf) = vpow2.f32 v24;
	v26 =	vpop (erf)  }
0x303: {  	(erf) = vrcp.f32 v23;
	[tilespmem:s29+$0xA0] =	vst v6;
	v6 =	vshll.u32 v16, $0x10;
	v23 =	vadd.f32 $1.000000000e+00, v26;
	v26 =	vpop (erf)  }
0x304: {  	v16 =	vand.u32 $0xFFFF0000, v16;
	[tilespmem:s29+$0xB0] =	vst v22;
	v3 =	vadd.f32 v6, v3;
	v6 =	vadd.f32 $1.000000000e+00, v26;
	v22 =	vpop (erf)  }
0x305: {  	v5 =	vadd.f32 v16, v5;
	v16 =	vadd.f32 $1.000000000e+00, v22;
	v22 =	vpop (erf)  }
0x306: {  	v26 =	vld [tilespmem:s24+$0xE0];
	v22 =	vadd.f32 $1.000000000e+00, v22  }
0x307: {  	(erf) = vrcp.f32 v23;
	v23 =	vld [tilespmem:s29+$0xC0]  }
0x308: {  	(erf) = vrcp.f32 v6;
	v6 =	vpop (erf)  }
0x309: {  	v6 =	vadd.f32 $1.000000000e+00, v6;
	(erf) = vrcp.f32 v16;
	v16 =	vpop (erf)  }
0x30a: {  	v27 =	vld [tilespmem:s29+$0xD0];
	v3 =	vmul.f32 $1.442695020e+00, v3;
	(erf) = vrcp.f32 v22;
	v22 =	vpop (erf)  }
0x30b: {  	v28 =	vld [tilespmem:s24+$0xFFFFFF10];
	(erf) = vrcp.f32 v6;
	v6 =	vadd.f32 $1.000000000e+00, v22;
	v22 =	vshll.u32 v26, $0x10  }
0x30c: {  	v1 =	vld [tilespmem:s28+$0x70];
	v24 =	vand.u32 $0xFFFF0000, v29;
	v5 =	vmul.f32 $1.442695020e+00, v5;
	v22 =	vadd.f32 v22, v23  }
0x30d: {  	v2 =	vld [tilespmem:s28+$0x60];
	v16 =	vmul.f32 v24, v16;
	v29 =	vpop (erf);
	(erf) = vpow2.f32 v3  }
0x30e: {  	[tilespmem:s28+$0x40] =	vst v25;
	v24 =	vld [tilespmem:s24+$0xFFFFFF90];
	v3 =	vand.u32 $0xFFFF0000, v26;
	v25 =	vadd.f32 $1.000000000e+00, v29;
	(erf) = vpow2.f32 v5  }
0x30f: {  	v23 =	vld [tilespmem:s0+$0xB0];
	v3 =	vadd.f32 v3, v27;
	[tilespmem:s28+$0x50] =	vst v16;
	(erf) = vrcp.f32 v6  }
0x310: {  	s31 =	simm.s32 $0x1BF00;
	v26 =	vld [tilespmem:s0+$0x70];
	v16 =	vmul.f32 $1.442695020e+00, v22;
	v22 =	vpop (erf);
	(erf) = vrcp.f32 v25;
	v25 =	vand.u32 $0xFFFF0000, v28  }
0x311: {  	v49 =	vld [tilespmem:s31+$0xFFFFFF00];
	v6 =	vshll.u32 v28, $0x10  }
0x312: {  	v18 =	vadd.f32 $1.000000000e+00, v18;
	v5 =	vld [tilespmem:s24+$0x10];
	v3 =	vmul.f32 $1.442695020e+00, v3;
	v6 =	vmul.f32 v6, v22;
	v22 =	vpop (erf)  }
0x313: {  	v9 =	vld [tilespmem:s29+$0xFFFFFF50];
	v27 =	vshll.u32 v24, $0x10;
	(erf) = vpow2.f32 v16;
	v22 =	vmul.f32 v25, v22;
	v25 =	vpop (erf)  }
0x314: {  	v24 =	vand.u32 $0xFFFF0000, v24;
	v16 =	vld [tilespmem:s0+$0xFFFFFF30];
	(erf) = vpow2.f32 v3;
	[tilespmem:s29+$0xFFFFFF20] =	vst v6;
	v6 =	vmul.f32 v27, v25;
	v25 =	vpop (erf)  }
0x315: {  	v14 =	vld [tilespmem:s29+$0xFFFFFF40];
	v3 =	vand.u32 $0xFFFF0000, v23;
	[tilespmem:s29+$0xFFFFFF30] =	vst v22;
	v22 =	vmul.f32 v24, v25;
	v25 =	vshll.u32 v26, $0x10  }
0x316: {  	v28 =	vand.u32 $0xFFFF0000, v26;
	v21 =	vmul.f32 v3, v21;
	v3 =	vld [tilespmem:s0+$0xFFFFFFB0];
	v2 =	vadd.f32 v25, v2  }
0x317: {  	s30 =	simm.s32 $0x19700;
	v1 =	vadd.f32 v28, v1;
	v27 =	vshll.u32 v5, $0x10;
	v5 =	vand.u32 $0xFFFF0000, v5;
	v24 =	vpop (erf);
	v30 =	vld [tilespmem:s24+$0xFFFFFF60];
	[tilespmem:s29+$0xFFFFFFA0] =	vst v6  }
0x318: {  	(erf) = vrcp.f32 v18;
	[tilespmem:s29+$0xFFFFFFB0] =	vst v22;
	v22 =	vshll.u32 v23, $0x10;
	v23 =	vld [tilespmem:s30+$0xC0];
	v6 =	vpop (erf);
	v2 =	vmul.f32 $1.442695020e+00, v2  }
0x319: {  	v15 =	vld [tilespmem:s29+$0xFFFFFFC0];
	v1 =	vmul.f32 $1.442695020e+00, v1;
	v26 =	vshll.u32 v16, $0x10;
	v25 =	vand.u32 $0xFFFF0000, v16;
	v31 =	vpop (erf)  }
0x31a: {  	v18 =	vld [tilespmem:s31+$0x80];
	v5 =	vmul.f32 v5, v6;
	v40 =	vpop (erf);
	v6 =	vadd.f32 $1.000000000e+00, v31;
	(erf) = vpow2.f32 v2  }
0x31b: {  	v42 =	vmul.f32 v27, v24;
	v27 =	vshll.u32 v3, $0x10;
	v2 =	vld [tilespmem:s31+$0x90];
	v28 =	vpop (erf);
	(erf) = vpow2.f32 v1  }
0x31c: {  	v16 =	vld [tilespmem:s24+$0xFFFFFFE0];
	v1 =	vshll.u32 v30, $0x10;
	v30 =	vand.u32 $0xFFFF0000, v30;
	v29 =	vpop (erf);
	(erf) = vrcp.f32 v6  }
0x31d: {  	v31 =	vld [tilespmem:s30+$0xFFFFFF40];
	v1 =	vadd.f32 v1, v14;
	v48 =	vshll.u32 v23, $0x10;
	v23 =	vand.u32 $0xFFFF0000, v23;
	v24 =	vpop (erf)  }
0x31e: {  	v14 =	vld [tilespmem:s30+$0x40];
	v9 =	vadd.f32 v30, v9;
	v30 =	vand.u32 $0xFFFF0000, v3;
	v24 =	vadd.f32 $1.000000000e+00, v24;
	v47 =	vpop (erf)  }
0x31f: {  	v50 =	vld [tilespmem:s31+$0xFFFFFF10];
	v18 =	vadd.f32 v48, v18;
	v1 =	vmul.f32 $1.442695020e+00, v1;
	v32 =	vadd.f32 $1.000000000e+00, v47  }
0x320: {  	v6 =	vld [tilespmem:s30+$0xFFFFFFC0];
	v3 =	vmul.f32 $1.442695020e+00, v9;
	v2 =	vadd.f32 v23, v2;
	(erf) = vrcp.f32 v24  }
0x321: {  	v23 =	vld [tilespmem:s31+$0xFFFFFF80];
	v18 =	vmul.f32 $1.442695020e+00, v18;
	v24 =	vshll.u32 v16, $0x10;
	(erf) = vrcp.f32 v32  }
0x322: {  	v53 =	vld [tilespmem:s31+$0xFFFFFF90];
	v52 =	vshll.u32 v31, $0x10;
	v15 =	vadd.f32 v24, v15;
	v2 =	vmul.f32 $1.442695020e+00, v2  }
0x323: {  	v9 =	vld [tilespmem:s24+$0xA0];
	v34 =	vadd.f32 v52, v49;
	v54 =	vshll.u32 v14, $0x10;
	(erf) = vpow2.f32 v18  }
0x324: {  	v18 =	vand.u32 $0xFFFF0000, v31;
	v15 =	vmul.f32 $1.442695020e+00, v15;
	(erf) = vpow2.f32 v2  }
0x325: {  	v39 =	vld [tilespmem:s31+$0x0];
	v24 =	vpop (erf);
	v2 =	vshll.u32 v6, $0x10;
	v6 =	vand.u32 $0xFFFF0000, v6;
	v18 =	vadd.f32 v18, v50  }
0x326: {  	v33 =	vpop (erf);
	(erf) = vpow2.f32 v1;
	v1 =	vmul.f32 $1.442695020e+00, v34;
	v2 =	vadd.f32 v2, v23  }
0x327: {  	v8 =	vld [tilespmem:s29+$0xFFFFFFD0];
	v6 =	vadd.f32 v6, v53;
	v32 =	vpop (erf);
	(erf) = vpow2.f32 v3;
	v18 =	vmul.f32 $1.442695020e+00, v18  }
0x328: {  	v3 =	vshll.u32 v9, $0x10;
	v31 =	vpop (erf);
	(erf) = vpow2.f32 v15;
	v2 =	vmul.f32 $1.442695020e+00, v2  }
0x329: {  	v55 =	vld [tilespmem:s31+$0x10];
	v9 =	vand.u32 $0xFFFF0000, v9;
	v6 =	vmul.f32 $1.442695020e+00, v6;
	(erf) = vpow2.f32 v1;
	v23 =	vpop (erf)  }
0x32a: {  	v15 =	vadd.f32 v54, v39;
	(erf) = vpow2.f32 v18;
	v3 =	vmul.f32 v3, v23;
	v23 =	vpop (erf)  }
0x32b: {  	v1 =	vand.u32 $0xFFFF0000, v16;
	(erf) = vpow2.f32 v2;
	v9 =	vmul.f32 v9, v23  }
0x32c: {  	v8 =	vadd.f32 v1, v8;
	v2 =	vpop (erf);
	(erf) = vpow2.f32 v6;
	[tilespmem:s29+$0xC0] =	vst v3  }
0x32d: {  	v2 =	vadd.f32 $1.000000000e+00, v2;
	v6 =	vpop (erf);
	[tilespmem:s29+$0xD0] =	vst v9;
	v9 =	vand.u32 $0xFFFF0000, v14;
	v14 =	vmul.f32 $1.442695020e+00, v15  }
0x32e: {  	v6 =	vadd.f32 $1.000000000e+00, v6;
	v45 =	vld [tilespmem:s24+$0xF0];
	v9 =	vadd.f32 v9, v55  }
0x32f: {  	v15 =	vld [tilespmem:s29+$0xF0];
	(erf) = vpow2.f32 v14  }
0x330: {  	v9 =	vmul.f32 $1.442695020e+00, v9;
	(erf) = vrcp.f32 v2  }
0x331: {  	v20 =	vld [tilespmem:s29+$0x40];
	v2 =	vmul.f32 $1.442695020e+00, v8;
	v8 =	vpop (erf);
	(erf) = vrcp.f32 v6  }
0x332: {  	v7 =	vld [tilespmem:s29+$0x50];
	v6 =	vpop (erf);
	v8 =	vadd.f32 $1.000000000e+00, v8;
	(erf) = vpow2.f32 v9  }
0x333: {  	v13 =	vld [tilespmem:s29+$0x70];
	v6 =	vadd.f32 $1.000000000e+00, v6;
	v14 =	vpop (erf);
	v9 =	vand.u32 $0xFFFF0000, v45;
	(erf) = vpow2.f32 v2  }
0x334: {  	v19 =	vld [tilespmem:s29+$0x60];
	v2 =	vadd.f32 $1.000000000e+00, v14;
	v14 =	vpop (erf);
	v9 =	vadd.f32 v9, v15;
	(erf) = vrcp.f32 v8  }
0x335: {  	v46 =	vld [tilespmem:s30+$0x80];
	[tilespmem:s29+$0x30] =	vst v5;
	v5 =	vpop (erf);
	(erf) = vrcp.f32 v6  }
0x336: {  	v8 =	vmul.f32 $1.442695020e+00, v9;
	(erf) = vrcp.f32 v2;
	v2 =	vadd.f32 $1.000000000e+00, v5  }
0x337: {  	v43 =	vld [tilespmem:s24+$0xFFFFFF20];
	[tilespmem:s29+$0x20] =	vst v42;
	v14 =	vadd.f32 $1.000000000e+00, v14;
	v16 =	vpop (erf)  }
0x338: {  	v9 =	vld [tilespmem:s24+$0x60];
	v5 =	vpop (erf);
	(erf) = vpow2.f32 v8  }
0x339: {  	v48 =	vpop (erf);
	(erf) = vrcp.f32 v14  }
0x33a: {  	v49 =	vshll.u32 v46, $0x10;
	v5 =	vadd.f32 $1.000000000e+00, v5;
	(erf) = vrcp.f32 v2;
	v2 =	vpop (erf)  }
0x33b: {  	v4 =	vld [tilespmem:s29+$0xE0];
	v42 =	vadd.f32 $1.000000000e+00, v40;
	v8 =	vadd.f32 $1.000000000e+00, v16;
	v2 =	vmul.f32 v49, v2  }
0x33c: {  	v26 =	vmul.f32 v26, v28;
	v47 =	vshll.u32 v43, $0x10;
	v46 =	vand.u32 $0xFFFF0000, v46  }
0x33d: {  	v51 =	vld [tilespmem:s0+$0x30];
	(erf) = vrcp.f32 v8;
	v56 =	vpop (erf);
	v50 =	vshll.u32 v9, $0x10;
	v57 =	vand.u32 $0xFFFF0000, v9  }
0x33e: {  	v3 =	vld [tilespmem:s30+$0xFFFFFF00];
	v46 =	vmul.f32 v46, v56;
	(erf) = vrcp.f32 v5;
	v5 =	vpop (erf);
	v7 =	vadd.f32 v57, v7  }
0x33f: {  	v45 =	vshll.u32 v45, $0x10;
	v48 =	vadd.f32 $1.000000000e+00, v48;
	v20 =	vadd.f32 v50, v20;
	[tilespmem:s31+$0x80] =	vst v2;
	v2 =	vpop (erf)  }
0x340: {  	v36 =	vld [tilespmem:s31+$0xFFFFFF20];
	v4 =	vadd.f32 v45, v4;
	v5 =	vadd.f32 $1.000000000e+00, v5;
	[tilespmem:s31+$0x90] =	vst v46;
	v7 =	vmul.f32 $1.442695020e+00, v7;
	v58 =	vpop (erf)  }
0x341: {  	(erf) = vrcp.f32 v48;
	v20 =	vmul.f32 $1.442695020e+00, v20;
	v59 =	vld [tilespmem:s30+$0xD0];
	v2 =	vadd.f32 $1.000000000e+00, v2;
	v60 =	vpop (erf)  }
0x342: {  	v1 =	vand.u32 $0xFFFF0000, v51;
	v23 =	vshll.u32 v51, $0x10;
	v51 =	vld [tilespmem:s31+$0xA0];
	(erf) = vrcp.f32 v5;
	v52 =	vpop (erf)  }
0x343: {  	v61 =	vshll.u32 v3, $0x10;
	v4 =	vmul.f32 $1.442695020e+00, v4;
	(erf) = vpow2.f32 v20;
	v20 =	vld [tilespmem:s31+$0xB0];
	v53 =	vpop (erf)  }
0x344: {  	v41 =	vld [tilespmem:s30+$0x0];
	v6 =	vand.u32 $0xFFFF0000, v43;
	v46 =	vmul.f32 v47, v58;
	(erf) = vpow2.f32 v7;
	v7 =	vpop (erf)  }
0x345: {  	v44 =	vld [tilespmem:s30+$0xFFFFFF80];
	v54 =	vand.u32 $0xFFFF0000, v3;
	v62 =	vmul.f32 v6, v60;
	(erf) = vrcp.f32 v2;
	v2 =	vpop (erf)  }
0x346: {  	v17 =	vld [tilespmem:s29+$0xFFFFFF60];
	v63 =	vadd.f32 $1.000000000e+00, v53;
	v56 =	vmul.f32 v54, v2;
	v2 =	vshll.u32 v59, $0x10  }
0x347: {  	v12 =	vld [tilespmem:s29+$0xFFFFFF70];
	[tilespmem:s29+$0xFFFFFF40] =	vst v46;
	v45 =	vand.u32 $0xFFFF0000, v59;
	v49 =	vmul.f32 v61, v7;
	v58 =	vadd.f32 v2, v51  }
0x348: {  	v25 =	vmul.f32 v25, v29;
	v34 =	vld [tilespmem:s24+$0xFFFFFFA0];
	[tilespmem:s29+$0xFFFFFF50] =	vst v62;
	v20 =	vadd.f32 v45, v20;
	(erf) = vrcp.f32 v63  }
0x349: {  	v50 =	vld [tilespmem:s24+$0x20];
	[tilespmem:s31+$0xFFFFFF00] =	vst v49;
	(erf) = vpow2.f32 v4;
	v62 =	vmul.f32 $1.442695020e+00, v58  }
0x34a: {  	v43 =	vshll.u32 v44, $0x10;
	v61 =	vld [tilespmem:s24+$0xFFFFFF70];
	v57 =	vpop (erf);
	v20 =	vmul.f32 $1.442695020e+00, v20;
	[tilespmem:s31+$0xFFFFFF10] =	vst v56;
	(erf) = vrcp.f32 v42  }
0x34b: {  	v44 =	vand.u32 $0xFFFF0000, v44;
	v59 =	vpop (erf);
	v43 =	vmul.f32 v43, v57;
	v54 =	vld [tilespmem:s30+$0xFFFFFF50];
	(erf) = vpow2.f32 v62  }
0x34c: {  	v37 =	vld [tilespmem:s31+$0xFFFFFFB0];
	v60 =	vshll.u32 v41, $0x10;
	v44 =	vmul.f32 v44, v59;
	v53 =	vpop (erf);
	(erf) = vpow2.f32 v20  }
0x34d: {  	v38 =	vld [tilespmem:s31+$0xFFFFFF30];
	v41 =	vand.u32 $0xFFFF0000, v41;
	v63 =	vshll.u32 v34, $0x10;
	[tilespmem:s31+$0xFFFFFF80] =	vst v43;
	v43 =	vmul.f32 v60, v53;
	v55 =	vpop (erf)  }
0x34e: {  	v34 =	vand.u32 $0xFFFF0000, v34;
	v49 =	vand.u32 $0xFFFF0000, v50;
	[tilespmem:s31+$0xFFFFFF90] =	vst v44;
	v44 =	vadd.f32 $1.000000000e+00, v33;
	v33 =	vld [tilespmem:s24+$0xB0];
	v56 =	vpop (erf)  }
0x34f: {  	v42 =	vmul.f32 v63, v52;
	v41 =	vmul.f32 v41, v55;
	v46 =	vld [tilespmem:s30+$0xFFFFFFD0];
	[tilespmem:s31+$0x0] =	vst v43;
	v43 =	vadd.f32 $1.000000000e+00, v56;
	v58 =	vpop (erf)  }
0x350: {  	v39 =	vld [tilespmem:s31+$0xFFFFFFA0];
	v57 =	vshll.u32 v61, $0x10;
	v48 =	vpop (erf);
	v59 =	vshll.u32 v54, $0x10;
	v47 =	vand.u32 $0xFFFF0000, v54  }
0x351: {  	v63 =	vld [tilespmem:s30+$0xFFFFFF10];
	v17 =	vadd.f32 v57, v17;
	[tilespmem:s31+$0x10] =	vst v41;
	(erf) = vrcp.f32 v43;
	v36 =	vadd.f32 v59, v36;
	v60 =	vpop (erf)  }
0x352: {  	v20 =	vshll.u32 v50, $0x10;
	v41 =	vand.u32 $0xFFFF0000, v61;
	v51 =	vld [tilespmem:s30+$0x50];
	v34 =	vmul.f32 v34, v48;
	v50 =	vpop (erf)  }
0x353: {  	v35 =	vld [tilespmem:s31+$0x20];
	v38 =	vadd.f32 v47, v38;
	v62 =	vand.u32 $0xFFFF0000, v33;
	v36 =	vmul.f32 $1.442695020e+00, v36;
	v47 =	vpop (erf)  }
0x354: {  	v40 =	vld [tilespmem:s31+$0x30];
	v61 =	vshll.u32 v46, $0x10;
	v46 =	vand.u32 $0xFFFF0000, v46;
	v43 =	vmul.f32 v62, v60;
	v57 =	vpop (erf)  }
0x355: {  	v37 =	vadd.f32 v46, v37;
	(erf) = vpow2.f32 v36;
	v46 =	vadd.f32 $1.000000000e+00, v57;
	v60 =	vpop (erf)  }
0x356: {  	v62 =	vshll.u32 v63, $0x10;
	v39 =	vadd.f32 v61, v39;
	v36 =	vadd.f32 $1.000000000e+00, v60  }
0x357: {  	v38 =	vmul.f32 $1.442695020e+00, v38;
	v59 =	vshll.u32 v51, $0x10;
	(erf) = vrcp.f32 v46  }
0x358: {  	v51 =	vand.u32 $0xFFFF0000, v51;
	v35 =	vadd.f32 v59, v35;
	(erf) = vrcp.f32 v36  }
0x359: {  	v39 =	vmul.f32 $1.442695020e+00, v39;
	v37 =	vmul.f32 $1.442695020e+00, v37;
	v40 =	vadd.f32 v51, v40  }
0x35a: {  	v35 =	vmul.f32 $1.442695020e+00, v35;
	v36 =	vand.u32 $0xFFFF0000, v63;
	v63 =	vpop (erf);
	(erf) = vpow2.f32 v38  }
0x35b: {  	v48 =	vmul.f32 v20, v63;
	v20 =	vld [tilespmem:s30+$0x90];
	(erf) = vpow2.f32 v39  }
0x35c: {  	v40 =	vmul.f32 $1.442695020e+00, v40;
	(erf) = vpow2.f32 v37  }
0x35d: {  	v45 =	vadd.f32 $1.000000000e+00, v58;
	v12 =	vadd.f32 v41, v12;
	(erf) = vpow2.f32 v35  }
0x35e: {  	v17 =	vmul.f32 $1.442695020e+00, v17;
	v28 =	vpop (erf);
	(erf) = vpow2.f32 v40  }
0x35f: {  	v12 =	vmul.f32 $1.442695020e+00, v12;
	v28 =	vadd.f32 $1.000000000e+00, v28;
	(erf) = vrcp.f32 v45  }
0x360: {  	(erf) = vpow2.f32 v17;
	v17 =	vmul.f32 v27, v31;
	v27 =	vshll.u32 v20, $0x10;
	v29 =	vpop (erf)  }
0x361: {  	(erf) = vpow2.f32 v12;
	v12 =	vand.u32 $0xFFFF0000, v20;
	v27 =	vmul.f32 v27, v29;
	v29 =	vpop (erf)  }
0x362: {  	v10 =	vld [tilespmem:s29+$0xFFFFFFE0];
	v12 =	vmul.f32 v12, v29  }
0x363: {  	v11 =	vld [tilespmem:s29+$0xFFFFFFF0];
	[tilespmem:s29+$0xFFFFFFC0] =	vst v42  }
0x364: {  	v18 =	vld [tilespmem:s31+$0xFFFFFF50];
	[tilespmem:s29+$0xFFFFFFD0] =	vst v34;
	(erf) = vrcp.f32 v28;
	v28 =	vpop (erf)  }
0x365: {  	v55 =	vld [tilespmem:s24+$0xFFFFFFF0];
	v28 =	vadd.f32 $1.000000000e+00, v28;
	[tilespmem:s31+$0xA0] =	vst v27;
	v27 =	vpop (erf)  }
0x366: {  	v32 =	vadd.f32 $1.000000000e+00, v32;
	v3 =	vld [tilespmem:s31+$0xFFFFFF70];
	[tilespmem:s31+$0xB0] =	vst v12;
	v27 =	vadd.f32 $1.000000000e+00, v27;
	v12 =	vpop (erf)  }
0x367: {  	v58 =	vld [tilespmem:s30+$0xFFFFFF90];
	(erf) = vrcp.f32 v44;
	v12 =	vadd.f32 $1.000000000e+00, v12  }
0x368: {  	v15 =	vld [tilespmem:s31+$0xFFFFFF40];
	(erf) = vrcp.f32 v32  }
0x369: {  	v61 =	vld [tilespmem:s30+$0x10];
	(erf) = vrcp.f32 v28;
	v28 =	vpop (erf)  }
0x36a: {  	v56 =	vshll.u32 v55, $0x10;
	v57 =	vld [tilespmem:s30+$0xE0];
	v28 =	vadd.f32 $1.000000000e+00, v28;
	(erf) = vrcp.f32 v27;
	v27 =	vpop (erf)  }
0x36b: {  	v22 =	vmul.f32 v22, v24;
	v10 =	vadd.f32 v56, v10;
	v29 =	vld [tilespmem:s24+$0xFFFFFF30];
	(erf) = vrcp.f32 v12;
	v12 =	vpop (erf)  }
0x36c: {  	v16 =	vld [tilespmem:s31+$0xFFFFFFC0];
	v52 =	vand.u32 $0xFFFF0000, v58;
	v27 =	vadd.f32 $1.000000000e+00, v27;
	v12 =	vmul.f32 v49, v12  }
0x36d: {  	[tilespmem:s28+$0xF0] =	vst v21;
	v59 =	vld [tilespmem:s31+$0xD0];
	v21 =	vmul.f32 $1.442695020e+00, v10;
	v40 =	vand.u32 $0xFFFF0000, v55;
	(erf) = vrcp.f32 v28  }
0x36e: {  	v38 =	vshll.u32 v58, $0x10;
	v58 =	vld [tilespmem:s31+$0xC0];
	v11 =	vadd.f32 v40, v11;
	v28 =	vpop (erf);
	(erf) = vrcp.f32 v27  }
0x36f: {  	[tilespmem:s28+$0xFFFFFF60] =	vst v26;
	v14 =	vld [tilespmem:s31+$0xFFFFFFD0];
	v53 =	vshll.u32 v61, $0x10;
	v60 =	vpop (erf);
	(erf) = vpow2.f32 v21;
	v21 =	vand.u32 $0xFFFF0000, v57  }
0x370: {  	v8 =	vld [tilespmem:s31+$0x40];
	v54 =	vand.u32 $0xFFFF0000, v61;
	v11 =	vmul.f32 $1.442695020e+00, v11;
	v10 =	vshll.u32 v29, $0x10;
	[tilespmem:s29+$0x50] =	vst v12;
	v12 =	vpop (erf)  }
0x371: {  	[tilespmem:s28+$0xFFFFFF70] =	vst v25;
	v9 =	vld [tilespmem:s31+$0x50];
	v24 =	vshll.u32 v57, $0x10;
	v27 =	vadd.f32 $1.000000000e+00, v28;
	v26 =	vadd.f32 $1.000000000e+00, v60;
	v63 =	vpop (erf)  }
0x372: {  	v5 =	vld [tilespmem:s31+$0xFFFFFF60];
	[tilespmem:s29+$0x40] =	vst v48;
	(erf) = vpow2.f32 v11;
	v25 =	vmul.f32 v62, v12;
	v62 =	vadd.f32 v21, v59;
	v21 =	vpop (erf)  }
0x373: {  	v24 =	vadd.f32 v24, v58;
	v61 =	vld [tilespmem:s24+$0x70];
	v11 =	vand.u32 $0xFFFF0000, v29;
	(erf) = vrcp.f32 v27;
	v29 =	vpop (erf)  }
0x374: {  	v6 =	vld [tilespmem:s31+$0xFFFFFFE0];
	(erf) = vrcp.f32 v26;
	v26 =	vmul.f32 v36, v29  }
0x375: {  	[tilespmem:s28+$0xE0] =	vst v22;
	v7 =	vld [tilespmem:s31+$0xFFFFFFF0];
	v24 =	vmul.f32 $1.442695020e+00, v24  }
0x376: {  	v2 =	vld [tilespmem:s31+$0x60];
	v30 =	vmul.f32 v30, v47;
	[tilespmem:s29+$0xF0] =	vst v43;
	v27 =	vmul.f32 $1.442695020e+00, v62;
	v29 =	vpop (erf)  }
0x377: {  	v28 =	vld [tilespmem:s24+$0xFFFFFFB0];
	(erf) = vpow2.f32 v24;
	[tilespmem:s31+$0xFFFFFF20] =	vst v25;
	v24 =	vmul.f32 v38, v29;
	v25 =	vpop (erf)  }
0x378: {  	v22 =	vld [tilespmem:s24+$0x30];
	(erf) = vpow2.f32 v27;
	v27 =	vshll.u32 v61, $0x10;
	[tilespmem:s31+$0xFFFFFF30] =	vst v26;
	v25 =	vmul.f32 v52, v25;
	v26 =	vpop (erf)  }
0x379: {  	v4 =	vld [tilespmem:s31+$0x70];
	v31 =	vadd.f32 $1.000000000e+00, v50;
	v27 =	vadd.f32 v27, v19;
	[tilespmem:s31+$0xFFFFFFA0] =	vst v24;
	v24 =	vmul.f32 v53, v26;
	v26 =	vpop (erf)  }
0x37a: {  	v20 =	vld [tilespmem:s31+$0xE0];
	v29 =	vand.u32 $0xFFFF0000, v61;
	[tilespmem:s31+$0xFFFFFFB0] =	vst v25;
	v25 =	vmul.f32 v54, v26  }
0x37b: {  	[tilespmem:s28+$0xFFFFFFF0] =	vst v30;
	v32 =	vadd.f32 v29, v13;
	(erf) = vrcp.f32 v31;
	v30 =	vld [tilespmem:s30+$0xFFFFFF60];
	v27 =	vmul.f32 $1.442695020e+00, v27  }
0x37c: {  	[tilespmem:s28+$0xFFFFFFE0] =	vst v17;
	v12 =	vshll.u32 v33, $0x10;
	v17 =	vshll.u32 v28, $0x10;
	v19 =	vand.u32 $0xFFFF0000, v28;
	v28 =	vld [tilespmem:s30+$0xFFFFFF20]  }
0x37d: {  	v13 =	vshll.u32 v22, $0x10;
	v32 =	vmul.f32 $1.442695020e+00, v32;
	v29 =	vld [tilespmem:s30+$0xFFFFFFE0];
	v26 =	vpop (erf);
	(erf) = vpow2.f32 v27;
	[tilespmem:s31+$0x20] =	vst v24  }
0x37e: {  	s8 =	simm.s32 $0x8;
	s0 =	simm.s32 $0x1BF00;
	s24 =	simm.s32 $0x19900;
	v27 =	vmul.f32 v23, v63;
	v31 =	vadd.f32 $1.000000000e+00, v26;
	v24 =	vand.u32 $0xFFFF0000, v22;
	v26 =	vld [tilespmem:s30+$0xFFFFFFA0];
	[tilespmem:s31+$0x30] =	vst v25;
	v25 =	vpop (erf)  }
.LBB2_7:
0x37f: {  	v33 =	vld [tilespmem:s24+$0xC0];
	s31 =	sadd.s32 $0x200, s31;
	v25 =	vadd.f32 $1.000000000e+00, v25;
	v22 =	vpop (erf);
	(erf) = vpow2.f32 v32;
	v1 =	vmul.f32 v1, v21  }
0x380: {  	v32 =	vld [tilespmem:s31+$0x80];
	v35 =	vshll.u32 v30, $0x10;
	v30 =	vand.u32 $0xFFFF0000, v30;
	v23 =	vpop (erf);
	(erf) = vrcp.f32 v31;
	[tilespmem:s28+$0x60] =	vst v27  }
0x381: {  	v31 =	vld [tilespmem:s31+$0x90];
	v27 =	vshll.u32 v28, $0x10;
	v15 =	vadd.f32 v35, v15;
	v18 =	vadd.f32 v30, v18;
	v21 =	vpop (erf);
	[tilespmem:s28+$0x70] =	vst v1;
	s28 =	smov.u32 s29;
	s29 =	smov.u32 s0;
	s0 =	smov.u32 s31  }
0x382: {  	s8 =	sadd.s32 $0x4, s8;
	v30 =	vld [tilespmem:s24+$0xFFFFFF40];
	v36 =	vshll.u32 v29, $0x10;
	v29 =	vand.u32 $0xFFFF0000, v29;
	v37 =	vadd.f32 $1.000000000e+00, v21;
	v34 =	vpop (erf)  }
0x383: {  	p0 =	slt.u32 s8, $0x4C;
	v35 =	vld [tilespmem:s24+$0xFFFFFFC0];
	v15 =	vmul.f32 $1.442695020e+00, v15;
	v16 =	vadd.f32 v36, v16;
	v34 =	vadd.f32 $1.000000000e+00, v34;
	v1 =	vmovc v24  }
0x384: {  	v14 =	vadd.f32 v29, v14;
	v24 =	vld [tilespmem:s24+$0x40];
	v36 =	vshll.u32 v33, $0x10;
	(erf) = vrcp.f32 v37;
	v21 =	vpop (erf)  }
0x385: {  	v29 =	vand.u32 $0xFFFF0000, v33;
	v37 =	vld [tilespmem:s31+$0xFFFFFF00];
	v32 =	vadd.f32 v36, v32;
	(erf) = vrcp.f32 v34  }
0x386: {  	v18 =	vmul.f32 $1.442695020e+00, v18;
	v16 =	vmul.f32 $1.442695020e+00, v16;
	v33 =	vld [tilespmem:s31+$0xFFFFFF10];
	v40 =	vadd.f32 v29, v31  }
0x387: {  	v31 =	vshll.u32 v30, $0x10;
	v34 =	vand.u32 $0xFFFF0000, v30;
	v36 =	vld [tilespmem:s31+$0xFFFFFF80];
	v32 =	vmul.f32 $1.442695020e+00, v32;
	v30 =	vpop (erf)  }
0x388: {  	v38 =	vshll.u32 v35, $0x10;
	v35 =	vand.u32 $0xFFFF0000, v35;
	v39 =	vmul.f32 $1.442695020e+00, v40;
	v41 =	vld [tilespmem:s30+$0xA0];
	v29 =	vpop (erf)  }
0x389: {  	v42 =	vld [tilespmem:s31+$0xFFFFFF90];
	v43 =	vshll.u32 v24, $0x10;
	v44 =	vand.u32 $0xFFFF0000, v24;
	(erf) = vpow2.f32 v32;
	v24 =	vpop (erf)  }
0x38a: {  	v14 =	vmul.f32 $1.442695020e+00, v14;
	v31 =	vadd.f32 v31, v37;
	v32 =	vld [tilespmem:s31+$0x0];
	(erf) = vpow2.f32 v39  }
0x38b: {  	v40 =	vand.u32 $0xFFFF0000, v28;
	v33 =	vadd.f32 v34, v33;
	v34 =	vld [tilespmem:s31+$0x10];
	(erf) = vpow2.f32 v15  }
0x38c: {  	v15 =	vmul.f32 $1.442695020e+00, v31;
	v28 =	vld [tilespmem:s24+$0xFFFFFF80];
	v36 =	vadd.f32 v38, v36;
	(erf) = vpow2.f32 v18  }
0x38d: {  	v18 =	vmul.f32 $1.442695020e+00, v33;
	v37 =	vld [tilespmem:s24+$0x0];
	v31 =	vshll.u32 v41, $0x10;
	(erf) = vpow2.f32 v16;
	v16 =	vpop (erf)  }
0x38e: {  	v33 =	vand.u32 $0xFFFF0000, v41;
	v38 =	vld [tilespmem:s24+$0xFFFFFF00];
	v35 =	vadd.f32 v35, v42;
	v16 =	vmul.f32 v31, v16;
	v39 =	vpop (erf)  }
0x38f: {  	v36 =	vmul.f32 $1.442695020e+00, v36;
	v31 =	vld [tilespmem:s31+$0xFFFFFF20];
	v41 =	vadd.f32 v43, v32;
	v39 =	vmul.f32 v33, v39  }
0x390: {  	v33 =	vld [tilespmem:s31+$0xFFFFFF30];
	v35 =	vmul.f32 $1.442695020e+00, v35;
	v42 =	vadd.f32 v44, v34;
	(erf) = vpow2.f32 v15;
	[tilespmem:s29+$0xC0] =	vst v16  }
0x391: {  	v44 =	vshll.u32 v28, $0x10;
	v32 =	vld [tilespmem:s31+$0xFFFFFFA0];
	v41 =	vmul.f32 $1.442695020e+00, v41;
	(erf) = vpow2.f32 v18;
	[tilespmem:s29+$0xD0] =	vst v39  }
0x392: {  	v43 =	vand.u32 $0xFFFF0000, v28;
	v16 =	vmul.f32 $1.442695020e+00, v42;
	(erf) = vpow2.f32 v36;
	v18 =	vpop (erf);
	v28 =	vld [tilespmem:s30+$0xF0]  }
0x393: {  	v47 =	vshll.u32 v38, $0x10;
	v36 =	vadd.f32 $1.000000000e+00, v18;
	(erf) = vpow2.f32 v35;
	v34 =	vpop (erf);
	v35 =	vld [tilespmem:s29+$0xF0]  }
0x394: {  	v48 =	vand.u32 $0xFFFF0000, v38;
	v38 =	vld [tilespmem:s31+$0xFFFFFFB0];
	v39 =	vadd.f32 $1.000000000e+00, v34;
	(erf) = vpow2.f32 v41;
	v15 =	vpop (erf)  }
0x395: {  	v45 =	vshll.u32 v37, $0x10;
	v42 =	vand.u32 $0xFFFF0000, v37;
	v34 =	vld [tilespmem:s31+$0x20];
	(erf) = vrcp.f32 v36;
	v18 =	vpop (erf)  }
0x396: {  	v37 =	vadd.f32 $1.000000000e+00, v15;
	v36 =	vld [tilespmem:s31+$0x30];
	(erf) = vrcp.f32 v39;
	v39 =	vadd.f32 $1.000000000e+00, v18;
	v15 =	vpop (erf)  }
0x397: {  	(erf) = vpow2.f32 v16;
	v41 =	vadd.f32 $1.000000000e+00, v15;
	v46 =	vld [tilespmem:s30+$0x60];
	v16 =	vand.u32 $0xFFFF0000, v28  }
0x398: {  	v49 =	vshll.u32 v26, $0x10;
	v15 =	vld [tilespmem:s31+$0xFFFFFF40];
	v16 =	vadd.f32 v16, v35;
	(erf) = vpow2.f32 v14  }
0x399: {  	v35 =	vand.u32 $0xFFFF0000, v26;
	v26 =	vshll.u32 v28, $0x10;
	v50 =	vld [tilespmem:s24+$0x80];
	v14 =	vpop (erf);
	(erf) = vrcp.f32 v37  }
0x39a: {  	v53 =	vadd.f32 $1.000000000e+00, v14;
	v18 =	vld [tilespmem:s31+$0xFFFFFF50];
	v14 =	vpop (erf);
	v37 =	vmul.f32 $1.442695020e+00, v16;
	(erf) = vrcp.f32 v39  }
0x39b: {  	v20 =	vadd.f32 v26, v20;
	v54 =	vadd.f32 $1.000000000e+00, v14;
	v16 =	vld [tilespmem:s31+$0xFFFFFFC0];
	v14 =	vpop (erf);
	(erf) = vrcp.f32 v41  }
0x39c: {  	v55 =	vadd.f32 $1.000000000e+00, v14;
	v14 =	vld [tilespmem:s31+$0xFFFFFFD0];
	v41 =	vpop (erf);
	v51 =	vshll.u32 v46, $0x10;
	(erf) = vpow2.f32 v37  }
0x39d: {  	v46 =	vand.u32 $0xFFFF0000, v46;
	v56 =	vadd.f32 $1.000000000e+00, v41;
	v52 =	vld [tilespmem:s31+$0x40];
	(erf) = vrcp.f32 v53;
	v28 =	vpop (erf)  }
0x39e: {  	v28 =	vadd.f32 $1.000000000e+00, v28;
	v53 =	vld [tilespmem:s31+$0x50];
	v41 =	vshll.u32 v50, $0x10;
	(erf) = vrcp.f32 v54;
	v39 =	vpop (erf)  }
0x39f: {  	v50 =	vand.u32 $0xFFFF0000, v50;
	v57 =	vmul.f32 v41, v39;
	(erf) = vrcp.f32 v55;
	v26 =	vpop (erf);
	v54 =	vld [tilespmem:s30+$0x20]  }
0x3a0: {  	v8 =	vadd.f32 v51, v8;
	v55 =	vld [tilespmem:s31+$0xFFFFFF60];
	v26 =	vmul.f32 v50, v26;
	(erf) = vrcp.f32 v56;
	v37 =	vpop (erf)  }
0x3a1: {  	v9 =	vadd.f32 v46, v9;
	v41 =	vld [tilespmem:s31+$0xFFFFFF70];
	v37 =	vadd.f32 $1.000000000e+00, v37;
	[tilespmem:s31+$0x80] =	vst v57;
	(erf) = vrcp.f32 v28;
	v39 =	vpop (erf)  }
0x3a2: {  	v8 =	vmul.f32 $1.442695020e+00, v8;
	v50 =	vmul.f32 $1.442695020e+00, v20;
	v28 =	vld [tilespmem:s31+$0xFFFFFFE0];
	[tilespmem:s31+$0x90] =	vst v26;
	v26 =	vadd.f32 $1.000000000e+00, v39;
	v20 =	vpop (erf)  }
0x3a3: {  	v39 =	vmul.f32 $1.442695020e+00, v9;
	v51 =	vld [tilespmem:s24+$0xD0];
	(erf) = vrcp.f32 v37;
	v56 =	vpop (erf);
	v37 =	vadd.f32 $1.000000000e+00, v30  }
0x3a4: {  	v57 =	vld [tilespmem:s31+$0xA0];
	v46 =	vshll.u32 v54, $0x10;
	v30 =	vand.u32 $0xFFFF0000, v54;
	v54 =	vpop (erf);
	(erf) = vpow2.f32 v8  }
0x3a5: {  	v59 =	vmul.f32 v27, v20;
	v58 =	vld [tilespmem:s31+$0xB0];
	(erf) = vpow2.f32 v39;
	v9 =	vpop (erf);
	v39 =	vadd.f32 $1.000000000e+00, v29  }
0x3a6: {  	v40 =	vmul.f32 v40, v56;
	v29 =	vld [tilespmem:s31+$0xFFFFFFF0];
	v20 =	vpop (erf);
	v9 =	vadd.f32 $1.000000000e+00, v9;
	(erf) = vrcp.f32 v26  }
0x3a7: {  	v8 =	vmov v52;
	v20 =	vmul.f32 v47, v20;
	v26 =	vld [tilespmem:s31+$0x60];
	v27 =	vpop (erf);
	[tilespmem:s29+$0xFFFFFF40] =	vst v59;
	v47 =	vmul.f32 v49, v54  }
0x3a8: {  	v54 =	vmul.f32 v48, v27;
	v27 =	vld [tilespmem:s31+$0x70];
	v49 =	vshll.u32 v51, $0x10;
	v52 =	vpop (erf);
	[tilespmem:s29+$0xFFFFFF50] =	vst v40;
	(erf) = vrcp.f32 v9  }
0x3a9: {  	[tilespmem:s31+$0xFFFFFF00] =	vst v20;
	v52 =	vmul.f32 v44, v52;
	v20 =	vand.u32 $0xFFFF0000, v51;
	v40 =	vadd.f32 v49, v57;
	v44 =	vpop (erf);
	v49 =	vld [tilespmem:s30+$0xFFFFFF70]  }
0x3aa: {  	[tilespmem:s31+$0xFFFFFF10] =	vst v54;
	v43 =	vmul.f32 v43, v44;
	v51 =	vadd.f32 v20, v58;
	v20 =	vld [tilespmem:s31+$0xE0];
	v48 =	vpop (erf);
	(erf) = vpow2.f32 v50  }
0x3ab: {  	v9 =	vmov v53;
	v50 =	vld [tilespmem:s24+$0xFFFFFF50];
	[tilespmem:s31+$0xFFFFFF80] =	vst v52;
	v54 =	vmul.f32 v45, v48;
	v52 =	vmul.f32 $1.442695020e+00, v40  }
0x3ac: {  	[tilespmem:s31+$0xFFFFFF90] =	vst v43;
	v43 =	vmul.f32 $1.442695020e+00, v51;
	v44 =	vpop (erf);
	v48 =	vld [tilespmem:s30+$0xB0];
	(erf) = vrcp.f32 v25  }
0x3ad: {  	v25 =	vld [tilespmem:s24+$0xFFFFFFD0];
	[tilespmem:s31+$0x0] =	vst v54;
	v42 =	vmul.f32 v42, v44;
	(erf) = vpow2.f32 v52;
	v40 =	vpop (erf)  }
0x3ae: {  	v44 =	vld [tilespmem:s24+$0xFFFFFF10];
	(erf) = vpow2.f32 v43;
	v43 =	vshll.u32 v49, $0x10;
	[tilespmem:s29+$0xFFFFFFC0] =	vst v47;
	v40 =	vadd.f32 $1.000000000e+00, v40;
	v45 =	vpop (erf)  }
0x3af: {  	v47 =	vld [tilespmem:s24+$0xFFFFFF90];
	[tilespmem:s31+$0x10] =	vst v42;
	v42 =	vand.u32 $0xFFFF0000, v49;
	v43 =	vadd.f32 v43, v5;
	v45 =	vadd.f32 $1.000000000e+00, v45;
	v49 =	vpop (erf)  }
0x3b0: {  	v5 =	vmovc v55;
	v53 =	vshll.u32 v50, $0x10;
	v50 =	vand.u32 $0xFFFF0000, v50;
	v52 =	vld [tilespmem:s24+$0x50];
	(erf) = vrcp.f32 v40  }
0x3b1: {  	v31 =	vadd.f32 v53, v31;
	v33 =	vadd.f32 v50, v33;
	v40 =	vld [tilespmem:s24+$0x10];
	v50 =	vand.u32 $0xFFFF0000, v48;
	v51 =	vpop (erf)  }
0x3b2: {  	v55 =	vshll.u32 v25, $0x10;
	v25 =	vand.u32 $0xFFFF0000, v25;
	v54 =	vld [tilespmem:s30+$0xFFFFFF30];
	v50 =	vmul.f32 v50, v51  }
0x3b3: {  	v31 =	vmul.f32 $1.442695020e+00, v31;
	v32 =	vadd.f32 v55, v32;
	v51 =	vadd.f32 v25, v38;
	v53 =	vpop (erf)  }
0x3b4: {  	v38 =	vshll.u32 v44, $0x10;
	v25 =	vand.u32 $0xFFFF0000, v44;
	v44 =	vmul.f32 $1.442695020e+00, v33;
	[tilespmem:s29+$0xF0] =	vst v50  }
0x3b5: {  	v50 =	vmul.f32 $1.442695020e+00, v32;
	v32 =	vshll.u32 v52, $0x10;
	v33 =	vand.u32 $0xFFFF0000, v52;
	v52 =	vpop (erf)  }
0x3b6: {  	v51 =	vmul.f32 $1.442695020e+00, v51;
	v32 =	vadd.f32 v32, v34;
	v34 =	vadd.f32 v33, v36;
	v36 =	vpop (erf)  }
0x3b7: {  	v33 =	vshll.u32 v47, $0x10;
	v58 =	vadd.f32 $1.000000000e+00, v36;
	(erf) = vpow2.f32 v31;
	v31 =	vpop (erf)  }
0x3b8: {  	v55 =	vmul.f32 $1.442695020e+00, v32;
	v56 =	vmul.f32 $1.442695020e+00, v34;
	v57 =	vadd.f32 $1.000000000e+00, v31  }
0x3b9: {  	v34 =	vand.u32 $0xFFFF0000, v47;
	v32 =	vshll.u32 v40, $0x10;
	(erf) = vrcp.f32 v58;
	v36 =	vpop (erf)  }
0x3ba: {  	v35 =	vmul.f32 v35, v49;
	v31 =	vand.u32 $0xFFFF0000, v40;
	(erf) = vrcp.f32 v57  }
0x3bb: {  	v40 =	vadd.f32 v42, v3;
	v3 =	vmovc v41;
	v36 =	vmul.f32 v46, v36;
	(erf) = vpow2.f32 v44  }
0x3bc: {  	v41 =	vmul.f32 $1.442695020e+00, v43;
	(erf) = vpow2.f32 v50;
	[tilespmem:s29+$0xFFFFFFD0] =	vst v35;
	v35 =	vadd.f32 $1.000000000e+00, v53  }
0x3bd: {  	v43 =	vshll.u32 v54, $0x10;
	v40 =	vmul.f32 $1.442695020e+00, v40;
	v42 =	vld [tilespmem:s24+$0x90];
	(erf) = vpow2.f32 v51;
	[tilespmem:s29+$0x40] =	vst v36  }
0x3be: {  	v46 =	vshll.u32 v48, $0x10;
	v36 =	vand.u32 $0xFFFF0000, v54;
	(erf) = vpow2.f32 v55;
	v44 =	vld [tilespmem:s30+$0xFFFFFFF0]  }
0x3bf: {  	v22 =	vmul.f32 v10, v22;
	v10 =	vmov v43;
	(erf) = vpow2.f32 v56;
	v47 =	vld [tilespmem:s30+$0xFFFFFFB0]  }
0x3c0: {  	v23 =	vmul.f32 v11, v23;
	v11 =	vmov v36;
	v43 =	vpop (erf);
	(erf) = vrcp.f32 v45  }
0x3c1: {  	v17 =	vmul.f32 v17, v24;
	v36 =	vadd.f32 $1.000000000e+00, v43;
	(erf) = vpow2.f32 v41;
	[tilespmem:s28+$0xFFFFFF60] =	vst v22  }
0x3c2: {  	v19 =	vmul.f32 v19, v52;
	v22 =	vshll.u32 v42, $0x10;
	v24 =	vpop (erf);
	(erf) = vpow2.f32 v40;
	[tilespmem:s28+$0xFFFFFF70] =	vst v23  }
0x3c3: {  	v40 =	vand.u32 $0xFFFF0000, v42;
	v41 =	vmul.f32 v22, v24;
	(erf) = vrcp.f32 v36;
	v24 =	vpop (erf);
	[tilespmem:s28+$0xFFFFFFE0] =	vst v17  }
0x3c4: {  	v36 =	vand.u32 $0xFFFF0000, v44;
	v40 =	vmul.f32 v40, v24;
	v23 =	vpop (erf);
	v24 =	vshll.u32 v44, $0x10;
	[tilespmem:s28+$0xFFFFFFF0] =	vst v19  }
0x3c5: {  	v42 =	vadd.f32 $1.000000000e+00, v23;
	[tilespmem:s31+$0xA0] =	vst v41;
	v22 =	vpop (erf);
	v6 =	vadd.f32 v24, v6;
	(erf) = vrcp.f32 v37  }
0x3c6: {  	v7 =	vadd.f32 v36, v7;
	v41 =	vadd.f32 $1.000000000e+00, v22;
	[tilespmem:s31+$0xB0] =	vst v40;
	v17 =	vpop (erf);
	(erf) = vrcp.f32 v39  }
0x3c7: {  	v17 =	vadd.f32 $1.000000000e+00, v17;
	v23 =	vld [tilespmem:s24+$0xE0];
	(erf) = vrcp.f32 v42;
	v19 =	vpop (erf);
	v6 =	vmul.f32 $1.442695020e+00, v6  }
0x3c8: {  	v7 =	vmul.f32 $1.442695020e+00, v7;
	v19 =	vadd.f32 $1.000000000e+00, v19;
	v24 =	vld [tilespmem:s31+$0xC0];
	(erf) = vrcp.f32 v41;
	v22 =	vpop (erf)  }
0x3c9: {  	v22 =	vadd.f32 $1.000000000e+00, v22;
	v36 =	vld [tilespmem:s31+$0xD0];
	(erf) = vrcp.f32 v17;
	v17 =	vshll.u32 v47, $0x10;
	v37 =	vpop (erf)  }
0x3ca: {  	(erf) = vrcp.f32 v19;
	v19 =	vand.u32 $0xFFFF0000, v47;
	v30 =	vmul.f32 v30, v37;
	v37 =	vpop (erf)  }
0x3cb: {  	v12 =	vmul.f32 v12, v21;
	(erf) = vrcp.f32 v22;
	v22 =	vadd.f32 $1.000000000e+00, v37;
	v37 =	vpop (erf)  }
0x3cc: {  	v21 =	vshll.u32 v23, $0x10;
	v39 =	vpop (erf);
	v37 =	vadd.f32 $1.000000000e+00, v37;
	[tilespmem:s29+$0x50] =	vst v30;
	(erf) = vpow2.f32 v6  }
0x3cd: {  	v23 =	vand.u32 $0xFFFF0000, v23;
	v6 =	vmovc v28;
	v30 =	vmul.f32 v38, v39;
	v39 =	vadd.f32 v21, v24;
	v24 =	vld [tilespmem:s30+$0x70];
	[tilespmem:s28+$0xE0] =	vst v12  }
0x3ce: {  	v40 =	vadd.f32 v23, v36;
	v36 =	vld [tilespmem:s30+$0x30];
	(erf) = vpow2.f32 v7;
	v38 =	vpop (erf);
	v7 =	vmov v29;
	s30 =	smov.u32 s24  }
0x3cf: {  	v12 =	vmov v46;
	[tilespmem:s31+$0xFFFFFF20] =	vst v30;
	v29 =	vmul.f32 $1.442695020e+00, v39;
	(erf) = vrcp.f32 v22;
	v21 =	vpop (erf)  }
0x3d0: {  	v22 =	vmul.f32 $1.442695020e+00, v40;
	v23 =	vpop (erf);
	(erf) = vrcp.f32 v37  }
0x3d1: {  	v23 =	vmul.f32 v25, v23;
	v25 =	vpop (erf);
	(erf) = vpow2.f32 v29  }
0x3d2: {  	v29 =	vmul.f32 v33, v25;
	v28 =	vpop (erf);
	(erf) = vpow2.f32 v22;
	v22 =	vshll.u32 v24, $0x10  }
.Ltmp2:
0x3d3: {  	v24 =	vand.u32 $0xFFFF0000, v24;
	[tilespmem:s31+$0xFFFFFF30] =	vst v23;
	v23 =	vmul.f32 v34, v28;
	v28 =	vpop (erf);
	v37 =	vadd.f32 v22, v2;
	(pc) =	sbr.rel @p0 .LBB2_7-.Ltmp2, $4  }
0x3d4: {  	v39 =	vadd.f32 v24, v4;
	v30 =	vld [tilespmem:s24+$0xFFFFFF60];
	[tilespmem:s31+$0xFFFFFFA0] =	vst v29;
	v22 =	vmul.f32 v32, v28;
	v25 =	vpop (erf);
	(erf) = vrcp.f32 v35  }
0x3d5: {  	v33 =	vshll.u32 v36, $0x10;
	v28 =	vld [tilespmem:s24+$0xFFFFFF20];
	[tilespmem:s31+$0xFFFFFFB0] =	vst v23;
	v23 =	vmul.f32 v31, v25;
	v34 =	vmul.f32 $1.442695020e+00, v37;
	v2 =	vpop (erf)  }
0x3d6: {  	v24 =	vand.u32 $0xFFFF0000, v36;
	v4 =	vmovc v27;
	v32 =	vmul.f32 $1.442695020e+00, v39;
	v29 =	vld [tilespmem:s24+$0xFFFFFFE0];
	[tilespmem:s31+$0x20] =	vst v22;
	v31 =	vadd.f32 $1.000000000e+00, v2;
	v2 =	vmovc v26  }
0x3d7: {  	v27 =	vmul.f32 v13, v38;
	v13 =	vmov v33;
	s24 =	sadd.s32 $0x200, s24;
	v26 =	vld [tilespmem:s30+$0xFFFFFFA0];
	[tilespmem:s31+$0x30] =	vst v23;
	v25 =	vpop (erf);
	(erf) = vpow2.f32 v34  }
0x3d8: {  	v23 =	vpop (erf)  }
0x3d9: {  	v22 =	vpop (erf)  }
0x3da: {  	v33 =	vpop (erf)  }
0x3db: {  	(erf) = vpow2.f32 v32;
	v60 =	vadd.f32 $1.000000000e+00, v33;
	v61 =	vpop (erf)  }
0x3dc: {  	(erf) = vrcp.f32 v31;
	v62 =	vadd.f32 $1.000000000e+00, v61  }
0x3dd: {  	(erf) = vrcp.f32 v60  }
0x3de: {  	(erf) = vrcp.f32 v62;
	_ =	sdelay $0x2  }
0x3df: {  	v36 =	vld [tilespmem:s30+$0xA0];
	v63 =	vshll.u32 v30, $0x10  }
0x3e0: {  	v37 =	vand.u32 $0xFFFF0000, v30;
	v31 =	vadd.f32 v63, v15;
	v15 =	vpop (erf)  }
0x3e1: {  	v18 =	vadd.f32 v37, v18;
	v38 =	vshll.u32 v29, $0x10;
	v33 =	vpop (erf)  }
0x3e2: {  	v30 =	vadd.f32 v38, v16;
	v31 =	vmul.f32 $1.442695020e+00, v31;
	v34 =	vpop (erf)  }
0x3e3: {  	v18 =	vmul.f32 $1.442695020e+00, v18;
	v16 =	vpop (erf)  }
0x3e4: {  	v39 =	vshll.u32 v36, $0x10;
	v30 =	vmul.f32 $1.442695020e+00, v30;
	(erf) = vpow2.f32 v31;
	v35 =	vpop (erf)  }
0x3e5: {  	v40 =	vand.u32 $0xFFFF0000, v36;
	(erf) = vpow2.f32 v18;
	v31 =	vmul.f32 v39, v35;
	v41 =	vpop (erf)  }
0x3e6: {  	(erf) = vpow2.f32 v30;
	v18 =	vmul.f32 v40, v41  }
0x3e7: {  	[tilespmem:s0+$0xC0] =	vst v31  }
0x3e8: {  	[tilespmem:s0+$0xD0] =	vst v18  }
0x3e9: {  	v18 =	vld [tilespmem:s30+$0xF0]  }
0x3ea: {  	v43 =	vld [tilespmem:s0+$0xF0];
	v42 =	vand.u32 $0xFFFF0000, v29  }
0x3eb: {  	v14 =	vadd.f32 v42, v14  }
0x3ec: {  	v44 =	vld [tilespmem:s30+$0x60]  }
0x3ed: {  	v14 =	vmul.f32 $1.442695020e+00, v14;
	v45 =	vpop (erf)  }
0x3ee: {  	v31 =	vadd.f32 $1.000000000e+00, v45;
	v46 =	vpop (erf);
	v47 =	vand.u32 $0xFFFF0000, v18  }
0x3ef: {  	(erf) = vpow2.f32 v14;
	v32 =	vadd.f32 $1.000000000e+00, v46;
	v48 =	vpop (erf);
	v30 =	vadd.f32 v47, v43  }
0x3f0: {  	(erf) = vrcp.f32 v31;
	v49 =	vadd.f32 $1.000000000e+00, v48  }
0x3f1: {  	v50 =	vshll.u32 v44, $0x10;
	(erf) = vrcp.f32 v32;
	v30 =	vmul.f32 $1.442695020e+00, v30  }
0x3f2: {  	v51 =	vand.u32 $0xFFFF0000, v44;
	v8 =	vadd.f32 v50, v8;
	(erf) = vrcp.f32 v49  }
0x3f3: {  	v9 =	vadd.f32 v51, v9;
	(erf) = vpow2.f32 v30  }
0x3f4: {  	v8 =	vmul.f32 $1.442695020e+00, v8  }
0x3f5: {  	v9 =	vmul.f32 $1.442695020e+00, v9  }
0x3f6: {  	(erf) = vpow2.f32 v8  }
0x3f7: {  	(erf) = vpow2.f32 v9  }
0x3f8: {  	v52 =	vpop (erf)  }
0x3f9: {  	v53 =	vpop (erf)  }
0x3fa: {  	v54 =	vpop (erf)  }
0x3fb: {  	v55 =	vshll.u32 v28, $0x10;
	v18 =	vshll.u32 v18, $0x10;
	v8 =	vadd.f32 $1.000000000e+00, v52;
	v57 =	vpop (erf)  }
0x3fc: {  	v56 =	vand.u32 $0xFFFF0000, v28;
	v18 =	vadd.f32 v18, v20;
	v9 =	vmul.f32 v55, v53;
	v58 =	vpop (erf)  }
0x3fd: {  	(erf) = vrcp.f32 v8;
	v14 =	vmul.f32 v56, v54;
	v20 =	vadd.f32 $1.000000000e+00, v58  }
0x3fe: {  	v18 =	vmul.f32 $1.442695020e+00, v18;
	[tilespmem:s0+$0xFFFFFF40] =	vst v9  }
0x3ff: {  	v59 =	vadd.f32 $1.000000000e+00, v25;
	[tilespmem:s0+$0xFFFFFF50] =	vst v14;
	v60 =	vpop (erf);
	(erf) = vrcp.f32 v20  }
0x400: {  	v14 =	vld [tilespmem:s30+$0xFFFFFF70];
	v9 =	vadd.f32 $1.000000000e+00, v60;
	v61 =	vpop (erf);
	(erf) = vpow2.f32 v18  }
0x401: {  	v62 =	vadd.f32 $1.000000000e+00, v61;
	(erf) = vrcp.f32 v59  }
0x402: {  	(erf) = vrcp.f32 v9  }
0x403: {  	(erf) = vrcp.f32 v62;
	_ =	sdelay $0x1  }
0x404: {  	v63 =	vshll.u32 v14, $0x10  }
0x405: {  	v28 =	vld [tilespmem:s30+$0x20];
	v29 =	vand.u32 $0xFFFF0000, v26;
	v31 =	vpop (erf);
	v14 =	vand.u32 $0xFFFF0000, v14;
	v5 =	vadd.f32 v63, v5  }
0x406: {  	v25 =	vshll.u32 v26, $0x10;
	v8 =	vmul.f32 v29, v31;
	v3 =	vadd.f32 v14, v3  }
0x407: {  	v9 =	vmul.f32 v25, v57;
	v5 =	vmul.f32 $1.442695020e+00, v5;
	v32 =	vpop (erf)  }
0x408: {  	[tilespmem:s0+$0xFFFFFFD0] =	vst v8;
	v3 =	vmul.f32 $1.442695020e+00, v3;
	v35 =	vpop (erf)  }
0x409: {  	[tilespmem:s0+$0xFFFFFFC0] =	vst v9;
	(erf) = vpow2.f32 v5;
	v36 =	vpop (erf)  }
0x40a: {  	v37 =	vshll.u32 v28, $0x10;
	v39 =	vld [tilespmem:s30+$0xFFFFFFF0];
	(erf) = vpow2.f32 v3;
	v38 =	vpop (erf)  }
0x40b: {  	v3 =	vand.u32 $0xFFFF0000, v28;
	v5 =	vmul.f32 v37, v38;
	v40 =	vpop (erf)  }
0x40c: {  	v3 =	vmul.f32 v3, v40  }
0x40d: {  	[tilespmem:s0+$0x40] =	vst v5  }
0x40e: {  	[tilespmem:s0+$0x50] =	vst v3  }
0x40f: {  	v3 =	vshll.u32 v39, $0x10;
	v5 =	vld [tilespmem:s30+$0x70]  }
0x410: {  	v41 =	vadd.f32 $1.000000000e+00, v33;
	v42 =	vand.u32 $0xFFFF0000, v39;
	v3 =	vadd.f32 v3, v6  }
0x411: {  	v43 =	vadd.f32 $1.000000000e+00, v34;
	v7 =	vadd.f32 v42, v7  }
0x412: {  	(erf) = vrcp.f32 v41;
	v44 =	vpop (erf);
	v3 =	vmul.f32 $1.442695020e+00, v3  }
0x413: {  	(erf) = vrcp.f32 v43;
	v45 =	vmul.f32 $1.442695020e+00, v7;
	v46 =	vadd.f32 $1.000000000e+00, v44;
	v47 =	vpop (erf)  }
0x414: {  	v8 =	vadd.f32 $1.000000000e+00, v47;
	(erf) = vpow2.f32 v3;
	v3 =	vshll.u32 v5, $0x10  }
0x415: {  	(erf) = vpow2.f32 v45;
	v5 =	vand.u32 $0xFFFF0000, v5;
	v2 =	vadd.f32 v3, v2  }
0x416: {  	v3 =	vadd.f32 $1.000000000e+00, v35;
	(erf) = vrcp.f32 v46;
	v4 =	vadd.f32 v5, v4  }
0x417: {  	(erf) = vrcp.f32 v8;
	v2 =	vmul.f32 $1.442695020e+00, v2  }
0x418: {  	(erf) = vrcp.f32 v3;
	v3 =	vmul.f32 $1.442695020e+00, v4  }
0x419: {  	(erf) = vpow2.f32 v2  }
0x41a: {  	(erf) = vpow2.f32 v3  }
0x41b: {  	v2 =	vpop (erf)  }
0x41c: {  	v3 =	vpop (erf)  }
0x41d: {  	v1 =	vmul.f32 v1, v21;
	v49 =	vpop (erf)  }
0x41e: {  	v6 =	vpop (erf)  }
0x41f: {  	[tilespmem:s28+$0x70] =	vst v1;
	v1 =	vmul.f32 v10, v23;
	v48 =	vld [tilespmem:s30+$0xB0];
	v5 =	vadd.f32 $1.000000000e+00, v49;
	v7 =	vpop (erf)  }
0x420: {  	v8 =	vpop (erf)  }
0x421: {  	[tilespmem:s29+$0xFFFFFF60] =	vst v1;
	v1 =	vmul.f32 v17, v16;
	v6 =	vadd.f32 $1.000000000e+00, v6;
	(erf) = vrcp.f32 v5;
	v51 =	vpop (erf)  }
0x422: {  	v52 =	vpop (erf)  }
0x423: {  	[tilespmem:s29+$0xFFFFFFE0] =	vst v1;
	v1 =	vmul.f32 v12, v15;
	v54 =	vld [tilespmem:s30+$0xFFFFFF30];
	(erf) = vrcp.f32 v6;
	v53 =	vpop (erf);
	v5 =	vadd.f32 $1.000000000e+00, v52  }
0x424: {  	v50 =	vand.u32 $0xFFFF0000, v48;
	v55 =	vmul.f32 v11, v22;
	v10 =	vadd.f32 $1.000000000e+00, v53  }
0x425: {  	[tilespmem:s28+$0x60] =	vst v27;
	v56 =	vld [tilespmem:s30+$0xFFFFFFB0];
	v9 =	vmul.f32 v50, v32;
	(erf) = vrcp.f32 v5  }
0x426: {  	[tilespmem:s29+$0xE0] =	vst v1;
	v3 =	vmul.f32 v24, v3;
	(erf) = vrcp.f32 v10  }
0x427: {  	[tilespmem:s29+$0xFFFFFF70] =	vst v55;
	v2 =	vmul.f32 v13, v2  }
0x428: {  	v58 =	vshll.u32 v54, $0x10;
	[tilespmem:s0+$0xF0] =	vst v9  }
0x429: {  	v1 =	vld [tilespmem:s30+$0x30];
	[tilespmem:s29+$0x60] =	vst v2;
	v2 =	vmul.f32 v58, v7  }
0x42a: {  	v59 =	vshll.u32 v56, $0x10;
	v57 =	vmul.f32 v19, v36;
	[tilespmem:s29+$0x70] =	vst v3;
	v6 =	vand.u32 $0xFFFF0000, v54;
	v3 =	vpop (erf)  }
0x42b: {  	v6 =	vmul.f32 v6, v8;
	[tilespmem:s0+$0xFFFFFF60] =	vst v2;
	v2 =	vmul.f32 v59, v3;
	v3 =	vshll.u32 v48, $0x10  }
0x42c: {  	[tilespmem:s29+$0xFFFFFFF0] =	vst v57;
	v5 =	vand.u32 $0xFFFF0000, v56;
	v60 =	vpop (erf)  }
0x42d: {  	[tilespmem:s0+$0xFFFFFF70] =	vst v6;
	v61 =	vmul.f32 v5, v60  }
0x42e: {  	v62 =	vshll.u32 v1, $0x10;
	[tilespmem:s0+$0xFFFFFFE0] =	vst v2;
	v2 =	vmul.f32 v3, v51;
	v3 =	vpop (erf)  }
0x42f: {  	v1 =	vand.u32 $0xFFFF0000, v1;
	[tilespmem:s0+$0xFFFFFFF0] =	vst v61;
	v63 =	vpop (erf);
	v3 =	vmul.f32 v62, v3  }
0x430: {  	[tilespmem:s0+$0xE0] =	vst v2;
	v1 =	vmul.f32 v1, v63  }
0x431: {  	p0 =	seq.s32 s25, $0x3D;
	[tilespmem:s0+$0x60] =	vst v3  }
.Ltmp3:
0x432: {  	[tilespmem:s0+$0x70] =	vst v1;
	(pc) =	sbr.rel @p0 .LBB2_10-.Ltmp3, $4  }
0x433: {  	[spmem:s2] =	stream.indirect.scatter.add.f32 [tilespmem:s18], [sflag:$0x5], $0x80, s15, s12, $0xb8;
	[tilespmem:$0x1E200] =	vst v63  }
0x434: {  	_ =	swait.ge [sflag:s9], $0x2800  }
0x435: {  	[sflag:s9] =	ssyncset.done $0x0  }
0x436: {  	[sflag:s9] =	ssyncadd.s32 $0xFFFFD800  }
0x437: {  	s0 =	sadd.s32 s26, s20  }
.Ltmp4:
0x438: {  	s0 =	sshrl.u32 s0, $0x3;
	(pc) =	sbr.rel .LBB2_4-.Ltmp4, $4  }
0x439: {  	s8 =	sadd.s32 s6, s0  }
0x43a: {  	[tilespmem:s14], [sflag:$0x4] =	stream.linear.gather [hbm4b:s8+s3], $0x50, $0x38;
	[tilespmem:$0x1E200] =	vst v63  }
0x43b: {  	s25 =	sadd.s32 $0x1, s25;
	s0 =	sadd.s32 s7, s0  }
0x43c: {  	[tilespmem:s15], [sflag:$0x4] =	stream.linear.gather [hbm4b:s0+s3], $0x50, $0x38;
	[tilespmem:$0x1E200] =	vst v63  }
.LBB2_10:
0x43d: {  	_ =	swait.ge [sflag:s21], $0x2800  }
0x43e: {  	[sflag:s21] =	ssyncset.done $0x0  }
0x43f: {  	[sflag:s21] =	ssyncadd.s32 $0xFFFFD800  }
0x440: {  	_ =	swait.ge [sflag:s21], $0x2800  }
0x441: {  	[sflag:s21] =	ssyncset.done $0x0  }
0x442: {  	s8 =	simm.s32 $0x14300;
	[sflag:s21] =	ssyncadd.s32 $0xFFFFD800  }
0x443: {  	s25 =	simm.s32 $0x16B00;
	v1 =	vld [tilespmem:s8+$0xC0]  }
0x444: {  	v2 =	vld [tilespmem:s25+$0x80];
	_ =	sdelay $0x1  }
0x445: {  	v3 =	vld [tilespmem:s25+$0x90];
	_ =	sdelay $0x1  }
0x446: {  	v4 =	vld [tilespmem:s8+$0xFFFFFF40];
	v5 =	vshll.u32 v1, $0x10  }
0x447: {  	v6 =	vld [tilespmem:s8+$0xFFFFFFC0];
	v2 =	vadd.f32 v5, v2  }
0x448: {  	v7 =	vld [tilespmem:s25+$0xFFFFFF10];
	v1 =	vand.u32 $0xFFFF0000, v1  }
0x449: {  	v1 =	vadd.f32 v1, v3;
	v3 =	vld [tilespmem:s25+$0xFFFFFF00];
	v2 =	vmul.f32 $1.442695020e+00, v2  }
0x44a: {  	v8 =	vld [tilespmem:s25+$0xFFFFFF80]  }
0x44b: {  	v1 =	vmul.f32 $1.442695020e+00, v1;
	(erf) = vpow2.f32 v2;
	v2 =	vld [tilespmem:s25+$0xFFFFFF90];
	_ =	sdelay $0x1  }
0x44c: {  	v5 =	vld [tilespmem:s8+$0x40];
	(erf) = vpow2.f32 v1;
	v1 =	vshll.u32 v4, $0x10  }
0x44d: {  	v9 =	vld [tilespmem:s25+$0x0];
	v1 =	vadd.f32 v1, v3;
	v3 =	vshll.u32 v6, $0x10  }
0x44e: {  	v4 =	vand.u32 $0xFFFF0000, v4;
	v6 =	vand.u32 $0xFFFF0000, v6;
	v3 =	vadd.f32 v3, v8  }
0x44f: {  	v4 =	vadd.f32 v4, v7;
	v2 =	vadd.f32 v6, v2  }
0x450: {  	v8 =	vld [tilespmem:s25+$0x10];
	v1 =	vmul.f32 $1.442695020e+00, v1;
	v3 =	vmul.f32 $1.442695020e+00, v3  }
0x451: {  	v7 =	vshll.u32 v5, $0x10;
	v4 =	vmul.f32 $1.442695020e+00, v4;
	v2 =	vmul.f32 $1.442695020e+00, v2  }
0x452: {  	v10 =	vld [tilespmem:s8+$0xFFFFFF80];
	v6 =	vadd.f32 v7, v9;
	(erf) = vpow2.f32 v1  }
0x453: {  	v14 =	vld [tilespmem:s8+$0xFFFFFF00];
	(erf) = vpow2.f32 v4  }
0x454: {  	v15 =	vld [tilespmem:s25+$0xFFFFFF20];
	v5 =	vand.u32 $0xFFFF0000, v5;
	v4 =	vmul.f32 $1.442695020e+00, v6;
	(erf) = vpow2.f32 v3;
	v3 =	vpop (erf)  }
0x455: {  	v16 =	vld [tilespmem:s25+$0xFFFFFF30];
	v5 =	vadd.f32 v5, v8;
	(erf) = vpow2.f32 v2;
	v3 =	vadd.f32 $1.000000000e+00, v3;
	v2 =	vpop (erf)  }
0x456: {  	v17 =	vld [tilespmem:s25+$0xFFFFFFA0];
	(erf) = vpow2.f32 v4;
	v2 =	vadd.f32 $1.000000000e+00, v2  }
0x457: {  	v18 =	vld [tilespmem:s25+$0xFFFFFFB0];
	(erf) = vrcp.f32 v3;
	v3 =	vmul.f32 $1.442695020e+00, v5  }
0x458: {  	v19 =	vld [tilespmem:s25+$0x20];
	(erf) = vrcp.f32 v2  }
0x459: {  	v2 =	vld [tilespmem:s8+$0x80];
	(erf) = vpow2.f32 v3  }
0x45a: {  	v20 =	vld [tilespmem:s25+$0x30]  }
0x45b: {  	v13 =	vld [tilespmem:s25+$0xFFFFFF40];
	v3 =	vpop (erf)  }
0x45c: {  	v12 =	vld [tilespmem:s25+$0xFFFFFF50];
	v4 =	vpop (erf)  }
0x45d: {  	v11 =	vld [tilespmem:s25+$0xFFFFFFC0];
	v5 =	vpop (erf)  }
0x45e: {  	v9 =	vld [tilespmem:s25+$0xFFFFFFD0];
	v3 =	vadd.f32 $1.000000000e+00, v3;
	v6 =	vpop (erf);
	v5 =	vadd.f32 $1.000000000e+00, v5;
	v22 =	vshll.u32 v2, $0x10  }
0x45f: {  	v7 =	vld [tilespmem:s25+$0x50];
	v4 =	vadd.f32 $1.000000000e+00, v4;
	v21 =	vpop (erf)  }
0x460: {  	v1 =	vld [tilespmem:s8+$0x0];
	(erf) = vrcp.f32 v3;
	v2 =	vand.u32 $0xFFFF0000, v2;
	v23 =	vpop (erf)  }
0x461: {  	v8 =	vld [tilespmem:s25+$0x40];
	(erf) = vrcp.f32 v4;
	v3 =	vmul.f32 v22, v23;
	v23 =	vadd.f32 $1.000000000e+00, v6;
	v22 =	vpop (erf)  }
0x462: {  	v4 =	vld [tilespmem:s25+$0xFFFFFF70];
	v21 =	vadd.f32 $1.000000000e+00, v21;
	(erf) = vrcp.f32 v5;
	v2 =	vmul.f32 v2, v22;
	v5 =	vpop (erf)  }
0x463: {  	v6 =	vld [tilespmem:s25+$0xFFFFFF60];
	[tilespmem:s25+$0x80] =	vst v3;
	(erf) = vrcp.f32 v23;
	v5 =	vadd.f32 $1.000000000e+00, v5  }
0x464: {  	v3 =	vld [tilespmem:s25+$0xFFFFFFE0];
	(erf) = vrcp.f32 v21;
	[tilespmem:s25+$0x90] =	vst v2  }
0x465: {  	v2 =	vld [tilespmem:s8+$0xD0];
	(erf) = vrcp.f32 v5  }
0x466: {  	v5 =	vld [tilespmem:s25+$0xA0];
	_ =	sdelay $0x1  }
0x467: {  	v21 =	vld [tilespmem:s25+$0xB0]  }
0x468: {  	v23 =	vshll.u32 v14, $0x10  }
0x469: {  	v24 =	vpop (erf);
	v22 =	vshll.u32 v2, $0x10  }
0x46a: {  	v5 =	vadd.f32 v22, v5;
	v22 =	vmul.f32 v23, v24  }
0x46b: {  	v14 =	vand.u32 $0xFFFF0000, v14;
	v2 =	vand.u32 $0xFFFF0000, v2;
	v23 =	vpop (erf)  }
0x46c: {  	v2 =	vadd.f32 v2, v21;
	v14 =	vmul.f32 v14, v23;
	v5 =	vmul.f32 $1.442695020e+00, v5  }
0x46d: {  	[tilespmem:s25+$0xFFFFFF00] =	vst v22  }
0x46e: {  	v21 =	vshll.u32 v10, $0x10;
	v2 =	vmul.f32 $1.442695020e+00, v2;
	[tilespmem:s25+$0xFFFFFF10] =	vst v14;
	v22 =	vpop (erf);
	(erf) = vpow2.f32 v5  }
0x46f: {  	v14 =	vmul.f32 v21, v22;
	v22 =	vld [tilespmem:s8+$0xFFFFFF50]  }
0x470: {  	(erf) = vpow2.f32 v2  }
0x471: {  	v10 =	vand.u32 $0xFFFF0000, v10;
	v21 =	vpop (erf)  }
0x472: {  	v2 =	vmul.f32 v10, v21  }
0x473: {  	[tilespmem:s25+$0xFFFFFF80] =	vst v14  }
0x474: {  	v21 =	vpop (erf);
	v14 =	vshll.u32 v1, $0x10;
	[tilespmem:s25+$0xFFFFFF90] =	vst v2;
	v23 =	vshll.u32 v22, $0x10  }
0x475: {  	v24 =	vand.u32 $0xFFFF0000, v1;
	v14 =	vmul.f32 v14, v21;
	v21 =	vpop (erf);
	v10 =	vld [tilespmem:s8+$0xFFFFFFD0];
	v15 =	vadd.f32 v23, v15  }
0x476: {  	v21 =	vmul.f32 v24, v21;
	v22 =	vand.u32 $0xFFFF0000, v22  }
0x477: {  	[tilespmem:s25+$0x0] =	vst v14;
	v14 =	vadd.f32 v22, v16;
	v15 =	vmul.f32 $1.442695020e+00, v15;
	v16 =	vpop (erf)  }
0x478: {  	[tilespmem:s25+$0x10] =	vst v21;
	v16 =	vadd.f32 $1.000000000e+00, v16  }
0x479: {  	v23 =	vld [tilespmem:s8+$0x50];
	v22 =	vpop (erf);
	(erf) = vpow2.f32 v15  }
0x47a: {  	v21 =	vshll.u32 v10, $0x10;
	v15 =	vadd.f32 $1.000000000e+00, v22;
	(erf) = vrcp.f32 v16  }
0x47b: {  	v17 =	vadd.f32 v21, v17  }
0x47c: {  	v14 =	vmul.f32 $1.442695020e+00, v14;
	v10 =	vand.u32 $0xFFFF0000, v10;
	(erf) = vrcp.f32 v15  }
0x47d: {  	v10 =	vadd.f32 v10, v18;
	v16 =	vmul.f32 $1.442695020e+00, v17  }
0x47e: {  	v15 =	vld [tilespmem:s8+$0x90];
	(erf) = vpow2.f32 v14;
	v14 =	vshll.u32 v23, $0x10  }
0x47f: {  	v10 =	vmul.f32 $1.442695020e+00, v10;
	(erf) = vpow2.f32 v16;
	v14 =	vadd.f32 v14, v19;
	_ =	sdelay $0x1  }
0x480: {  	(erf) = vpow2.f32 v10;
	v10 =	vand.u32 $0xFFFF0000, v23;
	v14 =	vmul.f32 $1.442695020e+00, v14  }
0x481: {  	v10 =	vadd.f32 v10, v20;
	v16 =	vpop (erf)  }
0x482: {  	(erf) = vpow2.f32 v14;
	v14 =	vshll.u32 v15, $0x10;
	v17 =	vpop (erf)  }
0x483: {  	v10 =	vmul.f32 $1.442695020e+00, v10;
	v14 =	vmul.f32 v14, v17  }
0x484: {  	v15 =	vand.u32 $0xFFFF0000, v15;
	v17 =	vpop (erf)  }
0x485: {  	(erf) = vpow2.f32 v10;
	v15 =	vmul.f32 v15, v17  }
0x486: {  	v16 =	vadd.f32 $1.000000000e+00, v16;
	v17 =	vpop (erf);
	[tilespmem:s25+$0xA0] =	vst v14  }
0x487: {  	v17 =	vadd.f32 $1.000000000e+00, v17;
	[tilespmem:s25+$0xB0] =	vst v15;
	v14 =	vpop (erf)  }
0x488: {  	(erf) = vrcp.f32 v16;
	v16 =	vld [tilespmem:s8+$0xE0];
	v14 =	vadd.f32 $1.000000000e+00, v14  }
0x489: {  	(erf) = vrcp.f32 v17;
	v17 =	vld [tilespmem:s25+$0xC0];
	v15 =	vpop (erf)  }
0x48a: {  	v15 =	vadd.f32 $1.000000000e+00, v15;
	(erf) = vrcp.f32 v14;
	v14 =	vld [tilespmem:s25+$0xD0];
	_ =	sdelay $0x1  }
0x48b: {  	v18 =	vpop (erf);
	(erf) = vrcp.f32 v15;
	v15 =	vld [tilespmem:s8+$0xFFFFFF10]  }
0x48c: {  	v18 =	vadd.f32 $1.000000000e+00, v18;
	v21 =	vshll.u32 v16, $0x10  }
0x48d: {  	v20 =	vpop (erf);
	v16 =	vand.u32 $0xFFFF0000, v16;
	v17 =	vadd.f32 v21, v17  }
0x48e: {  	v20 =	vadd.f32 $1.000000000e+00, v20;
	v14 =	vadd.f32 v16, v14  }
0x48f: {  	(erf) = vrcp.f32 v18;
	v17 =	vmul.f32 $1.442695020e+00, v17  }
0x490: {  	v19 =	vld [tilespmem:s8+$0xFFFFFF90];
	(erf) = vrcp.f32 v20;
	v18 =	vpop (erf);
	v16 =	vshll.u32 v15, $0x10;
	v14 =	vmul.f32 $1.442695020e+00, v14  }
0x491: {  	v15 =	vand.u32 $0xFFFF0000, v15;
	v16 =	vmul.f32 v16, v18;
	v18 =	vpop (erf);
	(erf) = vpow2.f32 v17  }
0x492: {  	v15 =	vmul.f32 v15, v18;
	(erf) = vpow2.f32 v14  }
0x493: {  	[tilespmem:s25+$0xFFFFFF20] =	vst v16  }
0x494: {  	[tilespmem:s25+$0xFFFFFF30] =	vst v15  }
0x495: {  	v20 =	vshll.u32 v19, $0x10;
	v17 =	vand.u32 $0xFFFF0000, v19;
	v18 =	vpop (erf);
	v15 =	vld [tilespmem:s8+$0xFFFFFF60]  }
0x496: {  	s26 =	simm.s32 $0x16D00;
	v16 =	vmul.f32 v20, v18;
	v18 =	vpop (erf)  }
0x497: {  	s0 =	simm.s32 $0x14500;
	v20 =	vld [tilespmem:s26+$0x90];
	v14 =	vmul.f32 v17, v18  }
0x498: {  	v17 =	vpop (erf);
	[tilespmem:s25+$0xFFFFFFA0] =	vst v16;
	v16 =	vld [tilespmem:s0+$0xC0]  }
0x499: {  	v18 =	vld [tilespmem:s26+$0x80];
	[tilespmem:s25+$0xFFFFFFB0] =	vst v14;
	v19 =	vpop (erf)  }
0x49a: {  	v14 =	vld [tilespmem:s8+$0xFFFFFFE0];
	v21 =	vshll.u32 v15, $0x10;
	v22 =	vpop (erf)  }
0x49b: {  	v15 =	vand.u32 $0xFFFF0000, v15;
	v13 =	vadd.f32 v21, v13;
	v21 =	vadd.f32 $1.000000000e+00, v22;
	v22 =	vpop (erf)  }
0x49c: {  	v23 =	vld [tilespmem:s0+$0xFFFFFF40];
	v12 =	vadd.f32 v15, v12;
	v15 =	vadd.f32 $1.000000000e+00, v22  }
0x49d: {  	v25 =	vshll.u32 v16, $0x10;
	(erf) = vrcp.f32 v21  }
0x49e: {  	v16 =	vand.u32 $0xFFFF0000, v16;
	v18 =	vadd.f32 v25, v18;
	(erf) = vrcp.f32 v15;
	v15 =	vld [tilespmem:s26+$0xFFFFFF10]  }
0x49f: {  	v24 =	vld [tilespmem:s0+$0xFFFFFFC0];
	v16 =	vadd.f32 v16, v20;
	v25 =	vshll.u32 v14, $0x10  }
0x4a0: {  	v11 =	vadd.f32 v25, v11;
	v18 =	vmul.f32 $1.442695020e+00, v18;
	v25 =	vld [tilespmem:s8+$0xA0]  }
0x4a1: {  	v26 =	vshll.u32 v23, $0x10;
	v21 =	vld [tilespmem:s26+$0xFFFFFF00];
	v13 =	vmul.f32 $1.442695020e+00, v13;
	v16 =	vmul.f32 $1.442695020e+00, v16  }
0x4a2: {  	v20 =	vld [tilespmem:s26+$0xFFFFFF80];
	v12 =	vmul.f32 $1.442695020e+00, v12;
	(erf) = vpow2.f32 v18;
	v18 =	vand.u32 $0xFFFF0000, v23  }
0x4a3: {  	v27 =	vld [tilespmem:s26+$0xFFFFFF90];
	v11 =	vmul.f32 $1.442695020e+00, v11;
	(erf) = vpow2.f32 v16;
	v15 =	vadd.f32 v18, v15  }
0x4a4: {  	v22 =	vld [tilespmem:s0+$0x40];
	v23 =	vand.u32 $0xFFFF0000, v24;
	v16 =	vshll.u32 v24, $0x10;
	(erf) = vpow2.f32 v13  }
0x4a5: {  	v24 =	vld [tilespmem:s26+$0x0];
	(erf) = vpow2.f32 v12;
	v12 =	vmul.f32 $1.442695020e+00, v15;
	v15 =	vshll.u32 v25, $0x10  }
0x4a6: {  	v21 =	vadd.f32 v26, v21  }
0x4a7: {  	v16 =	vadd.f32 v16, v20;
	(erf) = vpow2.f32 v11;
	v11 =	vpop (erf)  }
0x4a8: {  	v13 =	vmul.f32 $1.442695020e+00, v21;
	v21 =	vand.u32 $0xFFFF0000, v25;
	v11 =	vmul.f32 v15, v11;
	v15 =	vpop (erf)  }
0x4a9: {  	v20 =	vadd.f32 v23, v27;
	v18 =	vshll.u32 v22, $0x10;
	v15 =	vmul.f32 v21, v15  }
0x4aa: {  	v23 =	vld [tilespmem:s26+$0x10];
	v16 =	vmul.f32 $1.442695020e+00, v16;
	v24 =	vadd.f32 v18, v24;
	(erf) = vpow2.f32 v13  }
0x4ab: {  	v20 =	vmul.f32 $1.442695020e+00, v20;
	(erf) = vpow2.f32 v12  }
0x4ac: {  	v13 =	vld [tilespmem:s8+$0x10];
	[tilespmem:s25+$0xC0] =	vst v11;
	v11 =	vmul.f32 $1.442695020e+00, v24;
	(erf) = vpow2.f32 v16;
	v12 =	vpop (erf)  }
0x4ad: {  	(erf) = vpow2.f32 v20;
	v20 =	vand.u32 $0xFFFF0000, v22;
	v12 =	vadd.f32 $1.000000000e+00, v12;
	[tilespmem:s25+$0xD0] =	vst v15;
	v15 =	vpop (erf)  }
0x4ae: {  	(erf) = vpow2.f32 v11;
	v11 =	vand.u32 $0xFFFF0000, v14;
	v15 =	vadd.f32 $1.000000000e+00, v15  }
0x4af: {  	v14 =	vadd.f32 v20, v23;
	v9 =	vadd.f32 v11, v9;
	v21 =	vld [tilespmem:s8+$0xF0]  }
0x4b0: {  	v20 =	vld [tilespmem:s25+$0xF0];
	(erf) = vrcp.f32 v12  }
0x4b1: {  	v12 =	vshll.u32 v13, $0x10;
	v14 =	vmul.f32 $1.442695020e+00, v14;
	v9 =	vmul.f32 $1.442695020e+00, v9;
	v22 =	vpop (erf)  }
0x4b2: {  	v13 =	vand.u32 $0xFFFF0000, v13;
	v12 =	vmul.f32 v12, v17;
	(erf) = vrcp.f32 v15;
	v15 =	vpop (erf)  }
0x4b3: {  	v13 =	vmul.f32 v13, v19;
	v22 =	vadd.f32 $1.000000000e+00, v22;
	v19 =	vpop (erf);
	v15 =	vadd.f32 $1.000000000e+00, v15  }
0x4b4: {  	v24 =	vld [tilespmem:s0+$0x80];
	[tilespmem:s25+$0x20] =	vst v12;
	(erf) = vpow2.f32 v14;
	v14 =	vand.u32 $0xFFFF0000, v21;
	v25 =	vpop (erf);
	v12 =	vadd.f32 $1.000000000e+00, v19  }
0x4b5: {  	v14 =	vadd.f32 v14, v20;
	(erf) = vpow2.f32 v9;
	v9 =	vpop (erf)  }
0x4b6: {  	[tilespmem:s25+$0x30] =	vst v13;
	(erf) = vrcp.f32 v22;
	v19 =	vpop (erf)  }
0x4b7: {  	v20 =	vld [tilespmem:s8+$0x60];
	v13 =	vmul.f32 $1.442695020e+00, v14;
	(erf) = vrcp.f32 v15;
	v15 =	vpop (erf)  }
0x4b8: {  	(erf) = vrcp.f32 v12;
	v12 =	vpop (erf)  }
0x4b9: {  	(erf) = vpow2.f32 v13;
	v13 =	vshll.u32 v24, $0x10;
	v28 =	vpop (erf)  }
0x4ba: {  	v14 =	vadd.f32 $1.000000000e+00, v25;
	v13 =	vmul.f32 v13, v28  }
0x4bb: {  	v10 =	vld [tilespmem:s25+$0xE0];
	v9 =	vadd.f32 $1.000000000e+00, v9;
	v19 =	vadd.f32 $1.000000000e+00, v19  }
0x4bc: {  	(erf) = vrcp.f32 v14;
	v14 =	vand.u32 $0xFFFF0000, v24;
	v24 =	vpop (erf);
	[tilespmem:s26+$0x80] =	vst v13;
	v13 =	vshll.u32 v20, $0x10  }
0x4bd: {  	v15 =	vadd.f32 $1.000000000e+00, v15;
	(erf) = vrcp.f32 v9;
	v24 =	vmul.f32 v14, v24  }
0x4be: {  	v21 =	vshll.u32 v21, $0x10;
	v12 =	vadd.f32 $1.000000000e+00, v12;
	v31 =	vpop (erf);
	(erf) = vrcp.f32 v19  }
0x4bf: {  	[tilespmem:s26+$0x90] =	vst v24;
	v8 =	vadd.f32 v13, v8;
	v24 =	vadd.f32 $1.000000000e+00, v31;
	v13 =	vpop (erf);
	(erf) = vrcp.f32 v15  }
0x4c0: {  	v17 =	vld [tilespmem:s0+$0xFFFFFF00];
	v10 =	vadd.f32 v21, v10;
	v20 =	vand.u32 $0xFFFF0000, v20  }
0x4c1: {  	v32 =	vld [tilespmem:s26+$0xA0];
	v7 =	vadd.f32 v20, v7;
	v31 =	vpop (erf);
	(erf) = vrcp.f32 v12;
	v12 =	vmul.f32 $1.442695020e+00, v8  }
0x4c2: {  	v19 =	vld [tilespmem:s0+$0xD0];
	v13 =	vadd.f32 $1.000000000e+00, v13;
	v21 =	vpop (erf)  }
0x4c3: {  	v11 =	vld [tilespmem:s0+$0xFFFFFF80];
	v7 =	vmul.f32 $1.442695020e+00, v7;
	(erf) = vrcp.f32 v24;
	v24 =	vpop (erf)  }
0x4c4: {  	v33 =	vld [tilespmem:s26+$0xB0];
	v35 =	vmul.f32 $1.442695020e+00, v10;
	(erf) = vpow2.f32 v12;
	v10 =	vpop (erf)  }
0x4c5: {  	v30 =	vshll.u32 v17, $0x10;
	(erf) = vpow2.f32 v7;
	v12 =	vpop (erf)  }
0x4c6: {  	(erf) = vrcp.f32 v13;
	v13 =	vpop (erf);
	v30 =	vmul.f32 v30, v12  }
0x4c7: {  	v34 =	vand.u32 $0xFFFF0000, v17;
	v17 =	vshll.u32 v19, $0x10;
	v19 =	vand.u32 $0xFFFF0000, v19;
	v61 =	vpop (erf)  }
0x4c8: {  	v23 =	vld [tilespmem:s0+$0x0];
	v10 =	vadd.f32 $1.000000000e+00, v10;
	v32 =	vadd.f32 v17, v32;
	[tilespmem:s26+$0xFFFFFF00] =	vst v30;
	v30 =	vand.u32 $0xFFFF0000, v11;
	v62 =	vpop (erf)  }
0x4c9: {  	v19 =	vadd.f32 v19, v33;
	v13 =	vmul.f32 v34, v13;
	v30 =	vmul.f32 v30, v62  }
0x4ca: {  	v26 =	vld [tilespmem:s26+$0xFFFFFF20];
	(erf) = vrcp.f32 v10;
	v32 =	vmul.f32 $1.442695020e+00, v32  }
0x4cb: {  	v18 =	vld [tilespmem:s8+$0xFFFFFF20];
	v60 =	vshll.u32 v11, $0x10;
	v19 =	vmul.f32 $1.442695020e+00, v19;
	(erf) = vpow2.f32 v35  }
0x4cc: {  	v16 =	vld [tilespmem:s8+$0xFFFFFFA0];
	v33 =	vmul.f32 v60, v61;
	[tilespmem:s26+$0xFFFFFF10] =	vst v13;
	(erf) = vpow2.f32 v32;
	v39 =	vpop (erf)  }
0x4cd: {  	v38 =	vshll.u32 v23, $0x10;
	v23 =	vand.u32 $0xFFFF0000, v23;
	v63 =	vld [tilespmem:s0+$0xFFFFFF50];
	(erf) = vpow2.f32 v19;
	[tilespmem:s26+$0xFFFFFF90] =	vst v30;
	v30 =	vpop (erf)  }
0x4ce: {  	v27 =	vld [tilespmem:s26+$0xFFFFFF30];
	[tilespmem:s26+$0xFFFFFF80] =	vst v33;
	v23 =	vmul.f32 v23, v30  }
0x4cf: {  	v40 =	vmul.f32 v38, v39;
	v41 =	vld [tilespmem:s0+$0xFFFFFFD0]  }
0x4d0: {  	v42 =	vshll.u32 v18, $0x10;
	v18 =	vand.u32 $0xFFFF0000, v18;
	v22 =	vld [tilespmem:s26+$0xFFFFFFA0];
	v30 =	vpop (erf)  }
0x4d1: {  	v36 =	vshll.u32 v16, $0x10;
	v16 =	vand.u32 $0xFFFF0000, v16;
	v25 =	vld [tilespmem:s26+$0xFFFFFFB0];
	v31 =	vmul.f32 v42, v31;
	[tilespmem:s26+$0x0] =	vst v40;
	v43 =	vpop (erf)  }
0x4d2: {  	v29 =	vld [tilespmem:s26+$0x20];
	v44 =	vmul.f32 v18, v21;
	v37 =	vshll.u32 v63, $0x10;
	v30 =	vadd.f32 $1.000000000e+00, v30;
	[tilespmem:s26+$0x10] =	vst v23;
	v23 =	vpop (erf)  }
0x4d3: {  	v24 =	vmul.f32 v36, v24;
	[tilespmem:s25+$0xFFFFFF40] =	vst v31;
	v32 =	vand.u32 $0xFFFF0000, v63;
	v26 =	vadd.f32 v37, v26;
	v38 =	vld [tilespmem:s0+$0x50];
	v21 =	vpop (erf)  }
0x4d4: {  	v28 =	vld [tilespmem:s26+$0x30];
	[tilespmem:s25+$0xFFFFFF50] =	vst v44;
	v27 =	vadd.f32 v32, v27;
	(erf) = vrcp.f32 v30;
	v30 =	vshll.u32 v41, $0x10;
	v18 =	vpop (erf)  }
0x4d5: {  	v46 =	vld [tilespmem:s8+$0xFFFFFF70];
	v26 =	vmul.f32 $1.442695020e+00, v26;
	v45 =	vand.u32 $0xFFFF0000, v41;
	v22 =	vadd.f32 v30, v22;
	v31 =	vpop (erf)  }
0x4d6: {  	v27 =	vmul.f32 $1.442695020e+00, v27;
	v25 =	vadd.f32 v45, v25;
	v30 =	vadd.f32 $1.000000000e+00, v31;
	v31 =	vpop (erf)  }
0x4d7: {  	(erf) = vpow2.f32 v26;
	v16 =	vmul.f32 v16, v23;
	v26 =	vadd.f32 $1.000000000e+00, v31  }
0x4d8: {  	v22 =	vmul.f32 $1.442695020e+00, v22;
	v31 =	vshll.u32 v38, $0x10;
	(erf) = vrcp.f32 v30  }
0x4d9: {  	v30 =	vand.u32 $0xFFFF0000, v38;
	v29 =	vadd.f32 v31, v29;
	(erf) = vrcp.f32 v26  }
0x4da: {  	v26 =	vadd.f32 v30, v28;
	(erf) = vpow2.f32 v27;
	v27 =	vshll.u32 v46, $0x10  }
0x4db: {  	v25 =	vmul.f32 $1.442695020e+00, v25;
	v28 =	vmul.f32 $1.442695020e+00, v29;
	v6 =	vadd.f32 v27, v6  }
0x4dc: {  	v29 =	vld [tilespmem:s8+$0x20];
	v26 =	vmul.f32 $1.442695020e+00, v26;
	(erf) = vpow2.f32 v22  }
0x4dd: {  	v23 =	vand.u32 $0xFFFF0000, v46;
	v22 =	vld [tilespmem:s0+$0x90];
	(erf) = vpow2.f32 v25;
	v6 =	vmul.f32 $1.442695020e+00, v6  }
0x4de: {  	v5 =	vld [tilespmem:s25+$0xFFFFFFF0];
	[tilespmem:s25+$0xFFFFFFC0] =	vst v24;
	v24 =	vadd.f32 $1.000000000e+00, v43;
	(erf) = vpow2.f32 v28  }
0x4df: {  	v4 =	vadd.f32 v23, v4;
	v25 =	vpop (erf);
	(erf) = vpow2.f32 v26  }
0x4e0: {  	[tilespmem:s25+$0xFFFFFFD0] =	vst v16;
	v23 =	vpop (erf);
	(erf) = vrcp.f32 v24  }
0x4e1: {  	v16 =	vld [tilespmem:s8+$0xFFFFFFF0];
	v24 =	vmul.f32 $1.442695020e+00, v4;
	(erf) = vpow2.f32 v6;
	v6 =	vpop (erf)  }
0x4e2: {  	v26 =	vshll.u32 v29, $0x10;
	v4 =	vshll.u32 v22, $0x10;
	v22 =	vand.u32 $0xFFFF0000, v22;
	v27 =	vpop (erf)  }
0x4e3: {  	v22 =	vmul.f32 v22, v27  }
0x4e4: {  	v23 =	vadd.f32 $1.000000000e+00, v23;
	v6 =	vmul.f32 v4, v6  }
0x4e5: {  	v25 =	vmul.f32 v26, v25;
	(erf) = vpow2.f32 v24;
	v26 =	vpop (erf)  }
0x4e6: {  	(erf) = vrcp.f32 v23;
	[tilespmem:s26+$0xA0] =	vst v6;
	v6 =	vshll.u32 v16, $0x10;
	v23 =	vadd.f32 $1.000000000e+00, v26;
	v26 =	vpop (erf)  }
0x4e7: {  	v16 =	vand.u32 $0xFFFF0000, v16;
	[tilespmem:s26+$0xB0] =	vst v22;
	v3 =	vadd.f32 v6, v3;
	v6 =	vadd.f32 $1.000000000e+00, v26;
	v22 =	vpop (erf)  }
0x4e8: {  	v5 =	vadd.f32 v16, v5;
	v16 =	vadd.f32 $1.000000000e+00, v22;
	v22 =	vpop (erf)  }
0x4e9: {  	v26 =	vld [tilespmem:s0+$0xE0];
	v22 =	vadd.f32 $1.000000000e+00, v22  }
0x4ea: {  	(erf) = vrcp.f32 v23;
	v23 =	vld [tilespmem:s26+$0xC0]  }
0x4eb: {  	(erf) = vrcp.f32 v6;
	v6 =	vpop (erf)  }
0x4ec: {  	v6 =	vadd.f32 $1.000000000e+00, v6;
	(erf) = vrcp.f32 v16;
	v16 =	vpop (erf)  }
0x4ed: {  	v27 =	vld [tilespmem:s26+$0xD0];
	v3 =	vmul.f32 $1.442695020e+00, v3;
	(erf) = vrcp.f32 v22;
	v22 =	vpop (erf)  }
0x4ee: {  	v28 =	vld [tilespmem:s0+$0xFFFFFF10];
	(erf) = vrcp.f32 v6;
	v6 =	vadd.f32 $1.000000000e+00, v22;
	v22 =	vshll.u32 v26, $0x10  }
0x4ef: {  	v1 =	vld [tilespmem:s25+$0x70];
	v24 =	vand.u32 $0xFFFF0000, v29;
	v5 =	vmul.f32 $1.442695020e+00, v5;
	v22 =	vadd.f32 v22, v23  }
0x4f0: {  	v2 =	vld [tilespmem:s25+$0x60];
	v16 =	vmul.f32 v24, v16;
	v29 =	vpop (erf);
	(erf) = vpow2.f32 v3  }
0x4f1: {  	[tilespmem:s25+$0x40] =	vst v25;
	v24 =	vld [tilespmem:s0+$0xFFFFFF90];
	v3 =	vand.u32 $0xFFFF0000, v26;
	v25 =	vadd.f32 $1.000000000e+00, v29;
	(erf) = vpow2.f32 v5  }
0x4f2: {  	v23 =	vld [tilespmem:s8+$0xB0];
	v3 =	vadd.f32 v3, v27;
	[tilespmem:s25+$0x50] =	vst v16;
	(erf) = vrcp.f32 v6  }
0x4f3: {  	s29 =	simm.s32 $0x16F00;
	v26 =	vld [tilespmem:s8+$0x70];
	v16 =	vmul.f32 $1.442695020e+00, v22;
	v22 =	vpop (erf);
	(erf) = vrcp.f32 v25;
	v25 =	vand.u32 $0xFFFF0000, v28  }
0x4f4: {  	v49 =	vld [tilespmem:s29+$0xFFFFFF00];
	v6 =	vshll.u32 v28, $0x10  }
0x4f5: {  	v18 =	vadd.f32 $1.000000000e+00, v18;
	v5 =	vld [tilespmem:s0+$0x10];
	v3 =	vmul.f32 $1.442695020e+00, v3;
	v6 =	vmul.f32 v6, v22;
	v22 =	vpop (erf)  }
0x4f6: {  	v9 =	vld [tilespmem:s26+$0xFFFFFF50];
	v27 =	vshll.u32 v24, $0x10;
	(erf) = vpow2.f32 v16;
	v22 =	vmul.f32 v25, v22;
	v25 =	vpop (erf)  }
0x4f7: {  	v24 =	vand.u32 $0xFFFF0000, v24;
	v16 =	vld [tilespmem:s8+$0xFFFFFF30];
	(erf) = vpow2.f32 v3;
	[tilespmem:s26+$0xFFFFFF20] =	vst v6;
	v6 =	vmul.f32 v27, v25;
	v25 =	vpop (erf)  }
0x4f8: {  	v14 =	vld [tilespmem:s26+$0xFFFFFF40];
	v3 =	vand.u32 $0xFFFF0000, v23;
	[tilespmem:s26+$0xFFFFFF30] =	vst v22;
	v22 =	vmul.f32 v24, v25;
	v25 =	vshll.u32 v26, $0x10  }
0x4f9: {  	v28 =	vand.u32 $0xFFFF0000, v26;
	v21 =	vmul.f32 v3, v21;
	v3 =	vld [tilespmem:s8+$0xFFFFFFB0];
	v2 =	vadd.f32 v25, v2  }
0x4fa: {  	s28 =	simm.s32 $0x14700;
	v1 =	vadd.f32 v28, v1;
	v27 =	vshll.u32 v5, $0x10;
	v5 =	vand.u32 $0xFFFF0000, v5;
	v24 =	vpop (erf);
	v30 =	vld [tilespmem:s0+$0xFFFFFF60];
	[tilespmem:s26+$0xFFFFFFA0] =	vst v6  }
0x4fb: {  	(erf) = vrcp.f32 v18;
	[tilespmem:s26+$0xFFFFFFB0] =	vst v22;
	v22 =	vshll.u32 v23, $0x10;
	v23 =	vld [tilespmem:s28+$0xC0];
	v6 =	vpop (erf);
	v2 =	vmul.f32 $1.442695020e+00, v2  }
0x4fc: {  	v15 =	vld [tilespmem:s26+$0xFFFFFFC0];
	v1 =	vmul.f32 $1.442695020e+00, v1;
	v26 =	vshll.u32 v16, $0x10;
	v25 =	vand.u32 $0xFFFF0000, v16;
	v31 =	vpop (erf)  }
0x4fd: {  	v18 =	vld [tilespmem:s29+$0x80];
	v5 =	vmul.f32 v5, v6;
	v40 =	vpop (erf);
	v6 =	vadd.f32 $1.000000000e+00, v31;
	(erf) = vpow2.f32 v2  }
0x4fe: {  	v42 =	vmul.f32 v27, v24;
	v27 =	vshll.u32 v3, $0x10;
	v2 =	vld [tilespmem:s29+$0x90];
	v28 =	vpop (erf);
	(erf) = vpow2.f32 v1  }
0x4ff: {  	v16 =	vld [tilespmem:s0+$0xFFFFFFE0];
	v1 =	vshll.u32 v30, $0x10;
	v30 =	vand.u32 $0xFFFF0000, v30;
	v29 =	vpop (erf);
	(erf) = vrcp.f32 v6  }
0x500: {  	v31 =	vld [tilespmem:s28+$0xFFFFFF40];
	v1 =	vadd.f32 v1, v14;
	v48 =	vshll.u32 v23, $0x10;
	v23 =	vand.u32 $0xFFFF0000, v23;
	v24 =	vpop (erf)  }
0x501: {  	v14 =	vld [tilespmem:s28+$0x40];
	v9 =	vadd.f32 v30, v9;
	v30 =	vand.u32 $0xFFFF0000, v3;
	v24 =	vadd.f32 $1.000000000e+00, v24;
	v47 =	vpop (erf)  }
0x502: {  	v50 =	vld [tilespmem:s29+$0xFFFFFF10];
	v18 =	vadd.f32 v48, v18;
	v1 =	vmul.f32 $1.442695020e+00, v1;
	v32 =	vadd.f32 $1.000000000e+00, v47  }
0x503: {  	v6 =	vld [tilespmem:s28+$0xFFFFFFC0];
	v3 =	vmul.f32 $1.442695020e+00, v9;
	v2 =	vadd.f32 v23, v2;
	(erf) = vrcp.f32 v24  }
0x504: {  	v23 =	vld [tilespmem:s29+$0xFFFFFF80];
	v18 =	vmul.f32 $1.442695020e+00, v18;
	v24 =	vshll.u32 v16, $0x10;
	(erf) = vrcp.f32 v32  }
0x505: {  	v53 =	vld [tilespmem:s29+$0xFFFFFF90];
	v52 =	vshll.u32 v31, $0x10;
	v15 =	vadd.f32 v24, v15;
	v2 =	vmul.f32 $1.442695020e+00, v2  }
0x506: {  	v9 =	vld [tilespmem:s0+$0xA0];
	v34 =	vadd.f32 v52, v49;
	v54 =	vshll.u32 v14, $0x10;
	(erf) = vpow2.f32 v18  }
0x507: {  	v18 =	vand.u32 $0xFFFF0000, v31;
	v15 =	vmul.f32 $1.442695020e+00, v15;
	(erf) = vpow2.f32 v2  }
0x508: {  	v39 =	vld [tilespmem:s29+$0x0];
	v24 =	vpop (erf);
	v2 =	vshll.u32 v6, $0x10;
	v6 =	vand.u32 $0xFFFF0000, v6;
	v18 =	vadd.f32 v18, v50  }
0x509: {  	v33 =	vpop (erf);
	(erf) = vpow2.f32 v1;
	v1 =	vmul.f32 $1.442695020e+00, v34;
	v2 =	vadd.f32 v2, v23  }
0x50a: {  	v8 =	vld [tilespmem:s26+$0xFFFFFFD0];
	v6 =	vadd.f32 v6, v53;
	v32 =	vpop (erf);
	(erf) = vpow2.f32 v3;
	v18 =	vmul.f32 $1.442695020e+00, v18  }
0x50b: {  	v3 =	vshll.u32 v9, $0x10;
	v31 =	vpop (erf);
	(erf) = vpow2.f32 v15;
	v2 =	vmul.f32 $1.442695020e+00, v2  }
0x50c: {  	v55 =	vld [tilespmem:s29+$0x10];
	v9 =	vand.u32 $0xFFFF0000, v9;
	v6 =	vmul.f32 $1.442695020e+00, v6;
	(erf) = vpow2.f32 v1;
	v23 =	vpop (erf)  }
0x50d: {  	v15 =	vadd.f32 v54, v39;
	(erf) = vpow2.f32 v18;
	v3 =	vmul.f32 v3, v23;
	v23 =	vpop (erf)  }
0x50e: {  	v1 =	vand.u32 $0xFFFF0000, v16;
	(erf) = vpow2.f32 v2;
	v9 =	vmul.f32 v9, v23  }
0x50f: {  	v8 =	vadd.f32 v1, v8;
	v2 =	vpop (erf);
	(erf) = vpow2.f32 v6;
	[tilespmem:s26+$0xC0] =	vst v3  }
0x510: {  	v2 =	vadd.f32 $1.000000000e+00, v2;
	v6 =	vpop (erf);
	[tilespmem:s26+$0xD0] =	vst v9;
	v9 =	vand.u32 $0xFFFF0000, v14;
	v14 =	vmul.f32 $1.442695020e+00, v15  }
0x511: {  	v6 =	vadd.f32 $1.000000000e+00, v6;
	v45 =	vld [tilespmem:s0+$0xF0];
	v9 =	vadd.f32 v9, v55  }
0x512: {  	v15 =	vld [tilespmem:s26+$0xF0];
	(erf) = vpow2.f32 v14  }
0x513: {  	v9 =	vmul.f32 $1.442695020e+00, v9;
	(erf) = vrcp.f32 v2  }
0x514: {  	v20 =	vld [tilespmem:s26+$0x40];
	v2 =	vmul.f32 $1.442695020e+00, v8;
	v8 =	vpop (erf);
	(erf) = vrcp.f32 v6  }
0x515: {  	v7 =	vld [tilespmem:s26+$0x50];
	v6 =	vpop (erf);
	v8 =	vadd.f32 $1.000000000e+00, v8;
	(erf) = vpow2.f32 v9  }
0x516: {  	v13 =	vld [tilespmem:s26+$0x70];
	v6 =	vadd.f32 $1.000000000e+00, v6;
	v14 =	vpop (erf);
	v9 =	vand.u32 $0xFFFF0000, v45;
	(erf) = vpow2.f32 v2  }
0x517: {  	v19 =	vld [tilespmem:s26+$0x60];
	v2 =	vadd.f32 $1.000000000e+00, v14;
	v14 =	vpop (erf);
	v9 =	vadd.f32 v9, v15;
	(erf) = vrcp.f32 v8  }
0x518: {  	v46 =	vld [tilespmem:s28+$0x80];
	[tilespmem:s26+$0x30] =	vst v5;
	v5 =	vpop (erf);
	(erf) = vrcp.f32 v6  }
0x519: {  	v8 =	vmul.f32 $1.442695020e+00, v9;
	(erf) = vrcp.f32 v2;
	v2 =	vadd.f32 $1.000000000e+00, v5  }
0x51a: {  	v43 =	vld [tilespmem:s0+$0xFFFFFF20];
	[tilespmem:s26+$0x20] =	vst v42;
	v14 =	vadd.f32 $1.000000000e+00, v14;
	v16 =	vpop (erf)  }
0x51b: {  	v9 =	vld [tilespmem:s0+$0x60];
	v5 =	vpop (erf);
	(erf) = vpow2.f32 v8  }
0x51c: {  	v48 =	vpop (erf);
	(erf) = vrcp.f32 v14  }
0x51d: {  	v49 =	vshll.u32 v46, $0x10;
	v5 =	vadd.f32 $1.000000000e+00, v5;
	(erf) = vrcp.f32 v2;
	v2 =	vpop (erf)  }
0x51e: {  	v4 =	vld [tilespmem:s26+$0xE0];
	v42 =	vadd.f32 $1.000000000e+00, v40;
	v8 =	vadd.f32 $1.000000000e+00, v16;
	v2 =	vmul.f32 v49, v2  }
0x51f: {  	v26 =	vmul.f32 v26, v28;
	v47 =	vshll.u32 v43, $0x10;
	v46 =	vand.u32 $0xFFFF0000, v46  }
0x520: {  	v51 =	vld [tilespmem:s8+$0x30];
	(erf) = vrcp.f32 v8;
	v56 =	vpop (erf);
	v50 =	vshll.u32 v9, $0x10;
	v57 =	vand.u32 $0xFFFF0000, v9  }
0x521: {  	v3 =	vld [tilespmem:s28+$0xFFFFFF00];
	v46 =	vmul.f32 v46, v56;
	(erf) = vrcp.f32 v5;
	v5 =	vpop (erf);
	v7 =	vadd.f32 v57, v7  }
0x522: {  	v45 =	vshll.u32 v45, $0x10;
	v48 =	vadd.f32 $1.000000000e+00, v48;
	v20 =	vadd.f32 v50, v20;
	[tilespmem:s29+$0x80] =	vst v2;
	v2 =	vpop (erf)  }
0x523: {  	v36 =	vld [tilespmem:s29+$0xFFFFFF20];
	v4 =	vadd.f32 v45, v4;
	v5 =	vadd.f32 $1.000000000e+00, v5;
	[tilespmem:s29+$0x90] =	vst v46;
	v7 =	vmul.f32 $1.442695020e+00, v7;
	v58 =	vpop (erf)  }
0x524: {  	(erf) = vrcp.f32 v48;
	v20 =	vmul.f32 $1.442695020e+00, v20;
	v59 =	vld [tilespmem:s28+$0xD0];
	v2 =	vadd.f32 $1.000000000e+00, v2;
	v60 =	vpop (erf)  }
0x525: {  	v1 =	vand.u32 $0xFFFF0000, v51;
	v23 =	vshll.u32 v51, $0x10;
	v51 =	vld [tilespmem:s29+$0xA0];
	(erf) = vrcp.f32 v5;
	v52 =	vpop (erf)  }
0x526: {  	v61 =	vshll.u32 v3, $0x10;
	v4 =	vmul.f32 $1.442695020e+00, v4;
	(erf) = vpow2.f32 v20;
	v20 =	vld [tilespmem:s29+$0xB0];
	v53 =	vpop (erf)  }
0x527: {  	v17 =	vld [tilespmem:s26+$0xFFFFFF60];
	v6 =	vand.u32 $0xFFFF0000, v43;
	v46 =	vmul.f32 v47, v58;
	(erf) = vpow2.f32 v7;
	v7 =	vpop (erf)  }
0x528: {  	v44 =	vld [tilespmem:s28+$0xFFFFFF80];
	v54 =	vand.u32 $0xFFFF0000, v3;
	v62 =	vmul.f32 v6, v60;
	(erf) = vrcp.f32 v2;
	v2 =	vpop (erf)  }
0x529: {  	v12 =	vld [tilespmem:s26+$0xFFFFFF70];
	v63 =	vadd.f32 $1.000000000e+00, v53;
	v56 =	vmul.f32 v54, v2;
	v2 =	vshll.u32 v59, $0x10  }
0x52a: {  	v41 =	vld [tilespmem:s28+$0x0];
	[tilespmem:s26+$0xFFFFFF40] =	vst v46;
	v45 =	vand.u32 $0xFFFF0000, v59;
	v49 =	vmul.f32 v61, v7;
	v58 =	vadd.f32 v2, v51  }
0x52b: {  	v25 =	vmul.f32 v25, v29;
	v34 =	vld [tilespmem:s0+$0xFFFFFFA0];
	[tilespmem:s26+$0xFFFFFF50] =	vst v62;
	v20 =	vadd.f32 v45, v20;
	(erf) = vrcp.f32 v63  }
0x52c: {  	v50 =	vld [tilespmem:s0+$0x20];
	[tilespmem:s29+$0xFFFFFF00] =	vst v49;
	(erf) = vpow2.f32 v4;
	v62 =	vmul.f32 $1.442695020e+00, v58  }
0x52d: {  	v43 =	vshll.u32 v44, $0x10;
	v61 =	vld [tilespmem:s0+$0xFFFFFF70];
	v57 =	vpop (erf);
	v20 =	vmul.f32 $1.442695020e+00, v20;
	[tilespmem:s29+$0xFFFFFF10] =	vst v56;
	(erf) = vrcp.f32 v42  }
0x52e: {  	v44 =	vand.u32 $0xFFFF0000, v44;
	v59 =	vpop (erf);
	v43 =	vmul.f32 v43, v57;
	v54 =	vld [tilespmem:s28+$0xFFFFFF50];
	(erf) = vpow2.f32 v62  }
0x52f: {  	v37 =	vld [tilespmem:s29+$0xFFFFFFB0];
	v60 =	vshll.u32 v41, $0x10;
	v44 =	vmul.f32 v44, v59;
	v53 =	vpop (erf);
	(erf) = vpow2.f32 v20  }
0x530: {  	v38 =	vld [tilespmem:s29+$0xFFFFFF30];
	v41 =	vand.u32 $0xFFFF0000, v41;
	v63 =	vshll.u32 v34, $0x10;
	[tilespmem:s29+$0xFFFFFF80] =	vst v43;
	v43 =	vmul.f32 v60, v53;
	v55 =	vpop (erf)  }
0x531: {  	v34 =	vand.u32 $0xFFFF0000, v34;
	v49 =	vand.u32 $0xFFFF0000, v50;
	[tilespmem:s29+$0xFFFFFF90] =	vst v44;
	v44 =	vadd.f32 $1.000000000e+00, v33;
	v33 =	vld [tilespmem:s0+$0xB0];
	v56 =	vpop (erf)  }
0x532: {  	v42 =	vmul.f32 v63, v52;
	v41 =	vmul.f32 v41, v55;
	v46 =	vld [tilespmem:s28+$0xFFFFFFD0];
	[tilespmem:s29+$0x0] =	vst v43;
	v43 =	vadd.f32 $1.000000000e+00, v56;
	v58 =	vpop (erf)  }
0x533: {  	v39 =	vld [tilespmem:s29+$0xFFFFFFA0];
	v57 =	vshll.u32 v61, $0x10;
	v48 =	vpop (erf);
	v59 =	vshll.u32 v54, $0x10;
	v47 =	vand.u32 $0xFFFF0000, v54  }
0x534: {  	v63 =	vld [tilespmem:s28+$0xFFFFFF10];
	v17 =	vadd.f32 v57, v17;
	[tilespmem:s29+$0x10] =	vst v41;
	(erf) = vrcp.f32 v43;
	v36 =	vadd.f32 v59, v36;
	v60 =	vpop (erf)  }
0x535: {  	v20 =	vshll.u32 v50, $0x10;
	v41 =	vand.u32 $0xFFFF0000, v61;
	v51 =	vld [tilespmem:s28+$0x50];
	v34 =	vmul.f32 v34, v48;
	v50 =	vpop (erf)  }
0x536: {  	v35 =	vld [tilespmem:s29+$0x20];
	v38 =	vadd.f32 v47, v38;
	v62 =	vand.u32 $0xFFFF0000, v33;
	v36 =	vmul.f32 $1.442695020e+00, v36;
	v47 =	vpop (erf)  }
0x537: {  	v40 =	vld [tilespmem:s29+$0x30];
	v61 =	vshll.u32 v46, $0x10;
	v46 =	vand.u32 $0xFFFF0000, v46;
	v43 =	vmul.f32 v62, v60;
	v57 =	vpop (erf)  }
0x538: {  	v37 =	vadd.f32 v46, v37;
	(erf) = vpow2.f32 v36;
	v46 =	vadd.f32 $1.000000000e+00, v57;
	v60 =	vpop (erf)  }
0x539: {  	v62 =	vshll.u32 v63, $0x10;
	v39 =	vadd.f32 v61, v39;
	v36 =	vadd.f32 $1.000000000e+00, v60  }
0x53a: {  	v38 =	vmul.f32 $1.442695020e+00, v38;
	v59 =	vshll.u32 v51, $0x10;
	(erf) = vrcp.f32 v46  }
0x53b: {  	v51 =	vand.u32 $0xFFFF0000, v51;
	v35 =	vadd.f32 v59, v35;
	(erf) = vrcp.f32 v36  }
0x53c: {  	v39 =	vmul.f32 $1.442695020e+00, v39;
	v37 =	vmul.f32 $1.442695020e+00, v37;
	v40 =	vadd.f32 v51, v40  }
0x53d: {  	v35 =	vmul.f32 $1.442695020e+00, v35;
	v36 =	vand.u32 $0xFFFF0000, v63;
	v63 =	vpop (erf);
	(erf) = vpow2.f32 v38  }
0x53e: {  	v48 =	vmul.f32 v20, v63;
	v20 =	vld [tilespmem:s28+$0x90];
	(erf) = vpow2.f32 v39  }
0x53f: {  	v40 =	vmul.f32 $1.442695020e+00, v40;
	(erf) = vpow2.f32 v37  }
0x540: {  	v45 =	vadd.f32 $1.000000000e+00, v58;
	v12 =	vadd.f32 v41, v12;
	(erf) = vpow2.f32 v35  }
0x541: {  	v17 =	vmul.f32 $1.442695020e+00, v17;
	v28 =	vpop (erf);
	(erf) = vpow2.f32 v40  }
0x542: {  	v12 =	vmul.f32 $1.442695020e+00, v12;
	v28 =	vadd.f32 $1.000000000e+00, v28;
	(erf) = vrcp.f32 v45  }
0x543: {  	(erf) = vpow2.f32 v17;
	v17 =	vmul.f32 v27, v31;
	v27 =	vshll.u32 v20, $0x10;
	v29 =	vpop (erf)  }
0x544: {  	(erf) = vpow2.f32 v12;
	v12 =	vand.u32 $0xFFFF0000, v20;
	v27 =	vmul.f32 v27, v29;
	v29 =	vpop (erf)  }
0x545: {  	v10 =	vld [tilespmem:s26+$0xFFFFFFE0];
	v12 =	vmul.f32 v12, v29  }
0x546: {  	v11 =	vld [tilespmem:s26+$0xFFFFFFF0];
	[tilespmem:s26+$0xFFFFFFC0] =	vst v42  }
0x547: {  	v18 =	vld [tilespmem:s29+$0xFFFFFF50];
	[tilespmem:s26+$0xFFFFFFD0] =	vst v34;
	(erf) = vrcp.f32 v28;
	v28 =	vpop (erf)  }
0x548: {  	v55 =	vld [tilespmem:s0+$0xFFFFFFF0];
	v28 =	vadd.f32 $1.000000000e+00, v28;
	[tilespmem:s29+$0xA0] =	vst v27;
	v27 =	vpop (erf)  }
0x549: {  	v32 =	vadd.f32 $1.000000000e+00, v32;
	v3 =	vld [tilespmem:s29+$0xFFFFFF70];
	[tilespmem:s29+$0xB0] =	vst v12;
	v27 =	vadd.f32 $1.000000000e+00, v27;
	v12 =	vpop (erf)  }
0x54a: {  	v58 =	vld [tilespmem:s28+$0xFFFFFF90];
	(erf) = vrcp.f32 v44;
	v12 =	vadd.f32 $1.000000000e+00, v12  }
0x54b: {  	v15 =	vld [tilespmem:s29+$0xFFFFFF40];
	(erf) = vrcp.f32 v32  }
0x54c: {  	v61 =	vld [tilespmem:s28+$0x10];
	(erf) = vrcp.f32 v28;
	v28 =	vpop (erf)  }
0x54d: {  	v56 =	vshll.u32 v55, $0x10;
	v57 =	vld [tilespmem:s28+$0xE0];
	v28 =	vadd.f32 $1.000000000e+00, v28;
	(erf) = vrcp.f32 v27;
	v27 =	vpop (erf)  }
0x54e: {  	v22 =	vmul.f32 v22, v24;
	v10 =	vadd.f32 v56, v10;
	v29 =	vld [tilespmem:s0+$0xFFFFFF30];
	(erf) = vrcp.f32 v12;
	v12 =	vpop (erf)  }
0x54f: {  	v16 =	vld [tilespmem:s29+$0xFFFFFFC0];
	v52 =	vand.u32 $0xFFFF0000, v58;
	v27 =	vadd.f32 $1.000000000e+00, v27;
	v12 =	vmul.f32 v49, v12  }
0x550: {  	[tilespmem:s25+$0xF0] =	vst v21;
	v59 =	vld [tilespmem:s29+$0xD0];
	v21 =	vmul.f32 $1.442695020e+00, v10;
	v40 =	vand.u32 $0xFFFF0000, v55;
	(erf) = vrcp.f32 v28  }
0x551: {  	v38 =	vshll.u32 v58, $0x10;
	v58 =	vld [tilespmem:s29+$0xC0];
	v11 =	vadd.f32 v40, v11;
	v28 =	vpop (erf);
	(erf) = vrcp.f32 v27  }
0x552: {  	[tilespmem:s25+$0xFFFFFF60] =	vst v26;
	v14 =	vld [tilespmem:s29+$0xFFFFFFD0];
	v53 =	vshll.u32 v61, $0x10;
	v60 =	vpop (erf);
	(erf) = vpow2.f32 v21;
	v21 =	vand.u32 $0xFFFF0000, v57  }
0x553: {  	v8 =	vld [tilespmem:s29+$0x40];
	v54 =	vand.u32 $0xFFFF0000, v61;
	v11 =	vmul.f32 $1.442695020e+00, v11;
	v10 =	vshll.u32 v29, $0x10;
	[tilespmem:s26+$0x50] =	vst v12;
	v12 =	vpop (erf)  }
0x554: {  	[tilespmem:s25+$0xFFFFFF70] =	vst v25;
	v9 =	vld [tilespmem:s29+$0x50];
	v24 =	vshll.u32 v57, $0x10;
	v27 =	vadd.f32 $1.000000000e+00, v28;
	v26 =	vadd.f32 $1.000000000e+00, v60;
	v63 =	vpop (erf)  }
0x555: {  	v5 =	vld [tilespmem:s29+$0xFFFFFF60];
	[tilespmem:s26+$0x40] =	vst v48;
	(erf) = vpow2.f32 v11;
	v25 =	vmul.f32 v62, v12;
	v62 =	vadd.f32 v21, v59;
	v21 =	vpop (erf)  }
0x556: {  	v24 =	vadd.f32 v24, v58;
	v61 =	vld [tilespmem:s0+$0x70];
	v11 =	vand.u32 $0xFFFF0000, v29;
	(erf) = vrcp.f32 v27;
	v29 =	vpop (erf)  }
0x557: {  	v6 =	vld [tilespmem:s29+$0xFFFFFFE0];
	(erf) = vrcp.f32 v26;
	v26 =	vmul.f32 v36, v29  }
0x558: {  	[tilespmem:s25+$0xE0] =	vst v22;
	v7 =	vld [tilespmem:s29+$0xFFFFFFF0];
	v24 =	vmul.f32 $1.442695020e+00, v24  }
0x559: {  	v2 =	vld [tilespmem:s29+$0x60];
	v30 =	vmul.f32 v30, v47;
	[tilespmem:s26+$0xF0] =	vst v43;
	v27 =	vmul.f32 $1.442695020e+00, v62;
	v29 =	vpop (erf)  }
0x55a: {  	v28 =	vld [tilespmem:s0+$0xFFFFFFB0];
	(erf) = vpow2.f32 v24;
	[tilespmem:s29+$0xFFFFFF20] =	vst v25;
	v24 =	vmul.f32 v38, v29;
	v25 =	vpop (erf)  }
0x55b: {  	v22 =	vld [tilespmem:s0+$0x30];
	(erf) = vpow2.f32 v27;
	v27 =	vshll.u32 v61, $0x10;
	[tilespmem:s29+$0xFFFFFF30] =	vst v26;
	v25 =	vmul.f32 v52, v25;
	v26 =	vpop (erf)  }
0x55c: {  	v4 =	vld [tilespmem:s29+$0x70];
	v31 =	vadd.f32 $1.000000000e+00, v50;
	v27 =	vadd.f32 v27, v19;
	[tilespmem:s29+$0xFFFFFFA0] =	vst v24;
	v24 =	vmul.f32 v53, v26;
	v26 =	vpop (erf)  }
0x55d: {  	v20 =	vld [tilespmem:s29+$0xE0];
	v29 =	vand.u32 $0xFFFF0000, v61;
	[tilespmem:s29+$0xFFFFFFB0] =	vst v25;
	v25 =	vmul.f32 v54, v26  }
0x55e: {  	[tilespmem:s25+$0xFFFFFFF0] =	vst v30;
	v32 =	vadd.f32 v29, v13;
	(erf) = vrcp.f32 v31;
	v30 =	vld [tilespmem:s28+$0xFFFFFF60];
	v27 =	vmul.f32 $1.442695020e+00, v27  }
0x55f: {  	[tilespmem:s25+$0xFFFFFFE0] =	vst v17;
	v12 =	vshll.u32 v33, $0x10;
	v17 =	vshll.u32 v28, $0x10;
	v19 =	vand.u32 $0xFFFF0000, v28;
	v28 =	vld [tilespmem:s28+$0xFFFFFF20]  }
0x560: {  	v13 =	vshll.u32 v22, $0x10;
	v32 =	vmul.f32 $1.442695020e+00, v32;
	v29 =	vld [tilespmem:s28+$0xFFFFFFE0];
	v26 =	vpop (erf);
	(erf) = vpow2.f32 v27;
	[tilespmem:s29+$0x20] =	vst v24  }
0x561: {  	s24 =	simm.s32 $0x14900;
	s8 =	simm.s32 $0x8;
	s0 =	simm.s32 $0x16F00;
	v27 =	vmul.f32 v23, v63;
	v31 =	vadd.f32 $1.000000000e+00, v26;
	v24 =	vand.u32 $0xFFFF0000, v22;
	v26 =	vld [tilespmem:s28+$0xFFFFFFA0];
	[tilespmem:s29+$0x30] =	vst v25;
	v25 =	vpop (erf)  }
.LBB2_11:
0x562: {  	v33 =	vld [tilespmem:s24+$0xC0];
	s29 =	sadd.s32 $0x200, s29;
	v25 =	vadd.f32 $1.000000000e+00, v25;
	v22 =	vpop (erf);
	(erf) = vpow2.f32 v32;
	v1 =	vmul.f32 v1, v21  }
0x563: {  	v32 =	vld [tilespmem:s29+$0x80];
	v35 =	vshll.u32 v30, $0x10;
	v30 =	vand.u32 $0xFFFF0000, v30;
	v23 =	vpop (erf);
	(erf) = vrcp.f32 v31;
	[tilespmem:s25+$0x60] =	vst v27  }
0x564: {  	v31 =	vld [tilespmem:s29+$0x90];
	v27 =	vshll.u32 v28, $0x10;
	v15 =	vadd.f32 v35, v15;
	v18 =	vadd.f32 v30, v18;
	v21 =	vpop (erf);
	[tilespmem:s25+$0x70] =	vst v1;
	s25 =	smov.u32 s26;
	s26 =	smov.u32 s0;
	s0 =	smov.u32 s29  }
0x565: {  	s8 =	sadd.s32 $0x4, s8;
	v30 =	vld [tilespmem:s24+$0xFFFFFF40];
	v36 =	vshll.u32 v29, $0x10;
	v29 =	vand.u32 $0xFFFF0000, v29;
	v37 =	vadd.f32 $1.000000000e+00, v21;
	v34 =	vpop (erf)  }
0x566: {  	p0 =	slt.u32 s8, $0x4C;
	v35 =	vld [tilespmem:s24+$0xFFFFFFC0];
	v15 =	vmul.f32 $1.442695020e+00, v15;
	v16 =	vadd.f32 v36, v16;
	v34 =	vadd.f32 $1.000000000e+00, v34;
	v1 =	vmovc v24  }
0x567: {  	v14 =	vadd.f32 v29, v14;
	v24 =	vld [tilespmem:s24+$0x40];
	v36 =	vshll.u32 v33, $0x10;
	(erf) = vrcp.f32 v37;
	v21 =	vpop (erf)  }
0x568: {  	v29 =	vand.u32 $0xFFFF0000, v33;
	v37 =	vld [tilespmem:s29+$0xFFFFFF00];
	v32 =	vadd.f32 v36, v32;
	(erf) = vrcp.f32 v34  }
0x569: {  	v18 =	vmul.f32 $1.442695020e+00, v18;
	v16 =	vmul.f32 $1.442695020e+00, v16;
	v33 =	vld [tilespmem:s29+$0xFFFFFF10];
	v40 =	vadd.f32 v29, v31  }
0x56a: {  	v31 =	vshll.u32 v30, $0x10;
	v34 =	vand.u32 $0xFFFF0000, v30;
	v36 =	vld [tilespmem:s29+$0xFFFFFF80];
	v32 =	vmul.f32 $1.442695020e+00, v32;
	v30 =	vpop (erf)  }
0x56b: {  	v38 =	vshll.u32 v35, $0x10;
	v35 =	vand.u32 $0xFFFF0000, v35;
	v39 =	vmul.f32 $1.442695020e+00, v40;
	v41 =	vld [tilespmem:s28+$0xA0];
	v29 =	vpop (erf)  }
0x56c: {  	v42 =	vld [tilespmem:s29+$0xFFFFFF90];
	v43 =	vshll.u32 v24, $0x10;
	v44 =	vand.u32 $0xFFFF0000, v24;
	(erf) = vpow2.f32 v32;
	v24 =	vpop (erf)  }
0x56d: {  	v14 =	vmul.f32 $1.442695020e+00, v14;
	v31 =	vadd.f32 v31, v37;
	v32 =	vld [tilespmem:s29+$0x0];
	(erf) = vpow2.f32 v39  }
0x56e: {  	v40 =	vand.u32 $0xFFFF0000, v28;
	v33 =	vadd.f32 v34, v33;
	v34 =	vld [tilespmem:s29+$0x10];
	(erf) = vpow2.f32 v15  }
0x56f: {  	v15 =	vmul.f32 $1.442695020e+00, v31;
	v28 =	vld [tilespmem:s24+$0xFFFFFF80];
	v36 =	vadd.f32 v38, v36;
	(erf) = vpow2.f32 v18  }
0x570: {  	v18 =	vmul.f32 $1.442695020e+00, v33;
	v37 =	vld [tilespmem:s24+$0x0];
	v31 =	vshll.u32 v41, $0x10;
	(erf) = vpow2.f32 v16;
	v16 =	vpop (erf)  }
0x571: {  	v33 =	vand.u32 $0xFFFF0000, v41;
	v38 =	vld [tilespmem:s24+$0xFFFFFF00];
	v35 =	vadd.f32 v35, v42;
	v16 =	vmul.f32 v31, v16;
	v39 =	vpop (erf)  }
0x572: {  	v36 =	vmul.f32 $1.442695020e+00, v36;
	v31 =	vld [tilespmem:s29+$0xFFFFFF20];
	v41 =	vadd.f32 v43, v32;
	v39 =	vmul.f32 v33, v39  }
0x573: {  	v33 =	vld [tilespmem:s29+$0xFFFFFF30];
	v35 =	vmul.f32 $1.442695020e+00, v35;
	v42 =	vadd.f32 v44, v34;
	(erf) = vpow2.f32 v15;
	[tilespmem:s26+$0xC0] =	vst v16  }
0x574: {  	v44 =	vshll.u32 v28, $0x10;
	v32 =	vld [tilespmem:s29+$0xFFFFFFA0];
	v41 =	vmul.f32 $1.442695020e+00, v41;
	(erf) = vpow2.f32 v18;
	[tilespmem:s26+$0xD0] =	vst v39  }
0x575: {  	v43 =	vand.u32 $0xFFFF0000, v28;
	v16 =	vmul.f32 $1.442695020e+00, v42;
	(erf) = vpow2.f32 v36;
	v18 =	vpop (erf);
	v28 =	vld [tilespmem:s28+$0xF0]  }
0x576: {  	v47 =	vshll.u32 v38, $0x10;
	v36 =	vadd.f32 $1.000000000e+00, v18;
	(erf) = vpow2.f32 v35;
	v34 =	vpop (erf);
	v35 =	vld [tilespmem:s26+$0xF0]  }
0x577: {  	v48 =	vand.u32 $0xFFFF0000, v38;
	v38 =	vld [tilespmem:s29+$0xFFFFFFB0];
	v39 =	vadd.f32 $1.000000000e+00, v34;
	(erf) = vpow2.f32 v41;
	v15 =	vpop (erf)  }
0x578: {  	v45 =	vshll.u32 v37, $0x10;
	v42 =	vand.u32 $0xFFFF0000, v37;
	v34 =	vld [tilespmem:s29+$0x20];
	(erf) = vrcp.f32 v36;
	v18 =	vpop (erf)  }
0x579: {  	v37 =	vadd.f32 $1.000000000e+00, v15;
	v36 =	vld [tilespmem:s29+$0x30];
	(erf) = vrcp.f32 v39;
	v39 =	vadd.f32 $1.000000000e+00, v18;
	v15 =	vpop (erf)  }
0x57a: {  	(erf) = vpow2.f32 v16;
	v41 =	vadd.f32 $1.000000000e+00, v15;
	v46 =	vld [tilespmem:s28+$0x60];
	v16 =	vand.u32 $0xFFFF0000, v28  }
0x57b: {  	v49 =	vshll.u32 v26, $0x10;
	v15 =	vld [tilespmem:s29+$0xFFFFFF40];
	v16 =	vadd.f32 v16, v35;
	(erf) = vpow2.f32 v14  }
0x57c: {  	v35 =	vand.u32 $0xFFFF0000, v26;
	v26 =	vshll.u32 v28, $0x10;
	v50 =	vld [tilespmem:s24+$0x80];
	v14 =	vpop (erf);
	(erf) = vrcp.f32 v37  }
0x57d: {  	v53 =	vadd.f32 $1.000000000e+00, v14;
	v18 =	vld [tilespmem:s29+$0xFFFFFF50];
	v14 =	vpop (erf);
	v37 =	vmul.f32 $1.442695020e+00, v16;
	(erf) = vrcp.f32 v39  }
0x57e: {  	v20 =	vadd.f32 v26, v20;
	v54 =	vadd.f32 $1.000000000e+00, v14;
	v16 =	vld [tilespmem:s29+$0xFFFFFFC0];
	v14 =	vpop (erf);
	(erf) = vrcp.f32 v41  }
0x57f: {  	v55 =	vadd.f32 $1.000000000e+00, v14;
	v14 =	vld [tilespmem:s29+$0xFFFFFFD0];
	v41 =	vpop (erf);
	v51 =	vshll.u32 v46, $0x10;
	(erf) = vpow2.f32 v37  }
0x580: {  	v46 =	vand.u32 $0xFFFF0000, v46;
	v56 =	vadd.f32 $1.000000000e+00, v41;
	v52 =	vld [tilespmem:s29+$0x40];
	(erf) = vrcp.f32 v53;
	v28 =	vpop (erf)  }
0x581: {  	v28 =	vadd.f32 $1.000000000e+00, v28;
	v53 =	vld [tilespmem:s29+$0x50];
	v41 =	vshll.u32 v50, $0x10;
	(erf) = vrcp.f32 v54;
	v39 =	vpop (erf)  }
0x582: {  	v50 =	vand.u32 $0xFFFF0000, v50;
	v57 =	vmul.f32 v41, v39;
	(erf) = vrcp.f32 v55;
	v26 =	vpop (erf);
	v54 =	vld [tilespmem:s28+$0x20]  }
0x583: {  	v8 =	vadd.f32 v51, v8;
	v55 =	vld [tilespmem:s29+$0xFFFFFF60];
	v26 =	vmul.f32 v50, v26;
	(erf) = vrcp.f32 v56;
	v37 =	vpop (erf)  }
0x584: {  	v9 =	vadd.f32 v46, v9;
	v41 =	vld [tilespmem:s29+$0xFFFFFF70];
	v37 =	vadd.f32 $1.000000000e+00, v37;
	[tilespmem:s29+$0x80] =	vst v57;
	(erf) = vrcp.f32 v28;
	v39 =	vpop (erf)  }
0x585: {  	v8 =	vmul.f32 $1.442695020e+00, v8;
	v50 =	vmul.f32 $1.442695020e+00, v20;
	v28 =	vld [tilespmem:s29+$0xFFFFFFE0];
	[tilespmem:s29+$0x90] =	vst v26;
	v26 =	vadd.f32 $1.000000000e+00, v39;
	v20 =	vpop (erf)  }
0x586: {  	v39 =	vmul.f32 $1.442695020e+00, v9;
	v51 =	vld [tilespmem:s24+$0xD0];
	(erf) = vrcp.f32 v37;
	v56 =	vpop (erf);
	v37 =	vadd.f32 $1.000000000e+00, v30  }
0x587: {  	v57 =	vld [tilespmem:s29+$0xA0];
	v46 =	vshll.u32 v54, $0x10;
	v30 =	vand.u32 $0xFFFF0000, v54;
	v54 =	vpop (erf);
	(erf) = vpow2.f32 v8  }
0x588: {  	v59 =	vmul.f32 v27, v20;
	v58 =	vld [tilespmem:s29+$0xB0];
	(erf) = vpow2.f32 v39;
	v9 =	vpop (erf);
	v39 =	vadd.f32 $1.000000000e+00, v29  }
0x589: {  	v40 =	vmul.f32 v40, v56;
	v29 =	vld [tilespmem:s29+$0xFFFFFFF0];
	v20 =	vpop (erf);
	v9 =	vadd.f32 $1.000000000e+00, v9;
	(erf) = vrcp.f32 v26  }
0x58a: {  	v8 =	vmov v52;
	v20 =	vmul.f32 v47, v20;
	v26 =	vld [tilespmem:s29+$0x60];
	v27 =	vpop (erf);
	[tilespmem:s26+$0xFFFFFF40] =	vst v59;
	v47 =	vmul.f32 v49, v54  }
0x58b: {  	v54 =	vmul.f32 v48, v27;
	v27 =	vld [tilespmem:s29+$0x70];
	v49 =	vshll.u32 v51, $0x10;
	v52 =	vpop (erf);
	[tilespmem:s26+$0xFFFFFF50] =	vst v40;
	(erf) = vrcp.f32 v9  }
0x58c: {  	[tilespmem:s29+$0xFFFFFF00] =	vst v20;
	v52 =	vmul.f32 v44, v52;
	v20 =	vand.u32 $0xFFFF0000, v51;
	v40 =	vadd.f32 v49, v57;
	v44 =	vpop (erf);
	v49 =	vld [tilespmem:s28+$0xFFFFFF70]  }
0x58d: {  	[tilespmem:s29+$0xFFFFFF10] =	vst v54;
	v43 =	vmul.f32 v43, v44;
	v51 =	vadd.f32 v20, v58;
	v20 =	vld [tilespmem:s29+$0xE0];
	v48 =	vpop (erf);
	(erf) = vpow2.f32 v50  }
0x58e: {  	v9 =	vmov v53;
	v50 =	vld [tilespmem:s24+$0xFFFFFF50];
	[tilespmem:s29+$0xFFFFFF80] =	vst v52;
	v54 =	vmul.f32 v45, v48;
	v52 =	vmul.f32 $1.442695020e+00, v40  }
0x58f: {  	[tilespmem:s29+$0xFFFFFF90] =	vst v43;
	v43 =	vmul.f32 $1.442695020e+00, v51;
	v44 =	vpop (erf);
	v48 =	vld [tilespmem:s28+$0xB0];
	(erf) = vrcp.f32 v25  }
0x590: {  	v25 =	vld [tilespmem:s24+$0xFFFFFFD0];
	[tilespmem:s29+$0x0] =	vst v54;
	v42 =	vmul.f32 v42, v44;
	(erf) = vpow2.f32 v52;
	v40 =	vpop (erf)  }
0x591: {  	v44 =	vld [tilespmem:s24+$0xFFFFFF10];
	(erf) = vpow2.f32 v43;
	v43 =	vshll.u32 v49, $0x10;
	[tilespmem:s26+$0xFFFFFFC0] =	vst v47;
	v40 =	vadd.f32 $1.000000000e+00, v40;
	v45 =	vpop (erf)  }
0x592: {  	v47 =	vld [tilespmem:s24+$0xFFFFFF90];
	[tilespmem:s29+$0x10] =	vst v42;
	v42 =	vand.u32 $0xFFFF0000, v49;
	v43 =	vadd.f32 v43, v5;
	v45 =	vadd.f32 $1.000000000e+00, v45;
	v49 =	vpop (erf)  }
0x593: {  	v5 =	vmovc v55;
	v53 =	vshll.u32 v50, $0x10;
	v50 =	vand.u32 $0xFFFF0000, v50;
	v52 =	vld [tilespmem:s24+$0x50];
	(erf) = vrcp.f32 v40  }
0x594: {  	v31 =	vadd.f32 v53, v31;
	v33 =	vadd.f32 v50, v33;
	v40 =	vld [tilespmem:s24+$0x10];
	v50 =	vand.u32 $0xFFFF0000, v48;
	v51 =	vpop (erf)  }
0x595: {  	v55 =	vshll.u32 v25, $0x10;
	v25 =	vand.u32 $0xFFFF0000, v25;
	v54 =	vld [tilespmem:s28+$0xFFFFFF30];
	v50 =	vmul.f32 v50, v51  }
0x596: {  	v31 =	vmul.f32 $1.442695020e+00, v31;
	v32 =	vadd.f32 v55, v32;
	v51 =	vadd.f32 v25, v38;
	v53 =	vpop (erf)  }
0x597: {  	v38 =	vshll.u32 v44, $0x10;
	v25 =	vand.u32 $0xFFFF0000, v44;
	v44 =	vmul.f32 $1.442695020e+00, v33;
	[tilespmem:s26+$0xF0] =	vst v50  }
0x598: {  	v50 =	vmul.f32 $1.442695020e+00, v32;
	v32 =	vshll.u32 v52, $0x10;
	v33 =	vand.u32 $0xFFFF0000, v52;
	v52 =	vpop (erf)  }
0x599: {  	v51 =	vmul.f32 $1.442695020e+00, v51;
	v32 =	vadd.f32 v32, v34;
	v34 =	vadd.f32 v33, v36;
	v36 =	vpop (erf)  }
0x59a: {  	v33 =	vshll.u32 v47, $0x10;
	v58 =	vadd.f32 $1.000000000e+00, v36;
	(erf) = vpow2.f32 v31;
	v31 =	vpop (erf)  }
0x59b: {  	v55 =	vmul.f32 $1.442695020e+00, v32;
	v56 =	vmul.f32 $1.442695020e+00, v34;
	v57 =	vadd.f32 $1.000000000e+00, v31  }
0x59c: {  	v34 =	vand.u32 $0xFFFF0000, v47;
	v32 =	vshll.u32 v40, $0x10;
	(erf) = vrcp.f32 v58;
	v36 =	vpop (erf)  }
0x59d: {  	v35 =	vmul.f32 v35, v49;
	v31 =	vand.u32 $0xFFFF0000, v40;
	(erf) = vrcp.f32 v57  }
0x59e: {  	v40 =	vadd.f32 v42, v3;
	v3 =	vmovc v41;
	v36 =	vmul.f32 v46, v36;
	(erf) = vpow2.f32 v44  }
0x59f: {  	v41 =	vmul.f32 $1.442695020e+00, v43;
	(erf) = vpow2.f32 v50;
	[tilespmem:s26+$0xFFFFFFD0] =	vst v35;
	v35 =	vadd.f32 $1.000000000e+00, v53  }
0x5a0: {  	v43 =	vshll.u32 v54, $0x10;
	v40 =	vmul.f32 $1.442695020e+00, v40;
	v42 =	vld [tilespmem:s24+$0x90];
	(erf) = vpow2.f32 v51;
	[tilespmem:s26+$0x40] =	vst v36  }
0x5a1: {  	v46 =	vshll.u32 v48, $0x10;
	v36 =	vand.u32 $0xFFFF0000, v54;
	(erf) = vpow2.f32 v55;
	v44 =	vld [tilespmem:s28+$0xFFFFFFF0]  }
0x5a2: {  	v22 =	vmul.f32 v10, v22;
	v10 =	vmov v43;
	(erf) = vpow2.f32 v56;
	v47 =	vld [tilespmem:s28+$0xFFFFFFB0]  }
0x5a3: {  	v23 =	vmul.f32 v11, v23;
	v11 =	vmov v36;
	v43 =	vpop (erf);
	(erf) = vrcp.f32 v45  }
0x5a4: {  	v17 =	vmul.f32 v17, v24;
	v36 =	vadd.f32 $1.000000000e+00, v43;
	(erf) = vpow2.f32 v41;
	[tilespmem:s25+$0xFFFFFF60] =	vst v22  }
0x5a5: {  	v19 =	vmul.f32 v19, v52;
	v22 =	vshll.u32 v42, $0x10;
	v24 =	vpop (erf);
	(erf) = vpow2.f32 v40;
	[tilespmem:s25+$0xFFFFFF70] =	vst v23  }
0x5a6: {  	v40 =	vand.u32 $0xFFFF0000, v42;
	v41 =	vmul.f32 v22, v24;
	(erf) = vrcp.f32 v36;
	v24 =	vpop (erf);
	[tilespmem:s25+$0xFFFFFFE0] =	vst v17  }
0x5a7: {  	v36 =	vand.u32 $0xFFFF0000, v44;
	v40 =	vmul.f32 v40, v24;
	v23 =	vpop (erf);
	v24 =	vshll.u32 v44, $0x10;
	[tilespmem:s25+$0xFFFFFFF0] =	vst v19  }
0x5a8: {  	v42 =	vadd.f32 $1.000000000e+00, v23;
	[tilespmem:s29+$0xA0] =	vst v41;
	v22 =	vpop (erf);
	v6 =	vadd.f32 v24, v6;
	(erf) = vrcp.f32 v37  }
0x5a9: {  	v7 =	vadd.f32 v36, v7;
	v41 =	vadd.f32 $1.000000000e+00, v22;
	[tilespmem:s29+$0xB0] =	vst v40;
	v17 =	vpop (erf);
	(erf) = vrcp.f32 v39  }
0x5aa: {  	v17 =	vadd.f32 $1.000000000e+00, v17;
	v23 =	vld [tilespmem:s24+$0xE0];
	(erf) = vrcp.f32 v42;
	v19 =	vpop (erf);
	v6 =	vmul.f32 $1.442695020e+00, v6  }
0x5ab: {  	v7 =	vmul.f32 $1.442695020e+00, v7;
	v19 =	vadd.f32 $1.000000000e+00, v19;
	v24 =	vld [tilespmem:s29+$0xC0];
	(erf) = vrcp.f32 v41;
	v22 =	vpop (erf)  }
0x5ac: {  	v22 =	vadd.f32 $1.000000000e+00, v22;
	v36 =	vld [tilespmem:s29+$0xD0];
	(erf) = vrcp.f32 v17;
	v17 =	vshll.u32 v47, $0x10;
	v37 =	vpop (erf)  }
0x5ad: {  	(erf) = vrcp.f32 v19;
	v19 =	vand.u32 $0xFFFF0000, v47;
	v30 =	vmul.f32 v30, v37;
	v37 =	vpop (erf)  }
0x5ae: {  	v12 =	vmul.f32 v12, v21;
	(erf) = vrcp.f32 v22;
	v22 =	vadd.f32 $1.000000000e+00, v37;
	v37 =	vpop (erf)  }
0x5af: {  	v21 =	vshll.u32 v23, $0x10;
	v39 =	vpop (erf);
	v37 =	vadd.f32 $1.000000000e+00, v37;
	[tilespmem:s26+$0x50] =	vst v30;
	(erf) = vpow2.f32 v6  }
0x5b0: {  	v23 =	vand.u32 $0xFFFF0000, v23;
	v6 =	vmovc v28;
	v30 =	vmul.f32 v38, v39;
	v39 =	vadd.f32 v21, v24;
	v24 =	vld [tilespmem:s28+$0x70];
	[tilespmem:s25+$0xE0] =	vst v12  }
0x5b1: {  	v40 =	vadd.f32 v23, v36;
	v36 =	vld [tilespmem:s28+$0x30];
	(erf) = vpow2.f32 v7;
	v38 =	vpop (erf);
	v7 =	vmov v29;
	s28 =	smov.u32 s24  }
0x5b2: {  	v12 =	vmov v46;
	[tilespmem:s29+$0xFFFFFF20] =	vst v30;
	v29 =	vmul.f32 $1.442695020e+00, v39;
	(erf) = vrcp.f32 v22;
	v21 =	vpop (erf)  }
0x5b3: {  	v22 =	vmul.f32 $1.442695020e+00, v40;
	v23 =	vpop (erf);
	(erf) = vrcp.f32 v37  }
0x5b4: {  	v23 =	vmul.f32 v25, v23;
	v25 =	vpop (erf);
	(erf) = vpow2.f32 v29  }
0x5b5: {  	v29 =	vmul.f32 v33, v25;
	v28 =	vpop (erf);
	(erf) = vpow2.f32 v22;
	v22 =	vshll.u32 v24, $0x10  }
.Ltmp5:
0x5b6: {  	v24 =	vand.u32 $0xFFFF0000, v24;
	[tilespmem:s29+$0xFFFFFF30] =	vst v23;
	v23 =	vmul.f32 v34, v28;
	v28 =	vpop (erf);
	v37 =	vadd.f32 v22, v2;
	(pc) =	sbr.rel @p0 .LBB2_11-.Ltmp5, $4  }
0x5b7: {  	v39 =	vadd.f32 v24, v4;
	v30 =	vld [tilespmem:s24+$0xFFFFFF60];
	[tilespmem:s29+$0xFFFFFFA0] =	vst v29;
	v22 =	vmul.f32 v32, v28;
	v25 =	vpop (erf);
	(erf) = vrcp.f32 v35  }
0x5b8: {  	v33 =	vshll.u32 v36, $0x10;
	v28 =	vld [tilespmem:s24+$0xFFFFFF20];
	[tilespmem:s29+$0xFFFFFFB0] =	vst v23;
	v23 =	vmul.f32 v31, v25;
	v34 =	vmul.f32 $1.442695020e+00, v37;
	v2 =	vpop (erf)  }
0x5b9: {  	v24 =	vand.u32 $0xFFFF0000, v36;
	v4 =	vmovc v27;
	v32 =	vmul.f32 $1.442695020e+00, v39;
	v29 =	vld [tilespmem:s24+$0xFFFFFFE0];
	[tilespmem:s29+$0x20] =	vst v22;
	v31 =	vadd.f32 $1.000000000e+00, v2;
	v2 =	vmovc v26  }
0x5ba: {  	v27 =	vmul.f32 v13, v38;
	v13 =	vmov v33;
	s24 =	sadd.s32 $0x200, s24;
	v26 =	vld [tilespmem:s28+$0xFFFFFFA0];
	[tilespmem:s29+$0x30] =	vst v23;
	v25 =	vpop (erf);
	(erf) = vpow2.f32 v34  }
0x5bb: {  	v23 =	vpop (erf)  }
0x5bc: {  	v22 =	vpop (erf)  }
0x5bd: {  	v33 =	vpop (erf)  }
0x5be: {  	(erf) = vpow2.f32 v32;
	v60 =	vadd.f32 $1.000000000e+00, v33;
	v61 =	vpop (erf)  }
0x5bf: {  	(erf) = vrcp.f32 v31;
	v62 =	vadd.f32 $1.000000000e+00, v61  }
0x5c0: {  	(erf) = vrcp.f32 v60  }
0x5c1: {  	(erf) = vrcp.f32 v62;
	_ =	sdelay $0x2  }
0x5c2: {  	v36 =	vld [tilespmem:s28+$0xA0];
	v63 =	vshll.u32 v30, $0x10  }
0x5c3: {  	v37 =	vand.u32 $0xFFFF0000, v30;
	v31 =	vadd.f32 v63, v15;
	v15 =	vpop (erf)  }
0x5c4: {  	v18 =	vadd.f32 v37, v18;
	v38 =	vshll.u32 v29, $0x10;
	v33 =	vpop (erf)  }
0x5c5: {  	v30 =	vadd.f32 v38, v16;
	v31 =	vmul.f32 $1.442695020e+00, v31;
	v34 =	vpop (erf)  }
0x5c6: {  	v18 =	vmul.f32 $1.442695020e+00, v18;
	v16 =	vpop (erf)  }
0x5c7: {  	v39 =	vshll.u32 v36, $0x10;
	v30 =	vmul.f32 $1.442695020e+00, v30;
	(erf) = vpow2.f32 v31;
	v35 =	vpop (erf)  }
0x5c8: {  	v40 =	vand.u32 $0xFFFF0000, v36;
	(erf) = vpow2.f32 v18;
	v31 =	vmul.f32 v39, v35;
	v41 =	vpop (erf)  }
0x5c9: {  	(erf) = vpow2.f32 v30;
	v18 =	vmul.f32 v40, v41  }
0x5ca: {  	[tilespmem:s0+$0xC0] =	vst v31  }
0x5cb: {  	[tilespmem:s0+$0xD0] =	vst v18  }
0x5cc: {  	v18 =	vld [tilespmem:s28+$0xF0]  }
0x5cd: {  	v43 =	vld [tilespmem:s0+$0xF0];
	v42 =	vand.u32 $0xFFFF0000, v29  }
0x5ce: {  	v14 =	vadd.f32 v42, v14  }
0x5cf: {  	v44 =	vld [tilespmem:s28+$0x60]  }
0x5d0: {  	v14 =	vmul.f32 $1.442695020e+00, v14;
	v45 =	vpop (erf)  }
0x5d1: {  	v31 =	vadd.f32 $1.000000000e+00, v45;
	v46 =	vpop (erf);
	v47 =	vand.u32 $0xFFFF0000, v18  }
0x5d2: {  	(erf) = vpow2.f32 v14;
	v32 =	vadd.f32 $1.000000000e+00, v46;
	v48 =	vpop (erf);
	v30 =	vadd.f32 v47, v43  }
0x5d3: {  	(erf) = vrcp.f32 v31;
	v49 =	vadd.f32 $1.000000000e+00, v48  }
0x5d4: {  	v50 =	vshll.u32 v44, $0x10;
	(erf) = vrcp.f32 v32;
	v30 =	vmul.f32 $1.442695020e+00, v30  }
0x5d5: {  	v51 =	vand.u32 $0xFFFF0000, v44;
	v8 =	vadd.f32 v50, v8;
	(erf) = vrcp.f32 v49  }
0x5d6: {  	v9 =	vadd.f32 v51, v9;
	(erf) = vpow2.f32 v30  }
0x5d7: {  	v8 =	vmul.f32 $1.442695020e+00, v8  }
0x5d8: {  	v9 =	vmul.f32 $1.442695020e+00, v9  }
0x5d9: {  	(erf) = vpow2.f32 v8  }
0x5da: {  	(erf) = vpow2.f32 v9  }
0x5db: {  	v52 =	vpop (erf)  }
0x5dc: {  	v53 =	vpop (erf)  }
0x5dd: {  	v54 =	vpop (erf)  }
0x5de: {  	v55 =	vshll.u32 v28, $0x10;
	v18 =	vshll.u32 v18, $0x10;
	v8 =	vadd.f32 $1.000000000e+00, v52;
	v57 =	vpop (erf)  }
0x5df: {  	v56 =	vand.u32 $0xFFFF0000, v28;
	v18 =	vadd.f32 v18, v20;
	v9 =	vmul.f32 v55, v53;
	v58 =	vpop (erf)  }
0x5e0: {  	(erf) = vrcp.f32 v8;
	v14 =	vmul.f32 v56, v54;
	v20 =	vadd.f32 $1.000000000e+00, v58  }
0x5e1: {  	v18 =	vmul.f32 $1.442695020e+00, v18;
	[tilespmem:s0+$0xFFFFFF40] =	vst v9  }
0x5e2: {  	v59 =	vadd.f32 $1.000000000e+00, v25;
	[tilespmem:s0+$0xFFFFFF50] =	vst v14;
	v60 =	vpop (erf);
	(erf) = vrcp.f32 v20  }
0x5e3: {  	v14 =	vld [tilespmem:s28+$0xFFFFFF70];
	v9 =	vadd.f32 $1.000000000e+00, v60;
	v61 =	vpop (erf);
	(erf) = vpow2.f32 v18  }
0x5e4: {  	v62 =	vadd.f32 $1.000000000e+00, v61;
	(erf) = vrcp.f32 v59  }
0x5e5: {  	(erf) = vrcp.f32 v9  }
0x5e6: {  	(erf) = vrcp.f32 v62;
	_ =	sdelay $0x1  }
0x5e7: {  	v63 =	vshll.u32 v14, $0x10  }
0x5e8: {  	v28 =	vld [tilespmem:s28+$0x20];
	v29 =	vand.u32 $0xFFFF0000, v26;
	v31 =	vpop (erf);
	v14 =	vand.u32 $0xFFFF0000, v14;
	v5 =	vadd.f32 v63, v5  }
0x5e9: {  	v25 =	vshll.u32 v26, $0x10;
	v8 =	vmul.f32 v29, v31;
	v3 =	vadd.f32 v14, v3  }
0x5ea: {  	v9 =	vmul.f32 v25, v57;
	v5 =	vmul.f32 $1.442695020e+00, v5;
	v32 =	vpop (erf)  }
0x5eb: {  	[tilespmem:s0+$0xFFFFFFD0] =	vst v8;
	v3 =	vmul.f32 $1.442695020e+00, v3;
	v35 =	vpop (erf)  }
0x5ec: {  	[tilespmem:s0+$0xFFFFFFC0] =	vst v9;
	(erf) = vpow2.f32 v5;
	v36 =	vpop (erf)  }
0x5ed: {  	v37 =	vshll.u32 v28, $0x10;
	v39 =	vld [tilespmem:s28+$0xFFFFFFF0];
	(erf) = vpow2.f32 v3;
	v38 =	vpop (erf)  }
0x5ee: {  	v3 =	vand.u32 $0xFFFF0000, v28;
	v5 =	vmul.f32 v37, v38;
	v40 =	vpop (erf)  }
0x5ef: {  	v3 =	vmul.f32 v3, v40  }
0x5f0: {  	[tilespmem:s0+$0x40] =	vst v5  }
0x5f1: {  	[tilespmem:s0+$0x50] =	vst v3  }
0x5f2: {  	v3 =	vshll.u32 v39, $0x10;
	v5 =	vld [tilespmem:s28+$0x70]  }
0x5f3: {  	v41 =	vadd.f32 $1.000000000e+00, v33;
	v42 =	vand.u32 $0xFFFF0000, v39;
	v3 =	vadd.f32 v3, v6  }
0x5f4: {  	v43 =	vadd.f32 $1.000000000e+00, v34;
	v7 =	vadd.f32 v42, v7  }
0x5f5: {  	(erf) = vrcp.f32 v41;
	v44 =	vpop (erf);
	v3 =	vmul.f32 $1.442695020e+00, v3  }
0x5f6: {  	(erf) = vrcp.f32 v43;
	v45 =	vmul.f32 $1.442695020e+00, v7;
	v46 =	vadd.f32 $1.000000000e+00, v44;
	v47 =	vpop (erf)  }
0x5f7: {  	v8 =	vadd.f32 $1.000000000e+00, v47;
	(erf) = vpow2.f32 v3;
	v3 =	vshll.u32 v5, $0x10  }
0x5f8: {  	(erf) = vpow2.f32 v45;
	v5 =	vand.u32 $0xFFFF0000, v5;
	v2 =	vadd.f32 v3, v2  }
0x5f9: {  	v3 =	vadd.f32 $1.000000000e+00, v35;
	(erf) = vrcp.f32 v46;
	v4 =	vadd.f32 v5, v4  }
0x5fa: {  	(erf) = vrcp.f32 v8;
	v2 =	vmul.f32 $1.442695020e+00, v2  }
0x5fb: {  	(erf) = vrcp.f32 v3;
	v3 =	vmul.f32 $1.442695020e+00, v4  }
0x5fc: {  	(erf) = vpow2.f32 v2  }
0x5fd: {  	(erf) = vpow2.f32 v3  }
0x5fe: {  	v2 =	vpop (erf)  }
0x5ff: {  	v3 =	vpop (erf)  }
0x600: {  	v1 =	vmul.f32 v1, v21;
	v49 =	vpop (erf)  }
0x601: {  	v6 =	vpop (erf)  }
0x602: {  	[tilespmem:s25+$0x70] =	vst v1;
	v1 =	vmul.f32 v10, v23;
	v48 =	vld [tilespmem:s28+$0xB0];
	v5 =	vadd.f32 $1.000000000e+00, v49;
	v7 =	vpop (erf)  }
0x603: {  	v8 =	vpop (erf)  }
0x604: {  	[tilespmem:s26+$0xFFFFFF60] =	vst v1;
	v1 =	vmul.f32 v17, v16;
	v6 =	vadd.f32 $1.000000000e+00, v6;
	(erf) = vrcp.f32 v5;
	v51 =	vpop (erf)  }
0x605: {  	v52 =	vpop (erf)  }
0x606: {  	[tilespmem:s26+$0xFFFFFFE0] =	vst v1;
	v1 =	vmul.f32 v12, v15;
	v54 =	vld [tilespmem:s28+$0xFFFFFF30];
	(erf) = vrcp.f32 v6;
	v53 =	vpop (erf);
	v5 =	vadd.f32 $1.000000000e+00, v52  }
0x607: {  	v50 =	vand.u32 $0xFFFF0000, v48;
	v55 =	vmul.f32 v11, v22;
	v10 =	vadd.f32 $1.000000000e+00, v53  }
0x608: {  	[tilespmem:s25+$0x60] =	vst v27;
	v56 =	vld [tilespmem:s28+$0xFFFFFFB0];
	v9 =	vmul.f32 v50, v32;
	(erf) = vrcp.f32 v5  }
0x609: {  	[tilespmem:s26+$0xE0] =	vst v1;
	v3 =	vmul.f32 v24, v3;
	(erf) = vrcp.f32 v10  }
0x60a: {  	[tilespmem:s26+$0xFFFFFF70] =	vst v55;
	v2 =	vmul.f32 v13, v2  }
0x60b: {  	v58 =	vshll.u32 v54, $0x10;
	[tilespmem:s0+$0xF0] =	vst v9  }
0x60c: {  	v1 =	vld [tilespmem:s28+$0x30];
	[tilespmem:s26+$0x60] =	vst v2;
	v2 =	vmul.f32 v58, v7  }
0x60d: {  	v59 =	vshll.u32 v56, $0x10;
	v57 =	vmul.f32 v19, v36;
	[tilespmem:s26+$0x70] =	vst v3;
	v6 =	vand.u32 $0xFFFF0000, v54;
	v3 =	vpop (erf)  }
0x60e: {  	v6 =	vmul.f32 v6, v8;
	[tilespmem:s0+$0xFFFFFF60] =	vst v2;
	v2 =	vmul.f32 v59, v3;
	v3 =	vshll.u32 v48, $0x10  }
0x60f: {  	[tilespmem:s26+$0xFFFFFFF0] =	vst v57;
	v5 =	vand.u32 $0xFFFF0000, v56;
	v60 =	vpop (erf)  }
0x610: {  	[tilespmem:s0+$0xFFFFFF70] =	vst v6;
	v61 =	vmul.f32 v5, v60  }
0x611: {  	v62 =	vshll.u32 v1, $0x10;
	[tilespmem:s0+$0xFFFFFFE0] =	vst v2;
	v2 =	vmul.f32 v3, v51;
	v3 =	vpop (erf)  }
0x612: {  	v1 =	vand.u32 $0xFFFF0000, v1;
	[tilespmem:s0+$0xFFFFFFF0] =	vst v61;
	v63 =	vpop (erf);
	v3 =	vmul.f32 v62, v3  }
0x613: {  	[tilespmem:s0+$0xE0] =	vst v2;
	v1 =	vmul.f32 v1, v63  }
0x614: {  	[tilespmem:s0+$0x60] =	vst v3  }
0x615: {  	[tilespmem:s0+$0x70] =	vst v1  }
0x616: {  	[spmem:s2] =	stream.indirect.scatter.add.f32 [tilespmem:s4], [sflag:$0x5], $0x80, s11, s12, $0xb8;
	[tilespmem:$0x1E200] =	vst v63  }
0x617: {  	_ =	swait.ge [sflag:s9], $0x2800  }
0x618: {  	[sflag:s9] =	ssyncset.done $0x0  }
0x619: {  	[sflag:s9] =	ssyncadd.s32 $0xFFFFD800  }
0x61a: {  	s25 =	stileid.u32;
	[bflag:$0x0] =	sbarrier.arrive $0xFFFF  }
0x61b: {  	s0 =	sshll.u32 s25, $0x6;
	s24 =	rddreg [dreg:$0x4]  }
0x61c: {  	s0 =	sor.u32 $0x1C05, s0;
	s26 =	rddreg [dreg:$0xa];
	s8 =	sshrl.u32 s24, $0x3  }
0x61d: {  	[hbm:s26], [sflag:s0] =	dma.local [spmem:s8], $0x800  }
0x61e: {  	_ =	swait.ge [sflag:s9], $0x800  }
0x61f: {  	[sflag:s9] =	ssyncset.done $0x0;
	s28 =	rddreg [dreg:$0xb]  }
0x620: {  	s29 =	rddreg [dreg:$0x10];
	[sflag:s9] =	ssyncadd.s32 $0xFFFFF800  }
0x621: {  	[hbm:s28], [sflag:s0] =	dma.local [spmem:s29], $0x800  }
0x622: {  	_ =	swait.ge [sflag:s9], $0x800  }
0x623: {  	[sflag:s9] =	ssyncset.done $0x0;
	s30 =	rddreg [dreg:$0xc]  }
0x624: {  	s31 =	rddreg [dreg:$0x11];
	[sflag:s9] =	ssyncadd.s32 $0xFFFFF800  }
0x625: {  	[hbm:s30], [sflag:s0] =	dma.local [spmem:s31], $0x800  }
0x626: {  	_ =	swait.ge [sflag:s9], $0x800  }
0x627: {  	[sflag:s9] =	ssyncset.done $0x0;
	s25 =	rddreg [dreg:$0xd]  }
0x628: {  	s26 =	rddreg [dreg:$0x12];
	[sflag:s9] =	ssyncadd.s32 $0xFFFFF800  }
0x629: {  	[hbm:s25], [sflag:s0] =	dma.local [spmem:s26], $0x800  }
0x62a: {  	_ =	swait.ge [sflag:s9], $0x800  }
0x62b: {  	[sflag:s9] =	ssyncset.done $0x0;
	s28 =	rddreg [dreg:$0xe]  }
0x62c: {  	s29 =	rddreg [dreg:$0x13];
	[sflag:s9] =	ssyncadd.s32 $0xFFFFF800  }
0x62d: {  	[hbm:s28], [sflag:s0] =	dma.local [spmem:s29], $0x800  }
0x62e: {  	_ =	swait.ge [sflag:s9], $0x800  }
0x62f: {  	s30 =	rddreg [dreg:$0x1a]  }
0x630: {  	s31 =	rddreg [dreg:$0xf];
	s8 =	sadd.s32 $0x1, s30  }
0x631: {  	p0 =	sne.s32 s8, s31  }
.Ltmp6:
0x632: {  	_ = 	snop;
	(pc) =	sbr.rel @p0 .LBB2_1-.Ltmp6, $3  }
0x633: {  	_ =	sdelay $0x1  }
0x634: {  	[sflag:s9] =	ssyncset.done $0x0  }
0x635: {  	[sflag:s9] =	ssyncadd.s32 $0xFFFFF800  }
0x636: {  	_ =	sfence.sel $0x180000  }
0x637: {  	[bflag:$0x0] =	sbarrier.arrive $0xFFFF  }
0x638: {  	_ =	strace $0x90000047  }
0x639: {  	s0 =	stileid.u32;
	[bflag:$0x2] =	sbarrier.arrive $0xFFFF  }
0x63a: {  	p0 =	sne.s32 s0, $0x0;
	s0 =	rddreg [dreg:$0x3]  }
0x63b: {  	s0 =	sadd.s32 @!p0 $0x100000, s0  }
0x63c: {  	[sflag:s0] =	ssyncadd.tile.s32 @!p0 $0x1;
	_ =	shalt  }
.Lfunc_end2:
_tile_overlayer_lowered:
.L_overlay_start_2:
0x63d: {  	(tag) =	ssettag $0x2  }
0x63e: {  	s0 =	rddreg [dreg:$0x0];
	s2 =	stileid.u32  }
0x63f: {  	s1 =	rddreg [dreg:$0x1];
	p0 =	sne.s32 s2, $0x0  }
0x640: {  	s3 =	rddreg [dreg:$0x2];
	[bflag:$0x3] =	sbarrier.arrive $0xFFFF;
	s2 =	simm.s32 @!p0 $0x1C05  }
0x641: {  	[timem:s3], [sflag:s2] =	dma.local @!p0 [hbm:s0], s1  }
0x642: {  	s0 =	simm.s32 @!p0 $0x5  }
0x643: {  	_ =	swait.ge @!p0 [sflag:s0], s1  }
0x644: {  	s1 =	ssub.s32 @!p0 $0x0, s1;
	[sflag:s0] =	ssyncset.done @!p0 $0x0  }
0x645: {  	[sflag:s0] =	ssyncadd.s32 @!p0 s1  }
0x646: {  	[bflag:$0x3] =	sbarrier.arrive $0xFFFF  }
0x647: {  	_ =	shalt  }

</sc_bundles>
